<compile_context>
chip_gen: v7x
topology: tpu7x:2x2x1
jax: 0.10.2.dev20260603
libtpu: 0.0.44.dev20260713+nightly
codegen_flags: <defaults>
</compile_context>

<pallas_src>
import functools

import jax
import jax.numpy as jnp
from jax import lax
from jax.experimental import pallas as pl
from jax.experimental.pallas import tpu as pltpu
from jax.experimental.pallas import tpu_sc as plsc

N = 10000
E = 320000
F = 128
H = 32

NC = 2
NS = 16
NW = NC * NS
EW = E // NW
B = 128
NB, TAIL = divmod(EW, B)
CH = 640
LAST = N - (NS - 1) * CH

_mesh = plsc.VectorSubcoreMesh(core_axis_name="c", subcore_axis_name="s")


def _rows_copy(sid, pairs):
    r0 = pl.multiple_of(sid * CH, 8)

    @pl.when(sid < NS - 1)
    def _():
        for s, d in pairs:
            pltpu.sync_copy(s.at[pl.ds(r0, CH)], d.at[pl.ds(r0, CH)])

    @pl.when(sid == NS - 1)
    def _():
        for s, d in pairs:
            pltpu.sync_copy(s.at[pl.ds(N - LAST, LAST)],
                            d.at[pl.ds(N - LAST, LAST)])


KD = 12
KG = 5


def _deg_body(dst_hbm, ones_hbm, zeros_hbm, out_hbm,
              a_sh, ones_v, ones_t, idx8, idx_t, *sems):
    sem_i, sem_s = sems[:KD], sems[KD:]
    cid = lax.axis_index("c")
    sid = lax.axis_index("s")
    base = (cid * NS + sid) * EW

    pltpu.sync_copy(ones_hbm, ones_v)
    pltpu.sync_copy(ones_hbm.at[pl.ds(0, TAIL)], ones_t)
    _rows_copy(sid, [(zeros_hbm, a_sh)])
    plsc.subcore_barrier()

    def group(nb, g0):
        ics = [pltpu.async_copy(
                   dst_hbm.at[pl.ds(pl.multiple_of(g0 + k * B, B), B)],
                   idx8.at[k], sem_i[k]) for k in range(nb)]
        for c in ics:
            c.wait()
        scs = [pltpu.async_copy(ones_v, a_sh.at[idx8.at[k]],
                                sem_s[k], add=True) for k in range(nb)]
        for c in scs:
            c.wait()

    def body(gi, carry):
        group(KD, base + gi * (KD * B))
        return carry

    lax.fori_loop(0, NB // KD, body, 0, unroll=False)
    group(NB % KD, base + (NB - NB % KD) * B)
    offt = base + NB * B
    pltpu.sync_copy(dst_hbm.at[pl.ds(offt, TAIL)], idx_t)
    pltpu.sync_copy(ones_t, a_sh.at[idx_t], add=True)

    plsc.subcore_barrier()
    _rows_copy(sid, [(a_sh, out_hbm.at[cid])])


_sc_degree = functools.partial(
    pl.kernel,
    out_type=jax.ShapeDtypeStruct((NC, N, 8), jnp.float32),
    mesh=_mesh,
    scratch_types=[
        pltpu.VMEM_SHARED((N, 8), jnp.float32),
        pltpu.VMEM((B, 8), jnp.float32),
        pltpu.VMEM((TAIL, 8), jnp.float32),
        pltpu.VMEM((KD, B), jnp.int32),
        pltpu.VMEM((TAIL,), jnp.int32),
    ] + [pltpu.SemaphoreType.DMA] * (2 * KD),
)(_deg_body)


def _scat_body(g_hbm, src_hbm, dst_hbm, zeros_hbm, out_hbm,
               g_sh, a_sh, idx_s8, idx_d8, rows4, idx_st, idx_dt, rows_t,
               *sems):
    sem_i, sem_g, sem_s = sems[:KG], sems[KG:2 * KG], sems[2 * KG:]
    cid = lax.axis_index("c")
    sid = lax.axis_index("s")
    base = (cid * NS + sid) * EW

    _rows_copy(sid, [(g_hbm, g_sh), (zeros_hbm, a_sh)])
    plsc.subcore_barrier()

    def group(nb, g0):
        ics = []
        for k in range(nb):
            off = pl.multiple_of(g0 + k * B, B)
            ics.append(pltpu.async_copy(src_hbm.at[pl.ds(off, B)],
                                        idx_s8.at[k], sem_i[k]))
            ics.append(pltpu.async_copy(dst_hbm.at[pl.ds(off, B)],
                                        idx_d8.at[k], sem_i[k]))
        gcs = []
        for k in range(nb):
            ics[2 * k].wait()
            ics[2 * k + 1].wait()
            gcs.append(pltpu.async_copy(g_sh.at[idx_s8.at[k]], rows4.at[k],
                                        sem_g[k]))
        for c in gcs:
            c.wait()
        scs = [pltpu.async_copy(rows4.at[k], a_sh.at[idx_d8.at[k]],
                                sem_s[k], add=True) for k in range(nb)]
        for c in scs:
            c.wait()

    def body(gi, carry):
        group(KG, base + gi * (KG * B))
        return carry

    lax.fori_loop(0, NB // KG, body, 0, unroll=False)
    group(NB % KG, base + (NB - NB % KG) * B)
    offt = base + NB * B
    pltpu.sync_copy(src_hbm.at[pl.ds(offt, TAIL)], idx_st)
    pltpu.sync_copy(dst_hbm.at[pl.ds(offt, TAIL)], idx_dt)
    pltpu.sync_copy(g_sh.at[idx_st], rows_t)
    pltpu.sync_copy(rows_t, a_sh.at[idx_dt], add=True)

    plsc.subcore_barrier()
    _rows_copy(sid, [(a_sh, out_hbm.at[cid])])


_sc_scatter = functools.partial(
    pl.kernel,
    out_type=jax.ShapeDtypeStruct((NC, N, H), jnp.float32),
    mesh=_mesh,
    scratch_types=[
        pltpu.VMEM_SHARED((N, H), jnp.float32),
        pltpu.VMEM_SHARED((N, H), jnp.float32),
        pltpu.VMEM((KG, B), jnp.int32),
        pltpu.VMEM((KG, B), jnp.int32),
        pltpu.VMEM((KG, B, H), jnp.float32),
        pltpu.VMEM((TAIL,), jnp.int32),
        pltpu.VMEM((TAIL,), jnp.int32),
        pltpu.VMEM((TAIL, H), jnp.float32),
    ] + [pltpu.SemaphoreType.DMA] * (3 * KG),
)(_scat_body)


BN = 1000
GRID = N // BN


def _dinv(dp_ref):
    d = dp_ref[0, :, 0:1] + dp_ref[1, :, 0:1] + 1.0
    return lax.rsqrt(d)


def _mm_body(x_ref, w_ref, o_ref):
    o_ref[...] = jnp.dot(x_ref[...], w_ref[...],
                         preferred_element_type=jnp.float32)


def _tc_matmul(x, W1):
    return pl.pallas_call(
        _mm_body,
        grid=(GRID,),
        in_specs=[
            pl.BlockSpec((BN, F), lambda i: (i, 0)),
            pl.BlockSpec((F, H), lambda i: (0, 0)),
        ],
        out_specs=pl.BlockSpec((BN, H), lambda i: (i, 0)),
        out_shape=jax.ShapeDtypeStruct((N, H), jnp.float32),
    )(x, W1)


def _sc_body(t_ref, dp_ref, o_ref):
    o_ref[...] = t_ref[...] * _dinv(dp_ref)


def _tc_scale(t1, dp):
    return pl.pallas_call(
        _sc_body,
        grid=(GRID,),
        in_specs=[
            pl.BlockSpec((BN, H), lambda i: (i, 0)),
            pl.BlockSpec((NC, BN, 8), lambda i: (0, i, 0)),
        ],
        out_specs=pl.BlockSpec((BN, H), lambda i: (i, 0)),
        out_shape=jax.ShapeDtypeStruct((N, H), jnp.float32),
    )(t1, dp)


def _mid_body(a_ref, g_ref, dp_ref, b_ref, w_ref, o_ref):
    dinv = _dinv(dp_ref)
    h = jnp.maximum(dinv * (a_ref[0] + a_ref[1] + g_ref[...]) + b_ref[...], 0.0)
    o_ref[...] = jnp.dot(h, w_ref[...], preferred_element_type=jnp.float32) * dinv


def _tc_mid(a1, g1, dp, b1r, W2):
    return pl.pallas_call(
        _mid_body,
        grid=(GRID,),
        in_specs=[
            pl.BlockSpec((NC, BN, H), lambda i: (0, i, 0)),
            pl.BlockSpec((BN, H), lambda i: (i, 0)),
            pl.BlockSpec((NC, BN, 8), lambda i: (0, i, 0)),
            pl.BlockSpec((1, H), lambda i: (0, 0)),
            pl.BlockSpec((H, H), lambda i: (0, 0)),
        ],
        out_specs=pl.BlockSpec((BN, H), lambda i: (i, 0)),
        out_shape=jax.ShapeDtypeStruct((N, H), jnp.float32),
    )(a1, g1, dp, b1r, W2)


def _fin_body(a_ref, g_ref, dp_ref, b_ref, wf1_ref, bf1_ref, wf2_ref, bf2_ref,
              o_ref, acc):
    i = pl.program_id(0)
    dinv = _dinv(dp_ref)
    h = jnp.maximum(dinv * (a_ref[0] + a_ref[1] + g_ref[...]) + b_ref[...], 0.0)
    part = jnp.sum(h, axis=0, keepdims=True)

    @pl.when(i == 0)
    def _():
        acc[...] = part

    @pl.when(i > 0)
    def _():
        acc[...] = acc[...] + part

    @pl.when(i == GRID - 1)
    def _():
        h3 = jnp.maximum(
            jnp.dot(acc[...], wf1_ref[...], preferred_element_type=jnp.float32)
            + bf1_ref[...], 0.0)
        z = jnp.dot(h3, wf2_ref[...], preferred_element_type=jnp.float32) \
            + bf2_ref[...]
        o_ref[...] = jax.nn.sigmoid(z)


def _tc_final(a2, g2, dp, b2r, Wf1, bf1r, Wf2, bf2r):
    return pl.pallas_call(
        _fin_body,
        grid=(GRID,),
        in_specs=[
            pl.BlockSpec((NC, BN, H), lambda i: (0, i, 0)),
            pl.BlockSpec((BN, H), lambda i: (i, 0)),
            pl.BlockSpec((NC, BN, 8), lambda i: (0, i, 0)),
            pl.BlockSpec((1, H), lambda i: (0, 0)),
            pl.BlockSpec((H, 512), lambda i: (0, 0)),
            pl.BlockSpec((1, 512), lambda i: (0, 0)),
            pl.BlockSpec((512, 1), lambda i: (0, 0)),
            pl.BlockSpec((1, 1), lambda i: (0, 0)),
        ],
        out_specs=pl.BlockSpec((1, 1), lambda i: (0, 0)),
        out_shape=jax.ShapeDtypeStruct((1, 1), jnp.float32),
        scratch_shapes=[pltpu.VMEM((1, H), jnp.float32)],
    )(a2, g2, dp, b2r, Wf1, bf1r, Wf2, bf2r)


def kernel(x, edge_index, W1, b1, W2, b2, Wf1, bf1, Wf2, bf2):
    src = edge_index[0]
    dst = edge_index[1]
    zeros8 = jnp.zeros((N, 8), jnp.float32)
    ones8 = jnp.ones((B, 8), jnp.float32)
    zerosh = jnp.zeros((N, H), jnp.float32)

    dp = _sc_degree(dst, ones8, zeros8)
    t1 = _tc_matmul(x, W1)
    g1 = _tc_scale(t1, dp)
    a1 = _sc_scatter(g1, src, dst, zerosh)
    g2 = _tc_mid(a1, g1, dp, b1.reshape(1, H), W2)
    a2 = _sc_scatter(g2, src, dst, zerosh)
    return _tc_final(a2, g2, dp, b2.reshape(1, H), Wf1,
                     bf1.reshape(1, 512), Wf2, bf2.reshape(1, 1))

# --- scband reference (transcript-rebuilt; emitter-appended) ---
"""Pipeline reference for scband-net1-41695542509689 (READ-ONLY COPY).

The authoritative reference and input builder live on the scoring server;
editing this copy changes nothing except your own understanding.
"""

import jax, jax.numpy as jnp
import numpy as np

N = 10000
E = 320000
F = 128


def setup_inputs(seed: int = 0) -> dict:
    key = jax.random.key(seed)
    ks = jax.random.split(key, 10)
    x = jax.random.normal(ks[0], (N, F), dtype=jnp.float32)
    edge_index = jax.random.randint(ks[1], (2, E), 0, N, dtype=jnp.int32)
    W1 = jax.random.normal(ks[2], (F, 32), dtype=jnp.float32) * (1.0 / np.sqrt(F))
    b1 = jnp.zeros((32,), dtype=jnp.float32)
    W2 = jax.random.normal(ks[3], (32, 32), dtype=jnp.float32) * (1.0 / np.sqrt(32))
    b2 = jnp.zeros((32,), dtype=jnp.float32)
    Wf1 = jax.random.normal(ks[4], (32, 512), dtype=jnp.float32) * (1.0 / np.sqrt(32))
    bf1 = jnp.zeros((512,), dtype=jnp.float32)
    Wf2 = jax.random.normal(ks[5], (512, 1), dtype=jnp.float32) * (1.0 / np.sqrt(512))
    bf2 = jnp.zeros((1,), dtype=jnp.float32)
    return {"x": x, "edge_index": edge_index, "W1": W1, "b1": b1, "W2": W2,
            "b2": b2, "Wf1": Wf1, "bf1": bf1, "Wf2": Wf2, "bf2": bf2}


def reference(x, edge_index, W1, b1, W2, b2, Wf1, bf1, Wf2, bf2):
    n = x.shape[0]
    src = edge_index[0]
    dst = edge_index[1]
    # GCNConv (spektral): add self-loops, symmetric degree normalization
    self_loop = jnp.arange(n, dtype=src.dtype)
    s = jnp.concatenate([src, self_loop])
    d = jnp.concatenate([dst, self_loop])
    deg = jax.ops.segment_sum(jnp.ones_like(s, dtype=x.dtype), d, num_segments=n)
    dinv = jax.lax.rsqrt(jnp.maximum(deg, 1.0))
    norm = dinv[s] * dinv[d]

    def gcn_conv(h, W, b):
        msg = h[s] * norm[:, None]
        agg = jax.ops.segment_sum(msg, d, num_segments=n)
        return jax.nn.relu(agg @ W + b)

    h = gcn_conv(x, W1, b1)
    h = gcn_conv(h, W2, b2)
    # GlobalSumPool over nodes (single graph -> batch of 1)
    pooled = jnp.sum(h, axis=0, keepdims=True)
    h2 = jax.nn.relu(pooled @ Wf1 + bf1)
    out = jax.nn.sigmoid(h2 @ Wf2 + bf2)
    return out

if __name__ == "__main__":
    import jax
    _d = setup_inputs()
    print(jax.jit(kernel)(*tuple(_d.values())))

</pallas_src>

<mosaic_0001>
#map = affine_map<(d0, d1) -> (0)>
#map1 = affine_map<(d0, d1) -> (0, 0)>
#map2 = affine_map<(d0, d1) -> (0, 0, 0)>
module attributes {stable_mosaic.version = 14 : i64} {
  func.func @_deg_body(%arg0: i32, %arg1: i32, %arg2: memref<320000xi32, #tpu.memory_space<hbm>>, %arg3: memref<128x8xf32, #tpu.memory_space<hbm>>, %arg4: memref<10000x8xf32, #tpu.memory_space<hbm>>, %arg5: memref<2x10000x8xf32, #tpu.memory_space<hbm>>, %arg6: memref<10000x8xf32, #tpu.memory_space<vmem_shared>>, %arg7: memref<128x8xf32, #tpu.memory_space<vmem>>, %arg8: memref<16x8xf32, #tpu.memory_space<vmem>>, %arg9: memref<12x128xi32, #tpu.memory_space<vmem>>, %arg10: memref<16xi32, #tpu.memory_space<vmem>>, %arg11: memref<!tpu.dma_semaphore, #tpu.memory_space<semaphore_mem>>, %arg12: memref<!tpu.dma_semaphore, #tpu.memory_space<semaphore_mem>>, %arg13: memref<!tpu.dma_semaphore, #tpu.memory_space<semaphore_mem>>, %arg14: memref<!tpu.dma_semaphore, #tpu.memory_space<semaphore_mem>>, %arg15: memref<!tpu.dma_semaphore, #tpu.memory_space<semaphore_mem>>, %arg16: memref<!tpu.dma_semaphore, #tpu.memory_space<semaphore_mem>>, %arg17: memref<!tpu.dma_semaphore, #tpu.memory_space<semaphore_mem>>, %arg18: memref<!tpu.dma_semaphore, #tpu.memory_space<semaphore_mem>>, %arg19: memref<!tpu.dma_semaphore, #tpu.memory_space<semaphore_mem>>, %arg20: memref<!tpu.dma_semaphore, #tpu.memory_space<semaphore_mem>>, %arg21: memref<!tpu.dma_semaphore, #tpu.memory_space<semaphore_mem>>, %arg22: memref<!tpu.dma_semaphore, #tpu.memory_space<semaphore_mem>>, %arg23: memref<!tpu.dma_semaphore, #tpu.memory_space<semaphore_mem>>, %arg24: memref<!tpu.dma_semaphore, #tpu.memory_space<semaphore_mem>>, %arg25: memref<!tpu.dma_semaphore, #tpu.memory_space<semaphore_mem>>, %arg26: memref<!tpu.dma_semaphore, #tpu.memory_space<semaphore_mem>>, %arg27: memref<!tpu.dma_semaphore, #tpu.memory_space<semaphore_mem>>, %arg28: memref<!tpu.dma_semaphore, #tpu.memory_space<semaphore_mem>>, %arg29: memref<!tpu.dma_semaphore, #tpu.memory_space<semaphore_mem>>, %arg30: memref<!tpu.dma_semaphore, #tpu.memory_space<semaphore_mem>>, %arg31: memref<!tpu.dma_semaphore, #tpu.memory_space<semaphore_mem>>, %arg32: memref<!tpu.dma_semaphore, #tpu.memory_space<semaphore_mem>>, %arg33: memref<!tpu.dma_semaphore, #tpu.memory_space<semaphore_mem>>, %arg34: memref<!tpu.dma_semaphore, #tpu.memory_space<semaphore_mem>>) attributes {dimension_semantics = [#tpu.dimension_semantics<core_parallel>, #tpu.dimension_semantics<subcore_parallel>], iteration_bounds = array<i64: 2, 16>, scalar_prefetch = 0 : i64, scratch_operands = 29 : i64, tpu.core_type = #tpu.core_type<sc_vector_subcore>, window_params = [{transform_indices = #map}, {transform_indices = #map1}, {transform_indices = #map1}, {transform_indices = #map2}]} {
    %mul3A = arith.constant 16 : i32
    %mul3A_0 = arith.muli %arg0, %mul3A : i32
    %add3A = arith.addi %mul3A_0, %arg1 : i32
    %mul3A_1 = arith.constant 10000 : i32
    %mul3A_2 = arith.muli %add3A, %mul3A_1 : i32
    "tpu.region"() ({
      %run_scoped3A = tpu.sem_alloc : memref<!tpu.dma_semaphore, #tpu.memory_space<semaphore_mem>>
      tpu.enqueue_dma source(%arg3 : memref<128x8xf32, #tpu.memory_space<hbm>>) target(%arg7 : memref<128x8xf32, #tpu.memory_space<vmem>>) target_semaphore(%run_scoped3A : memref<!tpu.dma_semaphore, #tpu.memory_space<semaphore_mem>>)
      tpu.wait_dma2 semaphore(%run_scoped3A : memref<!tpu.dma_semaphore, #tpu.memory_space<semaphore_mem>>) src(%arg3 : memref<128x8xf32, #tpu.memory_space<hbm>>) dst(%arg7 : memref<128x8xf32, #tpu.memory_space<vmem>>)
      tpu.yield
    }) : () -> ()
    "tpu.region"() ({
      %run_scoped3A = tpu.sem_alloc : memref<!tpu.dma_semaphore, #tpu.memory_space<semaphore_mem>>
      %dma_start3A_242 = arith.constant 0 : i32
      %dma_start3A_243 = arith.constant 0 : i32
      %dma_start3A_244 = tpu.memref_slice %arg3[%dma_start3A_242, %dma_start3A_243] : memref<128x8xf32, #tpu.memory_space<hbm>> -> memref<16x8xf32, #tpu.memory_space<hbm>>
      %dma_start3A_245 = arith.constant 0 : i32
      %dma_start3A_246 = arith.constant 0 : i32
      %dma_start3A_247 = tpu.memref_slice %arg3[%dma_start3A_245, %dma_start3A_246] : memref<128x8xf32, #tpu.memory_space<hbm>> -> memref<16x8xf32, #tpu.memory_space<hbm>>
      tpu.enqueue_dma source(%dma_start3A_247 : memref<16x8xf32, #tpu.memory_space<hbm>>) target(%arg8 : memref<16x8xf32, #tpu.memory_space<vmem>>) target_semaphore(%run_scoped3A : memref<!tpu.dma_semaphore, #tpu.memory_space<semaphore_mem>>)
      %dma_wait3A_248 = arith.constant 0 : i32
      %dma_wait3A_249 = arith.constant 0 : i32
      %dma_wait3A_250 = tpu.memref_slice %arg3[%dma_wait3A_248, %dma_wait3A_249] : memref<128x8xf32, #tpu.memory_space<hbm>> -> memref<16x8xf32, #tpu.memory_space<hbm>>
      %dma_wait3A_251 = arith.constant 0 : i32
      %dma_wait3A_252 = arith.constant 0 : i32
      %dma_wait3A_253 = tpu.memref_slice %arg3[%dma_wait3A_251, %dma_wait3A_252] : memref<128x8xf32, #tpu.memory_space<hbm>> -> memref<16x8xf32, #tpu.memory_space<hbm>>
      tpu.wait_dma2 semaphore(%run_scoped3A : memref<!tpu.dma_semaphore, #tpu.memory_space<semaphore_mem>>) src(%dma_wait3A_253 : memref<16x8xf32, #tpu.memory_space<hbm>>) dst(%arg8 : memref<16x8xf32, #tpu.memory_space<vmem>>)
      tpu.yield
    }) : () -> ()
    %mul3A_3 = arith.constant 640 : i32
    %mul3A_4 = arith.muli %arg1, %mul3A_3 : i32
    %multiple_of3A = tpu.assume_multiple %mul3A_4, 8 : i32
    %lt3A = arith.constant 15 : i32
    %lt3A_5 = arith.cmpi slt, %arg1, %lt3A : i32
    %convert_element_type3A = arith.extui %lt3A_5 : i1 to i32
    %cond3A = arith.constant 0 : i32
    %cond3A_6 = arith.cmpi ne, %convert_element_type3A, %cond3A : i32
    scf.if %cond3A_6 {
      "tpu.region"() ({
        %run_scoped3A = tpu.sem_alloc : memref<!tpu.dma_semaphore, #tpu.memory_space<semaphore_mem>>
        %dma_start3A_242 = arith.constant 0 : i32
        %dma_start3A_243 = tpu.memref_slice %arg6[%multiple_of3A, %dma_start3A_242] : memref<10000x8xf32, #tpu.memory_space<vmem_shared>> -> memref<640x8xf32, #tpu.memory_space<vmem_shared>>
        %dma_start3A_244 = arith.constant 0 : i32
        %dma_start3A_245 = tpu.memref_slice %arg4[%multiple_of3A, %dma_start3A_244] : memref<10000x8xf32, #tpu.memory_space<hbm>> -> memref<640x8xf32, #tpu.memory_space<hbm>>
        tpu.enqueue_dma source(%dma_start3A_245 : memref<640x8xf32, #tpu.memory_space<hbm>>) target(%dma_start3A_243 : memref<640x8xf32, #tpu.memory_space<vmem_shared>>) target_semaphore(%run_scoped3A : memref<!tpu.dma_semaphore, #tpu.memory_space<semaphore_mem>>)
        %dma_wait3A_246 = arith.constant 0 : i32
        %dma_wait3A_247 = tpu.memref_slice %arg6[%multiple_of3A, %dma_wait3A_246] : memref<10000x8xf32, #tpu.memory_space<vmem_shared>> -> memref<640x8xf32, #tpu.memory_space<vmem_shared>>
        %dma_wait3A_248 = arith.constant 0 : i32
        %dma_wait3A_249 = tpu.memref_slice %arg4[%multiple_of3A, %dma_wait3A_248] : memref<10000x8xf32, #tpu.memory_space<hbm>> -> memref<640x8xf32, #tpu.memory_space<hbm>>
        tpu.wait_dma2 semaphore(%run_scoped3A : memref<!tpu.dma_semaphore, #tpu.memory_space<semaphore_mem>>) src(%dma_wait3A_249 : memref<640x8xf32, #tpu.memory_space<hbm>>) dst(%dma_wait3A_247 : memref<640x8xf32, #tpu.memory_space<vmem_shared>>)
        tpu.yield
      }) : () -> ()
    } else {
    }
    %eq3A = arith.constant 15 : i32
    %eq3A_7 = arith.cmpi eq, %arg1, %eq3A : i32
    %convert_element_type3A_8 = arith.extui %eq3A_7 : i1 to i32
    %cond3A_9 = arith.constant 0 : i32
    %cond3A_10 = arith.cmpi ne, %convert_element_type3A_8, %cond3A_9 : i32
    scf.if %cond3A_10 {
      "tpu.region"() ({
        %run_scoped3A = tpu.sem_alloc : memref<!tpu.dma_semaphore, #tpu.memory_space<semaphore_mem>>
        %dma_start3A_242 = arith.constant 9600 : i32
        %dma_start3A_243 = arith.constant 0 : i32
        %dma_start3A_244 = tpu.memref_slice %arg6[%dma_start3A_242, %dma_start3A_243] : memref<10000x8xf32, #tpu.memory_space<vmem_shared>> -> memref<400x8xf32, #tpu.memory_space<vmem_shared>>
        %dma_start3A_245 = arith.constant 9600 : i32
        %dma_start3A_246 = arith.constant 0 : i32
        %dma_start3A_247 = tpu.memref_slice %arg4[%dma_start3A_245, %dma_start3A_246] : memref<10000x8xf32, #tpu.memory_space<hbm>> -> memref<400x8xf32, #tpu.memory_space<hbm>>
        tpu.enqueue_dma source(%dma_start3A_247 : memref<400x8xf32, #tpu.memory_space<hbm>>) target(%dma_start3A_244 : memref<400x8xf32, #tpu.memory_space<vmem_shared>>) target_semaphore(%run_scoped3A : memref<!tpu.dma_semaphore, #tpu.memory_space<semaphore_mem>>)
        %dma_wait3A_248 = arith.constant 9600 : i32
        %dma_wait3A_249 = arith.constant 0 : i32
        %dma_wait3A_250 = tpu.memref_slice %arg6[%dma_wait3A_248, %dma_wait3A_249] : memref<10000x8xf32, #tpu.memory_space<vmem_shared>> -> memref<400x8xf32, #tpu.memory_space<vmem_shared>>
        %dma_wait3A_251 = arith.constant 9600 : i32
        %dma_wait3A_252 = arith.constant 0 : i32
        %dma_wait3A_253 = tpu.memref_slice %arg4[%dma_wait3A_251, %dma_wait3A_252] : memref<10000x8xf32, #tpu.memory_space<hbm>> -> memref<400x8xf32, #tpu.memory_space<hbm>>
        tpu.wait_dma2 semaphore(%run_scoped3A : memref<!tpu.dma_semaphore, #tpu.memory_space<semaphore_mem>>) src(%dma_wait3A_253 : memref<400x8xf32, #tpu.memory_space<hbm>>) dst(%dma_wait3A_250 : memref<400x8xf32, #tpu.memory_space<vmem_shared>>)
        tpu.yield
      }) : () -> ()
    } else {
    }
    %barrier3A = arith.constant 0 : index
    tpu.barrier barrier_id(%barrier3A)
    %scan3A = arith.constant 0 : i32
    %scan3A_11 = arith.constant 0 : i32
    %scan3A_12 = arith.constant 6 : i32
    %scan3A_13 = arith.addi %scan3A_11, %scan3A_12 : i32
    %scan3A_14 = arith.constant 1 : i32
    scf.for %scan3A_242 = %scan3A_11 to %scan3A_13 step %scan3A_14  : i32 {
      %mul3A_243 = arith.constant 1536 : i32
      %mul3A_244 = arith.muli %scan3A_242, %mul3A_243 : i32
      %add3A_245 = arith.addi %mul3A_2, %mul3A_244 : i32
      %add3A_246 = arith.constant 0 : i32
      %add3A_247 = arith.addi %add3A_245, %add3A_246 : i32
      %multiple_of3A_248 = tpu.assume_multiple %add3A_247, 128 : i32
      %dma_start3A_249 = arith.constant 0 : i32
      %dma_start3A_250 = arith.constant 0 : i32
      %dma_start3A_251 = tpu.memref_slice %arg9[%dma_start3A_249, %dma_start3A_250] : memref<12x128xi32, #tpu.memory_space<vmem>> -> memref<1x128xi32, #tpu.memory_space<vmem>>
      %dma_start3A_252 = tpu.memref_squeeze %dma_start3A_251 : memref<1x128xi32, #tpu.memory_space<vmem>> -> memref<128xi32, #tpu.memory_space<vmem>>
      %dma_start3A_253 = tpu.memref_slice %arg2[%multiple_of3A_248] : memref<320000xi32, #tpu.memory_space<hbm>> -> memref<128xi32, #tpu.memory_space<hbm>>
      %dma_start3A_254 = arith.constant 0 : i32
      %dma_start3A_255 = tpu.memref_slice %arg9[%dma_start3A_249, %dma_start3A_254] : memref<12x128xi32, #tpu.memory_space<vmem>> -> memref<1x128xi32, #tpu.memory_space<vmem>>
      %dma_start3A_256 = tpu.memref_squeeze %dma_start3A_255 : memref<1x128xi32, #tpu.memory_space<vmem>> -> memref<128xi32, #tpu.memory_space<vmem>>
      %dma_start3A_257 = tpu.memref_slice %arg2[%multiple_of3A_248] : memref<320000xi32, #tpu.memory_space<hbm>> -> memref<128xi32, #tpu.memory_space<hbm>>
      tpu.enqueue_dma source(%dma_start3A_257 : memref<128xi32, #tpu.memory_space<hbm>>) target(%dma_start3A_256 : memref<128xi32, #tpu.memory_space<vmem>>) target_semaphore(%arg11 : memref<!tpu.dma_semaphore, #tpu.memory_space<semaphore_mem>>)
      %add3A_258 = arith.constant 128 : i32
      %add3A_259 = arith.addi %add3A_245, %add3A_258 : i32
      %multiple_of3A_260 = tpu.assume_multiple %add3A_259, 128 : i32
      %dma_start3A_261 = arith.constant 1 : i32
      %dma_start3A_262 = arith.constant 0 : i32
      %dma_start3A_263 = tpu.memref_slice %arg9[%dma_start3A_261, %dma_start3A_262] : memref<12x128xi32, #tpu.memory_space<vmem>> -> memref<1x128xi32, #tpu.memory_space<vmem>>
      %dma_start3A_264 = tpu.memref_squeeze %dma_start3A_263 : memref<1x128xi32, #tpu.memory_space<vmem>> -> memref<128xi32, #tpu.memory_space<vmem>>
      %dma_start3A_265 = tpu.memref_slice %arg2[%multiple_of3A_260] : memref<320000xi32, #tpu.memory_space<hbm>> -> memref<128xi32, #tpu.memory_space<hbm>>
      %dma_start3A_266 = arith.constant 0 : i32
      %dma_start3A_267 = tpu.memref_slice %arg9[%dma_start3A_261, %dma_start3A_266] : memref<12x128xi32, #tpu.memory_space<vmem>> -> memref<1x128xi32, #tpu.memory_space<vmem>>
      %dma_start3A_268 = tpu.memref_squeeze %dma_start3A_267 : memref<1x128xi32, #tpu.memory_space<vmem>> -> memref<128xi32, #tpu.memory_space<vmem>>
      %dma_start3A_269 = tpu.memref_slice %arg2[%multiple_of3A_260] : memref<320000xi32, #tpu.memory_space<hbm>> -> memref<128xi32, #tpu.memory_space<hbm>>
      tpu.enqueue_dma source(%dma_start3A_269 : memref<128xi32, #tpu.memory_space<hbm>>) target(%dma_start3A_268 : memref<128xi32, #tpu.memory_space<vmem>>) target_semaphore(%arg12 : memref<!tpu.dma_semaphore, #tpu.memory_space<semaphore_mem>>)
      %add3A_270 = arith.constant 256 : i32
      %add3A_271 = arith.addi %add3A_245, %add3A_270 : i32
      %multiple_of3A_272 = tpu.assume_multiple %add3A_271, 128 : i32
      %dma_start3A_273 = arith.constant 2 : i32
      %dma_start3A_274 = arith.constant 0 : i32
      %dma_start3A_275 = tpu.memref_slice %arg9[%dma_start3A_273, %dma_start3A_274] : memref<12x128xi32, #tpu.memory_space<vmem>> -> memref<1x128xi32, #tpu.memory_space<vmem>>
      %dma_start3A_276 = tpu.memref_squeeze %dma_start3A_275 : memref<1x128xi32, #tpu.memory_space<vmem>> -> memref<128xi32, #tpu.memory_space<vmem>>
      %dma_start3A_277 = tpu.memref_slice %arg2[%multiple_of3A_272] : memref<320000xi32, #tpu.memory_space<hbm>> -> memref<128xi32, #tpu.memory_space<hbm>>
      %dma_start3A_278 = arith.constant 0 : i32
      %dma_start3A_279 = tpu.memref_slice %arg9[%dma_start3A_273, %dma_start3A_278] : memref<12x128xi32, #tpu.memory_space<vmem>> -> memref<1x128xi32, #tpu.memory_space<vmem>>
      %dma_start3A_280 = tpu.memref_squeeze %dma_start3A_279 : memref<1x128xi32, #tpu.memory_space<vmem>> -> memref<128xi32, #tpu.memory_space<vmem>>
      %dma_start3A_281 = tpu.memref_slice %arg2[%multiple_of3A_272] : memref<320000xi32, #tpu.memory_space<hbm>> -> memref<128xi32, #tpu.memory_space<hbm>>
      tpu.enqueue_dma source(%dma_start3A_281 : memref<128xi32, #tpu.memory_space<hbm>>) target(%dma_start3A_280 : memref<128xi32, #tpu.memory_space<vmem>>) target_semaphore(%arg13 : memref<!tpu.dma_semaphore, #tpu.memory_space<semaphore_mem>>)
      %add3A_282 = arith.constant 384 : i32
      %add3A_283 = arith.addi %add3A_245, %add3A_282 : i32
      %multiple_of3A_284 = tpu.assume_multiple %add3A_283, 128 : i32
      %dma_start3A_285 = arith.constant 3 : i32
      %dma_start3A_286 = arith.constant 0 : i32
      %dma_start3A_287 = tpu.memref_slice %arg9[%dma_start3A_285, %dma_start3A_286] : memref<12x128xi32, #tpu.memory_space<vmem>> -> memref<1x128xi32, #tpu.memory_space<vmem>>
      %dma_start3A_288 = tpu.memref_squeeze %dma_start3A_287 : memref<1x128xi32, #tpu.memory_space<vmem>> -> memref<128xi32, #tpu.memory_space<vmem>>
      %dma_start3A_289 = tpu.memref_slice %arg2[%multiple_of3A_284] : memref<320000xi32, #tpu.memory_space<hbm>> -> memref<128xi32, #tpu.memory_space<hbm>>
      %dma_start3A_290 = arith.constant 0 : i32
      %dma_start3A_291 = tpu.memref_slice %arg9[%dma_start3A_285, %dma_start3A_290] : memref<12x128xi32, #tpu.memory_space<vmem>> -> memref<1x128xi32, #tpu.memory_space<vmem>>
      %dma_start3A_292 = tpu.memref_squeeze %dma_start3A_291 : memref<1x128xi32, #tpu.memory_space<vmem>> -> memref<128xi32, #tpu.memory_space<vmem>>
      %dma_start3A_293 = tpu.memref_slice %arg2[%multiple_of3A_284] : memref<320000xi32, #tpu.memory_space<hbm>> -> memref<128xi32, #tpu.memory_space<hbm>>
      tpu.enqueue_dma source(%dma_start3A_293 : memref<128xi32, #tpu.memory_space<hbm>>) target(%dma_start3A_292 : memref<128xi32, #tpu.memory_space<vmem>>) target_semaphore(%arg14 : memref<!tpu.dma_semaphore, #tpu.memory_space<semaphore_mem>>)
      %add3A_294 = arith.constant 512 : i32
      %add3A_295 = arith.addi %add3A_245, %add3A_294 : i32
      %multiple_of3A_296 = tpu.assume_multiple %add3A_295, 128 : i32
      %dma_start3A_297 = arith.constant 4 : i32
      %dma_start3A_298 = arith.constant 0 : i32
      %dma_start3A_299 = tpu.memref_slice %arg9[%dma_start3A_297, %dma_start3A_298] : memref<12x128xi32, #tpu.memory_space<vmem>> -> memref<1x128xi32, #tpu.memory_space<vmem>>
      %dma_start3A_300 = tpu.memref_squeeze %dma_start3A_299 : memref<1x128xi32, #tpu.memory_space<vmem>> -> memref<128xi32, #tpu.memory_space<vmem>>
      %dma_start3A_301 = tpu.memref_slice %arg2[%multiple_of3A_296] : memref<320000xi32, #tpu.memory_space<hbm>> -> memref<128xi32, #tpu.memory_space<hbm>>
      %dma_start3A_302 = arith.constant 0 : i32
      %dma_start3A_303 = tpu.memref_slice %arg9[%dma_start3A_297, %dma_start3A_302] : memref<12x128xi32, #tpu.memory_space<vmem>> -> memref<1x128xi32, #tpu.memory_space<vmem>>
      %dma_start3A_304 = tpu.memref_squeeze %dma_start3A_303 : memref<1x128xi32, #tpu.memory_space<vmem>> -> memref<128xi32, #tpu.memory_space<vmem>>
      %dma_start3A_305 = tpu.memref_slice %arg2[%multiple_of3A_296] : memref<320000xi32, #tpu.memory_space<hbm>> -> memref<128xi32, #tpu.memory_space<hbm>>
      tpu.enqueue_dma source(%dma_start3A_305 : memref<128xi32, #tpu.memory_space<hbm>>) target(%dma_start3A_304 : memref<128xi32, #tpu.memory_space<vmem>>) target_semaphore(%arg15 : memref<!tpu.dma_semaphore, #tpu.memory_space<semaphore_mem>>)
      %add3A_306 = arith.constant 640 : i32
      %add3A_307 = arith.addi %add3A_245, %add3A_306 : i32
      %multiple_of3A_308 = tpu.assume_multiple %add3A_307, 128 : i32
      %dma_start3A_309 = arith.constant 5 : i32
      %dma_start3A_310 = arith.constant 0 : i32
      %dma_start3A_311 = tpu.memref_slice %arg9[%dma_start3A_309, %dma_start3A_310] : memref<12x128xi32, #tpu.memory_space<vmem>> -> memref<1x128xi32, #tpu.memory_space<vmem>>
      %dma_start3A_312 = tpu.memref_squeeze %dma_start3A_311 : memref<1x128xi32, #tpu.memory_space<vmem>> -> memref<128xi32, #tpu.memory_space<vmem>>
      %dma_start3A_313 = tpu.memref_slice %arg2[%multiple_of3A_308] : memref<320000xi32, #tpu.memory_space<hbm>> -> memref<128xi32, #tpu.memory_space<hbm>>
      %dma_start3A_314 = arith.constant 0 : i32
      %dma_start3A_315 = tpu.memref_slice %arg9[%dma_start3A_309, %dma_start3A_314] : memref<12x128xi32, #tpu.memory_space<vmem>> -> memref<1x128xi32, #tpu.memory_space<vmem>>
      %dma_start3A_316 = tpu.memref_squeeze %dma_start3A_315 : memref<1x128xi32, #tpu.memory_space<vmem>> -> memref<128xi32, #tpu.memory_space<vmem>>
      %dma_start3A_317 = tpu.memref_slice %arg2[%multiple_of3A_308] : memref<320000xi32, #tpu.memory_space<hbm>> -> memref<128xi32, #tpu.memory_space<hbm>>
      tpu.enqueue_dma source(%dma_start3A_317 : memref<128xi32, #tpu.memory_space<hbm>>) target(%dma_start3A_316 : memref<128xi32, #tpu.memory_space<vmem>>) target_semaphore(%arg16 : memref<!tpu.dma_semaphore, #tpu.memory_space<semaphore_mem>>)
      %add3A_318 = arith.constant 768 : i32
      %add3A_319 = arith.addi %add3A_245, %add3A_318 : i32
      %multiple_of3A_320 = tpu.assume_multiple %add3A_319, 128 : i32
      %dma_start3A_321 = arith.constant 6 : i32
      %dma_start3A_322 = arith.constant 0 : i32
      %dma_start3A_323 = tpu.memref_slice %arg9[%dma_start3A_321, %dma_start3A_322] : memref<12x128xi32, #tpu.memory_space<vmem>> -> memref<1x128xi32, #tpu.memory_space<vmem>>
      %dma_start3A_324 = tpu.memref_squeeze %dma_start3A_323 : memref<1x128xi32, #tpu.memory_space<vmem>> -> memref<128xi32, #tpu.memory_space<vmem>>
      %dma_start3A_325 = tpu.memref_slice %arg2[%multiple_of3A_320] : memref<320000xi32, #tpu.memory_space<hbm>> -> memref<128xi32, #tpu.memory_space<hbm>>
      %dma_start3A_326 = arith.constant 0 : i32
      %dma_start3A_327 = tpu.memref_slice %arg9[%dma_start3A_321, %dma_start3A_326] : memref<12x128xi32, #tpu.memory_space<vmem>> -> memref<1x128xi32, #tpu.memory_space<vmem>>
      %dma_start3A_328 = tpu.memref_squeeze %dma_start3A_327 : memref<1x128xi32, #tpu.memory_space<vmem>> -> memref<128xi32, #tpu.memory_space<vmem>>
      %dma_start3A_329 = tpu.memref_slice %arg2[%multiple_of3A_320] : memref<320000xi32, #tpu.memory_space<hbm>> -> memref<128xi32, #tpu.memory_space<hbm>>
      tpu.enqueue_dma source(%dma_start3A_329 : memref<128xi32, #tpu.memory_space<hbm>>) target(%dma_start3A_328 : memref<128xi32, #tpu.memory_space<vmem>>) target_semaphore(%arg17 : memref<!tpu.dma_semaphore, #tpu.memory_space<semaphore_mem>>)
      %add3A_330 = arith.constant 896 : i32
      %add3A_331 = arith.addi %add3A_245, %add3A_330 : i32
      %multiple_of3A_332 = tpu.assume_multiple %add3A_331, 128 : i32
      %dma_start3A_333 = arith.constant 7 : i32
      %dma_start3A_334 = arith.constant 0 : i32
      %dma_start3A_335 = tpu.memref_slice %arg9[%dma_start3A_333, %dma_start3A_334] : memref<12x128xi32, #tpu.memory_space<vmem>> -> memref<1x128xi32, #tpu.memory_space<vmem>>
      %dma_start3A_336 = tpu.memref_squeeze %dma_start3A_335 : memref<1x128xi32, #tpu.memory_space<vmem>> -> memref<128xi32, #tpu.memory_space<vmem>>
      %dma_start3A_337 = tpu.memref_slice %arg2[%multiple_of3A_332] : memref<320000xi32, #tpu.memory_space<hbm>> -> memref<128xi32, #tpu.memory_space<hbm>>
      %dma_start3A_338 = arith.constant 0 : i32
      %dma_start3A_339 = tpu.memref_slice %arg9[%dma_start3A_333, %dma_start3A_338] : memref<12x128xi32, #tpu.memory_space<vmem>> -> memref<1x128xi32, #tpu.memory_space<vmem>>
      %dma_start3A_340 = tpu.memref_squeeze %dma_start3A_339 : memref<1x128xi32, #tpu.memory_space<vmem>> -> memref<128xi32, #tpu.memory_space<vmem>>
      %dma_start3A_341 = tpu.memref_slice %arg2[%multiple_of3A_332] : memref<320000xi32, #tpu.memory_space<hbm>> -> memref<128xi32, #tpu.memory_space<hbm>>
      tpu.enqueue_dma source(%dma_start3A_341 : memref<128xi32, #tpu.memory_space<hbm>>) target(%dma_start3A_340 : memref<128xi32, #tpu.memory_space<vmem>>) target_semaphore(%arg18 : memref<!tpu.dma_semaphore, #tpu.memory_space<semaphore_mem>>)
      %add3A_342 = arith.constant 1024 : i32
      %add3A_343 = arith.addi %add3A_245, %add3A_342 : i32
      %multiple_of3A_344 = tpu.assume_multiple %add3A_343, 128 : i32
      %dma_start3A_345 = arith.constant 8 : i32
      %dma_start3A_346 = arith.constant 0 : i32
      %dma_start3A_347 = tpu.memref_slice %arg9[%dma_start3A_345, %dma_start3A_346] : memref<12x128xi32, #tpu.memory_space<vmem>> -> memref<1x128xi32, #tpu.memory_space<vmem>>
      %dma_start3A_348 = tpu.memref_squeeze %dma_start3A_347 : memref<1x128xi32, #tpu.memory_space<vmem>> -> memref<128xi32, #tpu.memory_space<vmem>>
      %dma_start3A_349 = tpu.memref_slice %arg2[%multiple_of3A_344] : memref<320000xi32, #tpu.memory_space<hbm>> -> memref<128xi32, #tpu.memory_space<hbm>>
      %dma_start3A_350 = arith.constant 0 : i32
      %dma_start3A_351 = tpu.memref_slice %arg9[%dma_start3A_345, %dma_start3A_350] : memref<12x128xi32, #tpu.memory_space<vmem>> -> memref<1x128xi32, #tpu.memory_space<vmem>>
      %dma_start3A_352 = tpu.memref_squeeze %dma_start3A_351 : memref<1x128xi32, #tpu.memory_space<vmem>> -> memref<128xi32, #tpu.memory_space<vmem>>
      %dma_start3A_353 = tpu.memref_slice %arg2[%multiple_of3A_344] : memref<320000xi32, #tpu.memory_space<hbm>> -> memref<128xi32, #tpu.memory_space<hbm>>
      tpu.enqueue_dma source(%dma_start3A_353 : memref<128xi32, #tpu.memory_space<hbm>>) target(%dma_start3A_352 : memref<128xi32, #tpu.memory_space<vmem>>) target_semaphore(%arg19 : memref<!tpu.dma_semaphore, #tpu.memory_space<semaphore_mem>>)
      %add3A_354 = arith.constant 1152 : i32
      %add3A_355 = arith.addi %add3A_245, %add3A_354 : i32
      %multiple_of3A_356 = tpu.assume_multiple %add3A_355, 128 : i32
      %dma_start3A_357 = arith.constant 9 : i32
      %dma_start3A_358 = arith.constant 0 : i32
      %dma_start3A_359 = tpu.memref_slice %arg9[%dma_start3A_357, %dma_start3A_358] : memref<12x128xi32, #tpu.memory_space<vmem>> -> memref<1x128xi32, #tpu.memory_space<vmem>>
      %dma_start3A_360 = tpu.memref_squeeze %dma_start3A_359 : memref<1x128xi32, #tpu.memory_space<vmem>> -> memref<128xi32, #tpu.memory_space<vmem>>
      %dma_start3A_361 = tpu.memref_slice %arg2[%multiple_of3A_356] : memref<320000xi32, #tpu.memory_space<hbm>> -> memref<128xi32, #tpu.memory_space<hbm>>
      %dma_start3A_362 = arith.constant 0 : i32
      %dma_start3A_363 = tpu.memref_slice %arg9[%dma_start3A_357, %dma_start3A_362] : memref<12x128xi32, #tpu.memory_space<vmem>> -> memref<1x128xi32, #tpu.memory_space<vmem>>
      %dma_start3A_364 = tpu.memref_squeeze %dma_start3A_363 : memref<1x128xi32, #tpu.memory_space<vmem>> -> memref<128xi32, #tpu.memory_space<vmem>>
      %dma_start3A_365 = tpu.memref_slice %arg2[%multiple_of3A_356] : memref<320000xi32, #tpu.memory_space<hbm>> -> memref<128xi32, #tpu.memory_space<hbm>>
      tpu.enqueue_dma source(%dma_start3A_365 : memref<128xi32, #tpu.memory_space<hbm>>) target(%dma_start3A_364 : memref<128xi32, #tpu.memory_space<vmem>>) target_semaphore(%arg20 : memref<!tpu.dma_semaphore, #tpu.memory_space<semaphore_mem>>)
      %add3A_366 = arith.constant 1280 : i32
      %add3A_367 = arith.addi %add3A_245, %add3A_366 : i32
      %multiple_of3A_368 = tpu.assume_multiple %add3A_367, 128 : i32
      %dma_start3A_369 = arith.constant 10 : i32
      %dma_start3A_370 = arith.constant 0 : i32
      %dma_start3A_371 = tpu.memref_slice %arg9[%dma_start3A_369, %dma_start3A_370] : memref<12x128xi32, #tpu.memory_space<vmem>> -> memref<1x128xi32, #tpu.memory_space<vmem>>
      %dma_start3A_372 = tpu.memref_squeeze %dma_start3A_371 : memref<1x128xi32, #tpu.memory_space<vmem>> -> memref<128xi32, #tpu.memory_space<vmem>>
      %dma_start3A_373 = tpu.memref_slice %arg2[%multiple_of3A_368] : memref<320000xi32, #tpu.memory_space<hbm>> -> memref<128xi32, #tpu.memory_space<hbm>>
      %dma_start3A_374 = arith.constant 0 : i32
      %dma_start3A_375 = tpu.memref_slice %arg9[%dma_start3A_369, %dma_start3A_374] : memref<12x128xi32, #tpu.memory_space<vmem>> -> memref<1x128xi32, #tpu.memory_space<vmem>>
      %dma_start3A_376 = tpu.memref_squeeze %dma_start3A_375 : memref<1x128xi32, #tpu.memory_space<vmem>> -> memref<128xi32, #tpu.memory_space<vmem>>
      %dma_start3A_377 = tpu.memref_slice %arg2[%multiple_of3A_368] : memref<320000xi32, #tpu.memory_space<hbm>> -> memref<128xi32, #tpu.memory_space<hbm>>
      tpu.enqueue_dma source(%dma_start3A_377 : memref<128xi32, #tpu.memory_space<hbm>>) target(%dma_start3A_376 : memref<128xi32, #tpu.memory_space<vmem>>) target_semaphore(%arg21 : memref<!tpu.dma_semaphore, #tpu.memory_space<semaphore_mem>>)
      %add3A_378 = arith.constant 1408 : i32
      %add3A_379 = arith.addi %add3A_245, %add3A_378 : i32
      %multiple_of3A_380 = tpu.assume_multiple %add3A_379, 128 : i32
      %dma_start3A_381 = arith.constant 11 : i32
      %dma_start3A_382 = arith.constant 0 : i32
      %dma_start3A_383 = tpu.memref_slice %arg9[%dma_start3A_381, %dma_start3A_382] : memref<12x128xi32, #tpu.memory_space<vmem>> -> memref<1x128xi32, #tpu.memory_space<vmem>>
      %dma_start3A_384 = tpu.memref_squeeze %dma_start3A_383 : memref<1x128xi32, #tpu.memory_space<vmem>> -> memref<128xi32, #tpu.memory_space<vmem>>
      %dma_start3A_385 = tpu.memref_slice %arg2[%multiple_of3A_380] : memref<320000xi32, #tpu.memory_space<hbm>> -> memref<128xi32, #tpu.memory_space<hbm>>
      %dma_start3A_386 = arith.constant 0 : i32
      %dma_start3A_387 = tpu.memref_slice %arg9[%dma_start3A_381, %dma_start3A_386] : memref<12x128xi32, #tpu.memory_space<vmem>> -> memref<1x128xi32, #tpu.memory_space<vmem>>
      %dma_start3A_388 = tpu.memref_squeeze %dma_start3A_387 : memref<1x128xi32, #tpu.memory_space<vmem>> -> memref<128xi32, #tpu.memory_space<vmem>>
      %dma_start3A_389 = tpu.memref_slice %arg2[%multiple_of3A_380] : memref<320000xi32, #tpu.memory_space<hbm>> -> memref<128xi32, #tpu.memory_space<hbm>>
      tpu.enqueue_dma source(%dma_start3A_389 : memref<128xi32, #tpu.memory_space<hbm>>) target(%dma_start3A_388 : memref<128xi32, #tpu.memory_space<vmem>>) target_semaphore(%arg22 : memref<!tpu.dma_semaphore, #tpu.memory_space<semaphore_mem>>)
      %dma_wait3A_390 = arith.constant 0 : i32
      %dma_wait3A_391 = arith.constant 0 : i32
      %dma_wait3A_392 = tpu.memref_slice %arg9[%dma_wait3A_390, %dma_wait3A_391] : memref<12x128xi32, #tpu.memory_space<vmem>> -> memref<1x128xi32, #tpu.memory_space<vmem>>
      %dma_wait3A_393 = tpu.memref_squeeze %dma_wait3A_392 : memref<1x128xi32, #tpu.memory_space<vmem>> -> memref<128xi32, #tpu.memory_space<vmem>>
      %dma_wait3A_394 = tpu.memref_slice %arg2[%multiple_of3A_248] : memref<320000xi32, #tpu.memory_space<hbm>> -> memref<128xi32, #tpu.memory_space<hbm>>
      %dma_wait3A_395 = arith.constant 0 : i32
      %dma_wait3A_396 = tpu.memref_slice %arg9[%dma_wait3A_390, %dma_wait3A_395] : memref<12x128xi32, #tpu.memory_space<vmem>> -> memref<1x128xi32, #tpu.memory_space<vmem>>
      %dma_wait3A_397 = tpu.memref_squeeze %dma_wait3A_396 : memref<1x128xi32, #tpu.memory_space<vmem>> -> memref<128xi32, #tpu.memory_space<vmem>>
      %dma_wait3A_398 = tpu.memref_slice %arg2[%multiple_of3A_248] : memref<320000xi32, #tpu.memory_space<hbm>> -> memref<128xi32, #tpu.memory_space<hbm>>
      tpu.wait_dma2 semaphore(%arg11 : memref<!tpu.dma_semaphore, #tpu.memory_space<semaphore_mem>>) src(%dma_wait3A_398 : memref<128xi32, #tpu.memory_space<hbm>>) dst(%dma_wait3A_397 : memref<128xi32, #tpu.memory_space<vmem>>)
      %dma_wait3A_399 = arith.constant 1 : i32
      %dma_wait3A_400 = arith.constant 0 : i32
      %dma_wait3A_401 = tpu.memref_slice %arg9[%dma_wait3A_399, %dma_wait3A_400] : memref<12x128xi32, #tpu.memory_space<vmem>> -> memref<1x128xi32, #tpu.memory_space<vmem>>
      %dma_wait3A_402 = tpu.memref_squeeze %dma_wait3A_401 : memref<1x128xi32, #tpu.memory_space<vmem>> -> memref<128xi32, #tpu.memory_space<vmem>>
      %dma_wait3A_403 = tpu.memref_slice %arg2[%multiple_of3A_260] : memref<320000xi32, #tpu.memory_space<hbm>> -> memref<128xi32, #tpu.memory_space<hbm>>
      %dma_wait3A_404 = arith.constant 0 : i32
      %dma_wait3A_405 = tpu.memref_slice %arg9[%dma_wait3A_399, %dma_wait3A_404] : memref<12x128xi32, #tpu.memory_space<vmem>> -> memref<1x128xi32, #tpu.memory_space<vmem>>
      %dma_wait3A_406 = tpu.memref_squeeze %dma_wait3A_405 : memref<1x128xi32, #tpu.memory_space<vmem>> -> memref<128xi32, #tpu.memory_space<vmem>>
      %dma_wait3A_407 = tpu.memref_slice %arg2[%multiple_of3A_260] : memref<320000xi32, #tpu.memory_space<hbm>> -> memref<128xi32, #tpu.memory_space<hbm>>
      tpu.wait_dma2 semaphore(%arg12 : memref<!tpu.dma_semaphore, #tpu.memory_space<semaphore_mem>>) src(%dma_wait3A_407 : memref<128xi32, #tpu.memory_space<hbm>>) dst(%dma_wait3A_406 : memref<128xi32, #tpu.memory_space<vmem>>)
      %dma_wait3A_408 = arith.constant 2 : i32
      %dma_wait3A_409 = arith.constant 0 : i32
      %dma_wait3A_410 = tpu.memref_slice %arg9[%dma_wait3A_408, %dma_wait3A_409] : memref<12x128xi32, #tpu.memory_space<vmem>> -> memref<1x128xi32, #tpu.memory_space<vmem>>
      %dma_wait3A_411 = tpu.memref_squeeze %dma_wait3A_410 : memref<1x128xi32, #tpu.memory_space<vmem>> -> memref<128xi32, #tpu.memory_space<vmem>>
      %dma_wait3A_412 = tpu.memref_slice %arg2[%multiple_of3A_272] : memref<320000xi32, #tpu.memory_space<hbm>> -> memref<128xi32, #tpu.memory_space<hbm>>
      %dma_wait3A_413 = arith.constant 0 : i32
      %dma_wait3A_414 = tpu.memref_slice %arg9[%dma_wait3A_408, %dma_wait3A_413] : memref<12x128xi32, #tpu.memory_space<vmem>> -> memref<1x128xi32, #tpu.memory_space<vmem>>
      %dma_wait3A_415 = tpu.memref_squeeze %dma_wait3A_414 : memref<1x128xi32, #tpu.memory_space<vmem>> -> memref<128xi32, #tpu.memory_space<vmem>>
      %dma_wait3A_416 = tpu.memref_slice %arg2[%multiple_of3A_272] : memref<320000xi32, #tpu.memory_space<hbm>> -> memref<128xi32, #tpu.memory_space<hbm>>
      tpu.wait_dma2 semaphore(%arg13 : memref<!tpu.dma_semaphore, #tpu.memory_space<semaphore_mem>>) src(%dma_wait3A_416 : memref<128xi32, #tpu.memory_space<hbm>>) dst(%dma_wait3A_415 : memref<128xi32, #tpu.memory_space<vmem>>)
      %dma_wait3A_417 = arith.constant 3 : i32
      %dma_wait3A_418 = arith.constant 0 : i32
      %dma_wait3A_419 = tpu.memref_slice %arg9[%dma_wait3A_417, %dma_wait3A_418] : memref<12x128xi32, #tpu.memory_space<vmem>> -> memref<1x128xi32, #tpu.memory_space<vmem>>
      %dma_wait3A_420 = tpu.memref_squeeze %dma_wait3A_419 : memref<1x128xi32, #tpu.memory_space<vmem>> -> memref<128xi32, #tpu.memory_space<vmem>>
      %dma_wait3A_421 = tpu.memref_slice %arg2[%multiple_of3A_284] : memref<320000xi32, #tpu.memory_space<hbm>> -> memref<128xi32, #tpu.memory_space<hbm>>
      %dma_wait3A_422 = arith.constant 0 : i32
      %dma_wait3A_423 = tpu.memref_slice %arg9[%dma_wait3A_417, %dma_wait3A_422] : memref<12x128xi32, #tpu.memory_space<vmem>> -> memref<1x128xi32, #tpu.memory_space<vmem>>
      %dma_wait3A_424 = tpu.memref_squeeze %dma_wait3A_423 : memref<1x128xi32, #tpu.memory_space<vmem>> -> memref<128xi32, #tpu.memory_space<vmem>>
      %dma_wait3A_425 = tpu.memref_slice %arg2[%multiple_of3A_284] : memref<320000xi32, #tpu.memory_space<hbm>> -> memref<128xi32, #tpu.memory_space<hbm>>
      tpu.wait_dma2 semaphore(%arg14 : memref<!tpu.dma_semaphore, #tpu.memory_space<semaphore_mem>>) src(%dma_wait3A_425 : memref<128xi32, #tpu.memory_space<hbm>>) dst(%dma_wait3A_424 : memref<128xi32, #tpu.memory_space<vmem>>)
      %dma_wait3A_426 = arith.constant 4 : i32
      %dma_wait3A_427 = arith.constant 0 : i32
      %dma_wait3A_428 = tpu.memref_slice %arg9[%dma_wait3A_426, %dma_wait3A_427] : memref<12x128xi32, #tpu.memory_space<vmem>> -> memref<1x128xi32, #tpu.memory_space<vmem>>
      %dma_wait3A_429 = tpu.memref_squeeze %dma_wait3A_428 : memref<1x128xi32, #tpu.memory_space<vmem>> -> memref<128xi32, #tpu.memory_space<vmem>>
      %dma_wait3A_430 = tpu.memref_slice %arg2[%multiple_of3A_296] : memref<320000xi32, #tpu.memory_space<hbm>> -> memref<128xi32, #tpu.memory_space<hbm>>
      %dma_wait3A_431 = arith.constant 0 : i32
      %dma_wait3A_432 = tpu.memref_slice %arg9[%dma_wait3A_426, %dma_wait3A_431] : memref<12x128xi32, #tpu.memory_space<vmem>> -> memref<1x128xi32, #tpu.memory_space<vmem>>
      %dma_wait3A_433 = tpu.memref_squeeze %dma_wait3A_432 : memref<1x128xi32, #tpu.memory_space<vmem>> -> memref<128xi32, #tpu.memory_space<vmem>>
      %dma_wait3A_434 = tpu.memref_slice %arg2[%multiple_of3A_296] : memref<320000xi32, #tpu.memory_space<hbm>> -> memref<128xi32, #tpu.memory_space<hbm>>
      tpu.wait_dma2 semaphore(%arg15 : memref<!tpu.dma_semaphore, #tpu.memory_space<semaphore_mem>>) src(%dma_wait3A_434 : memref<128xi32, #tpu.memory_space<hbm>>) dst(%dma_wait3A_433 : memref<128xi32, #tpu.memory_space<vmem>>)
      %dma_wait3A_435 = arith.constant 5 : i32
      %dma_wait3A_436 = arith.constant 0 : i32
      %dma_wait3A_437 = tpu.memref_slice %arg9[%dma_wait3A_435, %dma_wait3A_436] : memref<12x128xi32, #tpu.memory_space<vmem>> -> memref<1x128xi32, #tpu.memory_space<vmem>>
      %dma_wait3A_438 = tpu.memref_squeeze %dma_wait3A_437 : memref<1x128xi32, #tpu.memory_space<vmem>> -> memref<128xi32, #tpu.memory_space<vmem>>
      %dma_wait3A_439 = tpu.memref_slice %arg2[%multiple_of3A_308] : memref<320000xi32, #tpu.memory_space<hbm>> -> memref<128xi32, #tpu.memory_space<hbm>>
      %dma_wait3A_440 = arith.constant 0 : i32
      %dma_wait3A_441 = tpu.memref_slice %arg9[%dma_wait3A_435, %dma_wait3A_440] : memref<12x128xi32, #tpu.memory_space<vmem>> -> memref<1x128xi32, #tpu.memory_space<vmem>>
      %dma_wait3A_442 = tpu.memref_squeeze %dma_wait3A_441 : memref<1x128xi32, #tpu.memory_space<vmem>> -> memref<128xi32, #tpu.memory_space<vmem>>
      %dma_wait3A_443 = tpu.memref_slice %arg2[%multiple_of3A_308] : memref<320000xi32, #tpu.memory_space<hbm>> -> memref<128xi32, #tpu.memory_space<hbm>>
      tpu.wait_dma2 semaphore(%arg16 : memref<!tpu.dma_semaphore, #tpu.memory_space<semaphore_mem>>) src(%dma_wait3A_443 : memref<128xi32, #tpu.memory_space<hbm>>) dst(%dma_wait3A_442 : memref<128xi32, #tpu.memory_space<vmem>>)
      %dma_wait3A_444 = arith.constant 6 : i32
      %dma_wait3A_445 = arith.constant 0 : i32
      %dma_wait3A_446 = tpu.memref_slice %arg9[%dma_wait3A_444, %dma_wait3A_445] : memref<12x128xi32, #tpu.memory_space<vmem>> -> memref<1x128xi32, #tpu.memory_space<vmem>>
      %dma_wait3A_447 = tpu.memref_squeeze %dma_wait3A_446 : memref<1x128xi32, #tpu.memory_space<vmem>> -> memref<128xi32, #tpu.memory_space<vmem>>
      %dma_wait3A_448 = tpu.memref_slice %arg2[%multiple_of3A_320] : memref<320000xi32, #tpu.memory_space<hbm>> -> memref<128xi32, #tpu.memory_space<hbm>>
      %dma_wait3A_449 = arith.constant 0 : i32
      %dma_wait3A_450 = tpu.memref_slice %arg9[%dma_wait3A_444, %dma_wait3A_449] : memref<12x128xi32, #tpu.memory_space<vmem>> -> memref<1x128xi32, #tpu.memory_space<vmem>>
      %dma_wait3A_451 = tpu.memref_squeeze %dma_wait3A_450 : memref<1x128xi32, #tpu.memory_space<vmem>> -> memref<128xi32, #tpu.memory_space<vmem>>
      %dma_wait3A_452 = tpu.memref_slice %arg2[%multiple_of3A_320] : memref<320000xi32, #tpu.memory_space<hbm>> -> memref<128xi32, #tpu.memory_space<hbm>>
      tpu.wait_dma2 semaphore(%arg17 : memref<!tpu.dma_semaphore, #tpu.memory_space<semaphore_mem>>) src(%dma_wait3A_452 : memref<128xi32, #tpu.memory_space<hbm>>) dst(%dma_wait3A_451 : memref<128xi32, #tpu.memory_space<vmem>>)
      %dma_wait3A_453 = arith.constant 7 : i32
      %dma_wait3A_454 = arith.constant 0 : i32
      %dma_wait3A_455 = tpu.memref_slice %arg9[%dma_wait3A_453, %dma_wait3A_454] : memref<12x128xi32, #tpu.memory_space<vmem>> -> memref<1x128xi32, #tpu.memory_space<vmem>>
      %dma_wait3A_456 = tpu.memref_squeeze %dma_wait3A_455 : memref<1x128xi32, #tpu.memory_space<vmem>> -> memref<128xi32, #tpu.memory_space<vmem>>
      %dma_wait3A_457 = tpu.memref_slice %arg2[%multiple_of3A_332] : memref<320000xi32, #tpu.memory_space<hbm>> -> memref<128xi32, #tpu.memory_space<hbm>>
      %dma_wait3A_458 = arith.constant 0 : i32
      %dma_wait3A_459 = tpu.memref_slice %arg9[%dma_wait3A_453, %dma_wait3A_458] : memref<12x128xi32, #tpu.memory_space<vmem>> -> memref<1x128xi32, #tpu.memory_space<vmem>>
      %dma_wait3A_460 = tpu.memref_squeeze %dma_wait3A_459 : memref<1x128xi32, #tpu.memory_space<vmem>> -> memref<128xi32, #tpu.memory_space<vmem>>
      %dma_wait3A_461 = tpu.memref_slice %arg2[%multiple_of3A_332] : memref<320000xi32, #tpu.memory_space<hbm>> -> memref<128xi32, #tpu.memory_space<hbm>>
      tpu.wait_dma2 semaphore(%arg18 : memref<!tpu.dma_semaphore, #tpu.memory_space<semaphore_mem>>) src(%dma_wait3A_461 : memref<128xi32, #tpu.memory_space<hbm>>) dst(%dma_wait3A_460 : memref<128xi32, #tpu.memory_space<vmem>>)
      %dma_wait3A_462 = arith.constant 8 : i32
      %dma_wait3A_463 = arith.constant 0 : i32
      %dma_wait3A_464 = tpu.memref_slice %arg9[%dma_wait3A_462, %dma_wait3A_463] : memref<12x128xi32, #tpu.memory_space<vmem>> -> memref<1x128xi32, #tpu.memory_space<vmem>>
      %dma_wait3A_465 = tpu.memref_squeeze %dma_wait3A_464 : memref<1x128xi32, #tpu.memory_space<vmem>> -> memref<128xi32, #tpu.memory_space<vmem>>
      %dma_wait3A_466 = tpu.memref_slice %arg2[%multiple_of3A_344] : memref<320000xi32, #tpu.memory_space<hbm>> -> memref<128xi32, #tpu.memory_space<hbm>>
      %dma_wait3A_467 = arith.constant 0 : i32
      %dma_wait3A_468 = tpu.memref_slice %arg9[%dma_wait3A_462, %dma_wait3A_467] : memref<12x128xi32, #tpu.memory_space<vmem>> -> memref<1x128xi32, #tpu.memory_space<vmem>>
      %dma_wait3A_469 = tpu.memref_squeeze %dma_wait3A_468 : memref<1x128xi32, #tpu.memory_space<vmem>> -> memref<128xi32, #tpu.memory_space<vmem>>
      %dma_wait3A_470 = tpu.memref_slice %arg2[%multiple_of3A_344] : memref<320000xi32, #tpu.memory_space<hbm>> -> memref<128xi32, #tpu.memory_space<hbm>>
      tpu.wait_dma2 semaphore(%arg19 : memref<!tpu.dma_semaphore, #tpu.memory_space<semaphore_mem>>) src(%dma_wait3A_470 : memref<128xi32, #tpu.memory_space<hbm>>) dst(%dma_wait3A_469 : memref<128xi32, #tpu.memory_space<vmem>>)
      %dma_wait3A_471 = arith.constant 9 : i32
      %dma_wait3A_472 = arith.constant 0 : i32
      %dma_wait3A_473 = tpu.memref_slice %arg9[%dma_wait3A_471, %dma_wait3A_472] : memref<12x128xi32, #tpu.memory_space<vmem>> -> memref<1x128xi32, #tpu.memory_space<vmem>>
      %dma_wait3A_474 = tpu.memref_squeeze %dma_wait3A_473 : memref<1x128xi32, #tpu.memory_space<vmem>> -> memref<128xi32, #tpu.memory_space<vmem>>
      %dma_wait3A_475 = tpu.memref_slice %arg2[%multiple_of3A_356] : memref<320000xi32, #tpu.memory_space<hbm>> -> memref<128xi32, #tpu.memory_space<hbm>>
      %dma_wait3A_476 = arith.constant 0 : i32
      %dma_wait3A_477 = tpu.memref_slice %arg9[%dma_wait3A_471, %dma_wait3A_476] : memref<12x128xi32, #tpu.memory_space<vmem>> -> memref<1x128xi32, #tpu.memory_space<vmem>>
      %dma_wait3A_478 = tpu.memref_squeeze %dma_wait3A_477 : memref<1x128xi32, #tpu.memory_space<vmem>> -> memref<128xi32, #tpu.memory_space<vmem>>
      %dma_wait3A_479 = tpu.memref_slice %arg2[%multiple_of3A_356] : memref<320000xi32, #tpu.memory_space<hbm>> -> memref<128xi32, #tpu.memory_space<hbm>>
      tpu.wait_dma2 semaphore(%arg20 : memref<!tpu.dma_semaphore, #tpu.memory_space<semaphore_mem>>) src(%dma_wait3A_479 : memref<128xi32, #tpu.memory_space<hbm>>) dst(%dma_wait3A_478 : memref<128xi32, #tpu.memory_space<vmem>>)
      %dma_wait3A_480 = arith.constant 10 : i32
      %dma_wait3A_481 = arith.constant 0 : i32
      %dma_wait3A_482 = tpu.memref_slice %arg9[%dma_wait3A_480, %dma_wait3A_481] : memref<12x128xi32, #tpu.memory_space<vmem>> -> memref<1x128xi32, #tpu.memory_space<vmem>>
      %dma_wait3A_483 = tpu.memref_squeeze %dma_wait3A_482 : memref<1x128xi32, #tpu.memory_space<vmem>> -> memref<128xi32, #tpu.memory_space<vmem>>
      %dma_wait3A_484 = tpu.memref_slice %arg2[%multiple_of3A_368] : memref<320000xi32, #tpu.memory_space<hbm>> -> memref<128xi32, #tpu.memory_space<hbm>>
      %dma_wait3A_485 = arith.constant 0 : i32
      %dma_wait3A_486 = tpu.memref_slice %arg9[%dma_wait3A_480, %dma_wait3A_485] : memref<12x128xi32, #tpu.memory_space<vmem>> -> memref<1x128xi32, #tpu.memory_space<vmem>>
      %dma_wait3A_487 = tpu.memref_squeeze %dma_wait3A_486 : memref<1x128xi32, #tpu.memory_space<vmem>> -> memref<128xi32, #tpu.memory_space<vmem>>
      %dma_wait3A_488 = tpu.memref_slice %arg2[%multiple_of3A_368] : memref<320000xi32, #tpu.memory_space<hbm>> -> memref<128xi32, #tpu.memory_space<hbm>>
      tpu.wait_dma2 semaphore(%arg21 : memref<!tpu.dma_semaphore, #tpu.memory_space<semaphore_mem>>) src(%dma_wait3A_488 : memref<128xi32, #tpu.memory_space<hbm>>) dst(%dma_wait3A_487 : memref<128xi32, #tpu.memory_space<vmem>>)
      %dma_wait3A_489 = arith.constant 11 : i32
      %dma_wait3A_490 = arith.constant 0 : i32
      %dma_wait3A_491 = tpu.memref_slice %arg9[%dma_wait3A_489, %dma_wait3A_490] : memref<12x128xi32, #tpu.memory_space<vmem>> -> memref<1x128xi32, #tpu.memory_space<vmem>>
      %dma_wait3A_492 = tpu.memref_squeeze %dma_wait3A_491 : memref<1x128xi32, #tpu.memory_space<vmem>> -> memref<128xi32, #tpu.memory_space<vmem>>
      %dma_wait3A_493 = tpu.memref_slice %arg2[%multiple_of3A_380] : memref<320000xi32, #tpu.memory_space<hbm>> -> memref<128xi32, #tpu.memory_space<hbm>>
      %dma_wait3A_494 = arith.constant 0 : i32
      %dma_wait3A_495 = tpu.memref_slice %arg9[%dma_wait3A_489, %dma_wait3A_494] : memref<12x128xi32, #tpu.memory_space<vmem>> -> memref<1x128xi32, #tpu.memory_space<vmem>>
      %dma_wait3A_496 = tpu.memref_squeeze %dma_wait3A_495 : memref<1x128xi32, #tpu.memory_space<vmem>> -> memref<128xi32, #tpu.memory_space<vmem>>
      %dma_wait3A_497 = tpu.memref_slice %arg2[%multiple_of3A_380] : memref<320000xi32, #tpu.memory_space<hbm>> -> memref<128xi32, #tpu.memory_space<hbm>>
      tpu.wait_dma2 semaphore(%arg22 : memref<!tpu.dma_semaphore, #tpu.memory_space<semaphore_mem>>) src(%dma_wait3A_497 : memref<128xi32, #tpu.memory_space<hbm>>) dst(%dma_wait3A_496 : memref<128xi32, #tpu.memory_space<vmem>>)
      %dma_start3A_498 = arith.constant 0 : i32
      %dma_start3A_499 = arith.constant 0 : i32
      %dma_start3A_500 = tpu.memref_slice %arg9[%dma_start3A_498, %dma_start3A_499] : memref<12x128xi32, #tpu.memory_space<vmem>> -> memref<1x128xi32, #tpu.memory_space<vmem>>
      %dma_start3A_501 = tpu.memref_squeeze %dma_start3A_500 : memref<1x128xi32, #tpu.memory_space<vmem>> -> memref<128xi32, #tpu.memory_space<vmem>>
      %dma_start3A_502 = arith.constant 0 : i32
      %dma_start3A_503 = arith.constant 0 : i32
      %dma_start3A_504 = tpu.memref_slice %arg6[%dma_start3A_502, %dma_start3A_503] : memref<10000x8xf32, #tpu.memory_space<vmem_shared>> -> memref<10000x8xf32, #tpu.memory_space<vmem_shared>>
      tpu.enqueue_indirect_dma source(%arg7 : memref<128x8xf32, #tpu.memory_space<vmem>>) target(%dma_start3A_504 : memref<10000x8xf32, #tpu.memory_space<vmem_shared>>) offsets(%dma_start3A_501 : memref<128xi32, #tpu.memory_space<vmem>>) semaphore(%arg23 : memref<!tpu.dma_semaphore, #tpu.memory_space<semaphore_mem>>) {add = true}
      %dma_start3A_505 = arith.constant 1 : i32
      %dma_start3A_506 = arith.constant 0 : i32
      %dma_start3A_507 = tpu.memref_slice %arg9[%dma_start3A_505, %dma_start3A_506] : memref<12x128xi32, #tpu.memory_space<vmem>> -> memref<1x128xi32, #tpu.memory_space<vmem>>
      %dma_start3A_508 = tpu.memref_squeeze %dma_start3A_507 : memref<1x128xi32, #tpu.memory_space<vmem>> -> memref<128xi32, #tpu.memory_space<vmem>>
      %dma_start3A_509 = arith.constant 0 : i32
      %dma_start3A_510 = arith.constant 0 : i32
      %dma_start3A_511 = tpu.memref_slice %arg6[%dma_start3A_509, %dma_start3A_510] : memref<10000x8xf32, #tpu.memory_space<vmem_shared>> -> memref<10000x8xf32, #tpu.memory_space<vmem_shared>>
      tpu.enqueue_indirect_dma source(%arg7 : memref<128x8xf32, #tpu.memory_space<vmem>>) target(%dma_start3A_511 : memref<10000x8xf32, #tpu.memory_space<vmem_shared>>) offsets(%dma_start3A_508 : memref<128xi32, #tpu.memory_space<vmem>>) semaphore(%arg24 : memref<!tpu.dma_semaphore, #tpu.memory_space<semaphore_mem>>) {add = true}
      %dma_start3A_512 = arith.constant 2 : i32
      %dma_start3A_513 = arith.constant 0 : i32
      %dma_start3A_514 = tpu.memref_slice %arg9[%dma_start3A_512, %dma_start3A_513] : memref<12x128xi32, #tpu.memory_space<vmem>> -> memref<1x128xi32, #tpu.memory_space<vmem>>
      %dma_start3A_515 = tpu.memref_squeeze %dma_start3A_514 : memref<1x128xi32, #tpu.memory_space<vmem>> -> memref<128xi32, #tpu.memory_space<vmem>>
      %dma_start3A_516 = arith.constant 0 : i32
      %dma_start3A_517 = arith.constant 0 : i32
      %dma_start3A_518 = tpu.memref_slice %arg6[%dma_start3A_516, %dma_start3A_517] : memref<10000x8xf32, #tpu.memory_space<vmem_shared>> -> memref<10000x8xf32, #tpu.memory_space<vmem_shared>>
      tpu.enqueue_indirect_dma source(%arg7 : memref<128x8xf32, #tpu.memory_space<vmem>>) target(%dma_start3A_518 : memref<10000x8xf32, #tpu.memory_space<vmem_shared>>) offsets(%dma_start3A_515 : memref<128xi32, #tpu.memory_space<vmem>>) semaphore(%arg25 : memref<!tpu.dma_semaphore, #tpu.memory_space<semaphore_mem>>) {add = true}
      %dma_start3A_519 = arith.constant 3 : i32
      %dma_start3A_520 = arith.constant 0 : i32
      %dma_start3A_521 = tpu.memref_slice %arg9[%dma_start3A_519, %dma_start3A_520] : memref<12x128xi32, #tpu.memory_space<vmem>> -> memref<1x128xi32, #tpu.memory_space<vmem>>
      %dma_start3A_522 = tpu.memref_squeeze %dma_start3A_521 : memref<1x128xi32, #tpu.memory_space<vmem>> -> memref<128xi32, #tpu.memory_space<vmem>>
      %dma_start3A_523 = arith.constant 0 : i32
      %dma_start3A_524 = arith.constant 0 : i32
      %dma_start3A_525 = tpu.memref_slice %arg6[%dma_start3A_523, %dma_start3A_524] : memref<10000x8xf32, #tpu.memory_space<vmem_shared>> -> memref<10000x8xf32, #tpu.memory_space<vmem_shared>>
      tpu.enqueue_indirect_dma source(%arg7 : memref<128x8xf32, #tpu.memory_space<vmem>>) target(%dma_start3A_525 : memref<10000x8xf32, #tpu.memory_space<vmem_shared>>) offsets(%dma_start3A_522 : memref<128xi32, #tpu.memory_space<vmem>>) semaphore(%arg26 : memref<!tpu.dma_semaphore, #tpu.memory_space<semaphore_mem>>) {add = true}
      %dma_start3A_526 = arith.constant 4 : i32
      %dma_start3A_527 = arith.constant 0 : i32
      %dma_start3A_528 = tpu.memref_slice %arg9[%dma_start3A_526, %dma_start3A_527] : memref<12x128xi32, #tpu.memory_space<vmem>> -> memref<1x128xi32, #tpu.memory_space<vmem>>
      %dma_start3A_529 = tpu.memref_squeeze %dma_start3A_528 : memref<1x128xi32, #tpu.memory_space<vmem>> -> memref<128xi32, #tpu.memory_space<vmem>>
      %dma_start3A_530 = arith.constant 0 : i32
      %dma_start3A_531 = arith.constant 0 : i32
      %dma_start3A_532 = tpu.memref_slice %arg6[%dma_start3A_530, %dma_start3A_531] : memref<10000x8xf32, #tpu.memory_space<vmem_shared>> -> memref<10000x8xf32, #tpu.memory_space<vmem_shared>>
      tpu.enqueue_indirect_dma source(%arg7 : memref<128x8xf32, #tpu.memory_space<vmem>>) target(%dma_start3A_532 : memref<10000x8xf32, #tpu.memory_space<vmem_shared>>) offsets(%dma_start3A_529 : memref<128xi32, #tpu.memory_space<vmem>>) semaphore(%arg27 : memref<!tpu.dma_semaphore, #tpu.memory_space<semaphore_mem>>) {add = true}
      %dma_start3A_533 = arith.constant 5 : i32
      %dma_start3A_534 = arith.constant 0 : i32
      %dma_start3A_535 = tpu.memref_slice %arg9[%dma_start3A_533, %dma_start3A_534] : memref<12x128xi32, #tpu.memory_space<vmem>> -> memref<1x128xi32, #tpu.memory_space<vmem>>
      %dma_start3A_536 = tpu.memref_squeeze %dma_start3A_535 : memref<1x128xi32, #tpu.memory_space<vmem>> -> memref<128xi32, #tpu.memory_space<vmem>>
      %dma_start3A_537 = arith.constant 0 : i32
      %dma_start3A_538 = arith.constant 0 : i32
      %dma_start3A_539 = tpu.memref_slice %arg6[%dma_start3A_537, %dma_start3A_538] : memref<10000x8xf32, #tpu.memory_space<vmem_shared>> -> memref<10000x8xf32, #tpu.memory_space<vmem_shared>>
      tpu.enqueue_indirect_dma source(%arg7 : memref<128x8xf32, #tpu.memory_space<vmem>>) target(%dma_start3A_539 : memref<10000x8xf32, #tpu.memory_space<vmem_shared>>) offsets(%dma_start3A_536 : memref<128xi32, #tpu.memory_space<vmem>>) semaphore(%arg28 : memref<!tpu.dma_semaphore, #tpu.memory_space<semaphore_mem>>) {add = true}
      %dma_start3A_540 = arith.constant 6 : i32
      %dma_start3A_541 = arith.constant 0 : i32
      %dma_start3A_542 = tpu.memref_slice %arg9[%dma_start3A_540, %dma_start3A_541] : memref<12x128xi32, #tpu.memory_space<vmem>> -> memref<1x128xi32, #tpu.memory_space<vmem>>
      %dma_start3A_543 = tpu.memref_squeeze %dma_start3A_542 : memref<1x128xi32, #tpu.memory_space<vmem>> -> memref<128xi32, #tpu.memory_space<vmem>>
      %dma_start3A_544 = arith.constant 0 : i32
      %dma_start3A_545 = arith.constant 0 : i32
      %dma_start3A_546 = tpu.memref_slice %arg6[%dma_start3A_544, %dma_start3A_545] : memref<10000x8xf32, #tpu.memory_space<vmem_shared>> -> memref<10000x8xf32, #tpu.memory_space<vmem_shared>>
      tpu.enqueue_indirect_dma source(%arg7 : memref<128x8xf32, #tpu.memory_space<vmem>>) target(%dma_start3A_546 : memref<10000x8xf32, #tpu.memory_space<vmem_shared>>) offsets(%dma_start3A_543 : memref<128xi32, #tpu.memory_space<vmem>>) semaphore(%arg29 : memref<!tpu.dma_semaphore, #tpu.memory_space<semaphore_mem>>) {add = true}
      %dma_start3A_547 = arith.constant 7 : i32
      %dma_start3A_548 = arith.constant 0 : i32
      %dma_start3A_549 = tpu.memref_slice %arg9[%dma_start3A_547, %dma_start3A_548] : memref<12x128xi32, #tpu.memory_space<vmem>> -> memref<1x128xi32, #tpu.memory_space<vmem>>
      %dma_start3A_550 = tpu.memref_squeeze %dma_start3A_549 : memref<1x128xi32, #tpu.memory_space<vmem>> -> memref<128xi32, #tpu.memory_space<vmem>>
      %dma_start3A_551 = arith.constant 0 : i32
      %dma_start3A_552 = arith.constant 0 : i32
      %dma_start3A_553 = tpu.memref_slice %arg6[%dma_start3A_551, %dma_start3A_552] : memref<10000x8xf32, #tpu.memory_space<vmem_shared>> -> memref<10000x8xf32, #tpu.memory_space<vmem_shared>>
      tpu.enqueue_indirect_dma source(%arg7 : memref<128x8xf32, #tpu.memory_space<vmem>>) target(%dma_start3A_553 : memref<10000x8xf32, #tpu.memory_space<vmem_shared>>) offsets(%dma_start3A_550 : memref<128xi32, #tpu.memory_space<vmem>>) semaphore(%arg30 : memref<!tpu.dma_semaphore, #tpu.memory_space<semaphore_mem>>) {add = true}
      %dma_start3A_554 = arith.constant 8 : i32
      %dma_start3A_555 = arith.constant 0 : i32
      %dma_start3A_556 = tpu.memref_slice %arg9[%dma_start3A_554, %dma_start3A_555] : memref<12x128xi32, #tpu.memory_space<vmem>> -> memref<1x128xi32, #tpu.memory_space<vmem>>
      %dma_start3A_557 = tpu.memref_squeeze %dma_start3A_556 : memref<1x128xi32, #tpu.memory_space<vmem>> -> memref<128xi32, #tpu.memory_space<vmem>>
      %dma_start3A_558 = arith.constant 0 : i32
      %dma_start3A_559 = arith.constant 0 : i32
      %dma_start3A_560 = tpu.memref_slice %arg6[%dma_start3A_558, %dma_start3A_559] : memref<10000x8xf32, #tpu.memory_space<vmem_shared>> -> memref<10000x8xf32, #tpu.memory_space<vmem_shared>>
      tpu.enqueue_indirect_dma source(%arg7 : memref<128x8xf32, #tpu.memory_space<vmem>>) target(%dma_start3A_560 : memref<10000x8xf32, #tpu.memory_space<vmem_shared>>) offsets(%dma_start3A_557 : memref<128xi32, #tpu.memory_space<vmem>>) semaphore(%arg31 : memref<!tpu.dma_semaphore, #tpu.memory_space<semaphore_mem>>) {add = true}
      %dma_start3A_561 = arith.constant 9 : i32
      %dma_start3A_562 = arith.constant 0 : i32
      %dma_start3A_563 = tpu.memref_slice %arg9[%dma_start3A_561, %dma_start3A_562] : memref<12x128xi32, #tpu.memory_space<vmem>> -> memref<1x128xi32, #tpu.memory_space<vmem>>
      %dma_start3A_564 = tpu.memref_squeeze %dma_start3A_563 : memref<1x128xi32, #tpu.memory_space<vmem>> -> memref<128xi32, #tpu.memory_space<vmem>>
      %dma_start3A_565 = arith.constant 0 : i32
      %dma_start3A_566 = arith.constant 0 : i32
      %dma_start3A_567 = tpu.memref_slice %arg6[%dma_start3A_565, %dma_start3A_566] : memref<10000x8xf32, #tpu.memory_space<vmem_shared>> -> memref<10000x8xf32, #tpu.memory_space<vmem_shared>>
      tpu.enqueue_indirect_dma source(%arg7 : memref<128x8xf32, #tpu.memory_space<vmem>>) target(%dma_start3A_567 : memref<10000x8xf32, #tpu.memory_space<vmem_shared>>) offsets(%dma_start3A_564 : memref<128xi32, #tpu.memory_space<vmem>>) semaphore(%arg32 : memref<!tpu.dma_semaphore, #tpu.memory_space<semaphore_mem>>) {add = true}
      %dma_start3A_568 = arith.constant 10 : i32
      %dma_start3A_569 = arith.constant 0 : i32
      %dma_start3A_570 = tpu.memref_slice %arg9[%dma_start3A_568, %dma_start3A_569] : memref<12x128xi32, #tpu.memory_space<vmem>> -> memref<1x128xi32, #tpu.memory_space<vmem>>
      %dma_start3A_571 = tpu.memref_squeeze %dma_start3A_570 : memref<1x128xi32, #tpu.memory_space<vmem>> -> memref<128xi32, #tpu.memory_space<vmem>>
      %dma_start3A_572 = arith.constant 0 : i32
      %dma_start3A_573 = arith.constant 0 : i32
      %dma_start3A_574 = tpu.memref_slice %arg6[%dma_start3A_572, %dma_start3A_573] : memref<10000x8xf32, #tpu.memory_space<vmem_shared>> -> memref<10000x8xf32, #tpu.memory_space<vmem_shared>>
      tpu.enqueue_indirect_dma source(%arg7 : memref<128x8xf32, #tpu.memory_space<vmem>>) target(%dma_start3A_574 : memref<10000x8xf32, #tpu.memory_space<vmem_shared>>) offsets(%dma_start3A_571 : memref<128xi32, #tpu.memory_space<vmem>>) semaphore(%arg33 : memref<!tpu.dma_semaphore, #tpu.memory_space<semaphore_mem>>) {add = true}
      %dma_start3A_575 = arith.constant 11 : i32
      %dma_start3A_576 = arith.constant 0 : i32
      %dma_start3A_577 = tpu.memref_slice %arg9[%dma_start3A_575, %dma_start3A_576] : memref<12x128xi32, #tpu.memory_space<vmem>> -> memref<1x128xi32, #tpu.memory_space<vmem>>
      %dma_start3A_578 = tpu.memref_squeeze %dma_start3A_577 : memref<1x128xi32, #tpu.memory_space<vmem>> -> memref<128xi32, #tpu.memory_space<vmem>>
      %dma_start3A_579 = arith.constant 0 : i32
      %dma_start3A_580 = arith.constant 0 : i32
      %dma_start3A_581 = tpu.memref_slice %arg6[%dma_start3A_579, %dma_start3A_580] : memref<10000x8xf32, #tpu.memory_space<vmem_shared>> -> memref<10000x8xf32, #tpu.memory_space<vmem_shared>>
      tpu.enqueue_indirect_dma source(%arg7 : memref<128x8xf32, #tpu.memory_space<vmem>>) target(%dma_start3A_581 : memref<10000x8xf32, #tpu.memory_space<vmem_shared>>) offsets(%dma_start3A_578 : memref<128xi32, #tpu.memory_space<vmem>>) semaphore(%arg34 : memref<!tpu.dma_semaphore, #tpu.memory_space<semaphore_mem>>) {add = true}
      %dma_wait3A_582 = arith.constant 0 : i32
      %dma_wait3A_583 = arith.constant 0 : i32
      %dma_wait3A_584 = tpu.memref_slice %arg9[%dma_wait3A_582, %dma_wait3A_583] : memref<12x128xi32, #tpu.memory_space<vmem>> -> memref<1x128xi32, #tpu.memory_space<vmem>>
      %dma_wait3A_585 = tpu.memref_squeeze %dma_wait3A_584 : memref<1x128xi32, #tpu.memory_space<vmem>> -> memref<128xi32, #tpu.memory_space<vmem>>
      %dma_wait3A_586 = arith.constant 0 : i32
      %dma_wait3A_587 = arith.constant 0 : i32
      %dma_wait3A_588 = tpu.memref_slice %arg6[%dma_wait3A_586, %dma_wait3A_587] : memref<10000x8xf32, #tpu.memory_space<vmem_shared>> -> memref<10000x8xf32, #tpu.memory_space<vmem_shared>>
      tpu.wait_indirect_dma semaphore(%arg23 : memref<!tpu.dma_semaphore, #tpu.memory_space<semaphore_mem>>) src(%arg7 : memref<128x8xf32, #tpu.memory_space<vmem>>) dst(%dma_wait3A_588 : memref<10000x8xf32, #tpu.memory_space<vmem_shared>>)
      %dma_wait3A_589 = arith.constant 1 : i32
      %dma_wait3A_590 = arith.constant 0 : i32
      %dma_wait3A_591 = tpu.memref_slice %arg9[%dma_wait3A_589, %dma_wait3A_590] : memref<12x128xi32, #tpu.memory_space<vmem>> -> memref<1x128xi32, #tpu.memory_space<vmem>>
      %dma_wait3A_592 = tpu.memref_squeeze %dma_wait3A_591 : memref<1x128xi32, #tpu.memory_space<vmem>> -> memref<128xi32, #tpu.memory_space<vmem>>
      %dma_wait3A_593 = arith.constant 0 : i32
      %dma_wait3A_594 = arith.constant 0 : i32
      %dma_wait3A_595 = tpu.memref_slice %arg6[%dma_wait3A_593, %dma_wait3A_594] : memref<10000x8xf32, #tpu.memory_space<vmem_shared>> -> memref<10000x8xf32, #tpu.memory_space<vmem_shared>>
      tpu.wait_indirect_dma semaphore(%arg24 : memref<!tpu.dma_semaphore, #tpu.memory_space<semaphore_mem>>) src(%arg7 : memref<128x8xf32, #tpu.memory_space<vmem>>) dst(%dma_wait3A_595 : memref<10000x8xf32, #tpu.memory_space<vmem_shared>>)
      %dma_wait3A_596 = arith.constant 2 : i32
      %dma_wait3A_597 = arith.constant 0 : i32
      %dma_wait3A_598 = tpu.memref_slice %arg9[%dma_wait3A_596, %dma_wait3A_597] : memref<12x128xi32, #tpu.memory_space<vmem>> -> memref<1x128xi32, #tpu.memory_space<vmem>>
      %dma_wait3A_599 = tpu.memref_squeeze %dma_wait3A_598 : memref<1x128xi32, #tpu.memory_space<vmem>> -> memref<128xi32, #tpu.memory_space<vmem>>
      %dma_wait3A_600 = arith.constant 0 : i32
      %dma_wait3A_601 = arith.constant 0 : i32
      %dma_wait3A_602 = tpu.memref_slice %arg6[%dma_wait3A_600, %dma_wait3A_601] : memref<10000x8xf32, #tpu.memory_space<vmem_shared>> -> memref<10000x8xf32, #tpu.memory_space<vmem_shared>>
      tpu.wait_indirect_dma semaphore(%arg25 : memref<!tpu.dma_semaphore, #tpu.memory_space<semaphore_mem>>) src(%arg7 : memref<128x8xf32, #tpu.memory_space<vmem>>) dst(%dma_wait3A_602 : memref<10000x8xf32, #tpu.memory_space<vmem_shared>>)
      %dma_wait3A_603 = arith.constant 3 : i32
      %dma_wait3A_604 = arith.constant 0 : i32
      %dma_wait3A_605 = tpu.memref_slice %arg9[%dma_wait3A_603, %dma_wait3A_604] : memref<12x128xi32, #tpu.memory_space<vmem>> -> memref<1x128xi32, #tpu.memory_space<vmem>>
      %dma_wait3A_606 = tpu.memref_squeeze %dma_wait3A_605 : memref<1x128xi32, #tpu.memory_space<vmem>> -> memref<128xi32, #tpu.memory_space<vmem>>
      %dma_wait3A_607 = arith.constant 0 : i32
      %dma_wait3A_608 = arith.constant 0 : i32
      %dma_wait3A_609 = tpu.memref_slice %arg6[%dma_wait3A_607, %dma_wait3A_608] : memref<10000x8xf32, #tpu.memory_space<vmem_shared>> -> memref<10000x8xf32, #tpu.memory_space<vmem_shared>>
      tpu.wait_indirect_dma semaphore(%arg26 : memref<!tpu.dma_semaphore, #tpu.memory_space<semaphore_mem>>) src(%arg7 : memref<128x8xf32, #tpu.memory_space<vmem>>) dst(%dma_wait3A_609 : memref<10000x8xf32, #tpu.memory_space<vmem_shared>>)
      %dma_wait3A_610 = arith.constant 4 : i32
      %dma_wait3A_611 = arith.constant 0 : i32
      %dma_wait3A_612 = tpu.memref_slice %arg9[%dma_wait3A_610, %dma_wait3A_611] : memref<12x128xi32, #tpu.memory_space<vmem>> -> memref<1x128xi32, #tpu.memory_space<vmem>>
      %dma_wait3A_613 = tpu.memref_squeeze %dma_wait3A_612 : memref<1x128xi32, #tpu.memory_space<vmem>> -> memref<128xi32, #tpu.memory_space<vmem>>
      %dma_wait3A_614 = arith.constant 0 : i32
      %dma_wait3A_615 = arith.constant 0 : i32
      %dma_wait3A_616 = tpu.memref_slice %arg6[%dma_wait3A_614, %dma_wait3A_615] : memref<10000x8xf32, #tpu.memory_space<vmem_shared>> -> memref<10000x8xf32, #tpu.memory_space<vmem_shared>>
      tpu.wait_indirect_dma semaphore(%arg27 : memref<!tpu.dma_semaphore, #tpu.memory_space<semaphore_mem>>) src(%arg7 : memref<128x8xf32, #tpu.memory_space<vmem>>) dst(%dma_wait3A_616 : memref<10000x8xf32, #tpu.memory_space<vmem_shared>>)
      %dma_wait3A_617 = arith.constant 5 : i32
      %dma_wait3A_618 = arith.constant 0 : i32
      %dma_wait3A_619 = tpu.memref_slice %arg9[%dma_wait3A_617, %dma_wait3A_618] : memref<12x128xi32, #tpu.memory_space<vmem>> -> memref<1x128xi32, #tpu.memory_space<vmem>>
      %dma_wait3A_620 = tpu.memref_squeeze %dma_wait3A_619 : memref<1x128xi32, #tpu.memory_space<vmem>> -> memref<128xi32, #tpu.memory_space<vmem>>
      %dma_wait3A_621 = arith.constant 0 : i32
      %dma_wait3A_622 = arith.constant 0 : i32
      %dma_wait3A_623 = tpu.memref_slice %arg6[%dma_wait3A_621, %dma_wait3A_622] : memref<10000x8xf32, #tpu.memory_space<vmem_shared>> -> memref<10000x8xf32, #tpu.memory_space<vmem_shared>>
      tpu.wait_indirect_dma semaphore(%arg28 : memref<!tpu.dma_semaphore, #tpu.memory_space<semaphore_mem>>) src(%arg7 : memref<128x8xf32, #tpu.memory_space<vmem>>) dst(%dma_wait3A_623 : memref<10000x8xf32, #tpu.memory_space<vmem_shared>>)
      %dma_wait3A_624 = arith.constant 6 : i32
      %dma_wait3A_625 = arith.constant 0 : i32
      %dma_wait3A_626 = tpu.memref_slice %arg9[%dma_wait3A_624, %dma_wait3A_625] : memref<12x128xi32, #tpu.memory_space<vmem>> -> memref<1x128xi32, #tpu.memory_space<vmem>>
      %dma_wait3A_627 = tpu.memref_squeeze %dma_wait3A_626 : memref<1x128xi32, #tpu.memory_space<vmem>> -> memref<128xi32, #tpu.memory_space<vmem>>
      %dma_wait3A_628 = arith.constant 0 : i32
      %dma_wait3A_629 = arith.constant 0 : i32
      %dma_wait3A_630 = tpu.memref_slice %arg6[%dma_wait3A_628, %dma_wait3A_629] : memref<10000x8xf32, #tpu.memory_space<vmem_shared>> -> memref<10000x8xf32, #tpu.memory_space<vmem_shared>>
      tpu.wait_indirect_dma semaphore(%arg29 : memref<!tpu.dma_semaphore, #tpu.memory_space<semaphore_mem>>) src(%arg7 : memref<128x8xf32, #tpu.memory_space<vmem>>) dst(%dma_wait3A_630 : memref<10000x8xf32, #tpu.memory_space<vmem_shared>>)
      %dma_wait3A_631 = arith.constant 7 : i32
      %dma_wait3A_632 = arith.constant 0 : i32
      %dma_wait3A_633 = tpu.memref_slice %arg9[%dma_wait3A_631, %dma_wait3A_632] : memref<12x128xi32, #tpu.memory_space<vmem>> -> memref<1x128xi32, #tpu.memory_space<vmem>>
      %dma_wait3A_634 = tpu.memref_squeeze %dma_wait3A_633 : memref<1x128xi32, #tpu.memory_space<vmem>> -> memref<128xi32, #tpu.memory_space<vmem>>
      %dma_wait3A_635 = arith.constant 0 : i32
      %dma_wait3A_636 = arith.constant 0 : i32
      %dma_wait3A_637 = tpu.memref_slice %arg6[%dma_wait3A_635, %dma_wait3A_636] : memref<10000x8xf32, #tpu.memory_space<vmem_shared>> -> memref<10000x8xf32, #tpu.memory_space<vmem_shared>>
      tpu.wait_indirect_dma semaphore(%arg30 : memref<!tpu.dma_semaphore, #tpu.memory_space<semaphore_mem>>) src(%arg7 : memref<128x8xf32, #tpu.memory_space<vmem>>) dst(%dma_wait3A_637 : memref<10000x8xf32, #tpu.memory_space<vmem_shared>>)
      %dma_wait3A_638 = arith.constant 8 : i32
      %dma_wait3A_639 = arith.constant 0 : i32
      %dma_wait3A_640 = tpu.memref_slice %arg9[%dma_wait3A_638, %dma_wait3A_639] : memref<12x128xi32, #tpu.memory_space<vmem>> -> memref<1x128xi32, #tpu.memory_space<vmem>>
      %dma_wait3A_641 = tpu.memref_squeeze %dma_wait3A_640 : memref<1x128xi32, #tpu.memory_space<vmem>> -> memref<128xi32, #tpu.memory_space<vmem>>
      %dma_wait3A_642 = arith.constant 0 : i32
      %dma_wait3A_643 = arith.constant 0 : i32
      %dma_wait3A_644 = tpu.memref_slice %arg6[%dma_wait3A_642, %dma_wait3A_643] : memref<10000x8xf32, #tpu.memory_space<vmem_shared>> -> memref<10000x8xf32, #tpu.memory_space<vmem_shared>>
      tpu.wait_indirect_dma semaphore(%arg31 : memref<!tpu.dma_semaphore, #tpu.memory_space<semaphore_mem>>) src(%arg7 : memref<128x8xf32, #tpu.memory_space<vmem>>) dst(%dma_wait3A_644 : memref<10000x8xf32, #tpu.memory_space<vmem_shared>>)
      %dma_wait3A_645 = arith.constant 9 : i32
      %dma_wait3A_646 = arith.constant 0 : i32
      %dma_wait3A_647 = tpu.memref_slice %arg9[%dma_wait3A_645, %dma_wait3A_646] : memref<12x128xi32, #tpu.memory_space<vmem>> -> memref<1x128xi32, #tpu.memory_space<vmem>>
      %dma_wait3A_648 = tpu.memref_squeeze %dma_wait3A_647 : memref<1x128xi32, #tpu.memory_space<vmem>> -> memref<128xi32, #tpu.memory_space<vmem>>
      %dma_wait3A_649 = arith.constant 0 : i32
      %dma_wait3A_650 = arith.constant 0 : i32
      %dma_wait3A_651 = tpu.memref_slice %arg6[%dma_wait3A_649, %dma_wait3A_650] : memref<10000x8xf32, #tpu.memory_space<vmem_shared>> -> memref<10000x8xf32, #tpu.memory_space<vmem_shared>>
      tpu.wait_indirect_dma semaphore(%arg32 : memref<!tpu.dma_semaphore, #tpu.memory_space<semaphore_mem>>) src(%arg7 : memref<128x8xf32, #tpu.memory_space<vmem>>) dst(%dma_wait3A_651 : memref<10000x8xf32, #tpu.memory_space<vmem_shared>>)
      %dma_wait3A_652 = arith.constant 10 : i32
      %dma_wait3A_653 = arith.constant 0 : i32
      %dma_wait3A_654 = tpu.memref_slice %arg9[%dma_wait3A_652, %dma_wait3A_653] : memref<12x128xi32, #tpu.memory_space<vmem>> -> memref<1x128xi32, #tpu.memory_space<vmem>>
      %dma_wait3A_655 = tpu.memref_squeeze %dma_wait3A_654 : memref<1x128xi32, #tpu.memory_space<vmem>> -> memref<128xi32, #tpu.memory_space<vmem>>
      %dma_wait3A_656 = arith.constant 0 : i32
      %dma_wait3A_657 = arith.constant 0 : i32
      %dma_wait3A_658 = tpu.memref_slice %arg6[%dma_wait3A_656, %dma_wait3A_657] : memref<10000x8xf32, #tpu.memory_space<vmem_shared>> -> memref<10000x8xf32, #tpu.memory_space<vmem_shared>>
      tpu.wait_indirect_dma semaphore(%arg33 : memref<!tpu.dma_semaphore, #tpu.memory_space<semaphore_mem>>) src(%arg7 : memref<128x8xf32, #tpu.memory_space<vmem>>) dst(%dma_wait3A_658 : memref<10000x8xf32, #tpu.memory_space<vmem_shared>>)
      %dma_wait3A_659 = arith.constant 11 : i32
      %dma_wait3A_660 = arith.constant 0 : i32
      %dma_wait3A_661 = tpu.memref_slice %arg9[%dma_wait3A_659, %dma_wait3A_660] : memref<12x128xi32, #tpu.memory_space<vmem>> -> memref<1x128xi32, #tpu.memory_space<vmem>>
      %dma_wait3A_662 = tpu.memref_squeeze %dma_wait3A_661 : memref<1x128xi32, #tpu.memory_space<vmem>> -> memref<128xi32, #tpu.memory_space<vmem>>
      %dma_wait3A_663 = arith.constant 0 : i32
      %dma_wait3A_664 = arith.constant 0 : i32
      %dma_wait3A_665 = tpu.memref_slice %arg6[%dma_wait3A_663, %dma_wait3A_664] : memref<10000x8xf32, #tpu.memory_space<vmem_shared>> -> memref<10000x8xf32, #tpu.memory_space<vmem_shared>>
      tpu.wait_indirect_dma semaphore(%arg34 : memref<!tpu.dma_semaphore, #tpu.memory_space<semaphore_mem>>) src(%arg7 : memref<128x8xf32, #tpu.memory_space<vmem>>) dst(%dma_wait3A_665 : memref<10000x8xf32, #tpu.memory_space<vmem_shared>>)
    }
    %scan3A_15 = arith.constant 6 : i32
    %add3A_16 = arith.constant 9216 : i32
    %add3A_17 = arith.addi %mul3A_2, %add3A_16 : i32
    %add3A_18 = arith.constant 0 : i32
    %add3A_19 = arith.addi %add3A_17, %add3A_18 : i32
    %multiple_of3A_20 = tpu.assume_multiple %add3A_19, 128 : i32
    %dma_start3A = arith.constant 0 : i32
    %dma_start3A_21 = arith.constant 0 : i32
    %dma_start3A_22 = tpu.memref_slice %arg9[%dma_start3A, %dma_start3A_21] : memref<12x128xi32, #tpu.memory_space<vmem>> -> memref<1x128xi32, #tpu.memory_space<vmem>>
    %dma_start3A_23 = tpu.memref_squeeze %dma_start3A_22 : memref<1x128xi32, #tpu.memory_space<vmem>> -> memref<128xi32, #tpu.memory_space<vmem>>
    %dma_start3A_24 = tpu.memref_slice %arg2[%multiple_of3A_20] : memref<320000xi32, #tpu.memory_space<hbm>> -> memref<128xi32, #tpu.memory_space<hbm>>
    %dma_start3A_25 = arith.constant 0 : i32
    %dma_start3A_26 = tpu.memref_slice %arg9[%dma_start3A, %dma_start3A_25] : memref<12x128xi32, #tpu.memory_space<vmem>> -> memref<1x128xi32, #tpu.memory_space<vmem>>
    %dma_start3A_27 = tpu.memref_squeeze %dma_start3A_26 : memref<1x128xi32, #tpu.memory_space<vmem>> -> memref<128xi32, #tpu.memory_space<vmem>>
    %dma_start3A_28 = tpu.memref_slice %arg2[%multiple_of3A_20] : memref<320000xi32, #tpu.memory_space<hbm>> -> memref<128xi32, #tpu.memory_space<hbm>>
    tpu.enqueue_dma source(%dma_start3A_28 : memref<128xi32, #tpu.memory_space<hbm>>) target(%dma_start3A_27 : memref<128xi32, #tpu.memory_space<vmem>>) target_semaphore(%arg11 : memref<!tpu.dma_semaphore, #tpu.memory_space<semaphore_mem>>)
    %add3A_29 = arith.constant 128 : i32
    %add3A_30 = arith.addi %add3A_17, %add3A_29 : i32
    %multiple_of3A_31 = tpu.assume_multiple %add3A_30, 128 : i32
    %dma_start3A_32 = arith.constant 1 : i32
    %dma_start3A_33 = arith.constant 0 : i32
    %dma_start3A_34 = tpu.memref_slice %arg9[%dma_start3A_32, %dma_start3A_33] : memref<12x128xi32, #tpu.memory_space<vmem>> -> memref<1x128xi32, #tpu.memory_space<vmem>>
    %dma_start3A_35 = tpu.memref_squeeze %dma_start3A_34 : memref<1x128xi32, #tpu.memory_space<vmem>> -> memref<128xi32, #tpu.memory_space<vmem>>
    %dma_start3A_36 = tpu.memref_slice %arg2[%multiple_of3A_31] : memref<320000xi32, #tpu.memory_space<hbm>> -> memref<128xi32, #tpu.memory_space<hbm>>
    %dma_start3A_37 = arith.constant 0 : i32
    %dma_start3A_38 = tpu.memref_slice %arg9[%dma_start3A_32, %dma_start3A_37] : memref<12x128xi32, #tpu.memory_space<vmem>> -> memref<1x128xi32, #tpu.memory_space<vmem>>
    %dma_start3A_39 = tpu.memref_squeeze %dma_start3A_38 : memref<1x128xi32, #tpu.memory_space<vmem>> -> memref<128xi32, #tpu.memory_space<vmem>>
    %dma_start3A_40 = tpu.memref_slice %arg2[%multiple_of3A_31] : memref<320000xi32, #tpu.memory_space<hbm>> -> memref<128xi32, #tpu.memory_space<hbm>>
    tpu.enqueue_dma source(%dma_start3A_40 : memref<128xi32, #tpu.memory_space<hbm>>) target(%dma_start3A_39 : memref<128xi32, #tpu.memory_space<vmem>>) target_semaphore(%arg12 : memref<!tpu.dma_semaphore, #tpu.memory_space<semaphore_mem>>)
    %add3A_41 = arith.constant 256 : i32
    %add3A_42 = arith.addi %add3A_17, %add3A_41 : i32
    %multiple_of3A_43 = tpu.assume_multiple %add3A_42, 128 : i32
    %dma_start3A_44 = arith.constant 2 : i32
    %dma_start3A_45 = arith.constant 0 : i32
    %dma_start3A_46 = tpu.memref_slice %arg9[%dma_start3A_44, %dma_start3A_45] : memref<12x128xi32, #tpu.memory_space<vmem>> -> memref<1x128xi32, #tpu.memory_space<vmem>>
    %dma_start3A_47 = tpu.memref_squeeze %dma_start3A_46 : memref<1x128xi32, #tpu.memory_space<vmem>> -> memref<128xi32, #tpu.memory_space<vmem>>
    %dma_start3A_48 = tpu.memref_slice %arg2[%multiple_of3A_43] : memref<320000xi32, #tpu.memory_space<hbm>> -> memref<128xi32, #tpu.memory_space<hbm>>
    %dma_start3A_49 = arith.constant 0 : i32
    %dma_start3A_50 = tpu.memref_slice %arg9[%dma_start3A_44, %dma_start3A_49] : memref<12x128xi32, #tpu.memory_space<vmem>> -> memref<1x128xi32, #tpu.memory_space<vmem>>
    %dma_start3A_51 = tpu.memref_squeeze %dma_start3A_50 : memref<1x128xi32, #tpu.memory_space<vmem>> -> memref<128xi32, #tpu.memory_space<vmem>>
    %dma_start3A_52 = tpu.memref_slice %arg2[%multiple_of3A_43] : memref<320000xi32, #tpu.memory_space<hbm>> -> memref<128xi32, #tpu.memory_space<hbm>>
    tpu.enqueue_dma source(%dma_start3A_52 : memref<128xi32, #tpu.memory_space<hbm>>) target(%dma_start3A_51 : memref<128xi32, #tpu.memory_space<vmem>>) target_semaphore(%arg13 : memref<!tpu.dma_semaphore, #tpu.memory_space<semaphore_mem>>)
    %add3A_53 = arith.constant 384 : i32
    %add3A_54 = arith.addi %add3A_17, %add3A_53 : i32
    %multiple_of3A_55 = tpu.assume_multiple %add3A_54, 128 : i32
    %dma_start3A_56 = arith.constant 3 : i32
    %dma_start3A_57 = arith.constant 0 : i32
    %dma_start3A_58 = tpu.memref_slice %arg9[%dma_start3A_56, %dma_start3A_57] : memref<12x128xi32, #tpu.memory_space<vmem>> -> memref<1x128xi32, #tpu.memory_space<vmem>>
    %dma_start3A_59 = tpu.memref_squeeze %dma_start3A_58 : memref<1x128xi32, #tpu.memory_space<vmem>> -> memref<128xi32, #tpu.memory_space<vmem>>
    %dma_start3A_60 = tpu.memref_slice %arg2[%multiple_of3A_55] : memref<320000xi32, #tpu.memory_space<hbm>> -> memref<128xi32, #tpu.memory_space<hbm>>
    %dma_start3A_61 = arith.constant 0 : i32
    %dma_start3A_62 = tpu.memref_slice %arg9[%dma_start3A_56, %dma_start3A_61] : memref<12x128xi32, #tpu.memory_space<vmem>> -> memref<1x128xi32, #tpu.memory_space<vmem>>
    %dma_start3A_63 = tpu.memref_squeeze %dma_start3A_62 : memref<1x128xi32, #tpu.memory_space<vmem>> -> memref<128xi32, #tpu.memory_space<vmem>>
    %dma_start3A_64 = tpu.memref_slice %arg2[%multiple_of3A_55] : memref<320000xi32, #tpu.memory_space<hbm>> -> memref<128xi32, #tpu.memory_space<hbm>>
    tpu.enqueue_dma source(%dma_start3A_64 : memref<128xi32, #tpu.memory_space<hbm>>) target(%dma_start3A_63 : memref<128xi32, #tpu.memory_space<vmem>>) target_semaphore(%arg14 : memref<!tpu.dma_semaphore, #tpu.memory_space<semaphore_mem>>)
    %add3A_65 = arith.constant 512 : i32
    %add3A_66 = arith.addi %add3A_17, %add3A_65 : i32
    %multiple_of3A_67 = tpu.assume_multiple %add3A_66, 128 : i32
    %dma_start3A_68 = arith.constant 4 : i32
    %dma_start3A_69 = arith.constant 0 : i32
    %dma_start3A_70 = tpu.memref_slice %arg9[%dma_start3A_68, %dma_start3A_69] : memref<12x128xi32, #tpu.memory_space<vmem>> -> memref<1x128xi32, #tpu.memory_space<vmem>>
    %dma_start3A_71 = tpu.memref_squeeze %dma_start3A_70 : memref<1x128xi32, #tpu.memory_space<vmem>> -> memref<128xi32, #tpu.memory_space<vmem>>
    %dma_start3A_72 = tpu.memref_slice %arg2[%multiple_of3A_67] : memref<320000xi32, #tpu.memory_space<hbm>> -> memref<128xi32, #tpu.memory_space<hbm>>
    %dma_start3A_73 = arith.constant 0 : i32
    %dma_start3A_74 = tpu.memref_slice %arg9[%dma_start3A_68, %dma_start3A_73] : memref<12x128xi32, #tpu.memory_space<vmem>> -> memref<1x128xi32, #tpu.memory_space<vmem>>
    %dma_start3A_75 = tpu.memref_squeeze %dma_start3A_74 : memref<1x128xi32, #tpu.memory_space<vmem>> -> memref<128xi32, #tpu.memory_space<vmem>>
    %dma_start3A_76 = tpu.memref_slice %arg2[%multiple_of3A_67] : memref<320000xi32, #tpu.memory_space<hbm>> -> memref<128xi32, #tpu.memory_space<hbm>>
    tpu.enqueue_dma source(%dma_start3A_76 : memref<128xi32, #tpu.memory_space<hbm>>) target(%dma_start3A_75 : memref<128xi32, #tpu.memory_space<vmem>>) target_semaphore(%arg15 : memref<!tpu.dma_semaphore, #tpu.memory_space<semaphore_mem>>)
    %add3A_77 = arith.constant 640 : i32
    %add3A_78 = arith.addi %add3A_17, %add3A_77 : i32
    %multiple_of3A_79 = tpu.assume_multiple %add3A_78, 128 : i32
    %dma_start3A_80 = arith.constant 5 : i32
    %dma_start3A_81 = arith.constant 0 : i32
    %dma_start3A_82 = tpu.memref_slice %arg9[%dma_start3A_80, %dma_start3A_81] : memref<12x128xi32, #tpu.memory_space<vmem>> -> memref<1x128xi32, #tpu.memory_space<vmem>>
    %dma_start3A_83 = tpu.memref_squeeze %dma_start3A_82 : memref<1x128xi32, #tpu.memory_space<vmem>> -> memref<128xi32, #tpu.memory_space<vmem>>
    %dma_start3A_84 = tpu.memref_slice %arg2[%multiple_of3A_79] : memref<320000xi32, #tpu.memory_space<hbm>> -> memref<128xi32, #tpu.memory_space<hbm>>
    %dma_start3A_85 = arith.constant 0 : i32
    %dma_start3A_86 = tpu.memref_slice %arg9[%dma_start3A_80, %dma_start3A_85] : memref<12x128xi32, #tpu.memory_space<vmem>> -> memref<1x128xi32, #tpu.memory_space<vmem>>
    %dma_start3A_87 = tpu.memref_squeeze %dma_start3A_86 : memref<1x128xi32, #tpu.memory_space<vmem>> -> memref<128xi32, #tpu.memory_space<vmem>>
    %dma_start3A_88 = tpu.memref_slice %arg2[%multiple_of3A_79] : memref<320000xi32, #tpu.memory_space<hbm>> -> memref<128xi32, #tpu.memory_space<hbm>>
    tpu.enqueue_dma source(%dma_start3A_88 : memref<128xi32, #tpu.memory_space<hbm>>) target(%dma_start3A_87 : memref<128xi32, #tpu.memory_space<vmem>>) target_semaphore(%arg16 : memref<!tpu.dma_semaphore, #tpu.memory_space<semaphore_mem>>)
    %dma_wait3A = arith.constant 0 : i32
    %dma_wait3A_89 = arith.constant 0 : i32
    %dma_wait3A_90 = tpu.memref_slice %arg9[%dma_wait3A, %dma_wait3A_89] : memref<12x128xi32, #tpu.memory_space<vmem>> -> memref<1x128xi32, #tpu.memory_space<vmem>>
    %dma_wait3A_91 = tpu.memref_squeeze %dma_wait3A_90 : memref<1x128xi32, #tpu.memory_space<vmem>> -> memref<128xi32, #tpu.memory_space<vmem>>
    %dma_wait3A_92 = tpu.memref_slice %arg2[%multiple_of3A_20] : memref<320000xi32, #tpu.memory_space<hbm>> -> memref<128xi32, #tpu.memory_space<hbm>>
    %dma_wait3A_93 = arith.constant 0 : i32
    %dma_wait3A_94 = tpu.memref_slice %arg9[%dma_wait3A, %dma_wait3A_93] : memref<12x128xi32, #tpu.memory_space<vmem>> -> memref<1x128xi32, #tpu.memory_space<vmem>>
    %dma_wait3A_95 = tpu.memref_squeeze %dma_wait3A_94 : memref<1x128xi32, #tpu.memory_space<vmem>> -> memref<128xi32, #tpu.memory_space<vmem>>
    %dma_wait3A_96 = tpu.memref_slice %arg2[%multiple_of3A_20] : memref<320000xi32, #tpu.memory_space<hbm>> -> memref<128xi32, #tpu.memory_space<hbm>>
    tpu.wait_dma2 semaphore(%arg11 : memref<!tpu.dma_semaphore, #tpu.memory_space<semaphore_mem>>) src(%dma_wait3A_96 : memref<128xi32, #tpu.memory_space<hbm>>) dst(%dma_wait3A_95 : memref<128xi32, #tpu.memory_space<vmem>>)
    %dma_wait3A_97 = arith.constant 1 : i32
    %dma_wait3A_98 = arith.constant 0 : i32
    %dma_wait3A_99 = tpu.memref_slice %arg9[%dma_wait3A_97, %dma_wait3A_98] : memref<12x128xi32, #tpu.memory_space<vmem>> -> memref<1x128xi32, #tpu.memory_space<vmem>>
    %dma_wait3A_100 = tpu.memref_squeeze %dma_wait3A_99 : memref<1x128xi32, #tpu.memory_space<vmem>> -> memref<128xi32, #tpu.memory_space<vmem>>
    %dma_wait3A_101 = tpu.memref_slice %arg2[%multiple_of3A_31] : memref<320000xi32, #tpu.memory_space<hbm>> -> memref<128xi32, #tpu.memory_space<hbm>>
    %dma_wait3A_102 = arith.constant 0 : i32
    %dma_wait3A_103 = tpu.memref_slice %arg9[%dma_wait3A_97, %dma_wait3A_102] : memref<12x128xi32, #tpu.memory_space<vmem>> -> memref<1x128xi32, #tpu.memory_space<vmem>>
    %dma_wait3A_104 = tpu.memref_squeeze %dma_wait3A_103 : memref<1x128xi32, #tpu.memory_space<vmem>> -> memref<128xi32, #tpu.memory_space<vmem>>
    %dma_wait3A_105 = tpu.memref_slice %arg2[%multiple_of3A_31] : memref<320000xi32, #tpu.memory_space<hbm>> -> memref<128xi32, #tpu.memory_space<hbm>>
    tpu.wait_dma2 semaphore(%arg12 : memref<!tpu.dma_semaphore, #tpu.memory_space<semaphore_mem>>) src(%dma_wait3A_105 : memref<128xi32, #tpu.memory_space<hbm>>) dst(%dma_wait3A_104 : memref<128xi32, #tpu.memory_space<vmem>>)
    %dma_wait3A_106 = arith.constant 2 : i32
    %dma_wait3A_107 = arith.constant 0 : i32
    %dma_wait3A_108 = tpu.memref_slice %arg9[%dma_wait3A_106, %dma_wait3A_107] : memref<12x128xi32, #tpu.memory_space<vmem>> -> memref<1x128xi32, #tpu.memory_space<vmem>>
    %dma_wait3A_109 = tpu.memref_squeeze %dma_wait3A_108 : memref<1x128xi32, #tpu.memory_space<vmem>> -> memref<128xi32, #tpu.memory_space<vmem>>
    %dma_wait3A_110 = tpu.memref_slice %arg2[%multiple_of3A_43] : memref<320000xi32, #tpu.memory_space<hbm>> -> memref<128xi32, #tpu.memory_space<hbm>>
    %dma_wait3A_111 = arith.constant 0 : i32
    %dma_wait3A_112 = tpu.memref_slice %arg9[%dma_wait3A_106, %dma_wait3A_111] : memref<12x128xi32, #tpu.memory_space<vmem>> -> memref<1x128xi32, #tpu.memory_space<vmem>>
    %dma_wait3A_113 = tpu.memref_squeeze %dma_wait3A_112 : memref<1x128xi32, #tpu.memory_space<vmem>> -> memref<128xi32, #tpu.memory_space<vmem>>
    %dma_wait3A_114 = tpu.memref_slice %arg2[%multiple_of3A_43] : memref<320000xi32, #tpu.memory_space<hbm>> -> memref<128xi32, #tpu.memory_space<hbm>>
    tpu.wait_dma2 semaphore(%arg13 : memref<!tpu.dma_semaphore, #tpu.memory_space<semaphore_mem>>) src(%dma_wait3A_114 : memref<128xi32, #tpu.memory_space<hbm>>) dst(%dma_wait3A_113 : memref<128xi32, #tpu.memory_space<vmem>>)
    %dma_wait3A_115 = arith.constant 3 : i32
    %dma_wait3A_116 = arith.constant 0 : i32
    %dma_wait3A_117 = tpu.memref_slice %arg9[%dma_wait3A_115, %dma_wait3A_116] : memref<12x128xi32, #tpu.memory_space<vmem>> -> memref<1x128xi32, #tpu.memory_space<vmem>>
    %dma_wait3A_118 = tpu.memref_squeeze %dma_wait3A_117 : memref<1x128xi32, #tpu.memory_space<vmem>> -> memref<128xi32, #tpu.memory_space<vmem>>
    %dma_wait3A_119 = tpu.memref_slice %arg2[%multiple_of3A_55] : memref<320000xi32, #tpu.memory_space<hbm>> -> memref<128xi32, #tpu.memory_space<hbm>>
    %dma_wait3A_120 = arith.constant 0 : i32
    %dma_wait3A_121 = tpu.memref_slice %arg9[%dma_wait3A_115, %dma_wait3A_120] : memref<12x128xi32, #tpu.memory_space<vmem>> -> memref<1x128xi32, #tpu.memory_space<vmem>>
    %dma_wait3A_122 = tpu.memref_squeeze %dma_wait3A_121 : memref<1x128xi32, #tpu.memory_space<vmem>> -> memref<128xi32, #tpu.memory_space<vmem>>
    %dma_wait3A_123 = tpu.memref_slice %arg2[%multiple_of3A_55] : memref<320000xi32, #tpu.memory_space<hbm>> -> memref<128xi32, #tpu.memory_space<hbm>>
    tpu.wait_dma2 semaphore(%arg14 : memref<!tpu.dma_semaphore, #tpu.memory_space<semaphore_mem>>) src(%dma_wait3A_123 : memref<128xi32, #tpu.memory_space<hbm>>) dst(%dma_wait3A_122 : memref<128xi32, #tpu.memory_space<vmem>>)
    %dma_wait3A_124 = arith.constant 4 : i32
    %dma_wait3A_125 = arith.constant 0 : i32
    %dma_wait3A_126 = tpu.memref_slice %arg9[%dma_wait3A_124, %dma_wait3A_125] : memref<12x128xi32, #tpu.memory_space<vmem>> -> memref<1x128xi32, #tpu.memory_space<vmem>>
    %dma_wait3A_127 = tpu.memref_squeeze %dma_wait3A_126 : memref<1x128xi32, #tpu.memory_space<vmem>> -> memref<128xi32, #tpu.memory_space<vmem>>
    %dma_wait3A_128 = tpu.memref_slice %arg2[%multiple_of3A_67] : memref<320000xi32, #tpu.memory_space<hbm>> -> memref<128xi32, #tpu.memory_space<hbm>>
    %dma_wait3A_129 = arith.constant 0 : i32
    %dma_wait3A_130 = tpu.memref_slice %arg9[%dma_wait3A_124, %dma_wait3A_129] : memref<12x128xi32, #tpu.memory_space<vmem>> -> memref<1x128xi32, #tpu.memory_space<vmem>>
    %dma_wait3A_131 = tpu.memref_squeeze %dma_wait3A_130 : memref<1x128xi32, #tpu.memory_space<vmem>> -> memref<128xi32, #tpu.memory_space<vmem>>
    %dma_wait3A_132 = tpu.memref_slice %arg2[%multiple_of3A_67] : memref<320000xi32, #tpu.memory_space<hbm>> -> memref<128xi32, #tpu.memory_space<hbm>>
    tpu.wait_dma2 semaphore(%arg15 : memref<!tpu.dma_semaphore, #tpu.memory_space<semaphore_mem>>) src(%dma_wait3A_132 : memref<128xi32, #tpu.memory_space<hbm>>) dst(%dma_wait3A_131 : memref<128xi32, #tpu.memory_space<vmem>>)
    %dma_wait3A_133 = arith.constant 5 : i32
    %dma_wait3A_134 = arith.constant 0 : i32
    %dma_wait3A_135 = tpu.memref_slice %arg9[%dma_wait3A_133, %dma_wait3A_134] : memref<12x128xi32, #tpu.memory_space<vmem>> -> memref<1x128xi32, #tpu.memory_space<vmem>>
    %dma_wait3A_136 = tpu.memref_squeeze %dma_wait3A_135 : memref<1x128xi32, #tpu.memory_space<vmem>> -> memref<128xi32, #tpu.memory_space<vmem>>
    %dma_wait3A_137 = tpu.memref_slice %arg2[%multiple_of3A_79] : memref<320000xi32, #tpu.memory_space<hbm>> -> memref<128xi32, #tpu.memory_space<hbm>>
    %dma_wait3A_138 = arith.constant 0 : i32
    %dma_wait3A_139 = tpu.memref_slice %arg9[%dma_wait3A_133, %dma_wait3A_138] : memref<12x128xi32, #tpu.memory_space<vmem>> -> memref<1x128xi32, #tpu.memory_space<vmem>>
    %dma_wait3A_140 = tpu.memref_squeeze %dma_wait3A_139 : memref<1x128xi32, #tpu.memory_space<vmem>> -> memref<128xi32, #tpu.memory_space<vmem>>
    %dma_wait3A_141 = tpu.memref_slice %arg2[%multiple_of3A_79] : memref<320000xi32, #tpu.memory_space<hbm>> -> memref<128xi32, #tpu.memory_space<hbm>>
    tpu.wait_dma2 semaphore(%arg16 : memref<!tpu.dma_semaphore, #tpu.memory_space<semaphore_mem>>) src(%dma_wait3A_141 : memref<128xi32, #tpu.memory_space<hbm>>) dst(%dma_wait3A_140 : memref<128xi32, #tpu.memory_space<vmem>>)
    %dma_start3A_142 = arith.constant 0 : i32
    %dma_start3A_143 = arith.constant 0 : i32
    %dma_start3A_144 = tpu.memref_slice %arg9[%dma_start3A_142, %dma_start3A_143] : memref<12x128xi32, #tpu.memory_space<vmem>> -> memref<1x128xi32, #tpu.memory_space<vmem>>
    %dma_start3A_145 = tpu.memref_squeeze %dma_start3A_144 : memref<1x128xi32, #tpu.memory_space<vmem>> -> memref<128xi32, #tpu.memory_space<vmem>>
    %dma_start3A_146 = arith.constant 0 : i32
    %dma_start3A_147 = arith.constant 0 : i32
    %dma_start3A_148 = tpu.memref_slice %arg6[%dma_start3A_146, %dma_start3A_147] : memref<10000x8xf32, #tpu.memory_space<vmem_shared>> -> memref<10000x8xf32, #tpu.memory_space<vmem_shared>>
    tpu.enqueue_indirect_dma source(%arg7 : memref<128x8xf32, #tpu.memory_space<vmem>>) target(%dma_start3A_148 : memref<10000x8xf32, #tpu.memory_space<vmem_shared>>) offsets(%dma_start3A_145 : memref<128xi32, #tpu.memory_space<vmem>>) semaphore(%arg23 : memref<!tpu.dma_semaphore, #tpu.memory_space<semaphore_mem>>) {add = true}
    %dma_start3A_149 = arith.constant 1 : i32
    %dma_start3A_150 = arith.constant 0 : i32
    %dma_start3A_151 = tpu.memref_slice %arg9[%dma_start3A_149, %dma_start3A_150] : memref<12x128xi32, #tpu.memory_space<vmem>> -> memref<1x128xi32, #tpu.memory_space<vmem>>
    %dma_start3A_152 = tpu.memref_squeeze %dma_start3A_151 : memref<1x128xi32, #tpu.memory_space<vmem>> -> memref<128xi32, #tpu.memory_space<vmem>>
    %dma_start3A_153 = arith.constant 0 : i32
    %dma_start3A_154 = arith.constant 0 : i32
    %dma_start3A_155 = tpu.memref_slice %arg6[%dma_start3A_153, %dma_start3A_154] : memref<10000x8xf32, #tpu.memory_space<vmem_shared>> -> memref<10000x8xf32, #tpu.memory_space<vmem_shared>>
    tpu.enqueue_indirect_dma source(%arg7 : memref<128x8xf32, #tpu.memory_space<vmem>>) target(%dma_start3A_155 : memref<10000x8xf32, #tpu.memory_space<vmem_shared>>) offsets(%dma_start3A_152 : memref<128xi32, #tpu.memory_space<vmem>>) semaphore(%arg24 : memref<!tpu.dma_semaphore, #tpu.memory_space<semaphore_mem>>) {add = true}
    %dma_start3A_156 = arith.constant 2 : i32
    %dma_start3A_157 = arith.constant 0 : i32
    %dma_start3A_158 = tpu.memref_slice %arg9[%dma_start3A_156, %dma_start3A_157] : memref<12x128xi32, #tpu.memory_space<vmem>> -> memref<1x128xi32, #tpu.memory_space<vmem>>
    %dma_start3A_159 = tpu.memref_squeeze %dma_start3A_158 : memref<1x128xi32, #tpu.memory_space<vmem>> -> memref<128xi32, #tpu.memory_space<vmem>>
    %dma_start3A_160 = arith.constant 0 : i32
    %dma_start3A_161 = arith.constant 0 : i32
    %dma_start3A_162 = tpu.memref_slice %arg6[%dma_start3A_160, %dma_start3A_161] : memref<10000x8xf32, #tpu.memory_space<vmem_shared>> -> memref<10000x8xf32, #tpu.memory_space<vmem_shared>>
    tpu.enqueue_indirect_dma source(%arg7 : memref<128x8xf32, #tpu.memory_space<vmem>>) target(%dma_start3A_162 : memref<10000x8xf32, #tpu.memory_space<vmem_shared>>) offsets(%dma_start3A_159 : memref<128xi32, #tpu.memory_space<vmem>>) semaphore(%arg25 : memref<!tpu.dma_semaphore, #tpu.memory_space<semaphore_mem>>) {add = true}
    %dma_start3A_163 = arith.constant 3 : i32
    %dma_start3A_164 = arith.constant 0 : i32
    %dma_start3A_165 = tpu.memref_slice %arg9[%dma_start3A_163, %dma_start3A_164] : memref<12x128xi32, #tpu.memory_space<vmem>> -> memref<1x128xi32, #tpu.memory_space<vmem>>
    %dma_start3A_166 = tpu.memref_squeeze %dma_start3A_165 : memref<1x128xi32, #tpu.memory_space<vmem>> -> memref<128xi32, #tpu.memory_space<vmem>>
    %dma_start3A_167 = arith.constant 0 : i32
    %dma_start3A_168 = arith.constant 0 : i32
    %dma_start3A_169 = tpu.memref_slice %arg6[%dma_start3A_167, %dma_start3A_168] : memref<10000x8xf32, #tpu.memory_space<vmem_shared>> -> memref<10000x8xf32, #tpu.memory_space<vmem_shared>>
    tpu.enqueue_indirect_dma source(%arg7 : memref<128x8xf32, #tpu.memory_space<vmem>>) target(%dma_start3A_169 : memref<10000x8xf32, #tpu.memory_space<vmem_shared>>) offsets(%dma_start3A_166 : memref<128xi32, #tpu.memory_space<vmem>>) semaphore(%arg26 : memref<!tpu.dma_semaphore, #tpu.memory_space<semaphore_mem>>) {add = true}
    %dma_start3A_170 = arith.constant 4 : i32
    %dma_start3A_171 = arith.constant 0 : i32
    %dma_start3A_172 = tpu.memref_slice %arg9[%dma_start3A_170, %dma_start3A_171] : memref<12x128xi32, #tpu.memory_space<vmem>> -> memref<1x128xi32, #tpu.memory_space<vmem>>
    %dma_start3A_173 = tpu.memref_squeeze %dma_start3A_172 : memref<1x128xi32, #tpu.memory_space<vmem>> -> memref<128xi32, #tpu.memory_space<vmem>>
    %dma_start3A_174 = arith.constant 0 : i32
    %dma_start3A_175 = arith.constant 0 : i32
    %dma_start3A_176 = tpu.memref_slice %arg6[%dma_start3A_174, %dma_start3A_175] : memref<10000x8xf32, #tpu.memory_space<vmem_shared>> -> memref<10000x8xf32, #tpu.memory_space<vmem_shared>>
    tpu.enqueue_indirect_dma source(%arg7 : memref<128x8xf32, #tpu.memory_space<vmem>>) target(%dma_start3A_176 : memref<10000x8xf32, #tpu.memory_space<vmem_shared>>) offsets(%dma_start3A_173 : memref<128xi32, #tpu.memory_space<vmem>>) semaphore(%arg27 : memref<!tpu.dma_semaphore, #tpu.memory_space<semaphore_mem>>) {add = true}
    %dma_start3A_177 = arith.constant 5 : i32
    %dma_start3A_178 = arith.constant 0 : i32
    %dma_start3A_179 = tpu.memref_slice %arg9[%dma_start3A_177, %dma_start3A_178] : memref<12x128xi32, #tpu.memory_space<vmem>> -> memref<1x128xi32, #tpu.memory_space<vmem>>
    %dma_start3A_180 = tpu.memref_squeeze %dma_start3A_179 : memref<1x128xi32, #tpu.memory_space<vmem>> -> memref<128xi32, #tpu.memory_space<vmem>>
    %dma_start3A_181 = arith.constant 0 : i32
    %dma_start3A_182 = arith.constant 0 : i32
    %dma_start3A_183 = tpu.memref_slice %arg6[%dma_start3A_181, %dma_start3A_182] : memref<10000x8xf32, #tpu.memory_space<vmem_shared>> -> memref<10000x8xf32, #tpu.memory_space<vmem_shared>>
    tpu.enqueue_indirect_dma source(%arg7 : memref<128x8xf32, #tpu.memory_space<vmem>>) target(%dma_start3A_183 : memref<10000x8xf32, #tpu.memory_space<vmem_shared>>) offsets(%dma_start3A_180 : memref<128xi32, #tpu.memory_space<vmem>>) semaphore(%arg28 : memref<!tpu.dma_semaphore, #tpu.memory_space<semaphore_mem>>) {add = true}
    %dma_wait3A_184 = arith.constant 0 : i32
    %dma_wait3A_185 = arith.constant 0 : i32
    %dma_wait3A_186 = tpu.memref_slice %arg9[%dma_wait3A_184, %dma_wait3A_185] : memref<12x128xi32, #tpu.memory_space<vmem>> -> memref<1x128xi32, #tpu.memory_space<vmem>>
    %dma_wait3A_187 = tpu.memref_squeeze %dma_wait3A_186 : memref<1x128xi32, #tpu.memory_space<vmem>> -> memref<128xi32, #tpu.memory_space<vmem>>
    %dma_wait3A_188 = arith.constant 0 : i32
    %dma_wait3A_189 = arith.constant 0 : i32
    %dma_wait3A_190 = tpu.memref_slice %arg6[%dma_wait3A_188, %dma_wait3A_189] : memref<10000x8xf32, #tpu.memory_space<vmem_shared>> -> memref<10000x8xf32, #tpu.memory_space<vmem_shared>>
    tpu.wait_indirect_dma semaphore(%arg23 : memref<!tpu.dma_semaphore, #tpu.memory_space<semaphore_mem>>) src(%arg7 : memref<128x8xf32, #tpu.memory_space<vmem>>) dst(%dma_wait3A_190 : memref<10000x8xf32, #tpu.memory_space<vmem_shared>>)
    %dma_wait3A_191 = arith.constant 1 : i32
    %dma_wait3A_192 = arith.constant 0 : i32
    %dma_wait3A_193 = tpu.memref_slice %arg9[%dma_wait3A_191, %dma_wait3A_192] : memref<12x128xi32, #tpu.memory_space<vmem>> -> memref<1x128xi32, #tpu.memory_space<vmem>>
    %dma_wait3A_194 = tpu.memref_squeeze %dma_wait3A_193 : memref<1x128xi32, #tpu.memory_space<vmem>> -> memref<128xi32, #tpu.memory_space<vmem>>
    %dma_wait3A_195 = arith.constant 0 : i32
    %dma_wait3A_196 = arith.constant 0 : i32
    %dma_wait3A_197 = tpu.memref_slice %arg6[%dma_wait3A_195, %dma_wait3A_196] : memref<10000x8xf32, #tpu.memory_space<vmem_shared>> -> memref<10000x8xf32, #tpu.memory_space<vmem_shared>>
    tpu.wait_indirect_dma semaphore(%arg24 : memref<!tpu.dma_semaphore, #tpu.memory_space<semaphore_mem>>) src(%arg7 : memref<128x8xf32, #tpu.memory_space<vmem>>) dst(%dma_wait3A_197 : memref<10000x8xf32, #tpu.memory_space<vmem_shared>>)
    %dma_wait3A_198 = arith.constant 2 : i32
    %dma_wait3A_199 = arith.constant 0 : i32
    %dma_wait3A_200 = tpu.memref_slice %arg9[%dma_wait3A_198, %dma_wait3A_199] : memref<12x128xi32, #tpu.memory_space<vmem>> -> memref<1x128xi32, #tpu.memory_space<vmem>>
    %dma_wait3A_201 = tpu.memref_squeeze %dma_wait3A_200 : memref<1x128xi32, #tpu.memory_space<vmem>> -> memref<128xi32, #tpu.memory_space<vmem>>
    %dma_wait3A_202 = arith.constant 0 : i32
    %dma_wait3A_203 = arith.constant 0 : i32
    %dma_wait3A_204 = tpu.memref_slice %arg6[%dma_wait3A_202, %dma_wait3A_203] : memref<10000x8xf32, #tpu.memory_space<vmem_shared>> -> memref<10000x8xf32, #tpu.memory_space<vmem_shared>>
    tpu.wait_indirect_dma semaphore(%arg25 : memref<!tpu.dma_semaphore, #tpu.memory_space<semaphore_mem>>) src(%arg7 : memref<128x8xf32, #tpu.memory_space<vmem>>) dst(%dma_wait3A_204 : memref<10000x8xf32, #tpu.memory_space<vmem_shared>>)
    %dma_wait3A_205 = arith.constant 3 : i32
    %dma_wait3A_206 = arith.constant 0 : i32
    %dma_wait3A_207 = tpu.memref_slice %arg9[%dma_wait3A_205, %dma_wait3A_206] : memref<12x128xi32, #tpu.memory_space<vmem>> -> memref<1x128xi32, #tpu.memory_space<vmem>>
    %dma_wait3A_208 = tpu.memref_squeeze %dma_wait3A_207 : memref<1x128xi32, #tpu.memory_space<vmem>> -> memref<128xi32, #tpu.memory_space<vmem>>
    %dma_wait3A_209 = arith.constant 0 : i32
    %dma_wait3A_210 = arith.constant 0 : i32
    %dma_wait3A_211 = tpu.memref_slice %arg6[%dma_wait3A_209, %dma_wait3A_210] : memref<10000x8xf32, #tpu.memory_space<vmem_shared>> -> memref<10000x8xf32, #tpu.memory_space<vmem_shared>>
    tpu.wait_indirect_dma semaphore(%arg26 : memref<!tpu.dma_semaphore, #tpu.memory_space<semaphore_mem>>) src(%arg7 : memref<128x8xf32, #tpu.memory_space<vmem>>) dst(%dma_wait3A_211 : memref<10000x8xf32, #tpu.memory_space<vmem_shared>>)
    %dma_wait3A_212 = arith.constant 4 : i32
    %dma_wait3A_213 = arith.constant 0 : i32
    %dma_wait3A_214 = tpu.memref_slice %arg9[%dma_wait3A_212, %dma_wait3A_213] : memref<12x128xi32, #tpu.memory_space<vmem>> -> memref<1x128xi32, #tpu.memory_space<vmem>>
    %dma_wait3A_215 = tpu.memref_squeeze %dma_wait3A_214 : memref<1x128xi32, #tpu.memory_space<vmem>> -> memref<128xi32, #tpu.memory_space<vmem>>
    %dma_wait3A_216 = arith.constant 0 : i32
    %dma_wait3A_217 = arith.constant 0 : i32
    %dma_wait3A_218 = tpu.memref_slice %arg6[%dma_wait3A_216, %dma_wait3A_217] : memref<10000x8xf32, #tpu.memory_space<vmem_shared>> -> memref<10000x8xf32, #tpu.memory_space<vmem_shared>>
    tpu.wait_indirect_dma semaphore(%arg27 : memref<!tpu.dma_semaphore, #tpu.memory_space<semaphore_mem>>) src(%arg7 : memref<128x8xf32, #tpu.memory_space<vmem>>) dst(%dma_wait3A_218 : memref<10000x8xf32, #tpu.memory_space<vmem_shared>>)
    %dma_wait3A_219 = arith.constant 5 : i32
    %dma_wait3A_220 = arith.constant 0 : i32
    %dma_wait3A_221 = tpu.memref_slice %arg9[%dma_wait3A_219, %dma_wait3A_220] : memref<12x128xi32, #tpu.memory_space<vmem>> -> memref<1x128xi32, #tpu.memory_space<vmem>>
    %dma_wait3A_222 = tpu.memref_squeeze %dma_wait3A_221 : memref<1x128xi32, #tpu.memory_space<vmem>> -> memref<128xi32, #tpu.memory_space<vmem>>
    %dma_wait3A_223 = arith.constant 0 : i32
    %dma_wait3A_224 = arith.constant 0 : i32
    %dma_wait3A_225 = tpu.memref_slice %arg6[%dma_wait3A_223, %dma_wait3A_224] : memref<10000x8xf32, #tpu.memory_space<vmem_shared>> -> memref<10000x8xf32, #tpu.memory_space<vmem_shared>>
    tpu.wait_indirect_dma semaphore(%arg28 : memref<!tpu.dma_semaphore, #tpu.memory_space<semaphore_mem>>) src(%arg7 : memref<128x8xf32, #tpu.memory_space<vmem>>) dst(%dma_wait3A_225 : memref<10000x8xf32, #tpu.memory_space<vmem_shared>>)
    %add3A_226 = arith.constant 9984 : i32
    %add3A_227 = arith.addi %mul3A_2, %add3A_226 : i32
    "tpu.region"() ({
      %run_scoped3A = tpu.sem_alloc : memref<!tpu.dma_semaphore, #tpu.memory_space<semaphore_mem>>
      %dma_start3A_242 = tpu.memref_slice %arg2[%add3A_227] : memref<320000xi32, #tpu.memory_space<hbm>> -> memref<16xi32, #tpu.memory_space<hbm>>
      %dma_start3A_243 = tpu.memref_slice %arg2[%add3A_227] : memref<320000xi32, #tpu.memory_space<hbm>> -> memref<16xi32, #tpu.memory_space<hbm>>
      tpu.enqueue_dma source(%dma_start3A_243 : memref<16xi32, #tpu.memory_space<hbm>>) target(%arg10 : memref<16xi32, #tpu.memory_space<vmem>>) target_semaphore(%run_scoped3A : memref<!tpu.dma_semaphore, #tpu.memory_space<semaphore_mem>>)
      %dma_wait3A_244 = tpu.memref_slice %arg2[%add3A_227] : memref<320000xi32, #tpu.memory_space<hbm>> -> memref<16xi32, #tpu.memory_space<hbm>>
      %dma_wait3A_245 = tpu.memref_slice %arg2[%add3A_227] : memref<320000xi32, #tpu.memory_space<hbm>> -> memref<16xi32, #tpu.memory_space<hbm>>
      tpu.wait_dma2 semaphore(%run_scoped3A : memref<!tpu.dma_semaphore, #tpu.memory_space<semaphore_mem>>) src(%dma_wait3A_245 : memref<16xi32, #tpu.memory_space<hbm>>) dst(%arg10 : memref<16xi32, #tpu.memory_space<vmem>>)
      tpu.yield
    }) : () -> ()
    "tpu.region"() ({
      %run_scoped3A = tpu.sem_alloc : memref<!tpu.dma_semaphore, #tpu.memory_space<semaphore_mem>>
      %dma_start3A_242 = arith.constant 0 : i32
      %dma_start3A_243 = arith.constant 0 : i32
      %dma_start3A_244 = tpu.memref_slice %arg6[%dma_start3A_242, %dma_start3A_243] : memref<10000x8xf32, #tpu.memory_space<vmem_shared>> -> memref<10000x8xf32, #tpu.memory_space<vmem_shared>>
      tpu.enqueue_indirect_dma source(%arg8 : memref<16x8xf32, #tpu.memory_space<vmem>>) target(%dma_start3A_244 : memref<10000x8xf32, #tpu.memory_space<vmem_shared>>) offsets(%arg10 : memref<16xi32, #tpu.memory_space<vmem>>) semaphore(%run_scoped3A : memref<!tpu.dma_semaphore, #tpu.memory_space<semaphore_mem>>) {add = true}
      %dma_wait3A_245 = arith.constant 0 : i32
      %dma_wait3A_246 = arith.constant 0 : i32
      %dma_wait3A_247 = tpu.memref_slice %arg6[%dma_wait3A_245, %dma_wait3A_246] : memref<10000x8xf32, #tpu.memory_space<vmem_shared>> -> memref<10000x8xf32, #tpu.memory_space<vmem_shared>>
      tpu.wait_indirect_dma semaphore(%run_scoped3A : memref<!tpu.dma_semaphore, #tpu.memory_space<semaphore_mem>>) src(%arg8 : memref<16x8xf32, #tpu.memory_space<vmem>>) dst(%dma_wait3A_247 : memref<10000x8xf32, #tpu.memory_space<vmem_shared>>)
      tpu.yield
    }) : () -> ()
    %barrier3A_228 = arith.constant 0 : index
    tpu.barrier barrier_id(%barrier3A_228)
    %mul3A_229 = arith.constant 640 : i32
    %mul3A_230 = arith.muli %arg1, %mul3A_229 : i32
    %multiple_of3A_231 = tpu.assume_multiple %mul3A_230, 8 : i32
    %lt3A_232 = arith.constant 15 : i32
    %lt3A_233 = arith.cmpi slt, %arg1, %lt3A_232 : i32
    %convert_element_type3A_234 = arith.extui %lt3A_233 : i1 to i32
    %cond3A_235 = arith.constant 0 : i32
    %cond3A_236 = arith.cmpi ne, %convert_element_type3A_234, %cond3A_235 : i32
    scf.if %cond3A_236 {
      "tpu.region"() ({
        %run_scoped3A = tpu.sem_alloc : memref<!tpu.dma_semaphore, #tpu.memory_space<semaphore_mem>>
        %dma_start3A_242 = arith.constant 0 : i32
        %dma_start3A_243 = arith.constant 0 : i32
        %dma_start3A_244 = tpu.memref_slice %arg5[%arg0, %dma_start3A_242, %dma_start3A_243] : memref<2x10000x8xf32, #tpu.memory_space<hbm>> -> memref<1x10000x8xf32, #tpu.memory_space<hbm>>
        %dma_start3A_245 = tpu.memref_squeeze %dma_start3A_244 : memref<1x10000x8xf32, #tpu.memory_space<hbm>> -> memref<10000x8xf32, #tpu.memory_space<hbm>>
        %dma_start3A_246 = arith.constant 0 : i32
        %dma_start3A_247 = tpu.memref_slice %dma_start3A_245[%multiple_of3A_231, %dma_start3A_246] : memref<10000x8xf32, #tpu.memory_space<hbm>> -> memref<640x8xf32, #tpu.memory_space<hbm>>
        %dma_start3A_248 = arith.constant 0 : i32
        %dma_start3A_249 = tpu.memref_slice %arg6[%multiple_of3A_231, %dma_start3A_248] : memref<10000x8xf32, #tpu.memory_space<vmem_shared>> -> memref<640x8xf32, #tpu.memory_space<vmem_shared>>
        tpu.enqueue_dma source(%dma_start3A_249 : memref<640x8xf32, #tpu.memory_space<vmem_shared>>) target(%dma_start3A_247 : memref<640x8xf32, #tpu.memory_space<hbm>>) target_semaphore(%run_scoped3A : memref<!tpu.dma_semaphore, #tpu.memory_space<semaphore_mem>>)
        %dma_wait3A_250 = arith.constant 0 : i32
        %dma_wait3A_251 = arith.constant 0 : i32
        %dma_wait3A_252 = tpu.memref_slice %arg5[%arg0, %dma_wait3A_250, %dma_wait3A_251] : memref<2x10000x8xf32, #tpu.memory_space<hbm>> -> memref<1x10000x8xf32, #tpu.memory_space<hbm>>
        %dma_wait3A_253 = tpu.memref_squeeze %dma_wait3A_252 : memref<1x10000x8xf32, #tpu.memory_space<hbm>> -> memref<10000x8xf32, #tpu.memory_space<hbm>>
        %dma_wait3A_254 = arith.constant 0 : i32
        %dma_wait3A_255 = tpu.memref_slice %dma_wait3A_253[%multiple_of3A_231, %dma_wait3A_254] : memref<10000x8xf32, #tpu.memory_space<hbm>> -> memref<640x8xf32, #tpu.memory_space<hbm>>
        %dma_wait3A_256 = arith.constant 0 : i32
        %dma_wait3A_257 = tpu.memref_slice %arg6[%multiple_of3A_231, %dma_wait3A_256] : memref<10000x8xf32, #tpu.memory_space<vmem_shared>> -> memref<640x8xf32, #tpu.memory_space<vmem_shared>>
        tpu.wait_dma2 semaphore(%run_scoped3A : memref<!tpu.dma_semaphore, #tpu.memory_space<semaphore_mem>>) src(%dma_wait3A_257 : memref<640x8xf32, #tpu.memory_space<vmem_shared>>) dst(%dma_wait3A_255 : memref<640x8xf32, #tpu.memory_space<hbm>>)
        tpu.yield
      }) : () -> ()
    } else {
    }
    %eq3A_237 = arith.constant 15 : i32
    %eq3A_238 = arith.cmpi eq, %arg1, %eq3A_237 : i32
    %convert_element_type3A_239 = arith.extui %eq3A_238 : i1 to i32
    %cond3A_240 = arith.constant 0 : i32
    %cond3A_241 = arith.cmpi ne, %convert_element_type3A_239, %cond3A_240 : i32
    scf.if %cond3A_241 {
      "tpu.region"() ({
        %run_scoped3A = tpu.sem_alloc : memref<!tpu.dma_semaphore, #tpu.memory_space<semaphore_mem>>
        %dma_start3A_242 = arith.constant 0 : i32
        %dma_start3A_243 = arith.constant 0 : i32
        %dma_start3A_244 = tpu.memref_slice %arg5[%arg0, %dma_start3A_242, %dma_start3A_243] : memref<2x10000x8xf32, #tpu.memory_space<hbm>> -> memref<1x10000x8xf32, #tpu.memory_space<hbm>>
        %dma_start3A_245 = tpu.memref_squeeze %dma_start3A_244 : memref<1x10000x8xf32, #tpu.memory_space<hbm>> -> memref<10000x8xf32, #tpu.memory_space<hbm>>
        %dma_start3A_246 = arith.constant 9600 : i32
        %dma_start3A_247 = arith.constant 0 : i32
        %dma_start3A_248 = tpu.memref_slice %dma_start3A_245[%dma_start3A_246, %dma_start3A_247] : memref<10000x8xf32, #tpu.memory_space<hbm>> -> memref<400x8xf32, #tpu.memory_space<hbm>>
        %dma_start3A_249 = arith.constant 9600 : i32
        %dma_start3A_250 = arith.constant 0 : i32
        %dma_start3A_251 = tpu.memref_slice %arg6[%dma_start3A_249, %dma_start3A_250] : memref<10000x8xf32, #tpu.memory_space<vmem_shared>> -> memref<400x8xf32, #tpu.memory_space<vmem_shared>>
        tpu.enqueue_dma source(%dma_start3A_251 : memref<400x8xf32, #tpu.memory_space<vmem_shared>>) target(%dma_start3A_248 : memref<400x8xf32, #tpu.memory_space<hbm>>) target_semaphore(%run_scoped3A : memref<!tpu.dma_semaphore, #tpu.memory_space<semaphore_mem>>)
        %dma_wait3A_252 = arith.constant 0 : i32
        %dma_wait3A_253 = arith.constant 0 : i32
        %dma_wait3A_254 = tpu.memref_slice %arg5[%arg0, %dma_wait3A_252, %dma_wait3A_253] : memref<2x10000x8xf32, #tpu.memory_space<hbm>> -> memref<1x10000x8xf32, #tpu.memory_space<hbm>>
        %dma_wait3A_255 = tpu.memref_squeeze %dma_wait3A_254 : memref<1x10000x8xf32, #tpu.memory_space<hbm>> -> memref<10000x8xf32, #tpu.memory_space<hbm>>
        %dma_wait3A_256 = arith.constant 9600 : i32
        %dma_wait3A_257 = arith.constant 0 : i32
        %dma_wait3A_258 = tpu.memref_slice %dma_wait3A_255[%dma_wait3A_256, %dma_wait3A_257] : memref<10000x8xf32, #tpu.memory_space<hbm>> -> memref<400x8xf32, #tpu.memory_space<hbm>>
        %dma_wait3A_259 = arith.constant 9600 : i32
        %dma_wait3A_260 = arith.constant 0 : i32
        %dma_wait3A_261 = tpu.memref_slice %arg6[%dma_wait3A_259, %dma_wait3A_260] : memref<10000x8xf32, #tpu.memory_space<vmem_shared>> -> memref<400x8xf32, #tpu.memory_space<vmem_shared>>
        tpu.wait_dma2 semaphore(%run_scoped3A : memref<!tpu.dma_semaphore, #tpu.memory_space<semaphore_mem>>) src(%dma_wait3A_261 : memref<400x8xf32, #tpu.memory_space<vmem_shared>>) dst(%dma_wait3A_258 : memref<400x8xf32, #tpu.memory_space<hbm>>)
        tpu.yield
      }) : () -> ()
    } else {
    }
    return
  }
}

#map = affine_map<(d0, d1) -> (0, 0)>
#map1 = affine_map<(d0, d1) -> (0)>
#map2 = affine_map<(d0, d1) -> (0, 0, 0)>
module attributes {stable_mosaic.version = 14 : i64} {
  func.func @_scat_body(%arg0: i32, %arg1: i32, %arg2: memref<10000x32xf32, #tpu.memory_space<hbm>>, %arg3: memref<320000xi32, #tpu.memory_space<hbm>>, %arg4: memref<320000xi32, #tpu.memory_space<hbm>>, %arg5: memref<10000x32xf32, #tpu.memory_space<hbm>>, %arg6: memref<2x10000x32xf32, #tpu.memory_space<hbm>>, %arg7: memref<10000x32xf32, #tpu.memory_space<vmem_shared>>, %arg8: memref<10000x32xf32, #tpu.memory_space<vmem_shared>>, %arg9: memref<5x128xi32, #tpu.memory_space<vmem>>, %arg10: memref<5x128xi32, #tpu.memory_space<vmem>>, %arg11: memref<5x128x32xf32, #tpu.memory_space<vmem>>, %arg12: memref<16xi32, #tpu.memory_space<vmem>>, %arg13: memref<16xi32, #tpu.memory_space<vmem>>, %arg14: memref<16x32xf32, #tpu.memory_space<vmem>>, %arg15: memref<!tpu.dma_semaphore, #tpu.memory_space<semaphore_mem>>, %arg16: memref<!tpu.dma_semaphore, #tpu.memory_space<semaphore_mem>>, %arg17: memref<!tpu.dma_semaphore, #tpu.memory_space<semaphore_mem>>, %arg18: memref<!tpu.dma_semaphore, #tpu.memory_space<semaphore_mem>>, %arg19: memref<!tpu.dma_semaphore, #tpu.memory_space<semaphore_mem>>, %arg20: memref<!tpu.dma_semaphore, #tpu.memory_space<semaphore_mem>>, %arg21: memref<!tpu.dma_semaphore, #tpu.memory_space<semaphore_mem>>, %arg22: memref<!tpu.dma_semaphore, #tpu.memory_space<semaphore_mem>>, %arg23: memref<!tpu.dma_semaphore, #tpu.memory_space<semaphore_mem>>, %arg24: memref<!tpu.dma_semaphore, #tpu.memory_space<semaphore_mem>>, %arg25: memref<!tpu.dma_semaphore, #tpu.memory_space<semaphore_mem>>, %arg26: memref<!tpu.dma_semaphore, #tpu.memory_space<semaphore_mem>>, %arg27: memref<!tpu.dma_semaphore, #tpu.memory_space<semaphore_mem>>, %arg28: memref<!tpu.dma_semaphore, #tpu.memory_space<semaphore_mem>>, %arg29: memref<!tpu.dma_semaphore, #tpu.memory_space<semaphore_mem>>) attributes {dimension_semantics = [#tpu.dimension_semantics<core_parallel>, #tpu.dimension_semantics<subcore_parallel>], iteration_bounds = array<i64: 2, 16>, scalar_prefetch = 0 : i64, scratch_operands = 23 : i64, tpu.core_type = #tpu.core_type<sc_vector_subcore>, window_params = [{transform_indices = #map}, {transform_indices = #map1}, {transform_indices = #map1}, {transform_indices = #map}, {transform_indices = #map2}]} {
    %mul3A = arith.constant 16 : i32
    %mul3A_0 = arith.muli %arg0, %mul3A : i32
    %add3A = arith.addi %mul3A_0, %arg1 : i32
    %mul3A_1 = arith.constant 10000 : i32
    %mul3A_2 = arith.muli %add3A, %mul3A_1 : i32
    %mul3A_3 = arith.constant 640 : i32
    %mul3A_4 = arith.muli %arg1, %mul3A_3 : i32
    %multiple_of3A = tpu.assume_multiple %mul3A_4, 8 : i32
    %lt3A = arith.constant 15 : i32
    %lt3A_5 = arith.cmpi slt, %arg1, %lt3A : i32
    %convert_element_type3A = arith.extui %lt3A_5 : i1 to i32
    %cond3A = arith.constant 0 : i32
    %cond3A_6 = arith.cmpi ne, %convert_element_type3A, %cond3A : i32
    scf.if %cond3A_6 {
      "tpu.region"() ({
        %run_scoped3A = tpu.sem_alloc : memref<!tpu.dma_semaphore, #tpu.memory_space<semaphore_mem>>
        %dma_start3A_293 = arith.constant 0 : i32
        %dma_start3A_294 = tpu.memref_slice %arg7[%multiple_of3A, %dma_start3A_293] : memref<10000x32xf32, #tpu.memory_space<vmem_shared>> -> memref<640x32xf32, #tpu.memory_space<vmem_shared>>
        %dma_start3A_295 = arith.constant 0 : i32
        %dma_start3A_296 = tpu.memref_slice %arg2[%multiple_of3A, %dma_start3A_295] : memref<10000x32xf32, #tpu.memory_space<hbm>> -> memref<640x32xf32, #tpu.memory_space<hbm>>
        tpu.enqueue_dma source(%dma_start3A_296 : memref<640x32xf32, #tpu.memory_space<hbm>>) target(%dma_start3A_294 : memref<640x32xf32, #tpu.memory_space<vmem_shared>>) target_semaphore(%run_scoped3A : memref<!tpu.dma_semaphore, #tpu.memory_space<semaphore_mem>>)
        %dma_wait3A_297 = arith.constant 0 : i32
        %dma_wait3A_298 = tpu.memref_slice %arg7[%multiple_of3A, %dma_wait3A_297] : memref<10000x32xf32, #tpu.memory_space<vmem_shared>> -> memref<640x32xf32, #tpu.memory_space<vmem_shared>>
        %dma_wait3A_299 = arith.constant 0 : i32
        %dma_wait3A_300 = tpu.memref_slice %arg2[%multiple_of3A, %dma_wait3A_299] : memref<10000x32xf32, #tpu.memory_space<hbm>> -> memref<640x32xf32, #tpu.memory_space<hbm>>
        tpu.wait_dma2 semaphore(%run_scoped3A : memref<!tpu.dma_semaphore, #tpu.memory_space<semaphore_mem>>) src(%dma_wait3A_300 : memref<640x32xf32, #tpu.memory_space<hbm>>) dst(%dma_wait3A_298 : memref<640x32xf32, #tpu.memory_space<vmem_shared>>)
        tpu.yield
      }) : () -> ()
      "tpu.region"() ({
        %run_scoped3A = tpu.sem_alloc : memref<!tpu.dma_semaphore, #tpu.memory_space<semaphore_mem>>
        %dma_start3A_293 = arith.constant 0 : i32
        %dma_start3A_294 = tpu.memref_slice %arg8[%multiple_of3A, %dma_start3A_293] : memref<10000x32xf32, #tpu.memory_space<vmem_shared>> -> memref<640x32xf32, #tpu.memory_space<vmem_shared>>
        %dma_start3A_295 = arith.constant 0 : i32
        %dma_start3A_296 = tpu.memref_slice %arg5[%multiple_of3A, %dma_start3A_295] : memref<10000x32xf32, #tpu.memory_space<hbm>> -> memref<640x32xf32, #tpu.memory_space<hbm>>
        tpu.enqueue_dma source(%dma_start3A_296 : memref<640x32xf32, #tpu.memory_space<hbm>>) target(%dma_start3A_294 : memref<640x32xf32, #tpu.memory_space<vmem_shared>>) target_semaphore(%run_scoped3A : memref<!tpu.dma_semaphore, #tpu.memory_space<semaphore_mem>>)
        %dma_wait3A_297 = arith.constant 0 : i32
        %dma_wait3A_298 = tpu.memref_slice %arg8[%multiple_of3A, %dma_wait3A_297] : memref<10000x32xf32, #tpu.memory_space<vmem_shared>> -> memref<640x32xf32, #tpu.memory_space<vmem_shared>>
        %dma_wait3A_299 = arith.constant 0 : i32
        %dma_wait3A_300 = tpu.memref_slice %arg5[%multiple_of3A, %dma_wait3A_299] : memref<10000x32xf32, #tpu.memory_space<hbm>> -> memref<640x32xf32, #tpu.memory_space<hbm>>
        tpu.wait_dma2 semaphore(%run_scoped3A : memref<!tpu.dma_semaphore, #tpu.memory_space<semaphore_mem>>) src(%dma_wait3A_300 : memref<640x32xf32, #tpu.memory_space<hbm>>) dst(%dma_wait3A_298 : memref<640x32xf32, #tpu.memory_space<vmem_shared>>)
        tpu.yield
      }) : () -> ()
    } else {
    }
    %eq3A = arith.constant 15 : i32
    %eq3A_7 = arith.cmpi eq, %arg1, %eq3A : i32
    %convert_element_type3A_8 = arith.extui %eq3A_7 : i1 to i32
    %cond3A_9 = arith.constant 0 : i32
    %cond3A_10 = arith.cmpi ne, %convert_element_type3A_8, %cond3A_9 : i32
    scf.if %cond3A_10 {
      "tpu.region"() ({
        %run_scoped3A = tpu.sem_alloc : memref<!tpu.dma_semaphore, #tpu.memory_space<semaphore_mem>>
        %dma_start3A_293 = arith.constant 9600 : i32
        %dma_start3A_294 = arith.constant 0 : i32
        %dma_start3A_295 = tpu.memref_slice %arg7[%dma_start3A_293, %dma_start3A_294] : memref<10000x32xf32, #tpu.memory_space<vmem_shared>> -> memref<400x32xf32, #tpu.memory_space<vmem_shared>>
        %dma_start3A_296 = arith.constant 9600 : i32
        %dma_start3A_297 = arith.constant 0 : i32
        %dma_start3A_298 = tpu.memref_slice %arg2[%dma_start3A_296, %dma_start3A_297] : memref<10000x32xf32, #tpu.memory_space<hbm>> -> memref<400x32xf32, #tpu.memory_space<hbm>>
        tpu.enqueue_dma source(%dma_start3A_298 : memref<400x32xf32, #tpu.memory_space<hbm>>) target(%dma_start3A_295 : memref<400x32xf32, #tpu.memory_space<vmem_shared>>) target_semaphore(%run_scoped3A : memref<!tpu.dma_semaphore, #tpu.memory_space<semaphore_mem>>)
        %dma_wait3A_299 = arith.constant 9600 : i32
        %dma_wait3A_300 = arith.constant 0 : i32
        %dma_wait3A_301 = tpu.memref_slice %arg7[%dma_wait3A_299, %dma_wait3A_300] : memref<10000x32xf32, #tpu.memory_space<vmem_shared>> -> memref<400x32xf32, #tpu.memory_space<vmem_shared>>
        %dma_wait3A_302 = arith.constant 9600 : i32
        %dma_wait3A_303 = arith.constant 0 : i32
        %dma_wait3A_304 = tpu.memref_slice %arg2[%dma_wait3A_302, %dma_wait3A_303] : memref<10000x32xf32, #tpu.memory_space<hbm>> -> memref<400x32xf32, #tpu.memory_space<hbm>>
        tpu.wait_dma2 semaphore(%run_scoped3A : memref<!tpu.dma_semaphore, #tpu.memory_space<semaphore_mem>>) src(%dma_wait3A_304 : memref<400x32xf32, #tpu.memory_space<hbm>>) dst(%dma_wait3A_301 : memref<400x32xf32, #tpu.memory_space<vmem_shared>>)
        tpu.yield
      }) : () -> ()
      "tpu.region"() ({
        %run_scoped3A = tpu.sem_alloc : memref<!tpu.dma_semaphore, #tpu.memory_space<semaphore_mem>>
        %dma_start3A_293 = arith.constant 9600 : i32
        %dma_start3A_294 = arith.constant 0 : i32
        %dma_start3A_295 = tpu.memref_slice %arg8[%dma_start3A_293, %dma_start3A_294] : memref<10000x32xf32, #tpu.memory_space<vmem_shared>> -> memref<400x32xf32, #tpu.memory_space<vmem_shared>>
        %dma_start3A_296 = arith.constant 9600 : i32
        %dma_start3A_297 = arith.constant 0 : i32
        %dma_start3A_298 = tpu.memref_slice %arg5[%dma_start3A_296, %dma_start3A_297] : memref<10000x32xf32, #tpu.memory_space<hbm>> -> memref<400x32xf32, #tpu.memory_space<hbm>>
        tpu.enqueue_dma source(%dma_start3A_298 : memref<400x32xf32, #tpu.memory_space<hbm>>) target(%dma_start3A_295 : memref<400x32xf32, #tpu.memory_space<vmem_shared>>) target_semaphore(%run_scoped3A : memref<!tpu.dma_semaphore, #tpu.memory_space<semaphore_mem>>)
        %dma_wait3A_299 = arith.constant 9600 : i32
        %dma_wait3A_300 = arith.constant 0 : i32
        %dma_wait3A_301 = tpu.memref_slice %arg8[%dma_wait3A_299, %dma_wait3A_300] : memref<10000x32xf32, #tpu.memory_space<vmem_shared>> -> memref<400x32xf32, #tpu.memory_space<vmem_shared>>
        %dma_wait3A_302 = arith.constant 9600 : i32
        %dma_wait3A_303 = arith.constant 0 : i32
        %dma_wait3A_304 = tpu.memref_slice %arg5[%dma_wait3A_302, %dma_wait3A_303] : memref<10000x32xf32, #tpu.memory_space<hbm>> -> memref<400x32xf32, #tpu.memory_space<hbm>>
        tpu.wait_dma2 semaphore(%run_scoped3A : memref<!tpu.dma_semaphore, #tpu.memory_space<semaphore_mem>>) src(%dma_wait3A_304 : memref<400x32xf32, #tpu.memory_space<hbm>>) dst(%dma_wait3A_301 : memref<400x32xf32, #tpu.memory_space<vmem_shared>>)
        tpu.yield
      }) : () -> ()
    } else {
    }
    %barrier3A = arith.constant 0 : index
    tpu.barrier barrier_id(%barrier3A)
    %scan3A = arith.constant 0 : i32
    %scan3A_11 = arith.constant 0 : i32
    %scan3A_12 = arith.constant 15 : i32
    %scan3A_13 = arith.addi %scan3A_11, %scan3A_12 : i32
    %scan3A_14 = arith.constant 1 : i32
    scf.for %scan3A_293 = %scan3A_11 to %scan3A_13 step %scan3A_14  : i32 {
      %mul3A_294 = arith.constant 640 : i32
      %mul3A_295 = arith.muli %scan3A_293, %mul3A_294 : i32
      %add3A_296 = arith.addi %mul3A_2, %mul3A_295 : i32
      %add3A_297 = arith.constant 0 : i32
      %add3A_298 = arith.addi %add3A_296, %add3A_297 : i32
      %multiple_of3A_299 = tpu.assume_multiple %add3A_298, 128 : i32
      %dma_start3A_300 = arith.constant 0 : i32
      %dma_start3A_301 = arith.constant 0 : i32
      %dma_start3A_302 = tpu.memref_slice %arg9[%dma_start3A_300, %dma_start3A_301] : memref<5x128xi32, #tpu.memory_space<vmem>> -> memref<1x128xi32, #tpu.memory_space<vmem>>
      %dma_start3A_303 = tpu.memref_squeeze %dma_start3A_302 : memref<1x128xi32, #tpu.memory_space<vmem>> -> memref<128xi32, #tpu.memory_space<vmem>>
      %dma_start3A_304 = tpu.memref_slice %arg3[%multiple_of3A_299] : memref<320000xi32, #tpu.memory_space<hbm>> -> memref<128xi32, #tpu.memory_space<hbm>>
      %dma_start3A_305 = arith.constant 0 : i32
      %dma_start3A_306 = tpu.memref_slice %arg9[%dma_start3A_300, %dma_start3A_305] : memref<5x128xi32, #tpu.memory_space<vmem>> -> memref<1x128xi32, #tpu.memory_space<vmem>>
      %dma_start3A_307 = tpu.memref_squeeze %dma_start3A_306 : memref<1x128xi32, #tpu.memory_space<vmem>> -> memref<128xi32, #tpu.memory_space<vmem>>
      %dma_start3A_308 = tpu.memref_slice %arg3[%multiple_of3A_299] : memref<320000xi32, #tpu.memory_space<hbm>> -> memref<128xi32, #tpu.memory_space<hbm>>
      tpu.enqueue_dma source(%dma_start3A_308 : memref<128xi32, #tpu.memory_space<hbm>>) target(%dma_start3A_307 : memref<128xi32, #tpu.memory_space<vmem>>) target_semaphore(%arg15 : memref<!tpu.dma_semaphore, #tpu.memory_space<semaphore_mem>>)
      %dma_start3A_309 = arith.constant 0 : i32
      %dma_start3A_310 = arith.constant 0 : i32
      %dma_start3A_311 = tpu.memref_slice %arg10[%dma_start3A_309, %dma_start3A_310] : memref<5x128xi32, #tpu.memory_space<vmem>> -> memref<1x128xi32, #tpu.memory_space<vmem>>
      %dma_start3A_312 = tpu.memref_squeeze %dma_start3A_311 : memref<1x128xi32, #tpu.memory_space<vmem>> -> memref<128xi32, #tpu.memory_space<vmem>>
      %dma_start3A_313 = tpu.memref_slice %arg4[%multiple_of3A_299] : memref<320000xi32, #tpu.memory_space<hbm>> -> memref<128xi32, #tpu.memory_space<hbm>>
      %dma_start3A_314 = arith.constant 0 : i32
      %dma_start3A_315 = tpu.memref_slice %arg10[%dma_start3A_309, %dma_start3A_314] : memref<5x128xi32, #tpu.memory_space<vmem>> -> memref<1x128xi32, #tpu.memory_space<vmem>>
      %dma_start3A_316 = tpu.memref_squeeze %dma_start3A_315 : memref<1x128xi32, #tpu.memory_space<vmem>> -> memref<128xi32, #tpu.memory_space<vmem>>
      %dma_start3A_317 = tpu.memref_slice %arg4[%multiple_of3A_299] : memref<320000xi32, #tpu.memory_space<hbm>> -> memref<128xi32, #tpu.memory_space<hbm>>
      tpu.enqueue_dma source(%dma_start3A_317 : memref<128xi32, #tpu.memory_space<hbm>>) target(%dma_start3A_316 : memref<128xi32, #tpu.memory_space<vmem>>) target_semaphore(%arg15 : memref<!tpu.dma_semaphore, #tpu.memory_space<semaphore_mem>>)
      %add3A_318 = arith.constant 128 : i32
      %add3A_319 = arith.addi %add3A_296, %add3A_318 : i32
      %multiple_of3A_320 = tpu.assume_multiple %add3A_319, 128 : i32
      %dma_start3A_321 = arith.constant 1 : i32
      %dma_start3A_322 = arith.constant 0 : i32
      %dma_start3A_323 = tpu.memref_slice %arg9[%dma_start3A_321, %dma_start3A_322] : memref<5x128xi32, #tpu.memory_space<vmem>> -> memref<1x128xi32, #tpu.memory_space<vmem>>
      %dma_start3A_324 = tpu.memref_squeeze %dma_start3A_323 : memref<1x128xi32, #tpu.memory_space<vmem>> -> memref<128xi32, #tpu.memory_space<vmem>>
      %dma_start3A_325 = tpu.memref_slice %arg3[%multiple_of3A_320] : memref<320000xi32, #tpu.memory_space<hbm>> -> memref<128xi32, #tpu.memory_space<hbm>>
      %dma_start3A_326 = arith.constant 0 : i32
      %dma_start3A_327 = tpu.memref_slice %arg9[%dma_start3A_321, %dma_start3A_326] : memref<5x128xi32, #tpu.memory_space<vmem>> -> memref<1x128xi32, #tpu.memory_space<vmem>>
      %dma_start3A_328 = tpu.memref_squeeze %dma_start3A_327 : memref<1x128xi32, #tpu.memory_space<vmem>> -> memref<128xi32, #tpu.memory_space<vmem>>
      %dma_start3A_329 = tpu.memref_slice %arg3[%multiple_of3A_320] : memref<320000xi32, #tpu.memory_space<hbm>> -> memref<128xi32, #tpu.memory_space<hbm>>
      tpu.enqueue_dma source(%dma_start3A_329 : memref<128xi32, #tpu.memory_space<hbm>>) target(%dma_start3A_328 : memref<128xi32, #tpu.memory_space<vmem>>) target_semaphore(%arg16 : memref<!tpu.dma_semaphore, #tpu.memory_space<semaphore_mem>>)
      %dma_start3A_330 = arith.constant 1 : i32
      %dma_start3A_331 = arith.constant 0 : i32
      %dma_start3A_332 = tpu.memref_slice %arg10[%dma_start3A_330, %dma_start3A_331] : memref<5x128xi32, #tpu.memory_space<vmem>> -> memref<1x128xi32, #tpu.memory_space<vmem>>
      %dma_start3A_333 = tpu.memref_squeeze %dma_start3A_332 : memref<1x128xi32, #tpu.memory_space<vmem>> -> memref<128xi32, #tpu.memory_space<vmem>>
      %dma_start3A_334 = tpu.memref_slice %arg4[%multiple_of3A_320] : memref<320000xi32, #tpu.memory_space<hbm>> -> memref<128xi32, #tpu.memory_space<hbm>>
      %dma_start3A_335 = arith.constant 0 : i32
      %dma_start3A_336 = tpu.memref_slice %arg10[%dma_start3A_330, %dma_start3A_335] : memref<5x128xi32, #tpu.memory_space<vmem>> -> memref<1x128xi32, #tpu.memory_space<vmem>>
      %dma_start3A_337 = tpu.memref_squeeze %dma_start3A_336 : memref<1x128xi32, #tpu.memory_space<vmem>> -> memref<128xi32, #tpu.memory_space<vmem>>
      %dma_start3A_338 = tpu.memref_slice %arg4[%multiple_of3A_320] : memref<320000xi32, #tpu.memory_space<hbm>> -> memref<128xi32, #tpu.memory_space<hbm>>
      tpu.enqueue_dma source(%dma_start3A_338 : memref<128xi32, #tpu.memory_space<hbm>>) target(%dma_start3A_337 : memref<128xi32, #tpu.memory_space<vmem>>) target_semaphore(%arg16 : memref<!tpu.dma_semaphore, #tpu.memory_space<semaphore_mem>>)
      %add3A_339 = arith.constant 256 : i32
      %add3A_340 = arith.addi %add3A_296, %add3A_339 : i32
      %multiple_of3A_341 = tpu.assume_multiple %add3A_340, 128 : i32
      %dma_start3A_342 = arith.constant 2 : i32
      %dma_start3A_343 = arith.constant 0 : i32
      %dma_start3A_344 = tpu.memref_slice %arg9[%dma_start3A_342, %dma_start3A_343] : memref<5x128xi32, #tpu.memory_space<vmem>> -> memref<1x128xi32, #tpu.memory_space<vmem>>
      %dma_start3A_345 = tpu.memref_squeeze %dma_start3A_344 : memref<1x128xi32, #tpu.memory_space<vmem>> -> memref<128xi32, #tpu.memory_space<vmem>>
      %dma_start3A_346 = tpu.memref_slice %arg3[%multiple_of3A_341] : memref<320000xi32, #tpu.memory_space<hbm>> -> memref<128xi32, #tpu.memory_space<hbm>>
      %dma_start3A_347 = arith.constant 0 : i32
      %dma_start3A_348 = tpu.memref_slice %arg9[%dma_start3A_342, %dma_start3A_347] : memref<5x128xi32, #tpu.memory_space<vmem>> -> memref<1x128xi32, #tpu.memory_space<vmem>>
      %dma_start3A_349 = tpu.memref_squeeze %dma_start3A_348 : memref<1x128xi32, #tpu.memory_space<vmem>> -> memref<128xi32, #tpu.memory_space<vmem>>
      %dma_start3A_350 = tpu.memref_slice %arg3[%multiple_of3A_341] : memref<320000xi32, #tpu.memory_space<hbm>> -> memref<128xi32, #tpu.memory_space<hbm>>
      tpu.enqueue_dma source(%dma_start3A_350 : memref<128xi32, #tpu.memory_space<hbm>>) target(%dma_start3A_349 : memref<128xi32, #tpu.memory_space<vmem>>) target_semaphore(%arg17 : memref<!tpu.dma_semaphore, #tpu.memory_space<semaphore_mem>>)
      %dma_start3A_351 = arith.constant 2 : i32
      %dma_start3A_352 = arith.constant 0 : i32
      %dma_start3A_353 = tpu.memref_slice %arg10[%dma_start3A_351, %dma_start3A_352] : memref<5x128xi32, #tpu.memory_space<vmem>> -> memref<1x128xi32, #tpu.memory_space<vmem>>
      %dma_start3A_354 = tpu.memref_squeeze %dma_start3A_353 : memref<1x128xi32, #tpu.memory_space<vmem>> -> memref<128xi32, #tpu.memory_space<vmem>>
      %dma_start3A_355 = tpu.memref_slice %arg4[%multiple_of3A_341] : memref<320000xi32, #tpu.memory_space<hbm>> -> memref<128xi32, #tpu.memory_space<hbm>>
      %dma_start3A_356 = arith.constant 0 : i32
      %dma_start3A_357 = tpu.memref_slice %arg10[%dma_start3A_351, %dma_start3A_356] : memref<5x128xi32, #tpu.memory_space<vmem>> -> memref<1x128xi32, #tpu.memory_space<vmem>>
      %dma_start3A_358 = tpu.memref_squeeze %dma_start3A_357 : memref<1x128xi32, #tpu.memory_space<vmem>> -> memref<128xi32, #tpu.memory_space<vmem>>
      %dma_start3A_359 = tpu.memref_slice %arg4[%multiple_of3A_341] : memref<320000xi32, #tpu.memory_space<hbm>> -> memref<128xi32, #tpu.memory_space<hbm>>
      tpu.enqueue_dma source(%dma_start3A_359 : memref<128xi32, #tpu.memory_space<hbm>>) target(%dma_start3A_358 : memref<128xi32, #tpu.memory_space<vmem>>) target_semaphore(%arg17 : memref<!tpu.dma_semaphore, #tpu.memory_space<semaphore_mem>>)
      %add3A_360 = arith.constant 384 : i32
      %add3A_361 = arith.addi %add3A_296, %add3A_360 : i32
      %multiple_of3A_362 = tpu.assume_multiple %add3A_361, 128 : i32
      %dma_start3A_363 = arith.constant 3 : i32
      %dma_start3A_364 = arith.constant 0 : i32
      %dma_start3A_365 = tpu.memref_slice %arg9[%dma_start3A_363, %dma_start3A_364] : memref<5x128xi32, #tpu.memory_space<vmem>> -> memref<1x128xi32, #tpu.memory_space<vmem>>
      %dma_start3A_366 = tpu.memref_squeeze %dma_start3A_365 : memref<1x128xi32, #tpu.memory_space<vmem>> -> memref<128xi32, #tpu.memory_space<vmem>>
      %dma_start3A_367 = tpu.memref_slice %arg3[%multiple_of3A_362] : memref<320000xi32, #tpu.memory_space<hbm>> -> memref<128xi32, #tpu.memory_space<hbm>>
      %dma_start3A_368 = arith.constant 0 : i32
      %dma_start3A_369 = tpu.memref_slice %arg9[%dma_start3A_363, %dma_start3A_368] : memref<5x128xi32, #tpu.memory_space<vmem>> -> memref<1x128xi32, #tpu.memory_space<vmem>>
      %dma_start3A_370 = tpu.memref_squeeze %dma_start3A_369 : memref<1x128xi32, #tpu.memory_space<vmem>> -> memref<128xi32, #tpu.memory_space<vmem>>
      %dma_start3A_371 = tpu.memref_slice %arg3[%multiple_of3A_362] : memref<320000xi32, #tpu.memory_space<hbm>> -> memref<128xi32, #tpu.memory_space<hbm>>
      tpu.enqueue_dma source(%dma_start3A_371 : memref<128xi32, #tpu.memory_space<hbm>>) target(%dma_start3A_370 : memref<128xi32, #tpu.memory_space<vmem>>) target_semaphore(%arg18 : memref<!tpu.dma_semaphore, #tpu.memory_space<semaphore_mem>>)
      %dma_start3A_372 = arith.constant 3 : i32
      %dma_start3A_373 = arith.constant 0 : i32
      %dma_start3A_374 = tpu.memref_slice %arg10[%dma_start3A_372, %dma_start3A_373] : memref<5x128xi32, #tpu.memory_space<vmem>> -> memref<1x128xi32, #tpu.memory_space<vmem>>
      %dma_start3A_375 = tpu.memref_squeeze %dma_start3A_374 : memref<1x128xi32, #tpu.memory_space<vmem>> -> memref<128xi32, #tpu.memory_space<vmem>>
      %dma_start3A_376 = tpu.memref_slice %arg4[%multiple_of3A_362] : memref<320000xi32, #tpu.memory_space<hbm>> -> memref<128xi32, #tpu.memory_space<hbm>>
      %dma_start3A_377 = arith.constant 0 : i32
      %dma_start3A_378 = tpu.memref_slice %arg10[%dma_start3A_372, %dma_start3A_377] : memref<5x128xi32, #tpu.memory_space<vmem>> -> memref<1x128xi32, #tpu.memory_space<vmem>>
      %dma_start3A_379 = tpu.memref_squeeze %dma_start3A_378 : memref<1x128xi32, #tpu.memory_space<vmem>> -> memref<128xi32, #tpu.memory_space<vmem>>
      %dma_start3A_380 = tpu.memref_slice %arg4[%multiple_of3A_362] : memref<320000xi32, #tpu.memory_space<hbm>> -> memref<128xi32, #tpu.memory_space<hbm>>
      tpu.enqueue_dma source(%dma_start3A_380 : memref<128xi32, #tpu.memory_space<hbm>>) target(%dma_start3A_379 : memref<128xi32, #tpu.memory_space<vmem>>) target_semaphore(%arg18 : memref<!tpu.dma_semaphore, #tpu.memory_space<semaphore_mem>>)
      %add3A_381 = arith.constant 512 : i32
      %add3A_382 = arith.addi %add3A_296, %add3A_381 : i32
      %multiple_of3A_383 = tpu.assume_multiple %add3A_382, 128 : i32
      %dma_start3A_384 = arith.constant 4 : i32
      %dma_start3A_385 = arith.constant 0 : i32
      %dma_start3A_386 = tpu.memref_slice %arg9[%dma_start3A_384, %dma_start3A_385] : memref<5x128xi32, #tpu.memory_space<vmem>> -> memref<1x128xi32, #tpu.memory_space<vmem>>
      %dma_start3A_387 = tpu.memref_squeeze %dma_start3A_386 : memref<1x128xi32, #tpu.memory_space<vmem>> -> memref<128xi32, #tpu.memory_space<vmem>>
      %dma_start3A_388 = tpu.memref_slice %arg3[%multiple_of3A_383] : memref<320000xi32, #tpu.memory_space<hbm>> -> memref<128xi32, #tpu.memory_space<hbm>>
      %dma_start3A_389 = arith.constant 0 : i32
      %dma_start3A_390 = tpu.memref_slice %arg9[%dma_start3A_384, %dma_start3A_389] : memref<5x128xi32, #tpu.memory_space<vmem>> -> memref<1x128xi32, #tpu.memory_space<vmem>>
      %dma_start3A_391 = tpu.memref_squeeze %dma_start3A_390 : memref<1x128xi32, #tpu.memory_space<vmem>> -> memref<128xi32, #tpu.memory_space<vmem>>
      %dma_start3A_392 = tpu.memref_slice %arg3[%multiple_of3A_383] : memref<320000xi32, #tpu.memory_space<hbm>> -> memref<128xi32, #tpu.memory_space<hbm>>
      tpu.enqueue_dma source(%dma_start3A_392 : memref<128xi32, #tpu.memory_space<hbm>>) target(%dma_start3A_391 : memref<128xi32, #tpu.memory_space<vmem>>) target_semaphore(%arg19 : memref<!tpu.dma_semaphore, #tpu.memory_space<semaphore_mem>>)
      %dma_start3A_393 = arith.constant 4 : i32
      %dma_start3A_394 = arith.constant 0 : i32
      %dma_start3A_395 = tpu.memref_slice %arg10[%dma_start3A_393, %dma_start3A_394] : memref<5x128xi32, #tpu.memory_space<vmem>> -> memref<1x128xi32, #tpu.memory_space<vmem>>
      %dma_start3A_396 = tpu.memref_squeeze %dma_start3A_395 : memref<1x128xi32, #tpu.memory_space<vmem>> -> memref<128xi32, #tpu.memory_space<vmem>>
      %dma_start3A_397 = tpu.memref_slice %arg4[%multiple_of3A_383] : memref<320000xi32, #tpu.memory_space<hbm>> -> memref<128xi32, #tpu.memory_space<hbm>>
      %dma_start3A_398 = arith.constant 0 : i32
      %dma_start3A_399 = tpu.memref_slice %arg10[%dma_start3A_393, %dma_start3A_398] : memref<5x128xi32, #tpu.memory_space<vmem>> -> memref<1x128xi32, #tpu.memory_space<vmem>>
      %dma_start3A_400 = tpu.memref_squeeze %dma_start3A_399 : memref<1x128xi32, #tpu.memory_space<vmem>> -> memref<128xi32, #tpu.memory_space<vmem>>
      %dma_start3A_401 = tpu.memref_slice %arg4[%multiple_of3A_383] : memref<320000xi32, #tpu.memory_space<hbm>> -> memref<128xi32, #tpu.memory_space<hbm>>
      tpu.enqueue_dma source(%dma_start3A_401 : memref<128xi32, #tpu.memory_space<hbm>>) target(%dma_start3A_400 : memref<128xi32, #tpu.memory_space<vmem>>) target_semaphore(%arg19 : memref<!tpu.dma_semaphore, #tpu.memory_space<semaphore_mem>>)
      %dma_wait3A_402 = arith.constant 0 : i32
      %dma_wait3A_403 = arith.constant 0 : i32
      %dma_wait3A_404 = tpu.memref_slice %arg9[%dma_wait3A_402, %dma_wait3A_403] : memref<5x128xi32, #tpu.memory_space<vmem>> -> memref<1x128xi32, #tpu.memory_space<vmem>>
      %dma_wait3A_405 = tpu.memref_squeeze %dma_wait3A_404 : memref<1x128xi32, #tpu.memory_space<vmem>> -> memref<128xi32, #tpu.memory_space<vmem>>
      %dma_wait3A_406 = tpu.memref_slice %arg3[%multiple_of3A_299] : memref<320000xi32, #tpu.memory_space<hbm>> -> memref<128xi32, #tpu.memory_space<hbm>>
      %dma_wait3A_407 = arith.constant 0 : i32
      %dma_wait3A_408 = tpu.memref_slice %arg9[%dma_wait3A_402, %dma_wait3A_407] : memref<5x128xi32, #tpu.memory_space<vmem>> -> memref<1x128xi32, #tpu.memory_space<vmem>>
      %dma_wait3A_409 = tpu.memref_squeeze %dma_wait3A_408 : memref<1x128xi32, #tpu.memory_space<vmem>> -> memref<128xi32, #tpu.memory_space<vmem>>
      %dma_wait3A_410 = tpu.memref_slice %arg3[%multiple_of3A_299] : memref<320000xi32, #tpu.memory_space<hbm>> -> memref<128xi32, #tpu.memory_space<hbm>>
      tpu.wait_dma2 semaphore(%arg15 : memref<!tpu.dma_semaphore, #tpu.memory_space<semaphore_mem>>) src(%dma_wait3A_410 : memref<128xi32, #tpu.memory_space<hbm>>) dst(%dma_wait3A_409 : memref<128xi32, #tpu.memory_space<vmem>>)
      %dma_wait3A_411 = arith.constant 0 : i32
      %dma_wait3A_412 = arith.constant 0 : i32
      %dma_wait3A_413 = tpu.memref_slice %arg10[%dma_wait3A_411, %dma_wait3A_412] : memref<5x128xi32, #tpu.memory_space<vmem>> -> memref<1x128xi32, #tpu.memory_space<vmem>>
      %dma_wait3A_414 = tpu.memref_squeeze %dma_wait3A_413 : memref<1x128xi32, #tpu.memory_space<vmem>> -> memref<128xi32, #tpu.memory_space<vmem>>
      %dma_wait3A_415 = tpu.memref_slice %arg4[%multiple_of3A_299] : memref<320000xi32, #tpu.memory_space<hbm>> -> memref<128xi32, #tpu.memory_space<hbm>>
      %dma_wait3A_416 = arith.constant 0 : i32
      %dma_wait3A_417 = tpu.memref_slice %arg10[%dma_wait3A_411, %dma_wait3A_416] : memref<5x128xi32, #tpu.memory_space<vmem>> -> memref<1x128xi32, #tpu.memory_space<vmem>>
      %dma_wait3A_418 = tpu.memref_squeeze %dma_wait3A_417 : memref<1x128xi32, #tpu.memory_space<vmem>> -> memref<128xi32, #tpu.memory_space<vmem>>
      %dma_wait3A_419 = tpu.memref_slice %arg4[%multiple_of3A_299] : memref<320000xi32, #tpu.memory_space<hbm>> -> memref<128xi32, #tpu.memory_space<hbm>>
      tpu.wait_dma2 semaphore(%arg15 : memref<!tpu.dma_semaphore, #tpu.memory_space<semaphore_mem>>) src(%dma_wait3A_419 : memref<128xi32, #tpu.memory_space<hbm>>) dst(%dma_wait3A_418 : memref<128xi32, #tpu.memory_space<vmem>>)
      %dma_start3A_420 = arith.constant 0 : i32
      %dma_start3A_421 = arith.constant 0 : i32
      %dma_start3A_422 = arith.constant 0 : i32
      %dma_start3A_423 = arith.constant 0 : i32
      %dma_start3A_424 = tpu.memref_slice %arg11[%dma_start3A_421, %dma_start3A_422, %dma_start3A_423] : memref<5x128x32xf32, #tpu.memory_space<vmem>> -> memref<1x128x32xf32, #tpu.memory_space<vmem>>
      %dma_start3A_425 = tpu.memref_squeeze %dma_start3A_424 : memref<1x128x32xf32, #tpu.memory_space<vmem>> -> memref<128x32xf32, #tpu.memory_space<vmem>>
      %dma_start3A_426 = arith.constant 0 : i32
      %dma_start3A_427 = tpu.memref_slice %arg9[%dma_start3A_420, %dma_start3A_426] : memref<5x128xi32, #tpu.memory_space<vmem>> -> memref<1x128xi32, #tpu.memory_space<vmem>>
      %dma_start3A_428 = tpu.memref_squeeze %dma_start3A_427 : memref<1x128xi32, #tpu.memory_space<vmem>> -> memref<128xi32, #tpu.memory_space<vmem>>
      %dma_start3A_429 = arith.constant 0 : i32
      %dma_start3A_430 = arith.constant 0 : i32
      %dma_start3A_431 = tpu.memref_slice %arg7[%dma_start3A_429, %dma_start3A_430] : memref<10000x32xf32, #tpu.memory_space<vmem_shared>> -> memref<10000x32xf32, #tpu.memory_space<vmem_shared>>
      tpu.enqueue_indirect_dma source(%dma_start3A_431 : memref<10000x32xf32, #tpu.memory_space<vmem_shared>>) target(%dma_start3A_425 : memref<128x32xf32, #tpu.memory_space<vmem>>) offsets(%dma_start3A_428 : memref<128xi32, #tpu.memory_space<vmem>>) semaphore(%arg20 : memref<!tpu.dma_semaphore, #tpu.memory_space<semaphore_mem>>)
      %dma_wait3A_432 = arith.constant 1 : i32
      %dma_wait3A_433 = arith.constant 0 : i32
      %dma_wait3A_434 = tpu.memref_slice %arg9[%dma_wait3A_432, %dma_wait3A_433] : memref<5x128xi32, #tpu.memory_space<vmem>> -> memref<1x128xi32, #tpu.memory_space<vmem>>
      %dma_wait3A_435 = tpu.memref_squeeze %dma_wait3A_434 : memref<1x128xi32, #tpu.memory_space<vmem>> -> memref<128xi32, #tpu.memory_space<vmem>>
      %dma_wait3A_436 = tpu.memref_slice %arg3[%multiple_of3A_320] : memref<320000xi32, #tpu.memory_space<hbm>> -> memref<128xi32, #tpu.memory_space<hbm>>
      %dma_wait3A_437 = arith.constant 0 : i32
      %dma_wait3A_438 = tpu.memref_slice %arg9[%dma_wait3A_432, %dma_wait3A_437] : memref<5x128xi32, #tpu.memory_space<vmem>> -> memref<1x128xi32, #tpu.memory_space<vmem>>
      %dma_wait3A_439 = tpu.memref_squeeze %dma_wait3A_438 : memref<1x128xi32, #tpu.memory_space<vmem>> -> memref<128xi32, #tpu.memory_space<vmem>>
      %dma_wait3A_440 = tpu.memref_slice %arg3[%multiple_of3A_320] : memref<320000xi32, #tpu.memory_space<hbm>> -> memref<128xi32, #tpu.memory_space<hbm>>
      tpu.wait_dma2 semaphore(%arg16 : memref<!tpu.dma_semaphore, #tpu.memory_space<semaphore_mem>>) src(%dma_wait3A_440 : memref<128xi32, #tpu.memory_space<hbm>>) dst(%dma_wait3A_439 : memref<128xi32, #tpu.memory_space<vmem>>)
      %dma_wait3A_441 = arith.constant 1 : i32
      %dma_wait3A_442 = arith.constant 0 : i32
      %dma_wait3A_443 = tpu.memref_slice %arg10[%dma_wait3A_441, %dma_wait3A_442] : memref<5x128xi32, #tpu.memory_space<vmem>> -> memref<1x128xi32, #tpu.memory_space<vmem>>
      %dma_wait3A_444 = tpu.memref_squeeze %dma_wait3A_443 : memref<1x128xi32, #tpu.memory_space<vmem>> -> memref<128xi32, #tpu.memory_space<vmem>>
      %dma_wait3A_445 = tpu.memref_slice %arg4[%multiple_of3A_320] : memref<320000xi32, #tpu.memory_space<hbm>> -> memref<128xi32, #tpu.memory_space<hbm>>
      %dma_wait3A_446 = arith.constant 0 : i32
      %dma_wait3A_447 = tpu.memref_slice %arg10[%dma_wait3A_441, %dma_wait3A_446] : memref<5x128xi32, #tpu.memory_space<vmem>> -> memref<1x128xi32, #tpu.memory_space<vmem>>
      %dma_wait3A_448 = tpu.memref_squeeze %dma_wait3A_447 : memref<1x128xi32, #tpu.memory_space<vmem>> -> memref<128xi32, #tpu.memory_space<vmem>>
      %dma_wait3A_449 = tpu.memref_slice %arg4[%multiple_of3A_320] : memref<320000xi32, #tpu.memory_space<hbm>> -> memref<128xi32, #tpu.memory_space<hbm>>
      tpu.wait_dma2 semaphore(%arg16 : memref<!tpu.dma_semaphore, #tpu.memory_space<semaphore_mem>>) src(%dma_wait3A_449 : memref<128xi32, #tpu.memory_space<hbm>>) dst(%dma_wait3A_448 : memref<128xi32, #tpu.memory_space<vmem>>)
      %dma_start3A_450 = arith.constant 1 : i32
      %dma_start3A_451 = arith.constant 1 : i32
      %dma_start3A_452 = arith.constant 0 : i32
      %dma_start3A_453 = arith.constant 0 : i32
      %dma_start3A_454 = tpu.memref_slice %arg11[%dma_start3A_451, %dma_start3A_452, %dma_start3A_453] : memref<5x128x32xf32, #tpu.memory_space<vmem>> -> memref<1x128x32xf32, #tpu.memory_space<vmem>>
      %dma_start3A_455 = tpu.memref_squeeze %dma_start3A_454 : memref<1x128x32xf32, #tpu.memory_space<vmem>> -> memref<128x32xf32, #tpu.memory_space<vmem>>
      %dma_start3A_456 = arith.constant 0 : i32
      %dma_start3A_457 = tpu.memref_slice %arg9[%dma_start3A_450, %dma_start3A_456] : memref<5x128xi32, #tpu.memory_space<vmem>> -> memref<1x128xi32, #tpu.memory_space<vmem>>
      %dma_start3A_458 = tpu.memref_squeeze %dma_start3A_457 : memref<1x128xi32, #tpu.memory_space<vmem>> -> memref<128xi32, #tpu.memory_space<vmem>>
      %dma_start3A_459 = arith.constant 0 : i32
      %dma_start3A_460 = arith.constant 0 : i32
      %dma_start3A_461 = tpu.memref_slice %arg7[%dma_start3A_459, %dma_start3A_460] : memref<10000x32xf32, #tpu.memory_space<vmem_shared>> -> memref<10000x32xf32, #tpu.memory_space<vmem_shared>>
      tpu.enqueue_indirect_dma source(%dma_start3A_461 : memref<10000x32xf32, #tpu.memory_space<vmem_shared>>) target(%dma_start3A_455 : memref<128x32xf32, #tpu.memory_space<vmem>>) offsets(%dma_start3A_458 : memref<128xi32, #tpu.memory_space<vmem>>) semaphore(%arg21 : memref<!tpu.dma_semaphore, #tpu.memory_space<semaphore_mem>>)
      %dma_wait3A_462 = arith.constant 2 : i32
      %dma_wait3A_463 = arith.constant 0 : i32
      %dma_wait3A_464 = tpu.memref_slice %arg9[%dma_wait3A_462, %dma_wait3A_463] : memref<5x128xi32, #tpu.memory_space<vmem>> -> memref<1x128xi32, #tpu.memory_space<vmem>>
      %dma_wait3A_465 = tpu.memref_squeeze %dma_wait3A_464 : memref<1x128xi32, #tpu.memory_space<vmem>> -> memref<128xi32, #tpu.memory_space<vmem>>
      %dma_wait3A_466 = tpu.memref_slice %arg3[%multiple_of3A_341] : memref<320000xi32, #tpu.memory_space<hbm>> -> memref<128xi32, #tpu.memory_space<hbm>>
      %dma_wait3A_467 = arith.constant 0 : i32
      %dma_wait3A_468 = tpu.memref_slice %arg9[%dma_wait3A_462, %dma_wait3A_467] : memref<5x128xi32, #tpu.memory_space<vmem>> -> memref<1x128xi32, #tpu.memory_space<vmem>>
      %dma_wait3A_469 = tpu.memref_squeeze %dma_wait3A_468 : memref<1x128xi32, #tpu.memory_space<vmem>> -> memref<128xi32, #tpu.memory_space<vmem>>
      %dma_wait3A_470 = tpu.memref_slice %arg3[%multiple_of3A_341] : memref<320000xi32, #tpu.memory_space<hbm>> -> memref<128xi32, #tpu.memory_space<hbm>>
      tpu.wait_dma2 semaphore(%arg17 : memref<!tpu.dma_semaphore, #tpu.memory_space<semaphore_mem>>) src(%dma_wait3A_470 : memref<128xi32, #tpu.memory_space<hbm>>) dst(%dma_wait3A_469 : memref<128xi32, #tpu.memory_space<vmem>>)
      %dma_wait3A_471 = arith.constant 2 : i32
      %dma_wait3A_472 = arith.constant 0 : i32
      %dma_wait3A_473 = tpu.memref_slice %arg10[%dma_wait3A_471, %dma_wait3A_472] : memref<5x128xi32, #tpu.memory_space<vmem>> -> memref<1x128xi32, #tpu.memory_space<vmem>>
      %dma_wait3A_474 = tpu.memref_squeeze %dma_wait3A_473 : memref<1x128xi32, #tpu.memory_space<vmem>> -> memref<128xi32, #tpu.memory_space<vmem>>
      %dma_wait3A_475 = tpu.memref_slice %arg4[%multiple_of3A_341] : memref<320000xi32, #tpu.memory_space<hbm>> -> memref<128xi32, #tpu.memory_space<hbm>>
      %dma_wait3A_476 = arith.constant 0 : i32
      %dma_wait3A_477 = tpu.memref_slice %arg10[%dma_wait3A_471, %dma_wait3A_476] : memref<5x128xi32, #tpu.memory_space<vmem>> -> memref<1x128xi32, #tpu.memory_space<vmem>>
      %dma_wait3A_478 = tpu.memref_squeeze %dma_wait3A_477 : memref<1x128xi32, #tpu.memory_space<vmem>> -> memref<128xi32, #tpu.memory_space<vmem>>
      %dma_wait3A_479 = tpu.memref_slice %arg4[%multiple_of3A_341] : memref<320000xi32, #tpu.memory_space<hbm>> -> memref<128xi32, #tpu.memory_space<hbm>>
      tpu.wait_dma2 semaphore(%arg17 : memref<!tpu.dma_semaphore, #tpu.memory_space<semaphore_mem>>) src(%dma_wait3A_479 : memref<128xi32, #tpu.memory_space<hbm>>) dst(%dma_wait3A_478 : memref<128xi32, #tpu.memory_space<vmem>>)
      %dma_start3A_480 = arith.constant 2 : i32
      %dma_start3A_481 = arith.constant 2 : i32
      %dma_start3A_482 = arith.constant 0 : i32
      %dma_start3A_483 = arith.constant 0 : i32
      %dma_start3A_484 = tpu.memref_slice %arg11[%dma_start3A_481, %dma_start3A_482, %dma_start3A_483] : memref<5x128x32xf32, #tpu.memory_space<vmem>> -> memref<1x128x32xf32, #tpu.memory_space<vmem>>
      %dma_start3A_485 = tpu.memref_squeeze %dma_start3A_484 : memref<1x128x32xf32, #tpu.memory_space<vmem>> -> memref<128x32xf32, #tpu.memory_space<vmem>>
      %dma_start3A_486 = arith.constant 0 : i32
      %dma_start3A_487 = tpu.memref_slice %arg9[%dma_start3A_480, %dma_start3A_486] : memref<5x128xi32, #tpu.memory_space<vmem>> -> memref<1x128xi32, #tpu.memory_space<vmem>>
      %dma_start3A_488 = tpu.memref_squeeze %dma_start3A_487 : memref<1x128xi32, #tpu.memory_space<vmem>> -> memref<128xi32, #tpu.memory_space<vmem>>
      %dma_start3A_489 = arith.constant 0 : i32
      %dma_start3A_490 = arith.constant 0 : i32
      %dma_start3A_491 = tpu.memref_slice %arg7[%dma_start3A_489, %dma_start3A_490] : memref<10000x32xf32, #tpu.memory_space<vmem_shared>> -> memref<10000x32xf32, #tpu.memory_space<vmem_shared>>
      tpu.enqueue_indirect_dma source(%dma_start3A_491 : memref<10000x32xf32, #tpu.memory_space<vmem_shared>>) target(%dma_start3A_485 : memref<128x32xf32, #tpu.memory_space<vmem>>) offsets(%dma_start3A_488 : memref<128xi32, #tpu.memory_space<vmem>>) semaphore(%arg22 : memref<!tpu.dma_semaphore, #tpu.memory_space<semaphore_mem>>)
      %dma_wait3A_492 = arith.constant 3 : i32
      %dma_wait3A_493 = arith.constant 0 : i32
      %dma_wait3A_494 = tpu.memref_slice %arg9[%dma_wait3A_492, %dma_wait3A_493] : memref<5x128xi32, #tpu.memory_space<vmem>> -> memref<1x128xi32, #tpu.memory_space<vmem>>
      %dma_wait3A_495 = tpu.memref_squeeze %dma_wait3A_494 : memref<1x128xi32, #tpu.memory_space<vmem>> -> memref<128xi32, #tpu.memory_space<vmem>>
      %dma_wait3A_496 = tpu.memref_slice %arg3[%multiple_of3A_362] : memref<320000xi32, #tpu.memory_space<hbm>> -> memref<128xi32, #tpu.memory_space<hbm>>
      %dma_wait3A_497 = arith.constant 0 : i32
      %dma_wait3A_498 = tpu.memref_slice %arg9[%dma_wait3A_492, %dma_wait3A_497] : memref<5x128xi32, #tpu.memory_space<vmem>> -> memref<1x128xi32, #tpu.memory_space<vmem>>
      %dma_wait3A_499 = tpu.memref_squeeze %dma_wait3A_498 : memref<1x128xi32, #tpu.memory_space<vmem>> -> memref<128xi32, #tpu.memory_space<vmem>>
      %dma_wait3A_500 = tpu.memref_slice %arg3[%multiple_of3A_362] : memref<320000xi32, #tpu.memory_space<hbm>> -> memref<128xi32, #tpu.memory_space<hbm>>
      tpu.wait_dma2 semaphore(%arg18 : memref<!tpu.dma_semaphore, #tpu.memory_space<semaphore_mem>>) src(%dma_wait3A_500 : memref<128xi32, #tpu.memory_space<hbm>>) dst(%dma_wait3A_499 : memref<128xi32, #tpu.memory_space<vmem>>)
      %dma_wait3A_501 = arith.constant 3 : i32
      %dma_wait3A_502 = arith.constant 0 : i32
      %dma_wait3A_503 = tpu.memref_slice %arg10[%dma_wait3A_501, %dma_wait3A_502] : memref<5x128xi32, #tpu.memory_space<vmem>> -> memref<1x128xi32, #tpu.memory_space<vmem>>
      %dma_wait3A_504 = tpu.memref_squeeze %dma_wait3A_503 : memref<1x128xi32, #tpu.memory_space<vmem>> -> memref<128xi32, #tpu.memory_space<vmem>>
      %dma_wait3A_505 = tpu.memref_slice %arg4[%multiple_of3A_362] : memref<320000xi32, #tpu.memory_space<hbm>> -> memref<128xi32, #tpu.memory_space<hbm>>
      %dma_wait3A_506 = arith.constant 0 : i32
      %dma_wait3A_507 = tpu.memref_slice %arg10[%dma_wait3A_501, %dma_wait3A_506] : memref<5x128xi32, #tpu.memory_space<vmem>> -> memref<1x128xi32, #tpu.memory_space<vmem>>
      %dma_wait3A_508 = tpu.memref_squeeze %dma_wait3A_507 : memref<1x128xi32, #tpu.memory_space<vmem>> -> memref<128xi32, #tpu.memory_space<vmem>>
      %dma_wait3A_509 = tpu.memref_slice %arg4[%multiple_of3A_362] : memref<320000xi32, #tpu.memory_space<hbm>> -> memref<128xi32, #tpu.memory_space<hbm>>
      tpu.wait_dma2 semaphore(%arg18 : memref<!tpu.dma_semaphore, #tpu.memory_space<semaphore_mem>>) src(%dma_wait3A_509 : memref<128xi32, #tpu.memory_space<hbm>>) dst(%dma_wait3A_508 : memref<128xi32, #tpu.memory_space<vmem>>)
      %dma_start3A_510 = arith.constant 3 : i32
      %dma_start3A_511 = arith.constant 3 : i32
      %dma_start3A_512 = arith.constant 0 : i32
      %dma_start3A_513 = arith.constant 0 : i32
      %dma_start3A_514 = tpu.memref_slice %arg11[%dma_start3A_511, %dma_start3A_512, %dma_start3A_513] : memref<5x128x32xf32, #tpu.memory_space<vmem>> -> memref<1x128x32xf32, #tpu.memory_space<vmem>>
      %dma_start3A_515 = tpu.memref_squeeze %dma_start3A_514 : memref<1x128x32xf32, #tpu.memory_space<vmem>> -> memref<128x32xf32, #tpu.memory_space<vmem>>
      %dma_start3A_516 = arith.constant 0 : i32
      %dma_start3A_517 = tpu.memref_slice %arg9[%dma_start3A_510, %dma_start3A_516] : memref<5x128xi32, #tpu.memory_space<vmem>> -> memref<1x128xi32, #tpu.memory_space<vmem>>
      %dma_start3A_518 = tpu.memref_squeeze %dma_start3A_517 : memref<1x128xi32, #tpu.memory_space<vmem>> -> memref<128xi32, #tpu.memory_space<vmem>>
      %dma_start3A_519 = arith.constant 0 : i32
      %dma_start3A_520 = arith.constant 0 : i32
      %dma_start3A_521 = tpu.memref_slice %arg7[%dma_start3A_519, %dma_start3A_520] : memref<10000x32xf32, #tpu.memory_space<vmem_shared>> -> memref<10000x32xf32, #tpu.memory_space<vmem_shared>>
      tpu.enqueue_indirect_dma source(%dma_start3A_521 : memref<10000x32xf32, #tpu.memory_space<vmem_shared>>) target(%dma_start3A_515 : memref<128x32xf32, #tpu.memory_space<vmem>>) offsets(%dma_start3A_518 : memref<128xi32, #tpu.memory_space<vmem>>) semaphore(%arg23 : memref<!tpu.dma_semaphore, #tpu.memory_space<semaphore_mem>>)
      %dma_wait3A_522 = arith.constant 4 : i32
      %dma_wait3A_523 = arith.constant 0 : i32
      %dma_wait3A_524 = tpu.memref_slice %arg9[%dma_wait3A_522, %dma_wait3A_523] : memref<5x128xi32, #tpu.memory_space<vmem>> -> memref<1x128xi32, #tpu.memory_space<vmem>>
      %dma_wait3A_525 = tpu.memref_squeeze %dma_wait3A_524 : memref<1x128xi32, #tpu.memory_space<vmem>> -> memref<128xi32, #tpu.memory_space<vmem>>
      %dma_wait3A_526 = tpu.memref_slice %arg3[%multiple_of3A_383] : memref<320000xi32, #tpu.memory_space<hbm>> -> memref<128xi32, #tpu.memory_space<hbm>>
      %dma_wait3A_527 = arith.constant 0 : i32
      %dma_wait3A_528 = tpu.memref_slice %arg9[%dma_wait3A_522, %dma_wait3A_527] : memref<5x128xi32, #tpu.memory_space<vmem>> -> memref<1x128xi32, #tpu.memory_space<vmem>>
      %dma_wait3A_529 = tpu.memref_squeeze %dma_wait3A_528 : memref<1x128xi32, #tpu.memory_space<vmem>> -> memref<128xi32, #tpu.memory_space<vmem>>
      %dma_wait3A_530 = tpu.memref_slice %arg3[%multiple_of3A_383] : memref<320000xi32, #tpu.memory_space<hbm>> -> memref<128xi32, #tpu.memory_space<hbm>>
      tpu.wait_dma2 semaphore(%arg19 : memref<!tpu.dma_semaphore, #tpu.memory_space<semaphore_mem>>) src(%dma_wait3A_530 : memref<128xi32, #tpu.memory_space<hbm>>) dst(%dma_wait3A_529 : memref<128xi32, #tpu.memory_space<vmem>>)
      %dma_wait3A_531 = arith.constant 4 : i32
      %dma_wait3A_532 = arith.constant 0 : i32
      %dma_wait3A_533 = tpu.memref_slice %arg10[%dma_wait3A_531, %dma_wait3A_532] : memref<5x128xi32, #tpu.memory_space<vmem>> -> memref<1x128xi32, #tpu.memory_space<vmem>>
      %dma_wait3A_534 = tpu.memref_squeeze %dma_wait3A_533 : memref<1x128xi32, #tpu.memory_space<vmem>> -> memref<128xi32, #tpu.memory_space<vmem>>
      %dma_wait3A_535 = tpu.memref_slice %arg4[%multiple_of3A_383] : memref<320000xi32, #tpu.memory_space<hbm>> -> memref<128xi32, #tpu.memory_space<hbm>>
      %dma_wait3A_536 = arith.constant 0 : i32
      %dma_wait3A_537 = tpu.memref_slice %arg10[%dma_wait3A_531, %dma_wait3A_536] : memref<5x128xi32, #tpu.memory_space<vmem>> -> memref<1x128xi32, #tpu.memory_space<vmem>>
      %dma_wait3A_538 = tpu.memref_squeeze %dma_wait3A_537 : memref<1x128xi32, #tpu.memory_space<vmem>> -> memref<128xi32, #tpu.memory_space<vmem>>
      %dma_wait3A_539 = tpu.memref_slice %arg4[%multiple_of3A_383] : memref<320000xi32, #tpu.memory_space<hbm>> -> memref<128xi32, #tpu.memory_space<hbm>>
      tpu.wait_dma2 semaphore(%arg19 : memref<!tpu.dma_semaphore, #tpu.memory_space<semaphore_mem>>) src(%dma_wait3A_539 : memref<128xi32, #tpu.memory_space<hbm>>) dst(%dma_wait3A_538 : memref<128xi32, #tpu.memory_space<vmem>>)
      %dma_start3A_540 = arith.constant 4 : i32
      %dma_start3A_541 = arith.constant 4 : i32
      %dma_start3A_542 = arith.constant 0 : i32
      %dma_start3A_543 = arith.constant 0 : i32
      %dma_start3A_544 = tpu.memref_slice %arg11[%dma_start3A_541, %dma_start3A_542, %dma_start3A_543] : memref<5x128x32xf32, #tpu.memory_space<vmem>> -> memref<1x128x32xf32, #tpu.memory_space<vmem>>
      %dma_start3A_545 = tpu.memref_squeeze %dma_start3A_544 : memref<1x128x32xf32, #tpu.memory_space<vmem>> -> memref<128x32xf32, #tpu.memory_space<vmem>>
      %dma_start3A_546 = arith.constant 0 : i32
      %dma_start3A_547 = tpu.memref_slice %arg9[%dma_start3A_540, %dma_start3A_546] : memref<5x128xi32, #tpu.memory_space<vmem>> -> memref<1x128xi32, #tpu.memory_space<vmem>>
      %dma_start3A_548 = tpu.memref_squeeze %dma_start3A_547 : memref<1x128xi32, #tpu.memory_space<vmem>> -> memref<128xi32, #tpu.memory_space<vmem>>
      %dma_start3A_549 = arith.constant 0 : i32
      %dma_start3A_550 = arith.constant 0 : i32
      %dma_start3A_551 = tpu.memref_slice %arg7[%dma_start3A_549, %dma_start3A_550] : memref<10000x32xf32, #tpu.memory_space<vmem_shared>> -> memref<10000x32xf32, #tpu.memory_space<vmem_shared>>
      tpu.enqueue_indirect_dma source(%dma_start3A_551 : memref<10000x32xf32, #tpu.memory_space<vmem_shared>>) target(%dma_start3A_545 : memref<128x32xf32, #tpu.memory_space<vmem>>) offsets(%dma_start3A_548 : memref<128xi32, #tpu.memory_space<vmem>>) semaphore(%arg24 : memref<!tpu.dma_semaphore, #tpu.memory_space<semaphore_mem>>)
      %dma_wait3A_552 = arith.constant 0 : i32
      %dma_wait3A_553 = arith.constant 0 : i32
      %dma_wait3A_554 = arith.constant 0 : i32
      %dma_wait3A_555 = arith.constant 0 : i32
      %dma_wait3A_556 = tpu.memref_slice %arg11[%dma_wait3A_553, %dma_wait3A_554, %dma_wait3A_555] : memref<5x128x32xf32, #tpu.memory_space<vmem>> -> memref<1x128x32xf32, #tpu.memory_space<vmem>>
      %dma_wait3A_557 = tpu.memref_squeeze %dma_wait3A_556 : memref<1x128x32xf32, #tpu.memory_space<vmem>> -> memref<128x32xf32, #tpu.memory_space<vmem>>
      %dma_wait3A_558 = arith.constant 0 : i32
      %dma_wait3A_559 = tpu.memref_slice %arg9[%dma_wait3A_552, %dma_wait3A_558] : memref<5x128xi32, #tpu.memory_space<vmem>> -> memref<1x128xi32, #tpu.memory_space<vmem>>
      %dma_wait3A_560 = tpu.memref_squeeze %dma_wait3A_559 : memref<1x128xi32, #tpu.memory_space<vmem>> -> memref<128xi32, #tpu.memory_space<vmem>>
      %dma_wait3A_561 = arith.constant 0 : i32
      %dma_wait3A_562 = arith.constant 0 : i32
      %dma_wait3A_563 = tpu.memref_slice %arg7[%dma_wait3A_561, %dma_wait3A_562] : memref<10000x32xf32, #tpu.memory_space<vmem_shared>> -> memref<10000x32xf32, #tpu.memory_space<vmem_shared>>
      tpu.wait_indirect_dma semaphore(%arg20 : memref<!tpu.dma_semaphore, #tpu.memory_space<semaphore_mem>>) src(%dma_wait3A_563 : memref<10000x32xf32, #tpu.memory_space<vmem_shared>>) dst(%dma_wait3A_557 : memref<128x32xf32, #tpu.memory_space<vmem>>)
      %dma_wait3A_564 = arith.constant 1 : i32
      %dma_wait3A_565 = arith.constant 1 : i32
      %dma_wait3A_566 = arith.constant 0 : i32
      %dma_wait3A_567 = arith.constant 0 : i32
      %dma_wait3A_568 = tpu.memref_slice %arg11[%dma_wait3A_565, %dma_wait3A_566, %dma_wait3A_567] : memref<5x128x32xf32, #tpu.memory_space<vmem>> -> memref<1x128x32xf32, #tpu.memory_space<vmem>>
      %dma_wait3A_569 = tpu.memref_squeeze %dma_wait3A_568 : memref<1x128x32xf32, #tpu.memory_space<vmem>> -> memref<128x32xf32, #tpu.memory_space<vmem>>
      %dma_wait3A_570 = arith.constant 0 : i32
      %dma_wait3A_571 = tpu.memref_slice %arg9[%dma_wait3A_564, %dma_wait3A_570] : memref<5x128xi32, #tpu.memory_space<vmem>> -> memref<1x128xi32, #tpu.memory_space<vmem>>
      %dma_wait3A_572 = tpu.memref_squeeze %dma_wait3A_571 : memref<1x128xi32, #tpu.memory_space<vmem>> -> memref<128xi32, #tpu.memory_space<vmem>>
      %dma_wait3A_573 = arith.constant 0 : i32
      %dma_wait3A_574 = arith.constant 0 : i32
      %dma_wait3A_575 = tpu.memref_slice %arg7[%dma_wait3A_573, %dma_wait3A_574] : memref<10000x32xf32, #tpu.memory_space<vmem_shared>> -> memref<10000x32xf32, #tpu.memory_space<vmem_shared>>
      tpu.wait_indirect_dma semaphore(%arg21 : memref<!tpu.dma_semaphore, #tpu.memory_space<semaphore_mem>>) src(%dma_wait3A_575 : memref<10000x32xf32, #tpu.memory_space<vmem_shared>>) dst(%dma_wait3A_569 : memref<128x32xf32, #tpu.memory_space<vmem>>)
      %dma_wait3A_576 = arith.constant 2 : i32
      %dma_wait3A_577 = arith.constant 2 : i32
      %dma_wait3A_578 = arith.constant 0 : i32
      %dma_wait3A_579 = arith.constant 0 : i32
      %dma_wait3A_580 = tpu.memref_slice %arg11[%dma_wait3A_577, %dma_wait3A_578, %dma_wait3A_579] : memref<5x128x32xf32, #tpu.memory_space<vmem>> -> memref<1x128x32xf32, #tpu.memory_space<vmem>>
      %dma_wait3A_581 = tpu.memref_squeeze %dma_wait3A_580 : memref<1x128x32xf32, #tpu.memory_space<vmem>> -> memref<128x32xf32, #tpu.memory_space<vmem>>
      %dma_wait3A_582 = arith.constant 0 : i32
      %dma_wait3A_583 = tpu.memref_slice %arg9[%dma_wait3A_576, %dma_wait3A_582] : memref<5x128xi32, #tpu.memory_space<vmem>> -> memref<1x128xi32, #tpu.memory_space<vmem>>
      %dma_wait3A_584 = tpu.memref_squeeze %dma_wait3A_583 : memref<1x128xi32, #tpu.memory_space<vmem>> -> memref<128xi32, #tpu.memory_space<vmem>>
      %dma_wait3A_585 = arith.constant 0 : i32
      %dma_wait3A_586 = arith.constant 0 : i32
      %dma_wait3A_587 = tpu.memref_slice %arg7[%dma_wait3A_585, %dma_wait3A_586] : memref<10000x32xf32, #tpu.memory_space<vmem_shared>> -> memref<10000x32xf32, #tpu.memory_space<vmem_shared>>
      tpu.wait_indirect_dma semaphore(%arg22 : memref<!tpu.dma_semaphore, #tpu.memory_space<semaphore_mem>>) src(%dma_wait3A_587 : memref<10000x32xf32, #tpu.memory_space<vmem_shared>>) dst(%dma_wait3A_581 : memref<128x32xf32, #tpu.memory_space<vmem>>)
      %dma_wait3A_588 = arith.constant 3 : i32
      %dma_wait3A_589 = arith.constant 3 : i32
      %dma_wait3A_590 = arith.constant 0 : i32
      %dma_wait3A_591 = arith.constant 0 : i32
      %dma_wait3A_592 = tpu.memref_slice %arg11[%dma_wait3A_589, %dma_wait3A_590, %dma_wait3A_591] : memref<5x128x32xf32, #tpu.memory_space<vmem>> -> memref<1x128x32xf32, #tpu.memory_space<vmem>>
      %dma_wait3A_593 = tpu.memref_squeeze %dma_wait3A_592 : memref<1x128x32xf32, #tpu.memory_space<vmem>> -> memref<128x32xf32, #tpu.memory_space<vmem>>
      %dma_wait3A_594 = arith.constant 0 : i32
      %dma_wait3A_595 = tpu.memref_slice %arg9[%dma_wait3A_588, %dma_wait3A_594] : memref<5x128xi32, #tpu.memory_space<vmem>> -> memref<1x128xi32, #tpu.memory_space<vmem>>
      %dma_wait3A_596 = tpu.memref_squeeze %dma_wait3A_595 : memref<1x128xi32, #tpu.memory_space<vmem>> -> memref<128xi32, #tpu.memory_space<vmem>>
      %dma_wait3A_597 = arith.constant 0 : i32
      %dma_wait3A_598 = arith.constant 0 : i32
      %dma_wait3A_599 = tpu.memref_slice %arg7[%dma_wait3A_597, %dma_wait3A_598] : memref<10000x32xf32, #tpu.memory_space<vmem_shared>> -> memref<10000x32xf32, #tpu.memory_space<vmem_shared>>
      tpu.wait_indirect_dma semaphore(%arg23 : memref<!tpu.dma_semaphore, #tpu.memory_space<semaphore_mem>>) src(%dma_wait3A_599 : memref<10000x32xf32, #tpu.memory_space<vmem_shared>>) dst(%dma_wait3A_593 : memref<128x32xf32, #tpu.memory_space<vmem>>)
      %dma_wait3A_600 = arith.constant 4 : i32
      %dma_wait3A_601 = arith.constant 4 : i32
      %dma_wait3A_602 = arith.constant 0 : i32
      %dma_wait3A_603 = arith.constant 0 : i32
      %dma_wait3A_604 = tpu.memref_slice %arg11[%dma_wait3A_601, %dma_wait3A_602, %dma_wait3A_603] : memref<5x128x32xf32, #tpu.memory_space<vmem>> -> memref<1x128x32xf32, #tpu.memory_space<vmem>>
      %dma_wait3A_605 = tpu.memref_squeeze %dma_wait3A_604 : memref<1x128x32xf32, #tpu.memory_space<vmem>> -> memref<128x32xf32, #tpu.memory_space<vmem>>
      %dma_wait3A_606 = arith.constant 0 : i32
      %dma_wait3A_607 = tpu.memref_slice %arg9[%dma_wait3A_600, %dma_wait3A_606] : memref<5x128xi32, #tpu.memory_space<vmem>> -> memref<1x128xi32, #tpu.memory_space<vmem>>
      %dma_wait3A_608 = tpu.memref_squeeze %dma_wait3A_607 : memref<1x128xi32, #tpu.memory_space<vmem>> -> memref<128xi32, #tpu.memory_space<vmem>>
      %dma_wait3A_609 = arith.constant 0 : i32
      %dma_wait3A_610 = arith.constant 0 : i32
      %dma_wait3A_611 = tpu.memref_slice %arg7[%dma_wait3A_609, %dma_wait3A_610] : memref<10000x32xf32, #tpu.memory_space<vmem_shared>> -> memref<10000x32xf32, #tpu.memory_space<vmem_shared>>
      tpu.wait_indirect_dma semaphore(%arg24 : memref<!tpu.dma_semaphore, #tpu.memory_space<semaphore_mem>>) src(%dma_wait3A_611 : memref<10000x32xf32, #tpu.memory_space<vmem_shared>>) dst(%dma_wait3A_605 : memref<128x32xf32, #tpu.memory_space<vmem>>)
      %dma_start3A_612 = arith.constant 0 : i32
      %dma_start3A_613 = arith.constant 0 : i32
      %dma_start3A_614 = arith.constant 0 : i32
      %dma_start3A_615 = arith.constant 0 : i32
      %dma_start3A_616 = tpu.memref_slice %arg11[%dma_start3A_612, %dma_start3A_614, %dma_start3A_615] : memref<5x128x32xf32, #tpu.memory_space<vmem>> -> memref<1x128x32xf32, #tpu.memory_space<vmem>>
      %dma_start3A_617 = tpu.memref_squeeze %dma_start3A_616 : memref<1x128x32xf32, #tpu.memory_space<vmem>> -> memref<128x32xf32, #tpu.memory_space<vmem>>
      %dma_start3A_618 = arith.constant 0 : i32
      %dma_start3A_619 = tpu.memref_slice %arg10[%dma_start3A_613, %dma_start3A_618] : memref<5x128xi32, #tpu.memory_space<vmem>> -> memref<1x128xi32, #tpu.memory_space<vmem>>
      %dma_start3A_620 = tpu.memref_squeeze %dma_start3A_619 : memref<1x128xi32, #tpu.memory_space<vmem>> -> memref<128xi32, #tpu.memory_space<vmem>>
      %dma_start3A_621 = arith.constant 0 : i32
      %dma_start3A_622 = arith.constant 0 : i32
      %dma_start3A_623 = tpu.memref_slice %arg8[%dma_start3A_621, %dma_start3A_622] : memref<10000x32xf32, #tpu.memory_space<vmem_shared>> -> memref<10000x32xf32, #tpu.memory_space<vmem_shared>>
      tpu.enqueue_indirect_dma source(%dma_start3A_617 : memref<128x32xf32, #tpu.memory_space<vmem>>) target(%dma_start3A_623 : memref<10000x32xf32, #tpu.memory_space<vmem_shared>>) offsets(%dma_start3A_620 : memref<128xi32, #tpu.memory_space<vmem>>) semaphore(%arg25 : memref<!tpu.dma_semaphore, #tpu.memory_space<semaphore_mem>>) {add = true}
      %dma_start3A_624 = arith.constant 1 : i32
      %dma_start3A_625 = arith.constant 1 : i32
      %dma_start3A_626 = arith.constant 0 : i32
      %dma_start3A_627 = arith.constant 0 : i32
      %dma_start3A_628 = tpu.memref_slice %arg11[%dma_start3A_624, %dma_start3A_626, %dma_start3A_627] : memref<5x128x32xf32, #tpu.memory_space<vmem>> -> memref<1x128x32xf32, #tpu.memory_space<vmem>>
      %dma_start3A_629 = tpu.memref_squeeze %dma_start3A_628 : memref<1x128x32xf32, #tpu.memory_space<vmem>> -> memref<128x32xf32, #tpu.memory_space<vmem>>
      %dma_start3A_630 = arith.constant 0 : i32
      %dma_start3A_631 = tpu.memref_slice %arg10[%dma_start3A_625, %dma_start3A_630] : memref<5x128xi32, #tpu.memory_space<vmem>> -> memref<1x128xi32, #tpu.memory_space<vmem>>
      %dma_start3A_632 = tpu.memref_squeeze %dma_start3A_631 : memref<1x128xi32, #tpu.memory_space<vmem>> -> memref<128xi32, #tpu.memory_space<vmem>>
      %dma_start3A_633 = arith.constant 0 : i32
      %dma_start3A_634 = arith.constant 0 : i32
      %dma_start3A_635 = tpu.memref_slice %arg8[%dma_start3A_633, %dma_start3A_634] : memref<10000x32xf32, #tpu.memory_space<vmem_shared>> -> memref<10000x32xf32, #tpu.memory_space<vmem_shared>>
      tpu.enqueue_indirect_dma source(%dma_start3A_629 : memref<128x32xf32, #tpu.memory_space<vmem>>) target(%dma_start3A_635 : memref<10000x32xf32, #tpu.memory_space<vmem_shared>>) offsets(%dma_start3A_632 : memref<128xi32, #tpu.memory_space<vmem>>) semaphore(%arg26 : memref<!tpu.dma_semaphore, #tpu.memory_space<semaphore_mem>>) {add = true}
      %dma_start3A_636 = arith.constant 2 : i32
      %dma_start3A_637 = arith.constant 2 : i32
      %dma_start3A_638 = arith.constant 0 : i32
      %dma_start3A_639 = arith.constant 0 : i32
      %dma_start3A_640 = tpu.memref_slice %arg11[%dma_start3A_636, %dma_start3A_638, %dma_start3A_639] : memref<5x128x32xf32, #tpu.memory_space<vmem>> -> memref<1x128x32xf32, #tpu.memory_space<vmem>>
      %dma_start3A_641 = tpu.memref_squeeze %dma_start3A_640 : memref<1x128x32xf32, #tpu.memory_space<vmem>> -> memref<128x32xf32, #tpu.memory_space<vmem>>
      %dma_start3A_642 = arith.constant 0 : i32
      %dma_start3A_643 = tpu.memref_slice %arg10[%dma_start3A_637, %dma_start3A_642] : memref<5x128xi32, #tpu.memory_space<vmem>> -> memref<1x128xi32, #tpu.memory_space<vmem>>
      %dma_start3A_644 = tpu.memref_squeeze %dma_start3A_643 : memref<1x128xi32, #tpu.memory_space<vmem>> -> memref<128xi32, #tpu.memory_space<vmem>>
      %dma_start3A_645 = arith.constant 0 : i32
      %dma_start3A_646 = arith.constant 0 : i32
      %dma_start3A_647 = tpu.memref_slice %arg8[%dma_start3A_645, %dma_start3A_646] : memref<10000x32xf32, #tpu.memory_space<vmem_shared>> -> memref<10000x32xf32, #tpu.memory_space<vmem_shared>>
      tpu.enqueue_indirect_dma source(%dma_start3A_641 : memref<128x32xf32, #tpu.memory_space<vmem>>) target(%dma_start3A_647 : memref<10000x32xf32, #tpu.memory_space<vmem_shared>>) offsets(%dma_start3A_644 : memref<128xi32, #tpu.memory_space<vmem>>) semaphore(%arg27 : memref<!tpu.dma_semaphore, #tpu.memory_space<semaphore_mem>>) {add = true}
      %dma_start3A_648 = arith.constant 3 : i32
      %dma_start3A_649 = arith.constant 3 : i32
      %dma_start3A_650 = arith.constant 0 : i32
      %dma_start3A_651 = arith.constant 0 : i32
      %dma_start3A_652 = tpu.memref_slice %arg11[%dma_start3A_648, %dma_start3A_650, %dma_start3A_651] : memref<5x128x32xf32, #tpu.memory_space<vmem>> -> memref<1x128x32xf32, #tpu.memory_space<vmem>>
      %dma_start3A_653 = tpu.memref_squeeze %dma_start3A_652 : memref<1x128x32xf32, #tpu.memory_space<vmem>> -> memref<128x32xf32, #tpu.memory_space<vmem>>
      %dma_start3A_654 = arith.constant 0 : i32
      %dma_start3A_655 = tpu.memref_slice %arg10[%dma_start3A_649, %dma_start3A_654] : memref<5x128xi32, #tpu.memory_space<vmem>> -> memref<1x128xi32, #tpu.memory_space<vmem>>
      %dma_start3A_656 = tpu.memref_squeeze %dma_start3A_655 : memref<1x128xi32, #tpu.memory_space<vmem>> -> memref<128xi32, #tpu.memory_space<vmem>>
      %dma_start3A_657 = arith.constant 0 : i32
      %dma_start3A_658 = arith.constant 0 : i32
      %dma_start3A_659 = tpu.memref_slice %arg8[%dma_start3A_657, %dma_start3A_658] : memref<10000x32xf32, #tpu.memory_space<vmem_shared>> -> memref<10000x32xf32, #tpu.memory_space<vmem_shared>>
      tpu.enqueue_indirect_dma source(%dma_start3A_653 : memref<128x32xf32, #tpu.memory_space<vmem>>) target(%dma_start3A_659 : memref<10000x32xf32, #tpu.memory_space<vmem_shared>>) offsets(%dma_start3A_656 : memref<128xi32, #tpu.memory_space<vmem>>) semaphore(%arg28 : memref<!tpu.dma_semaphore, #tpu.memory_space<semaphore_mem>>) {add = true}
      %dma_start3A_660 = arith.constant 4 : i32
      %dma_start3A_661 = arith.constant 4 : i32
      %dma_start3A_662 = arith.constant 0 : i32
      %dma_start3A_663 = arith.constant 0 : i32
      %dma_start3A_664 = tpu.memref_slice %arg11[%dma_start3A_660, %dma_start3A_662, %dma_start3A_663] : memref<5x128x32xf32, #tpu.memory_space<vmem>> -> memref<1x128x32xf32, #tpu.memory_space<vmem>>
      %dma_start3A_665 = tpu.memref_squeeze %dma_start3A_664 : memref<1x128x32xf32, #tpu.memory_space<vmem>> -> memref<128x32xf32, #tpu.memory_space<vmem>>
      %dma_start3A_666 = arith.constant 0 : i32
      %dma_start3A_667 = tpu.memref_slice %arg10[%dma_start3A_661, %dma_start3A_666] : memref<5x128xi32, #tpu.memory_space<vmem>> -> memref<1x128xi32, #tpu.memory_space<vmem>>
      %dma_start3A_668 = tpu.memref_squeeze %dma_start3A_667 : memref<1x128xi32, #tpu.memory_space<vmem>> -> memref<128xi32, #tpu.memory_space<vmem>>
      %dma_start3A_669 = arith.constant 0 : i32
      %dma_start3A_670 = arith.constant 0 : i32
      %dma_start3A_671 = tpu.memref_slice %arg8[%dma_start3A_669, %dma_start3A_670] : memref<10000x32xf32, #tpu.memory_space<vmem_shared>> -> memref<10000x32xf32, #tpu.memory_space<vmem_shared>>
      tpu.enqueue_indirect_dma source(%dma_start3A_665 : memref<128x32xf32, #tpu.memory_space<vmem>>) target(%dma_start3A_671 : memref<10000x32xf32, #tpu.memory_space<vmem_shared>>) offsets(%dma_start3A_668 : memref<128xi32, #tpu.memory_space<vmem>>) semaphore(%arg29 : memref<!tpu.dma_semaphore, #tpu.memory_space<semaphore_mem>>) {add = true}
      %dma_wait3A_672 = arith.constant 0 : i32
      %dma_wait3A_673 = arith.constant 0 : i32
      %dma_wait3A_674 = arith.constant 0 : i32
      %dma_wait3A_675 = arith.constant 0 : i32
      %dma_wait3A_676 = tpu.memref_slice %arg11[%dma_wait3A_672, %dma_wait3A_674, %dma_wait3A_675] : memref<5x128x32xf32, #tpu.memory_space<vmem>> -> memref<1x128x32xf32, #tpu.memory_space<vmem>>
      %dma_wait3A_677 = tpu.memref_squeeze %dma_wait3A_676 : memref<1x128x32xf32, #tpu.memory_space<vmem>> -> memref<128x32xf32, #tpu.memory_space<vmem>>
      %dma_wait3A_678 = arith.constant 0 : i32
      %dma_wait3A_679 = tpu.memref_slice %arg10[%dma_wait3A_673, %dma_wait3A_678] : memref<5x128xi32, #tpu.memory_space<vmem>> -> memref<1x128xi32, #tpu.memory_space<vmem>>
      %dma_wait3A_680 = tpu.memref_squeeze %dma_wait3A_679 : memref<1x128xi32, #tpu.memory_space<vmem>> -> memref<128xi32, #tpu.memory_space<vmem>>
      %dma_wait3A_681 = arith.constant 0 : i32
      %dma_wait3A_682 = arith.constant 0 : i32
      %dma_wait3A_683 = tpu.memref_slice %arg8[%dma_wait3A_681, %dma_wait3A_682] : memref<10000x32xf32, #tpu.memory_space<vmem_shared>> -> memref<10000x32xf32, #tpu.memory_space<vmem_shared>>
      tpu.wait_indirect_dma semaphore(%arg25 : memref<!tpu.dma_semaphore, #tpu.memory_space<semaphore_mem>>) src(%dma_wait3A_677 : memref<128x32xf32, #tpu.memory_space<vmem>>) dst(%dma_wait3A_683 : memref<10000x32xf32, #tpu.memory_space<vmem_shared>>)
      %dma_wait3A_684 = arith.constant 1 : i32
      %dma_wait3A_685 = arith.constant 1 : i32
      %dma_wait3A_686 = arith.constant 0 : i32
      %dma_wait3A_687 = arith.constant 0 : i32
      %dma_wait3A_688 = tpu.memref_slice %arg11[%dma_wait3A_684, %dma_wait3A_686, %dma_wait3A_687] : memref<5x128x32xf32, #tpu.memory_space<vmem>> -> memref<1x128x32xf32, #tpu.memory_space<vmem>>
      %dma_wait3A_689 = tpu.memref_squeeze %dma_wait3A_688 : memref<1x128x32xf32, #tpu.memory_space<vmem>> -> memref<128x32xf32, #tpu.memory_space<vmem>>
      %dma_wait3A_690 = arith.constant 0 : i32
      %dma_wait3A_691 = tpu.memref_slice %arg10[%dma_wait3A_685, %dma_wait3A_690] : memref<5x128xi32, #tpu.memory_space<vmem>> -> memref<1x128xi32, #tpu.memory_space<vmem>>
      %dma_wait3A_692 = tpu.memref_squeeze %dma_wait3A_691 : memref<1x128xi32, #tpu.memory_space<vmem>> -> memref<128xi32, #tpu.memory_space<vmem>>
      %dma_wait3A_693 = arith.constant 0 : i32
      %dma_wait3A_694 = arith.constant 0 : i32
      %dma_wait3A_695 = tpu.memref_slice %arg8[%dma_wait3A_693, %dma_wait3A_694] : memref<10000x32xf32, #tpu.memory_space<vmem_shared>> -> memref<10000x32xf32, #tpu.memory_space<vmem_shared>>
      tpu.wait_indirect_dma semaphore(%arg26 : memref<!tpu.dma_semaphore, #tpu.memory_space<semaphore_mem>>) src(%dma_wait3A_689 : memref<128x32xf32, #tpu.memory_space<vmem>>) dst(%dma_wait3A_695 : memref<10000x32xf32, #tpu.memory_space<vmem_shared>>)
      %dma_wait3A_696 = arith.constant 2 : i32
      %dma_wait3A_697 = arith.constant 2 : i32
      %dma_wait3A_698 = arith.constant 0 : i32
      %dma_wait3A_699 = arith.constant 0 : i32
      %dma_wait3A_700 = tpu.memref_slice %arg11[%dma_wait3A_696, %dma_wait3A_698, %dma_wait3A_699] : memref<5x128x32xf32, #tpu.memory_space<vmem>> -> memref<1x128x32xf32, #tpu.memory_space<vmem>>
      %dma_wait3A_701 = tpu.memref_squeeze %dma_wait3A_700 : memref<1x128x32xf32, #tpu.memory_space<vmem>> -> memref<128x32xf32, #tpu.memory_space<vmem>>
      %dma_wait3A_702 = arith.constant 0 : i32
      %dma_wait3A_703 = tpu.memref_slice %arg10[%dma_wait3A_697, %dma_wait3A_702] : memref<5x128xi32, #tpu.memory_space<vmem>> -> memref<1x128xi32, #tpu.memory_space<vmem>>
      %dma_wait3A_704 = tpu.memref_squeeze %dma_wait3A_703 : memref<1x128xi32, #tpu.memory_space<vmem>> -> memref<128xi32, #tpu.memory_space<vmem>>
      %dma_wait3A_705 = arith.constant 0 : i32
      %dma_wait3A_706 = arith.constant 0 : i32
      %dma_wait3A_707 = tpu.memref_slice %arg8[%dma_wait3A_705, %dma_wait3A_706] : memref<10000x32xf32, #tpu.memory_space<vmem_shared>> -> memref<10000x32xf32, #tpu.memory_space<vmem_shared>>
      tpu.wait_indirect_dma semaphore(%arg27 : memref<!tpu.dma_semaphore, #tpu.memory_space<semaphore_mem>>) src(%dma_wait3A_701 : memref<128x32xf32, #tpu.memory_space<vmem>>) dst(%dma_wait3A_707 : memref<10000x32xf32, #tpu.memory_space<vmem_shared>>)
      %dma_wait3A_708 = arith.constant 3 : i32
      %dma_wait3A_709 = arith.constant 3 : i32
      %dma_wait3A_710 = arith.constant 0 : i32
      %dma_wait3A_711 = arith.constant 0 : i32
      %dma_wait3A_712 = tpu.memref_slice %arg11[%dma_wait3A_708, %dma_wait3A_710, %dma_wait3A_711] : memref<5x128x32xf32, #tpu.memory_space<vmem>> -> memref<1x128x32xf32, #tpu.memory_space<vmem>>
      %dma_wait3A_713 = tpu.memref_squeeze %dma_wait3A_712 : memref<1x128x32xf32, #tpu.memory_space<vmem>> -> memref<128x32xf32, #tpu.memory_space<vmem>>
      %dma_wait3A_714 = arith.constant 0 : i32
      %dma_wait3A_715 = tpu.memref_slice %arg10[%dma_wait3A_709, %dma_wait3A_714] : memref<5x128xi32, #tpu.memory_space<vmem>> -> memref<1x128xi32, #tpu.memory_space<vmem>>
      %dma_wait3A_716 = tpu.memref_squeeze %dma_wait3A_715 : memref<1x128xi32, #tpu.memory_space<vmem>> -> memref<128xi32, #tpu.memory_space<vmem>>
      %dma_wait3A_717 = arith.constant 0 : i32
      %dma_wait3A_718 = arith.constant 0 : i32
      %dma_wait3A_719 = tpu.memref_slice %arg8[%dma_wait3A_717, %dma_wait3A_718] : memref<10000x32xf32, #tpu.memory_space<vmem_shared>> -> memref<10000x32xf32, #tpu.memory_space<vmem_shared>>
      tpu.wait_indirect_dma semaphore(%arg28 : memref<!tpu.dma_semaphore, #tpu.memory_space<semaphore_mem>>) src(%dma_wait3A_713 : memref<128x32xf32, #tpu.memory_space<vmem>>) dst(%dma_wait3A_719 : memref<10000x32xf32, #tpu.memory_space<vmem_shared>>)
      %dma_wait3A_720 = arith.constant 4 : i32
      %dma_wait3A_721 = arith.constant 4 : i32
      %dma_wait3A_722 = arith.constant 0 : i32
      %dma_wait3A_723 = arith.constant 0 : i32
      %dma_wait3A_724 = tpu.memref_slice %arg11[%dma_wait3A_720, %dma_wait3A_722, %dma_wait3A_723] : memref<5x128x32xf32, #tpu.memory_space<vmem>> -> memref<1x128x32xf32, #tpu.memory_space<vmem>>
      %dma_wait3A_725 = tpu.memref_squeeze %dma_wait3A_724 : memref<1x128x32xf32, #tpu.memory_space<vmem>> -> memref<128x32xf32, #tpu.memory_space<vmem>>
      %dma_wait3A_726 = arith.constant 0 : i32
      %dma_wait3A_727 = tpu.memref_slice %arg10[%dma_wait3A_721, %dma_wait3A_726] : memref<5x128xi32, #tpu.memory_space<vmem>> -> memref<1x128xi32, #tpu.memory_space<vmem>>
      %dma_wait3A_728 = tpu.memref_squeeze %dma_wait3A_727 : memref<1x128xi32, #tpu.memory_space<vmem>> -> memref<128xi32, #tpu.memory_space<vmem>>
      %dma_wait3A_729 = arith.constant 0 : i32
      %dma_wait3A_730 = arith.constant 0 : i32
      %dma_wait3A_731 = tpu.memref_slice %arg8[%dma_wait3A_729, %dma_wait3A_730] : memref<10000x32xf32, #tpu.memory_space<vmem_shared>> -> memref<10000x32xf32, #tpu.memory_space<vmem_shared>>
      tpu.wait_indirect_dma semaphore(%arg29 : memref<!tpu.dma_semaphore, #tpu.memory_space<semaphore_mem>>) src(%dma_wait3A_725 : memref<128x32xf32, #tpu.memory_space<vmem>>) dst(%dma_wait3A_731 : memref<10000x32xf32, #tpu.memory_space<vmem_shared>>)
    }
    %scan3A_15 = arith.constant 15 : i32
    %add3A_16 = arith.constant 9600 : i32
    %add3A_17 = arith.addi %mul3A_2, %add3A_16 : i32
    %add3A_18 = arith.constant 0 : i32
    %add3A_19 = arith.addi %add3A_17, %add3A_18 : i32
    %multiple_of3A_20 = tpu.assume_multiple %add3A_19, 128 : i32
    %dma_start3A = arith.constant 0 : i32
    %dma_start3A_21 = arith.constant 0 : i32
    %dma_start3A_22 = tpu.memref_slice %arg9[%dma_start3A, %dma_start3A_21] : memref<5x128xi32, #tpu.memory_space<vmem>> -> memref<1x128xi32, #tpu.memory_space<vmem>>
    %dma_start3A_23 = tpu.memref_squeeze %dma_start3A_22 : memref<1x128xi32, #tpu.memory_space<vmem>> -> memref<128xi32, #tpu.memory_space<vmem>>
    %dma_start3A_24 = tpu.memref_slice %arg3[%multiple_of3A_20] : memref<320000xi32, #tpu.memory_space<hbm>> -> memref<128xi32, #tpu.memory_space<hbm>>
    %dma_start3A_25 = arith.constant 0 : i32
    %dma_start3A_26 = tpu.memref_slice %arg9[%dma_start3A, %dma_start3A_25] : memref<5x128xi32, #tpu.memory_space<vmem>> -> memref<1x128xi32, #tpu.memory_space<vmem>>
    %dma_start3A_27 = tpu.memref_squeeze %dma_start3A_26 : memref<1x128xi32, #tpu.memory_space<vmem>> -> memref<128xi32, #tpu.memory_space<vmem>>
    %dma_start3A_28 = tpu.memref_slice %arg3[%multiple_of3A_20] : memref<320000xi32, #tpu.memory_space<hbm>> -> memref<128xi32, #tpu.memory_space<hbm>>
    tpu.enqueue_dma source(%dma_start3A_28 : memref<128xi32, #tpu.memory_space<hbm>>) target(%dma_start3A_27 : memref<128xi32, #tpu.memory_space<vmem>>) target_semaphore(%arg15 : memref<!tpu.dma_semaphore, #tpu.memory_space<semaphore_mem>>)
    %dma_start3A_29 = arith.constant 0 : i32
    %dma_start3A_30 = arith.constant 0 : i32
    %dma_start3A_31 = tpu.memref_slice %arg10[%dma_start3A_29, %dma_start3A_30] : memref<5x128xi32, #tpu.memory_space<vmem>> -> memref<1x128xi32, #tpu.memory_space<vmem>>
    %dma_start3A_32 = tpu.memref_squeeze %dma_start3A_31 : memref<1x128xi32, #tpu.memory_space<vmem>> -> memref<128xi32, #tpu.memory_space<vmem>>
    %dma_start3A_33 = tpu.memref_slice %arg4[%multiple_of3A_20] : memref<320000xi32, #tpu.memory_space<hbm>> -> memref<128xi32, #tpu.memory_space<hbm>>
    %dma_start3A_34 = arith.constant 0 : i32
    %dma_start3A_35 = tpu.memref_slice %arg10[%dma_start3A_29, %dma_start3A_34] : memref<5x128xi32, #tpu.memory_space<vmem>> -> memref<1x128xi32, #tpu.memory_space<vmem>>
    %dma_start3A_36 = tpu.memref_squeeze %dma_start3A_35 : memref<1x128xi32, #tpu.memory_space<vmem>> -> memref<128xi32, #tpu.memory_space<vmem>>
    %dma_start3A_37 = tpu.memref_slice %arg4[%multiple_of3A_20] : memref<320000xi32, #tpu.memory_space<hbm>> -> memref<128xi32, #tpu.memory_space<hbm>>
    tpu.enqueue_dma source(%dma_start3A_37 : memref<128xi32, #tpu.memory_space<hbm>>) target(%dma_start3A_36 : memref<128xi32, #tpu.memory_space<vmem>>) target_semaphore(%arg15 : memref<!tpu.dma_semaphore, #tpu.memory_space<semaphore_mem>>)
    %add3A_38 = arith.constant 128 : i32
    %add3A_39 = arith.addi %add3A_17, %add3A_38 : i32
    %multiple_of3A_40 = tpu.assume_multiple %add3A_39, 128 : i32
    %dma_start3A_41 = arith.constant 1 : i32
    %dma_start3A_42 = arith.constant 0 : i32
    %dma_start3A_43 = tpu.memref_slice %arg9[%dma_start3A_41, %dma_start3A_42] : memref<5x128xi32, #tpu.memory_space<vmem>> -> memref<1x128xi32, #tpu.memory_space<vmem>>
    %dma_start3A_44 = tpu.memref_squeeze %dma_start3A_43 : memref<1x128xi32, #tpu.memory_space<vmem>> -> memref<128xi32, #tpu.memory_space<vmem>>
    %dma_start3A_45 = tpu.memref_slice %arg3[%multiple_of3A_40] : memref<320000xi32, #tpu.memory_space<hbm>> -> memref<128xi32, #tpu.memory_space<hbm>>
    %dma_start3A_46 = arith.constant 0 : i32
    %dma_start3A_47 = tpu.memref_slice %arg9[%dma_start3A_41, %dma_start3A_46] : memref<5x128xi32, #tpu.memory_space<vmem>> -> memref<1x128xi32, #tpu.memory_space<vmem>>
    %dma_start3A_48 = tpu.memref_squeeze %dma_start3A_47 : memref<1x128xi32, #tpu.memory_space<vmem>> -> memref<128xi32, #tpu.memory_space<vmem>>
    %dma_start3A_49 = tpu.memref_slice %arg3[%multiple_of3A_40] : memref<320000xi32, #tpu.memory_space<hbm>> -> memref<128xi32, #tpu.memory_space<hbm>>
    tpu.enqueue_dma source(%dma_start3A_49 : memref<128xi32, #tpu.memory_space<hbm>>) target(%dma_start3A_48 : memref<128xi32, #tpu.memory_space<vmem>>) target_semaphore(%arg16 : memref<!tpu.dma_semaphore, #tpu.memory_space<semaphore_mem>>)
    %dma_start3A_50 = arith.constant 1 : i32
    %dma_start3A_51 = arith.constant 0 : i32
    %dma_start3A_52 = tpu.memref_slice %arg10[%dma_start3A_50, %dma_start3A_51] : memref<5x128xi32, #tpu.memory_space<vmem>> -> memref<1x128xi32, #tpu.memory_space<vmem>>
    %dma_start3A_53 = tpu.memref_squeeze %dma_start3A_52 : memref<1x128xi32, #tpu.memory_space<vmem>> -> memref<128xi32, #tpu.memory_space<vmem>>
    %dma_start3A_54 = tpu.memref_slice %arg4[%multiple_of3A_40] : memref<320000xi32, #tpu.memory_space<hbm>> -> memref<128xi32, #tpu.memory_space<hbm>>
    %dma_start3A_55 = arith.constant 0 : i32
    %dma_start3A_56 = tpu.memref_slice %arg10[%dma_start3A_50, %dma_start3A_55] : memref<5x128xi32, #tpu.memory_space<vmem>> -> memref<1x128xi32, #tpu.memory_space<vmem>>
    %dma_start3A_57 = tpu.memref_squeeze %dma_start3A_56 : memref<1x128xi32, #tpu.memory_space<vmem>> -> memref<128xi32, #tpu.memory_space<vmem>>
    %dma_start3A_58 = tpu.memref_slice %arg4[%multiple_of3A_40] : memref<320000xi32, #tpu.memory_space<hbm>> -> memref<128xi32, #tpu.memory_space<hbm>>
    tpu.enqueue_dma source(%dma_start3A_58 : memref<128xi32, #tpu.memory_space<hbm>>) target(%dma_start3A_57 : memref<128xi32, #tpu.memory_space<vmem>>) target_semaphore(%arg16 : memref<!tpu.dma_semaphore, #tpu.memory_space<semaphore_mem>>)
    %add3A_59 = arith.constant 256 : i32
    %add3A_60 = arith.addi %add3A_17, %add3A_59 : i32
    %multiple_of3A_61 = tpu.assume_multiple %add3A_60, 128 : i32
    %dma_start3A_62 = arith.constant 2 : i32
    %dma_start3A_63 = arith.constant 0 : i32
    %dma_start3A_64 = tpu.memref_slice %arg9[%dma_start3A_62, %dma_start3A_63] : memref<5x128xi32, #tpu.memory_space<vmem>> -> memref<1x128xi32, #tpu.memory_space<vmem>>
    %dma_start3A_65 = tpu.memref_squeeze %dma_start3A_64 : memref<1x128xi32, #tpu.memory_space<vmem>> -> memref<128xi32, #tpu.memory_space<vmem>>
    %dma_start3A_66 = tpu.memref_slice %arg3[%multiple_of3A_61] : memref<320000xi32, #tpu.memory_space<hbm>> -> memref<128xi32, #tpu.memory_space<hbm>>
    %dma_start3A_67 = arith.constant 0 : i32
    %dma_start3A_68 = tpu.memref_slice %arg9[%dma_start3A_62, %dma_start3A_67] : memref<5x128xi32, #tpu.memory_space<vmem>> -> memref<1x128xi32, #tpu.memory_space<vmem>>
    %dma_start3A_69 = tpu.memref_squeeze %dma_start3A_68 : memref<1x128xi32, #tpu.memory_space<vmem>> -> memref<128xi32, #tpu.memory_space<vmem>>
    %dma_start3A_70 = tpu.memref_slice %arg3[%multiple_of3A_61] : memref<320000xi32, #tpu.memory_space<hbm>> -> memref<128xi32, #tpu.memory_space<hbm>>
    tpu.enqueue_dma source(%dma_start3A_70 : memref<128xi32, #tpu.memory_space<hbm>>) target(%dma_start3A_69 : memref<128xi32, #tpu.memory_space<vmem>>) target_semaphore(%arg17 : memref<!tpu.dma_semaphore, #tpu.memory_space<semaphore_mem>>)
    %dma_start3A_71 = arith.constant 2 : i32
    %dma_start3A_72 = arith.constant 0 : i32
    %dma_start3A_73 = tpu.memref_slice %arg10[%dma_start3A_71, %dma_start3A_72] : memref<5x128xi32, #tpu.memory_space<vmem>> -> memref<1x128xi32, #tpu.memory_space<vmem>>
    %dma_start3A_74 = tpu.memref_squeeze %dma_start3A_73 : memref<1x128xi32, #tpu.memory_space<vmem>> -> memref<128xi32, #tpu.memory_space<vmem>>
    %dma_start3A_75 = tpu.memref_slice %arg4[%multiple_of3A_61] : memref<320000xi32, #tpu.memory_space<hbm>> -> memref<128xi32, #tpu.memory_space<hbm>>
    %dma_start3A_76 = arith.constant 0 : i32
    %dma_start3A_77 = tpu.memref_slice %arg10[%dma_start3A_71, %dma_start3A_76] : memref<5x128xi32, #tpu.memory_space<vmem>> -> memref<1x128xi32, #tpu.memory_space<vmem>>
    %dma_start3A_78 = tpu.memref_squeeze %dma_start3A_77 : memref<1x128xi32, #tpu.memory_space<vmem>> -> memref<128xi32, #tpu.memory_space<vmem>>
    %dma_start3A_79 = tpu.memref_slice %arg4[%multiple_of3A_61] : memref<320000xi32, #tpu.memory_space<hbm>> -> memref<128xi32, #tpu.memory_space<hbm>>
    tpu.enqueue_dma source(%dma_start3A_79 : memref<128xi32, #tpu.memory_space<hbm>>) target(%dma_start3A_78 : memref<128xi32, #tpu.memory_space<vmem>>) target_semaphore(%arg17 : memref<!tpu.dma_semaphore, #tpu.memory_space<semaphore_mem>>)
    %dma_wait3A = arith.constant 0 : i32
    %dma_wait3A_80 = arith.constant 0 : i32
    %dma_wait3A_81 = tpu.memref_slice %arg9[%dma_wait3A, %dma_wait3A_80] : memref<5x128xi32, #tpu.memory_space<vmem>> -> memref<1x128xi32, #tpu.memory_space<vmem>>
    %dma_wait3A_82 = tpu.memref_squeeze %dma_wait3A_81 : memref<1x128xi32, #tpu.memory_space<vmem>> -> memref<128xi32, #tpu.memory_space<vmem>>
    %dma_wait3A_83 = tpu.memref_slice %arg3[%multiple_of3A_20] : memref<320000xi32, #tpu.memory_space<hbm>> -> memref<128xi32, #tpu.memory_space<hbm>>
    %dma_wait3A_84 = arith.constant 0 : i32
    %dma_wait3A_85 = tpu.memref_slice %arg9[%dma_wait3A, %dma_wait3A_84] : memref<5x128xi32, #tpu.memory_space<vmem>> -> memref<1x128xi32, #tpu.memory_space<vmem>>
    %dma_wait3A_86 = tpu.memref_squeeze %dma_wait3A_85 : memref<1x128xi32, #tpu.memory_space<vmem>> -> memref<128xi32, #tpu.memory_space<vmem>>
    %dma_wait3A_87 = tpu.memref_slice %arg3[%multiple_of3A_20] : memref<320000xi32, #tpu.memory_space<hbm>> -> memref<128xi32, #tpu.memory_space<hbm>>
    tpu.wait_dma2 semaphore(%arg15 : memref<!tpu.dma_semaphore, #tpu.memory_space<semaphore_mem>>) src(%dma_wait3A_87 : memref<128xi32, #tpu.memory_space<hbm>>) dst(%dma_wait3A_86 : memref<128xi32, #tpu.memory_space<vmem>>)
    %dma_wait3A_88 = arith.constant 0 : i32
    %dma_wait3A_89 = arith.constant 0 : i32
    %dma_wait3A_90 = tpu.memref_slice %arg10[%dma_wait3A_88, %dma_wait3A_89] : memref<5x128xi32, #tpu.memory_space<vmem>> -> memref<1x128xi32, #tpu.memory_space<vmem>>
    %dma_wait3A_91 = tpu.memref_squeeze %dma_wait3A_90 : memref<1x128xi32, #tpu.memory_space<vmem>> -> memref<128xi32, #tpu.memory_space<vmem>>
    %dma_wait3A_92 = tpu.memref_slice %arg4[%multiple_of3A_20] : memref<320000xi32, #tpu.memory_space<hbm>> -> memref<128xi32, #tpu.memory_space<hbm>>
    %dma_wait3A_93 = arith.constant 0 : i32
    %dma_wait3A_94 = tpu.memref_slice %arg10[%dma_wait3A_88, %dma_wait3A_93] : memref<5x128xi32, #tpu.memory_space<vmem>> -> memref<1x128xi32, #tpu.memory_space<vmem>>
    %dma_wait3A_95 = tpu.memref_squeeze %dma_wait3A_94 : memref<1x128xi32, #tpu.memory_space<vmem>> -> memref<128xi32, #tpu.memory_space<vmem>>
    %dma_wait3A_96 = tpu.memref_slice %arg4[%multiple_of3A_20] : memref<320000xi32, #tpu.memory_space<hbm>> -> memref<128xi32, #tpu.memory_space<hbm>>
    tpu.wait_dma2 semaphore(%arg15 : memref<!tpu.dma_semaphore, #tpu.memory_space<semaphore_mem>>) src(%dma_wait3A_96 : memref<128xi32, #tpu.memory_space<hbm>>) dst(%dma_wait3A_95 : memref<128xi32, #tpu.memory_space<vmem>>)
    %dma_start3A_97 = arith.constant 0 : i32
    %dma_start3A_98 = arith.constant 0 : i32
    %dma_start3A_99 = arith.constant 0 : i32
    %dma_start3A_100 = arith.constant 0 : i32
    %dma_start3A_101 = tpu.memref_slice %arg11[%dma_start3A_98, %dma_start3A_99, %dma_start3A_100] : memref<5x128x32xf32, #tpu.memory_space<vmem>> -> memref<1x128x32xf32, #tpu.memory_space<vmem>>
    %dma_start3A_102 = tpu.memref_squeeze %dma_start3A_101 : memref<1x128x32xf32, #tpu.memory_space<vmem>> -> memref<128x32xf32, #tpu.memory_space<vmem>>
    %dma_start3A_103 = arith.constant 0 : i32
    %dma_start3A_104 = tpu.memref_slice %arg9[%dma_start3A_97, %dma_start3A_103] : memref<5x128xi32, #tpu.memory_space<vmem>> -> memref<1x128xi32, #tpu.memory_space<vmem>>
    %dma_start3A_105 = tpu.memref_squeeze %dma_start3A_104 : memref<1x128xi32, #tpu.memory_space<vmem>> -> memref<128xi32, #tpu.memory_space<vmem>>
    %dma_start3A_106 = arith.constant 0 : i32
    %dma_start3A_107 = arith.constant 0 : i32
    %dma_start3A_108 = tpu.memref_slice %arg7[%dma_start3A_106, %dma_start3A_107] : memref<10000x32xf32, #tpu.memory_space<vmem_shared>> -> memref<10000x32xf32, #tpu.memory_space<vmem_shared>>
    tpu.enqueue_indirect_dma source(%dma_start3A_108 : memref<10000x32xf32, #tpu.memory_space<vmem_shared>>) target(%dma_start3A_102 : memref<128x32xf32, #tpu.memory_space<vmem>>) offsets(%dma_start3A_105 : memref<128xi32, #tpu.memory_space<vmem>>) semaphore(%arg20 : memref<!tpu.dma_semaphore, #tpu.memory_space<semaphore_mem>>)
    %dma_wait3A_109 = arith.constant 1 : i32
    %dma_wait3A_110 = arith.constant 0 : i32
    %dma_wait3A_111 = tpu.memref_slice %arg9[%dma_wait3A_109, %dma_wait3A_110] : memref<5x128xi32, #tpu.memory_space<vmem>> -> memref<1x128xi32, #tpu.memory_space<vmem>>
    %dma_wait3A_112 = tpu.memref_squeeze %dma_wait3A_111 : memref<1x128xi32, #tpu.memory_space<vmem>> -> memref<128xi32, #tpu.memory_space<vmem>>
    %dma_wait3A_113 = tpu.memref_slice %arg3[%multiple_of3A_40] : memref<320000xi32, #tpu.memory_space<hbm>> -> memref<128xi32, #tpu.memory_space<hbm>>
    %dma_wait3A_114 = arith.constant 0 : i32
    %dma_wait3A_115 = tpu.memref_slice %arg9[%dma_wait3A_109, %dma_wait3A_114] : memref<5x128xi32, #tpu.memory_space<vmem>> -> memref<1x128xi32, #tpu.memory_space<vmem>>
    %dma_wait3A_116 = tpu.memref_squeeze %dma_wait3A_115 : memref<1x128xi32, #tpu.memory_space<vmem>> -> memref<128xi32, #tpu.memory_space<vmem>>
    %dma_wait3A_117 = tpu.memref_slice %arg3[%multiple_of3A_40] : memref<320000xi32, #tpu.memory_space<hbm>> -> memref<128xi32, #tpu.memory_space<hbm>>
    tpu.wait_dma2 semaphore(%arg16 : memref<!tpu.dma_semaphore, #tpu.memory_space<semaphore_mem>>) src(%dma_wait3A_117 : memref<128xi32, #tpu.memory_space<hbm>>) dst(%dma_wait3A_116 : memref<128xi32, #tpu.memory_space<vmem>>)
    %dma_wait3A_118 = arith.constant 1 : i32
    %dma_wait3A_119 = arith.constant 0 : i32
    %dma_wait3A_120 = tpu.memref_slice %arg10[%dma_wait3A_118, %dma_wait3A_119] : memref<5x128xi32, #tpu.memory_space<vmem>> -> memref<1x128xi32, #tpu.memory_space<vmem>>
    %dma_wait3A_121 = tpu.memref_squeeze %dma_wait3A_120 : memref<1x128xi32, #tpu.memory_space<vmem>> -> memref<128xi32, #tpu.memory_space<vmem>>
    %dma_wait3A_122 = tpu.memref_slice %arg4[%multiple_of3A_40] : memref<320000xi32, #tpu.memory_space<hbm>> -> memref<128xi32, #tpu.memory_space<hbm>>
    %dma_wait3A_123 = arith.constant 0 : i32
    %dma_wait3A_124 = tpu.memref_slice %arg10[%dma_wait3A_118, %dma_wait3A_123] : memref<5x128xi32, #tpu.memory_space<vmem>> -> memref<1x128xi32, #tpu.memory_space<vmem>>
    %dma_wait3A_125 = tpu.memref_squeeze %dma_wait3A_124 : memref<1x128xi32, #tpu.memory_space<vmem>> -> memref<128xi32, #tpu.memory_space<vmem>>
    %dma_wait3A_126 = tpu.memref_slice %arg4[%multiple_of3A_40] : memref<320000xi32, #tpu.memory_space<hbm>> -> memref<128xi32, #tpu.memory_space<hbm>>
    tpu.wait_dma2 semaphore(%arg16 : memref<!tpu.dma_semaphore, #tpu.memory_space<semaphore_mem>>) src(%dma_wait3A_126 : memref<128xi32, #tpu.memory_space<hbm>>) dst(%dma_wait3A_125 : memref<128xi32, #tpu.memory_space<vmem>>)
    %dma_start3A_127 = arith.constant 1 : i32
    %dma_start3A_128 = arith.constant 1 : i32
    %dma_start3A_129 = arith.constant 0 : i32
    %dma_start3A_130 = arith.constant 0 : i32
    %dma_start3A_131 = tpu.memref_slice %arg11[%dma_start3A_128, %dma_start3A_129, %dma_start3A_130] : memref<5x128x32xf32, #tpu.memory_space<vmem>> -> memref<1x128x32xf32, #tpu.memory_space<vmem>>
    %dma_start3A_132 = tpu.memref_squeeze %dma_start3A_131 : memref<1x128x32xf32, #tpu.memory_space<vmem>> -> memref<128x32xf32, #tpu.memory_space<vmem>>
    %dma_start3A_133 = arith.constant 0 : i32
    %dma_start3A_134 = tpu.memref_slice %arg9[%dma_start3A_127, %dma_start3A_133] : memref<5x128xi32, #tpu.memory_space<vmem>> -> memref<1x128xi32, #tpu.memory_space<vmem>>
    %dma_start3A_135 = tpu.memref_squeeze %dma_start3A_134 : memref<1x128xi32, #tpu.memory_space<vmem>> -> memref<128xi32, #tpu.memory_space<vmem>>
    %dma_start3A_136 = arith.constant 0 : i32
    %dma_start3A_137 = arith.constant 0 : i32
    %dma_start3A_138 = tpu.memref_slice %arg7[%dma_start3A_136, %dma_start3A_137] : memref<10000x32xf32, #tpu.memory_space<vmem_shared>> -> memref<10000x32xf32, #tpu.memory_space<vmem_shared>>
    tpu.enqueue_indirect_dma source(%dma_start3A_138 : memref<10000x32xf32, #tpu.memory_space<vmem_shared>>) target(%dma_start3A_132 : memref<128x32xf32, #tpu.memory_space<vmem>>) offsets(%dma_start3A_135 : memref<128xi32, #tpu.memory_space<vmem>>) semaphore(%arg21 : memref<!tpu.dma_semaphore, #tpu.memory_space<semaphore_mem>>)
    %dma_wait3A_139 = arith.constant 2 : i32
    %dma_wait3A_140 = arith.constant 0 : i32
    %dma_wait3A_141 = tpu.memref_slice %arg9[%dma_wait3A_139, %dma_wait3A_140] : memref<5x128xi32, #tpu.memory_space<vmem>> -> memref<1x128xi32, #tpu.memory_space<vmem>>
    %dma_wait3A_142 = tpu.memref_squeeze %dma_wait3A_141 : memref<1x128xi32, #tpu.memory_space<vmem>> -> memref<128xi32, #tpu.memory_space<vmem>>
    %dma_wait3A_143 = tpu.memref_slice %arg3[%multiple_of3A_61] : memref<320000xi32, #tpu.memory_space<hbm>> -> memref<128xi32, #tpu.memory_space<hbm>>
    %dma_wait3A_144 = arith.constant 0 : i32
    %dma_wait3A_145 = tpu.memref_slice %arg9[%dma_wait3A_139, %dma_wait3A_144] : memref<5x128xi32, #tpu.memory_space<vmem>> -> memref<1x128xi32, #tpu.memory_space<vmem>>
    %dma_wait3A_146 = tpu.memref_squeeze %dma_wait3A_145 : memref<1x128xi32, #tpu.memory_space<vmem>> -> memref<128xi32, #tpu.memory_space<vmem>>
    %dma_wait3A_147 = tpu.memref_slice %arg3[%multiple_of3A_61] : memref<320000xi32, #tpu.memory_space<hbm>> -> memref<128xi32, #tpu.memory_space<hbm>>
    tpu.wait_dma2 semaphore(%arg17 : memref<!tpu.dma_semaphore, #tpu.memory_space<semaphore_mem>>) src(%dma_wait3A_147 : memref<128xi32, #tpu.memory_space<hbm>>) dst(%dma_wait3A_146 : memref<128xi32, #tpu.memory_space<vmem>>)
    %dma_wait3A_148 = arith.constant 2 : i32
    %dma_wait3A_149 = arith.constant 0 : i32
    %dma_wait3A_150 = tpu.memref_slice %arg10[%dma_wait3A_148, %dma_wait3A_149] : memref<5x128xi32, #tpu.memory_space<vmem>> -> memref<1x128xi32, #tpu.memory_space<vmem>>
    %dma_wait3A_151 = tpu.memref_squeeze %dma_wait3A_150 : memref<1x128xi32, #tpu.memory_space<vmem>> -> memref<128xi32, #tpu.memory_space<vmem>>
    %dma_wait3A_152 = tpu.memref_slice %arg4[%multiple_of3A_61] : memref<320000xi32, #tpu.memory_space<hbm>> -> memref<128xi32, #tpu.memory_space<hbm>>
    %dma_wait3A_153 = arith.constant 0 : i32
    %dma_wait3A_154 = tpu.memref_slice %arg10[%dma_wait3A_148, %dma_wait3A_153] : memref<5x128xi32, #tpu.memory_space<vmem>> -> memref<1x128xi32, #tpu.memory_space<vmem>>
    %dma_wait3A_155 = tpu.memref_squeeze %dma_wait3A_154 : memref<1x128xi32, #tpu.memory_space<vmem>> -> memref<128xi32, #tpu.memory_space<vmem>>
    %dma_wait3A_156 = tpu.memref_slice %arg4[%multiple_of3A_61] : memref<320000xi32, #tpu.memory_space<hbm>> -> memref<128xi32, #tpu.memory_space<hbm>>
    tpu.wait_dma2 semaphore(%arg17 : memref<!tpu.dma_semaphore, #tpu.memory_space<semaphore_mem>>) src(%dma_wait3A_156 : memref<128xi32, #tpu.memory_space<hbm>>) dst(%dma_wait3A_155 : memref<128xi32, #tpu.memory_space<vmem>>)
    %dma_start3A_157 = arith.constant 2 : i32
    %dma_start3A_158 = arith.constant 2 : i32
    %dma_start3A_159 = arith.constant 0 : i32
    %dma_start3A_160 = arith.constant 0 : i32
    %dma_start3A_161 = tpu.memref_slice %arg11[%dma_start3A_158, %dma_start3A_159, %dma_start3A_160] : memref<5x128x32xf32, #tpu.memory_space<vmem>> -> memref<1x128x32xf32, #tpu.memory_space<vmem>>
    %dma_start3A_162 = tpu.memref_squeeze %dma_start3A_161 : memref<1x128x32xf32, #tpu.memory_space<vmem>> -> memref<128x32xf32, #tpu.memory_space<vmem>>
    %dma_start3A_163 = arith.constant 0 : i32
    %dma_start3A_164 = tpu.memref_slice %arg9[%dma_start3A_157, %dma_start3A_163] : memref<5x128xi32, #tpu.memory_space<vmem>> -> memref<1x128xi32, #tpu.memory_space<vmem>>
    %dma_start3A_165 = tpu.memref_squeeze %dma_start3A_164 : memref<1x128xi32, #tpu.memory_space<vmem>> -> memref<128xi32, #tpu.memory_space<vmem>>
    %dma_start3A_166 = arith.constant 0 : i32
    %dma_start3A_167 = arith.constant 0 : i32
    %dma_start3A_168 = tpu.memref_slice %arg7[%dma_start3A_166, %dma_start3A_167] : memref<10000x32xf32, #tpu.memory_space<vmem_shared>> -> memref<10000x32xf32, #tpu.memory_space<vmem_shared>>
    tpu.enqueue_indirect_dma source(%dma_start3A_168 : memref<10000x32xf32, #tpu.memory_space<vmem_shared>>) target(%dma_start3A_162 : memref<128x32xf32, #tpu.memory_space<vmem>>) offsets(%dma_start3A_165 : memref<128xi32, #tpu.memory_space<vmem>>) semaphore(%arg22 : memref<!tpu.dma_semaphore, #tpu.memory_space<semaphore_mem>>)
    %dma_wait3A_169 = arith.constant 0 : i32
    %dma_wait3A_170 = arith.constant 0 : i32
    %dma_wait3A_171 = arith.constant 0 : i32
    %dma_wait3A_172 = arith.constant 0 : i32
    %dma_wait3A_173 = tpu.memref_slice %arg11[%dma_wait3A_170, %dma_wait3A_171, %dma_wait3A_172] : memref<5x128x32xf32, #tpu.memory_space<vmem>> -> memref<1x128x32xf32, #tpu.memory_space<vmem>>
    %dma_wait3A_174 = tpu.memref_squeeze %dma_wait3A_173 : memref<1x128x32xf32, #tpu.memory_space<vmem>> -> memref<128x32xf32, #tpu.memory_space<vmem>>
    %dma_wait3A_175 = arith.constant 0 : i32
    %dma_wait3A_176 = tpu.memref_slice %arg9[%dma_wait3A_169, %dma_wait3A_175] : memref<5x128xi32, #tpu.memory_space<vmem>> -> memref<1x128xi32, #tpu.memory_space<vmem>>
    %dma_wait3A_177 = tpu.memref_squeeze %dma_wait3A_176 : memref<1x128xi32, #tpu.memory_space<vmem>> -> memref<128xi32, #tpu.memory_space<vmem>>
    %dma_wait3A_178 = arith.constant 0 : i32
    %dma_wait3A_179 = arith.constant 0 : i32
    %dma_wait3A_180 = tpu.memref_slice %arg7[%dma_wait3A_178, %dma_wait3A_179] : memref<10000x32xf32, #tpu.memory_space<vmem_shared>> -> memref<10000x32xf32, #tpu.memory_space<vmem_shared>>
    tpu.wait_indirect_dma semaphore(%arg20 : memref<!tpu.dma_semaphore, #tpu.memory_space<semaphore_mem>>) src(%dma_wait3A_180 : memref<10000x32xf32, #tpu.memory_space<vmem_shared>>) dst(%dma_wait3A_174 : memref<128x32xf32, #tpu.memory_space<vmem>>)
    %dma_wait3A_181 = arith.constant 1 : i32
    %dma_wait3A_182 = arith.constant 1 : i32
    %dma_wait3A_183 = arith.constant 0 : i32
    %dma_wait3A_184 = arith.constant 0 : i32
    %dma_wait3A_185 = tpu.memref_slice %arg11[%dma_wait3A_182, %dma_wait3A_183, %dma_wait3A_184] : memref<5x128x32xf32, #tpu.memory_space<vmem>> -> memref<1x128x32xf32, #tpu.memory_space<vmem>>
    %dma_wait3A_186 = tpu.memref_squeeze %dma_wait3A_185 : memref<1x128x32xf32, #tpu.memory_space<vmem>> -> memref<128x32xf32, #tpu.memory_space<vmem>>
    %dma_wait3A_187 = arith.constant 0 : i32
    %dma_wait3A_188 = tpu.memref_slice %arg9[%dma_wait3A_181, %dma_wait3A_187] : memref<5x128xi32, #tpu.memory_space<vmem>> -> memref<1x128xi32, #tpu.memory_space<vmem>>
    %dma_wait3A_189 = tpu.memref_squeeze %dma_wait3A_188 : memref<1x128xi32, #tpu.memory_space<vmem>> -> memref<128xi32, #tpu.memory_space<vmem>>
    %dma_wait3A_190 = arith.constant 0 : i32
    %dma_wait3A_191 = arith.constant 0 : i32
    %dma_wait3A_192 = tpu.memref_slice %arg7[%dma_wait3A_190, %dma_wait3A_191] : memref<10000x32xf32, #tpu.memory_space<vmem_shared>> -> memref<10000x32xf32, #tpu.memory_space<vmem_shared>>
    tpu.wait_indirect_dma semaphore(%arg21 : memref<!tpu.dma_semaphore, #tpu.memory_space<semaphore_mem>>) src(%dma_wait3A_192 : memref<10000x32xf32, #tpu.memory_space<vmem_shared>>) dst(%dma_wait3A_186 : memref<128x32xf32, #tpu.memory_space<vmem>>)
    %dma_wait3A_193 = arith.constant 2 : i32
    %dma_wait3A_194 = arith.constant 2 : i32
    %dma_wait3A_195 = arith.constant 0 : i32
    %dma_wait3A_196 = arith.constant 0 : i32
    %dma_wait3A_197 = tpu.memref_slice %arg11[%dma_wait3A_194, %dma_wait3A_195, %dma_wait3A_196] : memref<5x128x32xf32, #tpu.memory_space<vmem>> -> memref<1x128x32xf32, #tpu.memory_space<vmem>>
    %dma_wait3A_198 = tpu.memref_squeeze %dma_wait3A_197 : memref<1x128x32xf32, #tpu.memory_space<vmem>> -> memref<128x32xf32, #tpu.memory_space<vmem>>
    %dma_wait3A_199 = arith.constant 0 : i32
    %dma_wait3A_200 = tpu.memref_slice %arg9[%dma_wait3A_193, %dma_wait3A_199] : memref<5x128xi32, #tpu.memory_space<vmem>> -> memref<1x128xi32, #tpu.memory_space<vmem>>
    %dma_wait3A_201 = tpu.memref_squeeze %dma_wait3A_200 : memref<1x128xi32, #tpu.memory_space<vmem>> -> memref<128xi32, #tpu.memory_space<vmem>>
    %dma_wait3A_202 = arith.constant 0 : i32
    %dma_wait3A_203 = arith.constant 0 : i32
    %dma_wait3A_204 = tpu.memref_slice %arg7[%dma_wait3A_202, %dma_wait3A_203] : memref<10000x32xf32, #tpu.memory_space<vmem_shared>> -> memref<10000x32xf32, #tpu.memory_space<vmem_shared>>
    tpu.wait_indirect_dma semaphore(%arg22 : memref<!tpu.dma_semaphore, #tpu.memory_space<semaphore_mem>>) src(%dma_wait3A_204 : memref<10000x32xf32, #tpu.memory_space<vmem_shared>>) dst(%dma_wait3A_198 : memref<128x32xf32, #tpu.memory_space<vmem>>)
    %dma_start3A_205 = arith.constant 0 : i32
    %dma_start3A_206 = arith.constant 0 : i32
    %dma_start3A_207 = arith.constant 0 : i32
    %dma_start3A_208 = arith.constant 0 : i32
    %dma_start3A_209 = tpu.memref_slice %arg11[%dma_start3A_205, %dma_start3A_207, %dma_start3A_208] : memref<5x128x32xf32, #tpu.memory_space<vmem>> -> memref<1x128x32xf32, #tpu.memory_space<vmem>>
    %dma_start3A_210 = tpu.memref_squeeze %dma_start3A_209 : memref<1x128x32xf32, #tpu.memory_space<vmem>> -> memref<128x32xf32, #tpu.memory_space<vmem>>
    %dma_start3A_211 = arith.constant 0 : i32
    %dma_start3A_212 = tpu.memref_slice %arg10[%dma_start3A_206, %dma_start3A_211] : memref<5x128xi32, #tpu.memory_space<vmem>> -> memref<1x128xi32, #tpu.memory_space<vmem>>
    %dma_start3A_213 = tpu.memref_squeeze %dma_start3A_212 : memref<1x128xi32, #tpu.memory_space<vmem>> -> memref<128xi32, #tpu.memory_space<vmem>>
    %dma_start3A_214 = arith.constant 0 : i32
    %dma_start3A_215 = arith.constant 0 : i32
    %dma_start3A_216 = tpu.memref_slice %arg8[%dma_start3A_214, %dma_start3A_215] : memref<10000x32xf32, #tpu.memory_space<vmem_shared>> -> memref<10000x32xf32, #tpu.memory_space<vmem_shared>>
    tpu.enqueue_indirect_dma source(%dma_start3A_210 : memref<128x32xf32, #tpu.memory_space<vmem>>) target(%dma_start3A_216 : memref<10000x32xf32, #tpu.memory_space<vmem_shared>>) offsets(%dma_start3A_213 : memref<128xi32, #tpu.memory_space<vmem>>) semaphore(%arg25 : memref<!tpu.dma_semaphore, #tpu.memory_space<semaphore_mem>>) {add = true}
    %dma_start3A_217 = arith.constant 1 : i32
    %dma_start3A_218 = arith.constant 1 : i32
    %dma_start3A_219 = arith.constant 0 : i32
    %dma_start3A_220 = arith.constant 0 : i32
    %dma_start3A_221 = tpu.memref_slice %arg11[%dma_start3A_217, %dma_start3A_219, %dma_start3A_220] : memref<5x128x32xf32, #tpu.memory_space<vmem>> -> memref<1x128x32xf32, #tpu.memory_space<vmem>>
    %dma_start3A_222 = tpu.memref_squeeze %dma_start3A_221 : memref<1x128x32xf32, #tpu.memory_space<vmem>> -> memref<128x32xf32, #tpu.memory_space<vmem>>
    %dma_start3A_223 = arith.constant 0 : i32
    %dma_start3A_224 = tpu.memref_slice %arg10[%dma_start3A_218, %dma_start3A_223] : memref<5x128xi32, #tpu.memory_space<vmem>> -> memref<1x128xi32, #tpu.memory_space<vmem>>
    %dma_start3A_225 = tpu.memref_squeeze %dma_start3A_224 : memref<1x128xi32, #tpu.memory_space<vmem>> -> memref<128xi32, #tpu.memory_space<vmem>>
    %dma_start3A_226 = arith.constant 0 : i32
    %dma_start3A_227 = arith.constant 0 : i32
    %dma_start3A_228 = tpu.memref_slice %arg8[%dma_start3A_226, %dma_start3A_227] : memref<10000x32xf32, #tpu.memory_space<vmem_shared>> -> memref<10000x32xf32, #tpu.memory_space<vmem_shared>>
    tpu.enqueue_indirect_dma source(%dma_start3A_222 : memref<128x32xf32, #tpu.memory_space<vmem>>) target(%dma_start3A_228 : memref<10000x32xf32, #tpu.memory_space<vmem_shared>>) offsets(%dma_start3A_225 : memref<128xi32, #tpu.memory_space<vmem>>) semaphore(%arg26 : memref<!tpu.dma_semaphore, #tpu.memory_space<semaphore_mem>>) {add = true}
    %dma_start3A_229 = arith.constant 2 : i32
    %dma_start3A_230 = arith.constant 2 : i32
    %dma_start3A_231 = arith.constant 0 : i32
    %dma_start3A_232 = arith.constant 0 : i32
    %dma_start3A_233 = tpu.memref_slice %arg11[%dma_start3A_229, %dma_start3A_231, %dma_start3A_232] : memref<5x128x32xf32, #tpu.memory_space<vmem>> -> memref<1x128x32xf32, #tpu.memory_space<vmem>>
    %dma_start3A_234 = tpu.memref_squeeze %dma_start3A_233 : memref<1x128x32xf32, #tpu.memory_space<vmem>> -> memref<128x32xf32, #tpu.memory_space<vmem>>
    %dma_start3A_235 = arith.constant 0 : i32
    %dma_start3A_236 = tpu.memref_slice %arg10[%dma_start3A_230, %dma_start3A_235] : memref<5x128xi32, #tpu.memory_space<vmem>> -> memref<1x128xi32, #tpu.memory_space<vmem>>
    %dma_start3A_237 = tpu.memref_squeeze %dma_start3A_236 : memref<1x128xi32, #tpu.memory_space<vmem>> -> memref<128xi32, #tpu.memory_space<vmem>>
    %dma_start3A_238 = arith.constant 0 : i32
    %dma_start3A_239 = arith.constant 0 : i32
    %dma_start3A_240 = tpu.memref_slice %arg8[%dma_start3A_238, %dma_start3A_239] : memref<10000x32xf32, #tpu.memory_space<vmem_shared>> -> memref<10000x32xf32, #tpu.memory_space<vmem_shared>>
    tpu.enqueue_indirect_dma source(%dma_start3A_234 : memref<128x32xf32, #tpu.memory_space<vmem>>) target(%dma_start3A_240 : memref<10000x32xf32, #tpu.memory_space<vmem_shared>>) offsets(%dma_start3A_237 : memref<128xi32, #tpu.memory_space<vmem>>) semaphore(%arg27 : memref<!tpu.dma_semaphore, #tpu.memory_space<semaphore_mem>>) {add = true}
    %dma_wait3A_241 = arith.constant 0 : i32
    %dma_wait3A_242 = arith.constant 0 : i32
    %dma_wait3A_243 = arith.constant 0 : i32
    %dma_wait3A_244 = arith.constant 0 : i32
    %dma_wait3A_245 = tpu.memref_slice %arg11[%dma_wait3A_241, %dma_wait3A_243, %dma_wait3A_244] : memref<5x128x32xf32, #tpu.memory_space<vmem>> -> memref<1x128x32xf32, #tpu.memory_space<vmem>>
    %dma_wait3A_246 = tpu.memref_squeeze %dma_wait3A_245 : memref<1x128x32xf32, #tpu.memory_space<vmem>> -> memref<128x32xf32, #tpu.memory_space<vmem>>
    %dma_wait3A_247 = arith.constant 0 : i32
    %dma_wait3A_248 = tpu.memref_slice %arg10[%dma_wait3A_242, %dma_wait3A_247] : memref<5x128xi32, #tpu.memory_space<vmem>> -> memref<1x128xi32, #tpu.memory_space<vmem>>
    %dma_wait3A_249 = tpu.memref_squeeze %dma_wait3A_248 : memref<1x128xi32, #tpu.memory_space<vmem>> -> memref<128xi32, #tpu.memory_space<vmem>>
    %dma_wait3A_250 = arith.constant 0 : i32
    %dma_wait3A_251 = arith.constant 0 : i32
    %dma_wait3A_252 = tpu.memref_slice %arg8[%dma_wait3A_250, %dma_wait3A_251] : memref<10000x32xf32, #tpu.memory_space<vmem_shared>> -> memref<10000x32xf32, #tpu.memory_space<vmem_shared>>
    tpu.wait_indirect_dma semaphore(%arg25 : memref<!tpu.dma_semaphore, #tpu.memory_space<semaphore_mem>>) src(%dma_wait3A_246 : memref<128x32xf32, #tpu.memory_space<vmem>>) dst(%dma_wait3A_252 : memref<10000x32xf32, #tpu.memory_space<vmem_shared>>)
    %dma_wait3A_253 = arith.constant 1 : i32
    %dma_wait3A_254 = arith.constant 1 : i32
    %dma_wait3A_255 = arith.constant 0 : i32
    %dma_wait3A_256 = arith.constant 0 : i32
    %dma_wait3A_257 = tpu.memref_slice %arg11[%dma_wait3A_253, %dma_wait3A_255, %dma_wait3A_256] : memref<5x128x32xf32, #tpu.memory_space<vmem>> -> memref<1x128x32xf32, #tpu.memory_space<vmem>>
    %dma_wait3A_258 = tpu.memref_squeeze %dma_wait3A_257 : memref<1x128x32xf32, #tpu.memory_space<vmem>> -> memref<128x32xf32, #tpu.memory_space<vmem>>
    %dma_wait3A_259 = arith.constant 0 : i32
    %dma_wait3A_260 = tpu.memref_slice %arg10[%dma_wait3A_254, %dma_wait3A_259] : memref<5x128xi32, #tpu.memory_space<vmem>> -> memref<1x128xi32, #tpu.memory_space<vmem>>
    %dma_wait3A_261 = tpu.memref_squeeze %dma_wait3A_260 : memref<1x128xi32, #tpu.memory_space<vmem>> -> memref<128xi32, #tpu.memory_space<vmem>>
    %dma_wait3A_262 = arith.constant 0 : i32
    %dma_wait3A_263 = arith.constant 0 : i32
    %dma_wait3A_264 = tpu.memref_slice %arg8[%dma_wait3A_262, %dma_wait3A_263] : memref<10000x32xf32, #tpu.memory_space<vmem_shared>> -> memref<10000x32xf32, #tpu.memory_space<vmem_shared>>
    tpu.wait_indirect_dma semaphore(%arg26 : memref<!tpu.dma_semaphore, #tpu.memory_space<semaphore_mem>>) src(%dma_wait3A_258 : memref<128x32xf32, #tpu.memory_space<vmem>>) dst(%dma_wait3A_264 : memref<10000x32xf32, #tpu.memory_space<vmem_shared>>)
    %dma_wait3A_265 = arith.constant 2 : i32
    %dma_wait3A_266 = arith.constant 2 : i32
    %dma_wait3A_267 = arith.constant 0 : i32
    %dma_wait3A_268 = arith.constant 0 : i32
    %dma_wait3A_269 = tpu.memref_slice %arg11[%dma_wait3A_265, %dma_wait3A_267, %dma_wait3A_268] : memref<5x128x32xf32, #tpu.memory_space<vmem>> -> memref<1x128x32xf32, #tpu.memory_space<vmem>>
    %dma_wait3A_270 = tpu.memref_squeeze %dma_wait3A_269 : memref<1x128x32xf32, #tpu.memory_space<vmem>> -> memref<128x32xf32, #tpu.memory_space<vmem>>
    %dma_wait3A_271 = arith.constant 0 : i32
    %dma_wait3A_272 = tpu.memref_slice %arg10[%dma_wait3A_266, %dma_wait3A_271] : memref<5x128xi32, #tpu.memory_space<vmem>> -> memref<1x128xi32, #tpu.memory_space<vmem>>
    %dma_wait3A_273 = tpu.memref_squeeze %dma_wait3A_272 : memref<1x128xi32, #tpu.memory_space<vmem>> -> memref<128xi32, #tpu.memory_space<vmem>>
    %dma_wait3A_274 = arith.constant 0 : i32
    %dma_wait3A_275 = arith.constant 0 : i32
    %dma_wait3A_276 = tpu.memref_slice %arg8[%dma_wait3A_274, %dma_wait3A_275] : memref<10000x32xf32, #tpu.memory_space<vmem_shared>> -> memref<10000x32xf32, #tpu.memory_space<vmem_shared>>
    tpu.wait_indirect_dma semaphore(%arg27 : memref<!tpu.dma_semaphore, #tpu.memory_space<semaphore_mem>>) src(%dma_wait3A_270 : memref<128x32xf32, #tpu.memory_space<vmem>>) dst(%dma_wait3A_276 : memref<10000x32xf32, #tpu.memory_space<vmem_shared>>)
    %add3A_277 = arith.constant 9984 : i32
    %add3A_278 = arith.addi %mul3A_2, %add3A_277 : i32
    "tpu.region"() ({
      %run_scoped3A = tpu.sem_alloc : memref<!tpu.dma_semaphore, #tpu.memory_space<semaphore_mem>>
      %dma_start3A_293 = tpu.memref_slice %arg3[%add3A_278] : memref<320000xi32, #tpu.memory_space<hbm>> -> memref<16xi32, #tpu.memory_space<hbm>>
      %dma_start3A_294 = tpu.memref_slice %arg3[%add3A_278] : memref<320000xi32, #tpu.memory_space<hbm>> -> memref<16xi32, #tpu.memory_space<hbm>>
      tpu.enqueue_dma source(%dma_start3A_294 : memref<16xi32, #tpu.memory_space<hbm>>) target(%arg12 : memref<16xi32, #tpu.memory_space<vmem>>) target_semaphore(%run_scoped3A : memref<!tpu.dma_semaphore, #tpu.memory_space<semaphore_mem>>)
      %dma_wait3A_295 = tpu.memref_slice %arg3[%add3A_278] : memref<320000xi32, #tpu.memory_space<hbm>> -> memref<16xi32, #tpu.memory_space<hbm>>
      %dma_wait3A_296 = tpu.memref_slice %arg3[%add3A_278] : memref<320000xi32, #tpu.memory_space<hbm>> -> memref<16xi32, #tpu.memory_space<hbm>>
      tpu.wait_dma2 semaphore(%run_scoped3A : memref<!tpu.dma_semaphore, #tpu.memory_space<semaphore_mem>>) src(%dma_wait3A_296 : memref<16xi32, #tpu.memory_space<hbm>>) dst(%arg12 : memref<16xi32, #tpu.memory_space<vmem>>)
      tpu.yield
    }) : () -> ()
    "tpu.region"() ({
      %run_scoped3A = tpu.sem_alloc : memref<!tpu.dma_semaphore, #tpu.memory_space<semaphore_mem>>
      %dma_start3A_293 = tpu.memref_slice %arg4[%add3A_278] : memref<320000xi32, #tpu.memory_space<hbm>> -> memref<16xi32, #tpu.memory_space<hbm>>
      %dma_start3A_294 = tpu.memref_slice %arg4[%add3A_278] : memref<320000xi32, #tpu.memory_space<hbm>> -> memref<16xi32, #tpu.memory_space<hbm>>
      tpu.enqueue_dma source(%dma_start3A_294 : memref<16xi32, #tpu.memory_space<hbm>>) target(%arg13 : memref<16xi32, #tpu.memory_space<vmem>>) target_semaphore(%run_scoped3A : memref<!tpu.dma_semaphore, #tpu.memory_space<semaphore_mem>>)
      %dma_wait3A_295 = tpu.memref_slice %arg4[%add3A_278] : memref<320000xi32, #tpu.memory_space<hbm>> -> memref<16xi32, #tpu.memory_space<hbm>>
      %dma_wait3A_296 = tpu.memref_slice %arg4[%add3A_278] : memref<320000xi32, #tpu.memory_space<hbm>> -> memref<16xi32, #tpu.memory_space<hbm>>
      tpu.wait_dma2 semaphore(%run_scoped3A : memref<!tpu.dma_semaphore, #tpu.memory_space<semaphore_mem>>) src(%dma_wait3A_296 : memref<16xi32, #tpu.memory_space<hbm>>) dst(%arg13 : memref<16xi32, #tpu.memory_space<vmem>>)
      tpu.yield
    }) : () -> ()
    "tpu.region"() ({
      %run_scoped3A = tpu.sem_alloc : memref<!tpu.dma_semaphore, #tpu.memory_space<semaphore_mem>>
      %dma_start3A_293 = arith.constant 0 : i32
      %dma_start3A_294 = arith.constant 0 : i32
      %dma_start3A_295 = tpu.memref_slice %arg7[%dma_start3A_293, %dma_start3A_294] : memref<10000x32xf32, #tpu.memory_space<vmem_shared>> -> memref<10000x32xf32, #tpu.memory_space<vmem_shared>>
      tpu.enqueue_indirect_dma source(%dma_start3A_295 : memref<10000x32xf32, #tpu.memory_space<vmem_shared>>) target(%arg14 : memref<16x32xf32, #tpu.memory_space<vmem>>) offsets(%arg12 : memref<16xi32, #tpu.memory_space<vmem>>) semaphore(%run_scoped3A : memref<!tpu.dma_semaphore, #tpu.memory_space<semaphore_mem>>)
      %dma_wait3A_296 = arith.constant 0 : i32
      %dma_wait3A_297 = arith.constant 0 : i32
      %dma_wait3A_298 = tpu.memref_slice %arg7[%dma_wait3A_296, %dma_wait3A_297] : memref<10000x32xf32, #tpu.memory_space<vmem_shared>> -> memref<10000x32xf32, #tpu.memory_space<vmem_shared>>
      tpu.wait_indirect_dma semaphore(%run_scoped3A : memref<!tpu.dma_semaphore, #tpu.memory_space<semaphore_mem>>) src(%dma_wait3A_298 : memref<10000x32xf32, #tpu.memory_space<vmem_shared>>) dst(%arg14 : memref<16x32xf32, #tpu.memory_space<vmem>>)
      tpu.yield
    }) : () -> ()
    "tpu.region"() ({
      %run_scoped3A = tpu.sem_alloc : memref<!tpu.dma_semaphore, #tpu.memory_space<semaphore_mem>>
      %dma_start3A_293 = arith.constant 0 : i32
      %dma_start3A_294 = arith.constant 0 : i32
      %dma_start3A_295 = tpu.memref_slice %arg8[%dma_start3A_293, %dma_start3A_294] : memref<10000x32xf32, #tpu.memory_space<vmem_shared>> -> memref<10000x32xf32, #tpu.memory_space<vmem_shared>>
      tpu.enqueue_indirect_dma source(%arg14 : memref<16x32xf32, #tpu.memory_space<vmem>>) target(%dma_start3A_295 : memref<10000x32xf32, #tpu.memory_space<vmem_shared>>) offsets(%arg13 : memref<16xi32, #tpu.memory_space<vmem>>) semaphore(%run_scoped3A : memref<!tpu.dma_semaphore, #tpu.memory_space<semaphore_mem>>) {add = true}
      %dma_wait3A_296 = arith.constant 0 : i32
      %dma_wait3A_297 = arith.constant 0 : i32
      %dma_wait3A_298 = tpu.memref_slice %arg8[%dma_wait3A_296, %dma_wait3A_297] : memref<10000x32xf32, #tpu.memory_space<vmem_shared>> -> memref<10000x32xf32, #tpu.memory_space<vmem_shared>>
      tpu.wait_indirect_dma semaphore(%run_scoped3A : memref<!tpu.dma_semaphore, #tpu.memory_space<semaphore_mem>>) src(%arg14 : memref<16x32xf32, #tpu.memory_space<vmem>>) dst(%dma_wait3A_298 : memref<10000x32xf32, #tpu.memory_space<vmem_shared>>)
      tpu.yield
    }) : () -> ()
    %barrier3A_279 = arith.constant 0 : index
    tpu.barrier barrier_id(%barrier3A_279)
    %mul3A_280 = arith.constant 640 : i32
    %mul3A_281 = arith.muli %arg1, %mul3A_280 : i32
    %multiple_of3A_282 = tpu.assume_multiple %mul3A_281, 8 : i32
    %lt3A_283 = arith.constant 15 : i32
    %lt3A_284 = arith.cmpi slt, %arg1, %lt3A_283 : i32
    %convert_element_type3A_285 = arith.extui %lt3A_284 : i1 to i32
    %cond3A_286 = arith.constant 0 : i32
    %cond3A_287 = arith.cmpi ne, %convert_element_type3A_285, %cond3A_286 : i32
    scf.if %cond3A_287 {
      "tpu.region"() ({
        %run_scoped3A = tpu.sem_alloc : memref<!tpu.dma_semaphore, #tpu.memory_space<semaphore_mem>>
        %dma_start3A_293 = arith.constant 0 : i32
        %dma_start3A_294 = arith.constant 0 : i32
        %dma_start3A_295 = tpu.memref_slice %arg6[%arg0, %dma_start3A_293, %dma_start3A_294] : memref<2x10000x32xf32, #tpu.memory_space<hbm>> -> memref<1x10000x32xf32, #tpu.memory_space<hbm>>
        %dma_start3A_296 = tpu.memref_squeeze %dma_start3A_295 : memref<1x10000x32xf32, #tpu.memory_space<hbm>> -> memref<10000x32xf32, #tpu.memory_space<hbm>>
        %dma_start3A_297 = arith.constant 0 : i32
        %dma_start3A_298 = tpu.memref_slice %dma_start3A_296[%multiple_of3A_282, %dma_start3A_297] : memref<10000x32xf32, #tpu.memory_space<hbm>> -> memref<640x32xf32, #tpu.memory_space<hbm>>
        %dma_start3A_299 = arith.constant 0 : i32
        %dma_start3A_300 = tpu.memref_slice %arg8[%multiple_of3A_282, %dma_start3A_299] : memref<10000x32xf32, #tpu.memory_space<vmem_shared>> -> memref<640x32xf32, #tpu.memory_space<vmem_shared>>
        tpu.enqueue_dma source(%dma_start3A_300 : memref<640x32xf32, #tpu.memory_space<vmem_shared>>) target(%dma_start3A_298 : memref<640x32xf32, #tpu.memory_space<hbm>>) target_semaphore(%run_scoped3A : memref<!tpu.dma_semaphore, #tpu.memory_space<semaphore_mem>>)
        %dma_wait3A_301 = arith.constant 0 : i32
        %dma_wait3A_302 = arith.constant 0 : i32
        %dma_wait3A_303 = tpu.memref_slice %arg6[%arg0, %dma_wait3A_301, %dma_wait3A_302] : memref<2x10000x32xf32, #tpu.memory_space<hbm>> -> memref<1x10000x32xf32, #tpu.memory_space<hbm>>
        %dma_wait3A_304 = tpu.memref_squeeze %dma_wait3A_303 : memref<1x10000x32xf32, #tpu.memory_space<hbm>> -> memref<10000x32xf32, #tpu.memory_space<hbm>>
        %dma_wait3A_305 = arith.constant 0 : i32
        %dma_wait3A_306 = tpu.memref_slice %dma_wait3A_304[%multiple_of3A_282, %dma_wait3A_305] : memref<10000x32xf32, #tpu.memory_space<hbm>> -> memref<640x32xf32, #tpu.memory_space<hbm>>
        %dma_wait3A_307 = arith.constant 0 : i32
        %dma_wait3A_308 = tpu.memref_slice %arg8[%multiple_of3A_282, %dma_wait3A_307] : memref<10000x32xf32, #tpu.memory_space<vmem_shared>> -> memref<640x32xf32, #tpu.memory_space<vmem_shared>>
        tpu.wait_dma2 semaphore(%run_scoped3A : memref<!tpu.dma_semaphore, #tpu.memory_space<semaphore_mem>>) src(%dma_wait3A_308 : memref<640x32xf32, #tpu.memory_space<vmem_shared>>) dst(%dma_wait3A_306 : memref<640x32xf32, #tpu.memory_space<hbm>>)
        tpu.yield
      }) : () -> ()
    } else {
    }
    %eq3A_288 = arith.constant 15 : i32
    %eq3A_289 = arith.cmpi eq, %arg1, %eq3A_288 : i32
    %convert_element_type3A_290 = arith.extui %eq3A_289 : i1 to i32
    %cond3A_291 = arith.constant 0 : i32
    %cond3A_292 = arith.cmpi ne, %convert_element_type3A_290, %cond3A_291 : i32
    scf.if %cond3A_292 {
      "tpu.region"() ({
        %run_scoped3A = tpu.sem_alloc : memref<!tpu.dma_semaphore, #tpu.memory_space<semaphore_mem>>
        %dma_start3A_293 = arith.constant 0 : i32
        %dma_start3A_294 = arith.constant 0 : i32
        %dma_start3A_295 = tpu.memref_slice %arg6[%arg0, %dma_start3A_293, %dma_start3A_294] : memref<2x10000x32xf32, #tpu.memory_space<hbm>> -> memref<1x10000x32xf32, #tpu.memory_space<hbm>>
        %dma_start3A_296 = tpu.memref_squeeze %dma_start3A_295 : memref<1x10000x32xf32, #tpu.memory_space<hbm>> -> memref<10000x32xf32, #tpu.memory_space<hbm>>
        %dma_start3A_297 = arith.constant 9600 : i32
        %dma_start3A_298 = arith.constant 0 : i32
        %dma_start3A_299 = tpu.memref_slice %dma_start3A_296[%dma_start3A_297, %dma_start3A_298] : memref<10000x32xf32, #tpu.memory_space<hbm>> -> memref<400x32xf32, #tpu.memory_space<hbm>>
        %dma_start3A_300 = arith.constant 9600 : i32
        %dma_start3A_301 = arith.constant 0 : i32
        %dma_start3A_302 = tpu.memref_slice %arg8[%dma_start3A_300, %dma_start3A_301] : memref<10000x32xf32, #tpu.memory_space<vmem_shared>> -> memref<400x32xf32, #tpu.memory_space<vmem_shared>>
        tpu.enqueue_dma source(%dma_start3A_302 : memref<400x32xf32, #tpu.memory_space<vmem_shared>>) target(%dma_start3A_299 : memref<400x32xf32, #tpu.memory_space<hbm>>) target_semaphore(%run_scoped3A : memref<!tpu.dma_semaphore, #tpu.memory_space<semaphore_mem>>)
        %dma_wait3A_303 = arith.constant 0 : i32
        %dma_wait3A_304 = arith.constant 0 : i32
        %dma_wait3A_305 = tpu.memref_slice %arg6[%arg0, %dma_wait3A_303, %dma_wait3A_304] : memref<2x10000x32xf32, #tpu.memory_space<hbm>> -> memref<1x10000x32xf32, #tpu.memory_space<hbm>>
        %dma_wait3A_306 = tpu.memref_squeeze %dma_wait3A_305 : memref<1x10000x32xf32, #tpu.memory_space<hbm>> -> memref<10000x32xf32, #tpu.memory_space<hbm>>
        %dma_wait3A_307 = arith.constant 9600 : i32
        %dma_wait3A_308 = arith.constant 0 : i32
        %dma_wait3A_309 = tpu.memref_slice %dma_wait3A_306[%dma_wait3A_307, %dma_wait3A_308] : memref<10000x32xf32, #tpu.memory_space<hbm>> -> memref<400x32xf32, #tpu.memory_space<hbm>>
        %dma_wait3A_310 = arith.constant 9600 : i32
        %dma_wait3A_311 = arith.constant 0 : i32
        %dma_wait3A_312 = tpu.memref_slice %arg8[%dma_wait3A_310, %dma_wait3A_311] : memref<10000x32xf32, #tpu.memory_space<vmem_shared>> -> memref<400x32xf32, #tpu.memory_space<vmem_shared>>
        tpu.wait_dma2 semaphore(%run_scoped3A : memref<!tpu.dma_semaphore, #tpu.memory_space<semaphore_mem>>) src(%dma_wait3A_312 : memref<400x32xf32, #tpu.memory_space<vmem_shared>>) dst(%dma_wait3A_309 : memref<400x32xf32, #tpu.memory_space<hbm>>)
        tpu.yield
      }) : () -> ()
    } else {
    }
    return
  }
}

#map = affine_map<(d0, d1) -> (0, 0)>
#map1 = affine_map<(d0, d1) -> (0)>
#map2 = affine_map<(d0, d1) -> (0, 0, 0)>
module attributes {stable_mosaic.version = 14 : i64} {
  func.func @_scat_body(%arg0: i32, %arg1: i32, %arg2: memref<10000x32xf32, #tpu.memory_space<hbm>>, %arg3: memref<320000xi32, #tpu.memory_space<hbm>>, %arg4: memref<320000xi32, #tpu.memory_space<hbm>>, %arg5: memref<10000x32xf32, #tpu.memory_space<hbm>>, %arg6: memref<2x10000x32xf32, #tpu.memory_space<hbm>>, %arg7: memref<10000x32xf32, #tpu.memory_space<vmem_shared>>, %arg8: memref<10000x32xf32, #tpu.memory_space<vmem_shared>>, %arg9: memref<5x128xi32, #tpu.memory_space<vmem>>, %arg10: memref<5x128xi32, #tpu.memory_space<vmem>>, %arg11: memref<5x128x32xf32, #tpu.memory_space<vmem>>, %arg12: memref<16xi32, #tpu.memory_space<vmem>>, %arg13: memref<16xi32, #tpu.memory_space<vmem>>, %arg14: memref<16x32xf32, #tpu.memory_space<vmem>>, %arg15: memref<!tpu.dma_semaphore, #tpu.memory_space<semaphore_mem>>, %arg16: memref<!tpu.dma_semaphore, #tpu.memory_space<semaphore_mem>>, %arg17: memref<!tpu.dma_semaphore, #tpu.memory_space<semaphore_mem>>, %arg18: memref<!tpu.dma_semaphore, #tpu.memory_space<semaphore_mem>>, %arg19: memref<!tpu.dma_semaphore, #tpu.memory_space<semaphore_mem>>, %arg20: memref<!tpu.dma_semaphore, #tpu.memory_space<semaphore_mem>>, %arg21: memref<!tpu.dma_semaphore, #tpu.memory_space<semaphore_mem>>, %arg22: memref<!tpu.dma_semaphore, #tpu.memory_space<semaphore_mem>>, %arg23: memref<!tpu.dma_semaphore, #tpu.memory_space<semaphore_mem>>, %arg24: memref<!tpu.dma_semaphore, #tpu.memory_space<semaphore_mem>>, %arg25: memref<!tpu.dma_semaphore, #tpu.memory_space<semaphore_mem>>, %arg26: memref<!tpu.dma_semaphore, #tpu.memory_space<semaphore_mem>>, %arg27: memref<!tpu.dma_semaphore, #tpu.memory_space<semaphore_mem>>, %arg28: memref<!tpu.dma_semaphore, #tpu.memory_space<semaphore_mem>>, %arg29: memref<!tpu.dma_semaphore, #tpu.memory_space<semaphore_mem>>) attributes {dimension_semantics = [#tpu.dimension_semantics<core_parallel>, #tpu.dimension_semantics<subcore_parallel>], iteration_bounds = array<i64: 2, 16>, scalar_prefetch = 0 : i64, scratch_operands = 23 : i64, tpu.core_type = #tpu.core_type<sc_vector_subcore>, window_params = [{transform_indices = #map}, {transform_indices = #map1}, {transform_indices = #map1}, {transform_indices = #map}, {transform_indices = #map2}]} {
    %mul3A = arith.constant 16 : i32
    %mul3A_0 = arith.muli %arg0, %mul3A : i32
    %add3A = arith.addi %mul3A_0, %arg1 : i32
    %mul3A_1 = arith.constant 10000 : i32
    %mul3A_2 = arith.muli %add3A, %mul3A_1 : i32
    %mul3A_3 = arith.constant 640 : i32
    %mul3A_4 = arith.muli %arg1, %mul3A_3 : i32
    %multiple_of3A = tpu.assume_multiple %mul3A_4, 8 : i32
    %lt3A = arith.constant 15 : i32
    %lt3A_5 = arith.cmpi slt, %arg1, %lt3A : i32
    %convert_element_type3A = arith.extui %lt3A_5 : i1 to i32
    %cond3A = arith.constant 0 : i32
    %cond3A_6 = arith.cmpi ne, %convert_element_type3A, %cond3A : i32
    scf.if %cond3A_6 {
      "tpu.region"() ({
        %run_scoped3A = tpu.sem_alloc : memref<!tpu.dma_semaphore, #tpu.memory_space<semaphore_mem>>
        %dma_start3A_293 = arith.constant 0 : i32
        %dma_start3A_294 = tpu.memref_slice %arg7[%multiple_of3A, %dma_start3A_293] : memref<10000x32xf32, #tpu.memory_space<vmem_shared>> -> memref<640x32xf32, #tpu.memory_space<vmem_shared>>
        %dma_start3A_295 = arith.constant 0 : i32
        %dma_start3A_296 = tpu.memref_slice %arg2[%multiple_of3A, %dma_start3A_295] : memref<10000x32xf32, #tpu.memory_space<hbm>> -> memref<640x32xf32, #tpu.memory_space<hbm>>
        tpu.enqueue_dma source(%dma_start3A_296 : memref<640x32xf32, #tpu.memory_space<hbm>>) target(%dma_start3A_294 : memref<640x32xf32, #tpu.memory_space<vmem_shared>>) target_semaphore(%run_scoped3A : memref<!tpu.dma_semaphore, #tpu.memory_space<semaphore_mem>>)
        %dma_wait3A_297 = arith.constant 0 : i32
        %dma_wait3A_298 = tpu.memref_slice %arg7[%multiple_of3A, %dma_wait3A_297] : memref<10000x32xf32, #tpu.memory_space<vmem_shared>> -> memref<640x32xf32, #tpu.memory_space<vmem_shared>>
        %dma_wait3A_299 = arith.constant 0 : i32
        %dma_wait3A_300 = tpu.memref_slice %arg2[%multiple_of3A, %dma_wait3A_299] : memref<10000x32xf32, #tpu.memory_space<hbm>> -> memref<640x32xf32, #tpu.memory_space<hbm>>
        tpu.wait_dma2 semaphore(%run_scoped3A : memref<!tpu.dma_semaphore, #tpu.memory_space<semaphore_mem>>) src(%dma_wait3A_300 : memref<640x32xf32, #tpu.memory_space<hbm>>) dst(%dma_wait3A_298 : memref<640x32xf32, #tpu.memory_space<vmem_shared>>)
        tpu.yield
      }) : () -> ()
      "tpu.region"() ({
        %run_scoped3A = tpu.sem_alloc : memref<!tpu.dma_semaphore, #tpu.memory_space<semaphore_mem>>
        %dma_start3A_293 = arith.constant 0 : i32
        %dma_start3A_294 = tpu.memref_slice %arg8[%multiple_of3A, %dma_start3A_293] : memref<10000x32xf32, #tpu.memory_space<vmem_shared>> -> memref<640x32xf32, #tpu.memory_space<vmem_shared>>
        %dma_start3A_295 = arith.constant 0 : i32
        %dma_start3A_296 = tpu.memref_slice %arg5[%multiple_of3A, %dma_start3A_295] : memref<10000x32xf32, #tpu.memory_space<hbm>> -> memref<640x32xf32, #tpu.memory_space<hbm>>
        tpu.enqueue_dma source(%dma_start3A_296 : memref<640x32xf32, #tpu.memory_space<hbm>>) target(%dma_start3A_294 : memref<640x32xf32, #tpu.memory_space<vmem_shared>>) target_semaphore(%run_scoped3A : memref<!tpu.dma_semaphore, #tpu.memory_space<semaphore_mem>>)
        %dma_wait3A_297 = arith.constant 0 : i32
        %dma_wait3A_298 = tpu.memref_slice %arg8[%multiple_of3A, %dma_wait3A_297] : memref<10000x32xf32, #tpu.memory_space<vmem_shared>> -> memref<640x32xf32, #tpu.memory_space<vmem_shared>>
        %dma_wait3A_299 = arith.constant 0 : i32
        %dma_wait3A_300 = tpu.memref_slice %arg5[%multiple_of3A, %dma_wait3A_299] : memref<10000x32xf32, #tpu.memory_space<hbm>> -> memref<640x32xf32, #tpu.memory_space<hbm>>
        tpu.wait_dma2 semaphore(%run_scoped3A : memref<!tpu.dma_semaphore, #tpu.memory_space<semaphore_mem>>) src(%dma_wait3A_300 : memref<640x32xf32, #tpu.memory_space<hbm>>) dst(%dma_wait3A_298 : memref<640x32xf32, #tpu.memory_space<vmem_shared>>)
        tpu.yield
      }) : () -> ()
    } else {
    }
    %eq3A = arith.constant 15 : i32
    %eq3A_7 = arith.cmpi eq, %arg1, %eq3A : i32
    %convert_element_type3A_8 = arith.extui %eq3A_7 : i1 to i32
    %cond3A_9 = arith.constant 0 : i32
    %cond3A_10 = arith.cmpi ne, %convert_element_type3A_8, %cond3A_9 : i32
    scf.if %cond3A_10 {
      "tpu.region"() ({
        %run_scoped3A = tpu.sem_alloc : memref<!tpu.dma_semaphore, #tpu.memory_space<semaphore_mem>>
        %dma_start3A_293 = arith.constant 9600 : i32
        %dma_start3A_294 = arith.constant 0 : i32
        %dma_start3A_295 = tpu.memref_slice %arg7[%dma_start3A_293, %dma_start3A_294] : memref<10000x32xf32, #tpu.memory_space<vmem_shared>> -> memref<400x32xf32, #tpu.memory_space<vmem_shared>>
        %dma_start3A_296 = arith.constant 9600 : i32
        %dma_start3A_297 = arith.constant 0 : i32
        %dma_start3A_298 = tpu.memref_slice %arg2[%dma_start3A_296, %dma_start3A_297] : memref<10000x32xf32, #tpu.memory_space<hbm>> -> memref<400x32xf32, #tpu.memory_space<hbm>>
        tpu.enqueue_dma source(%dma_start3A_298 : memref<400x32xf32, #tpu.memory_space<hbm>>) target(%dma_start3A_295 : memref<400x32xf32, #tpu.memory_space<vmem_shared>>) target_semaphore(%run_scoped3A : memref<!tpu.dma_semaphore, #tpu.memory_space<semaphore_mem>>)
        %dma_wait3A_299 = arith.constant 9600 : i32
        %dma_wait3A_300 = arith.constant 0 : i32
        %dma_wait3A_301 = tpu.memref_slice %arg7[%dma_wait3A_299, %dma_wait3A_300] : memref<10000x32xf32, #tpu.memory_space<vmem_shared>> -> memref<400x32xf32, #tpu.memory_space<vmem_shared>>
        %dma_wait3A_302 = arith.constant 9600 : i32
        %dma_wait3A_303 = arith.constant 0 : i32
        %dma_wait3A_304 = tpu.memref_slice %arg2[%dma_wait3A_302, %dma_wait3A_303] : memref<10000x32xf32, #tpu.memory_space<hbm>> -> memref<400x32xf32, #tpu.memory_space<hbm>>
        tpu.wait_dma2 semaphore(%run_scoped3A : memref<!tpu.dma_semaphore, #tpu.memory_space<semaphore_mem>>) src(%dma_wait3A_304 : memref<400x32xf32, #tpu.memory_space<hbm>>) dst(%dma_wait3A_301 : memref<400x32xf32, #tpu.memory_space<vmem_shared>>)
        tpu.yield
      }) : () -> ()
      "tpu.region"() ({
        %run_scoped3A = tpu.sem_alloc : memref<!tpu.dma_semaphore, #tpu.memory_space<semaphore_mem>>
        %dma_start3A_293 = arith.constant 9600 : i32
        %dma_start3A_294 = arith.constant 0 : i32
        %dma_start3A_295 = tpu.memref_slice %arg8[%dma_start3A_293, %dma_start3A_294] : memref<10000x32xf32, #tpu.memory_space<vmem_shared>> -> memref<400x32xf32, #tpu.memory_space<vmem_shared>>
        %dma_start3A_296 = arith.constant 9600 : i32
        %dma_start3A_297 = arith.constant 0 : i32
        %dma_start3A_298 = tpu.memref_slice %arg5[%dma_start3A_296, %dma_start3A_297] : memref<10000x32xf32, #tpu.memory_space<hbm>> -> memref<400x32xf32, #tpu.memory_space<hbm>>
        tpu.enqueue_dma source(%dma_start3A_298 : memref<400x32xf32, #tpu.memory_space<hbm>>) target(%dma_start3A_295 : memref<400x32xf32, #tpu.memory_space<vmem_shared>>) target_semaphore(%run_scoped3A : memref<!tpu.dma_semaphore, #tpu.memory_space<semaphore_mem>>)
        %dma_wait3A_299 = arith.constant 9600 : i32
        %dma_wait3A_300 = arith.constant 0 : i32
        %dma_wait3A_301 = tpu.memref_slice %arg8[%dma_wait3A_299, %dma_wait3A_300] : memref<10000x32xf32, #tpu.memory_space<vmem_shared>> -> memref<400x32xf32, #tpu.memory_space<vmem_shared>>
        %dma_wait3A_302 = arith.constant 9600 : i32
        %dma_wait3A_303 = arith.constant 0 : i32
        %dma_wait3A_304 = tpu.memref_slice %arg5[%dma_wait3A_302, %dma_wait3A_303] : memref<10000x32xf32, #tpu.memory_space<hbm>> -> memref<400x32xf32, #tpu.memory_space<hbm>>
        tpu.wait_dma2 semaphore(%run_scoped3A : memref<!tpu.dma_semaphore, #tpu.memory_space<semaphore_mem>>) src(%dma_wait3A_304 : memref<400x32xf32, #tpu.memory_space<hbm>>) dst(%dma_wait3A_301 : memref<400x32xf32, #tpu.memory_space<vmem_shared>>)
        tpu.yield
      }) : () -> ()
    } else {
    }
    %barrier3A = arith.constant 0 : index
    tpu.barrier barrier_id(%barrier3A)
    %scan3A = arith.constant 0 : i32
    %scan3A_11 = arith.constant 0 : i32
    %scan3A_12 = arith.constant 15 : i32
    %scan3A_13 = arith.addi %scan3A_11, %scan3A_12 : i32
    %scan3A_14 = arith.constant 1 : i32
    scf.for %scan3A_293 = %scan3A_11 to %scan3A_13 step %scan3A_14  : i32 {
      %mul3A_294 = arith.constant 640 : i32
      %mul3A_295 = arith.muli %scan3A_293, %mul3A_294 : i32
      %add3A_296 = arith.addi %mul3A_2, %mul3A_295 : i32
      %add3A_297 = arith.constant 0 : i32
      %add3A_298 = arith.addi %add3A_296, %add3A_297 : i32
      %multiple_of3A_299 = tpu.assume_multiple %add3A_298, 128 : i32
      %dma_start3A_300 = arith.constant 0 : i32
      %dma_start3A_301 = arith.constant 0 : i32
      %dma_start3A_302 = tpu.memref_slice %arg9[%dma_start3A_300, %dma_start3A_301] : memref<5x128xi32, #tpu.memory_space<vmem>> -> memref<1x128xi32, #tpu.memory_space<vmem>>
      %dma_start3A_303 = tpu.memref_squeeze %dma_start3A_302 : memref<1x128xi32, #tpu.memory_space<vmem>> -> memref<128xi32, #tpu.memory_space<vmem>>
      %dma_start3A_304 = tpu.memref_slice %arg3[%multiple_of3A_299] : memref<320000xi32, #tpu.memory_space<hbm>> -> memref<128xi32, #tpu.memory_space<hbm>>
      %dma_start3A_305 = arith.constant 0 : i32
      %dma_start3A_306 = tpu.memref_slice %arg9[%dma_start3A_300, %dma_start3A_305] : memref<5x128xi32, #tpu.memory_space<vmem>> -> memref<1x128xi32, #tpu.memory_space<vmem>>
      %dma_start3A_307 = tpu.memref_squeeze %dma_start3A_306 : memref<1x128xi32, #tpu.memory_space<vmem>> -> memref<128xi32, #tpu.memory_space<vmem>>
      %dma_start3A_308 = tpu.memref_slice %arg3[%multiple_of3A_299] : memref<320000xi32, #tpu.memory_space<hbm>> -> memref<128xi32, #tpu.memory_space<hbm>>
      tpu.enqueue_dma source(%dma_start3A_308 : memref<128xi32, #tpu.memory_space<hbm>>) target(%dma_start3A_307 : memref<128xi32, #tpu.memory_space<vmem>>) target_semaphore(%arg15 : memref<!tpu.dma_semaphore, #tpu.memory_space<semaphore_mem>>)
      %dma_start3A_309 = arith.constant 0 : i32
      %dma_start3A_310 = arith.constant 0 : i32
      %dma_start3A_311 = tpu.memref_slice %arg10[%dma_start3A_309, %dma_start3A_310] : memref<5x128xi32, #tpu.memory_space<vmem>> -> memref<1x128xi32, #tpu.memory_space<vmem>>
      %dma_start3A_312 = tpu.memref_squeeze %dma_start3A_311 : memref<1x128xi32, #tpu.memory_space<vmem>> -> memref<128xi32, #tpu.memory_space<vmem>>
      %dma_start3A_313 = tpu.memref_slice %arg4[%multiple_of3A_299] : memref<320000xi32, #tpu.memory_space<hbm>> -> memref<128xi32, #tpu.memory_space<hbm>>
      %dma_start3A_314 = arith.constant 0 : i32
      %dma_start3A_315 = tpu.memref_slice %arg10[%dma_start3A_309, %dma_start3A_314] : memref<5x128xi32, #tpu.memory_space<vmem>> -> memref<1x128xi32, #tpu.memory_space<vmem>>
      %dma_start3A_316 = tpu.memref_squeeze %dma_start3A_315 : memref<1x128xi32, #tpu.memory_space<vmem>> -> memref<128xi32, #tpu.memory_space<vmem>>
      %dma_start3A_317 = tpu.memref_slice %arg4[%multiple_of3A_299] : memref<320000xi32, #tpu.memory_space<hbm>> -> memref<128xi32, #tpu.memory_space<hbm>>
      tpu.enqueue_dma source(%dma_start3A_317 : memref<128xi32, #tpu.memory_space<hbm>>) target(%dma_start3A_316 : memref<128xi32, #tpu.memory_space<vmem>>) target_semaphore(%arg15 : memref<!tpu.dma_semaphore, #tpu.memory_space<semaphore_mem>>)
      %add3A_318 = arith.constant 128 : i32
      %add3A_319 = arith.addi %add3A_296, %add3A_318 : i32
      %multiple_of3A_320 = tpu.assume_multiple %add3A_319, 128 : i32
      %dma_start3A_321 = arith.constant 1 : i32
      %dma_start3A_322 = arith.constant 0 : i32
      %dma_start3A_323 = tpu.memref_slice %arg9[%dma_start3A_321, %dma_start3A_322] : memref<5x128xi32, #tpu.memory_space<vmem>> -> memref<1x128xi32, #tpu.memory_space<vmem>>
      %dma_start3A_324 = tpu.memref_squeeze %dma_start3A_323 : memref<1x128xi32, #tpu.memory_space<vmem>> -> memref<128xi32, #tpu.memory_space<vmem>>
      %dma_start3A_325 = tpu.memref_slice %arg3[%multiple_of3A_320] : memref<320000xi32, #tpu.memory_space<hbm>> -> memref<128xi32, #tpu.memory_space<hbm>>
      %dma_start3A_326 = arith.constant 0 : i32
      %dma_start3A_327 = tpu.memref_slice %arg9[%dma_start3A_321, %dma_start3A_326] : memref<5x128xi32, #tpu.memory_space<vmem>> -> memref<1x128xi32, #tpu.memory_space<vmem>>
      %dma_start3A_328 = tpu.memref_squeeze %dma_start3A_327 : memref<1x128xi32, #tpu.memory_space<vmem>> -> memref<128xi32, #tpu.memory_space<vmem>>
      %dma_start3A_329 = tpu.memref_slice %arg3[%multiple_of3A_320] : memref<320000xi32, #tpu.memory_space<hbm>> -> memref<128xi32, #tpu.memory_space<hbm>>
      tpu.enqueue_dma source(%dma_start3A_329 : memref<128xi32, #tpu.memory_space<hbm>>) target(%dma_start3A_328 : memref<128xi32, #tpu.memory_space<vmem>>) target_semaphore(%arg16 : memref<!tpu.dma_semaphore, #tpu.memory_space<semaphore_mem>>)
      %dma_start3A_330 = arith.constant 1 : i32
      %dma_start3A_331 = arith.constant 0 : i32
      %dma_start3A_332 = tpu.memref_slice %arg10[%dma_start3A_330, %dma_start3A_331] : memref<5x128xi32, #tpu.memory_space<vmem>> -> memref<1x128xi32, #tpu.memory_space<vmem>>
      %dma_start3A_333 = tpu.memref_squeeze %dma_start3A_332 : memref<1x128xi32, #tpu.memory_space<vmem>> -> memref<128xi32, #tpu.memory_space<vmem>>
      %dma_start3A_334 = tpu.memref_slice %arg4[%multiple_of3A_320] : memref<320000xi32, #tpu.memory_space<hbm>> -> memref<128xi32, #tpu.memory_space<hbm>>
      %dma_start3A_335 = arith.constant 0 : i32
      %dma_start3A_336 = tpu.memref_slice %arg10[%dma_start3A_330, %dma_start3A_335] : memref<5x128xi32, #tpu.memory_space<vmem>> -> memref<1x128xi32, #tpu.memory_space<vmem>>
      %dma_start3A_337 = tpu.memref_squeeze %dma_start3A_336 : memref<1x128xi32, #tpu.memory_space<vmem>> -> memref<128xi32, #tpu.memory_space<vmem>>
      %dma_start3A_338 = tpu.memref_slice %arg4[%multiple_of3A_320] : memref<320000xi32, #tpu.memory_space<hbm>> -> memref<128xi32, #tpu.memory_space<hbm>>
      tpu.enqueue_dma source(%dma_start3A_338 : memref<128xi32, #tpu.memory_space<hbm>>) target(%dma_start3A_337 : memref<128xi32, #tpu.memory_space<vmem>>) target_semaphore(%arg16 : memref<!tpu.dma_semaphore, #tpu.memory_space<semaphore_mem>>)
      %add3A_339 = arith.constant 256 : i32
      %add3A_340 = arith.addi %add3A_296, %add3A_339 : i32
      %multiple_of3A_341 = tpu.assume_multiple %add3A_340, 128 : i32
      %dma_start3A_342 = arith.constant 2 : i32
      %dma_start3A_343 = arith.constant 0 : i32
      %dma_start3A_344 = tpu.memref_slice %arg9[%dma_start3A_342, %dma_start3A_343] : memref<5x128xi32, #tpu.memory_space<vmem>> -> memref<1x128xi32, #tpu.memory_space<vmem>>
      %dma_start3A_345 = tpu.memref_squeeze %dma_start3A_344 : memref<1x128xi32, #tpu.memory_space<vmem>> -> memref<128xi32, #tpu.memory_space<vmem>>
      %dma_start3A_346 = tpu.memref_slice %arg3[%multiple_of3A_341] : memref<320000xi32, #tpu.memory_space<hbm>> -> memref<128xi32, #tpu.memory_space<hbm>>
      %dma_start3A_347 = arith.constant 0 : i32
      %dma_start3A_348 = tpu.memref_slice %arg9[%dma_start3A_342, %dma_start3A_347] : memref<5x128xi32, #tpu.memory_space<vmem>> -> memref<1x128xi32, #tpu.memory_space<vmem>>
      %dma_start3A_349 = tpu.memref_squeeze %dma_start3A_348 : memref<1x128xi32, #tpu.memory_space<vmem>> -> memref<128xi32, #tpu.memory_space<vmem>>
      %dma_start3A_350 = tpu.memref_slice %arg3[%multiple_of3A_341] : memref<320000xi32, #tpu.memory_space<hbm>> -> memref<128xi32, #tpu.memory_space<hbm>>
      tpu.enqueue_dma source(%dma_start3A_350 : memref<128xi32, #tpu.memory_space<hbm>>) target(%dma_start3A_349 : memref<128xi32, #tpu.memory_space<vmem>>) target_semaphore(%arg17 : memref<!tpu.dma_semaphore, #tpu.memory_space<semaphore_mem>>)
      %dma_start3A_351 = arith.constant 2 : i32
      %dma_start3A_352 = arith.constant 0 : i32
      %dma_start3A_353 = tpu.memref_slice %arg10[%dma_start3A_351, %dma_start3A_352] : memref<5x128xi32, #tpu.memory_space<vmem>> -> memref<1x128xi32, #tpu.memory_space<vmem>>
      %dma_start3A_354 = tpu.memref_squeeze %dma_start3A_353 : memref<1x128xi32, #tpu.memory_space<vmem>> -> memref<128xi32, #tpu.memory_space<vmem>>
      %dma_start3A_355 = tpu.memref_slice %arg4[%multiple_of3A_341] : memref<320000xi32, #tpu.memory_space<hbm>> -> memref<128xi32, #tpu.memory_space<hbm>>
      %dma_start3A_356 = arith.constant 0 : i32
      %dma_start3A_357 = tpu.memref_slice %arg10[%dma_start3A_351, %dma_start3A_356] : memref<5x128xi32, #tpu.memory_space<vmem>> -> memref<1x128xi32, #tpu.memory_space<vmem>>
      %dma_start3A_358 = tpu.memref_squeeze %dma_start3A_357 : memref<1x128xi32, #tpu.memory_space<vmem>> -> memref<128xi32, #tpu.memory_space<vmem>>
      %dma_start3A_359 = tpu.memref_slice %arg4[%multiple_of3A_341] : memref<320000xi32, #tpu.memory_space<hbm>> -> memref<128xi32, #tpu.memory_space<hbm>>
      tpu.enqueue_dma source(%dma_start3A_359 : memref<128xi32, #tpu.memory_space<hbm>>) target(%dma_start3A_358 : memref<128xi32, #tpu.memory_space<vmem>>) target_semaphore(%arg17 : memref<!tpu.dma_semaphore, #tpu.memory_space<semaphore_mem>>)
      %add3A_360 = arith.constant 384 : i32
      %add3A_361 = arith.addi %add3A_296, %add3A_360 : i32
      %multiple_of3A_362 = tpu.assume_multiple %add3A_361, 128 : i32
      %dma_start3A_363 = arith.constant 3 : i32
      %dma_start3A_364 = arith.constant 0 : i32
      %dma_start3A_365 = tpu.memref_slice %arg9[%dma_start3A_363, %dma_start3A_364] : memref<5x128xi32, #tpu.memory_space<vmem>> -> memref<1x128xi32, #tpu.memory_space<vmem>>
      %dma_start3A_366 = tpu.memref_squeeze %dma_start3A_365 : memref<1x128xi32, #tpu.memory_space<vmem>> -> memref<128xi32, #tpu.memory_space<vmem>>
      %dma_start3A_367 = tpu.memref_slice %arg3[%multiple_of3A_362] : memref<320000xi32, #tpu.memory_space<hbm>> -> memref<128xi32, #tpu.memory_space<hbm>>
      %dma_start3A_368 = arith.constant 0 : i32
      %dma_start3A_369 = tpu.memref_slice %arg9[%dma_start3A_363, %dma_start3A_368] : memref<5x128xi32, #tpu.memory_space<vmem>> -> memref<1x128xi32, #tpu.memory_space<vmem>>
      %dma_start3A_370 = tpu.memref_squeeze %dma_start3A_369 : memref<1x128xi32, #tpu.memory_space<vmem>> -> memref<128xi32, #tpu.memory_space<vmem>>
      %dma_start3A_371 = tpu.memref_slice %arg3[%multiple_of3A_362] : memref<320000xi32, #tpu.memory_space<hbm>> -> memref<128xi32, #tpu.memory_space<hbm>>
      tpu.enqueue_dma source(%dma_start3A_371 : memref<128xi32, #tpu.memory_space<hbm>>) target(%dma_start3A_370 : memref<128xi32, #tpu.memory_space<vmem>>) target_semaphore(%arg18 : memref<!tpu.dma_semaphore, #tpu.memory_space<semaphore_mem>>)
      %dma_start3A_372 = arith.constant 3 : i32
      %dma_start3A_373 = arith.constant 0 : i32
      %dma_start3A_374 = tpu.memref_slice %arg10[%dma_start3A_372, %dma_start3A_373] : memref<5x128xi32, #tpu.memory_space<vmem>> -> memref<1x128xi32, #tpu.memory_space<vmem>>
      %dma_start3A_375 = tpu.memref_squeeze %dma_start3A_374 : memref<1x128xi32, #tpu.memory_space<vmem>> -> memref<128xi32, #tpu.memory_space<vmem>>
      %dma_start3A_376 = tpu.memref_slice %arg4[%multiple_of3A_362] : memref<320000xi32, #tpu.memory_space<hbm>> -> memref<128xi32, #tpu.memory_space<hbm>>
      %dma_start3A_377 = arith.constant 0 : i32
      %dma_start3A_378 = tpu.memref_slice %arg10[%dma_start3A_372, %dma_start3A_377] : memref<5x128xi32, #tpu.memory_space<vmem>> -> memref<1x128xi32, #tpu.memory_space<vmem>>
      %dma_start3A_379 = tpu.memref_squeeze %dma_start3A_378 : memref<1x128xi32, #tpu.memory_space<vmem>> -> memref<128xi32, #tpu.memory_space<vmem>>
      %dma_start3A_380 = tpu.memref_slice %arg4[%multiple_of3A_362] : memref<320000xi32, #tpu.memory_space<hbm>> -> memref<128xi32, #tpu.memory_space<hbm>>
      tpu.enqueue_dma source(%dma_start3A_380 : memref<128xi32, #tpu.memory_space<hbm>>) target(%dma_start3A_379 : memref<128xi32, #tpu.memory_space<vmem>>) target_semaphore(%arg18 : memref<!tpu.dma_semaphore, #tpu.memory_space<semaphore_mem>>)
      %add3A_381 = arith.constant 512 : i32
      %add3A_382 = arith.addi %add3A_296, %add3A_381 : i32
      %multiple_of3A_383 = tpu.assume_multiple %add3A_382, 128 : i32
      %dma_start3A_384 = arith.constant 4 : i32
      %dma_start3A_385 = arith.constant 0 : i32
      %dma_start3A_386 = tpu.memref_slice %arg9[%dma_start3A_384, %dma_start3A_385] : memref<5x128xi32, #tpu.memory_space<vmem>> -> memref<1x128xi32, #tpu.memory_space<vmem>>
      %dma_start3A_387 = tpu.memref_squeeze %dma_start3A_386 : memref<1x128xi32, #tpu.memory_space<vmem>> -> memref<128xi32, #tpu.memory_space<vmem>>
      %dma_start3A_388 = tpu.memref_slice %arg3[%multiple_of3A_383] : memref<320000xi32, #tpu.memory_space<hbm>> -> memref<128xi32, #tpu.memory_space<hbm>>
      %dma_start3A_389 = arith.constant 0 : i32
      %dma_start3A_390 = tpu.memref_slice %arg9[%dma_start3A_384, %dma_start3A_389] : memref<5x128xi32, #tpu.memory_space<vmem>> -> memref<1x128xi32, #tpu.memory_space<vmem>>
      %dma_start3A_391 = tpu.memref_squeeze %dma_start3A_390 : memref<1x128xi32, #tpu.memory_space<vmem>> -> memref<128xi32, #tpu.memory_space<vmem>>
      %dma_start3A_392 = tpu.memref_slice %arg3[%multiple_of3A_383] : memref<320000xi32, #tpu.memory_space<hbm>> -> memref<128xi32, #tpu.memory_space<hbm>>
      tpu.enqueue_dma source(%dma_start3A_392 : memref<128xi32, #tpu.memory_space<hbm>>) target(%dma_start3A_391 : memref<128xi32, #tpu.memory_space<vmem>>) target_semaphore(%arg19 : memref<!tpu.dma_semaphore, #tpu.memory_space<semaphore_mem>>)
      %dma_start3A_393 = arith.constant 4 : i32
      %dma_start3A_394 = arith.constant 0 : i32
      %dma_start3A_395 = tpu.memref_slice %arg10[%dma_start3A_393, %dma_start3A_394] : memref<5x128xi32, #tpu.memory_space<vmem>> -> memref<1x128xi32, #tpu.memory_space<vmem>>
      %dma_start3A_396 = tpu.memref_squeeze %dma_start3A_395 : memref<1x128xi32, #tpu.memory_space<vmem>> -> memref<128xi32, #tpu.memory_space<vmem>>
      %dma_start3A_397 = tpu.memref_slice %arg4[%multiple_of3A_383] : memref<320000xi32, #tpu.memory_space<hbm>> -> memref<128xi32, #tpu.memory_space<hbm>>
      %dma_start3A_398 = arith.constant 0 : i32
      %dma_start3A_399 = tpu.memref_slice %arg10[%dma_start3A_393, %dma_start3A_398] : memref<5x128xi32, #tpu.memory_space<vmem>> -> memref<1x128xi32, #tpu.memory_space<vmem>>
      %dma_start3A_400 = tpu.memref_squeeze %dma_start3A_399 : memref<1x128xi32, #tpu.memory_space<vmem>> -> memref<128xi32, #tpu.memory_space<vmem>>
      %dma_start3A_401 = tpu.memref_slice %arg4[%multiple_of3A_383] : memref<320000xi32, #tpu.memory_space<hbm>> -> memref<128xi32, #tpu.memory_space<hbm>>
      tpu.enqueue_dma source(%dma_start3A_401 : memref<128xi32, #tpu.memory_space<hbm>>) target(%dma_start3A_400 : memref<128xi32, #tpu.memory_space<vmem>>) target_semaphore(%arg19 : memref<!tpu.dma_semaphore, #tpu.memory_space<semaphore_mem>>)
      %dma_wait3A_402 = arith.constant 0 : i32
      %dma_wait3A_403 = arith.constant 0 : i32
      %dma_wait3A_404 = tpu.memref_slice %arg9[%dma_wait3A_402, %dma_wait3A_403] : memref<5x128xi32, #tpu.memory_space<vmem>> -> memref<1x128xi32, #tpu.memory_space<vmem>>
      %dma_wait3A_405 = tpu.memref_squeeze %dma_wait3A_404 : memref<1x128xi32, #tpu.memory_space<vmem>> -> memref<128xi32, #tpu.memory_space<vmem>>
      %dma_wait3A_406 = tpu.memref_slice %arg3[%multiple_of3A_299] : memref<320000xi32, #tpu.memory_space<hbm>> -> memref<128xi32, #tpu.memory_space<hbm>>
      %dma_wait3A_407 = arith.constant 0 : i32
      %dma_wait3A_408 = tpu.memref_slice %arg9[%dma_wait3A_402, %dma_wait3A_407] : memref<5x128xi32, #tpu.memory_space<vmem>> -> memref<1x128xi32, #tpu.memory_space<vmem>>
      %dma_wait3A_409 = tpu.memref_squeeze %dma_wait3A_408 : memref<1x128xi32, #tpu.memory_space<vmem>> -> memref<128xi32, #tpu.memory_space<vmem>>
      %dma_wait3A_410 = tpu.memref_slice %arg3[%multiple_of3A_299] : memref<320000xi32, #tpu.memory_space<hbm>> -> memref<128xi32, #tpu.memory_space<hbm>>
      tpu.wait_dma2 semaphore(%arg15 : memref<!tpu.dma_semaphore, #tpu.memory_space<semaphore_mem>>) src(%dma_wait3A_410 : memref<128xi32, #tpu.memory_space<hbm>>) dst(%dma_wait3A_409 : memref<128xi32, #tpu.memory_space<vmem>>)
      %dma_wait3A_411 = arith.constant 0 : i32
      %dma_wait3A_412 = arith.constant 0 : i32
      %dma_wait3A_413 = tpu.memref_slice %arg10[%dma_wait3A_411, %dma_wait3A_412] : memref<5x128xi32, #tpu.memory_space<vmem>> -> memref<1x128xi32, #tpu.memory_space<vmem>>
      %dma_wait3A_414 = tpu.memref_squeeze %dma_wait3A_413 : memref<1x128xi32, #tpu.memory_space<vmem>> -> memref<128xi32, #tpu.memory_space<vmem>>
      %dma_wait3A_415 = tpu.memref_slice %arg4[%multiple_of3A_299] : memref<320000xi32, #tpu.memory_space<hbm>> -> memref<128xi32, #tpu.memory_space<hbm>>
      %dma_wait3A_416 = arith.constant 0 : i32
      %dma_wait3A_417 = tpu.memref_slice %arg10[%dma_wait3A_411, %dma_wait3A_416] : memref<5x128xi32, #tpu.memory_space<vmem>> -> memref<1x128xi32, #tpu.memory_space<vmem>>
      %dma_wait3A_418 = tpu.memref_squeeze %dma_wait3A_417 : memref<1x128xi32, #tpu.memory_space<vmem>> -> memref<128xi32, #tpu.memory_space<vmem>>
      %dma_wait3A_419 = tpu.memref_slice %arg4[%multiple_of3A_299] : memref<320000xi32, #tpu.memory_space<hbm>> -> memref<128xi32, #tpu.memory_space<hbm>>
      tpu.wait_dma2 semaphore(%arg15 : memref<!tpu.dma_semaphore, #tpu.memory_space<semaphore_mem>>) src(%dma_wait3A_419 : memref<128xi32, #tpu.memory_space<hbm>>) dst(%dma_wait3A_418 : memref<128xi32, #tpu.memory_space<vmem>>)
      %dma_start3A_420 = arith.constant 0 : i32
      %dma_start3A_421 = arith.constant 0 : i32
      %dma_start3A_422 = arith.constant 0 : i32
      %dma_start3A_423 = arith.constant 0 : i32
      %dma_start3A_424 = tpu.memref_slice %arg11[%dma_start3A_421, %dma_start3A_422, %dma_start3A_423] : memref<5x128x32xf32, #tpu.memory_space<vmem>> -> memref<1x128x32xf32, #tpu.memory_space<vmem>>
      %dma_start3A_425 = tpu.memref_squeeze %dma_start3A_424 : memref<1x128x32xf32, #tpu.memory_space<vmem>> -> memref<128x32xf32, #tpu.memory_space<vmem>>
      %dma_start3A_426 = arith.constant 0 : i32
      %dma_start3A_427 = tpu.memref_slice %arg9[%dma_start3A_420, %dma_start3A_426] : memref<5x128xi32, #tpu.memory_space<vmem>> -> memref<1x128xi32, #tpu.memory_space<vmem>>
      %dma_start3A_428 = tpu.memref_squeeze %dma_start3A_427 : memref<1x128xi32, #tpu.memory_space<vmem>> -> memref<128xi32, #tpu.memory_space<vmem>>
      %dma_start3A_429 = arith.constant 0 : i32
      %dma_start3A_430 = arith.constant 0 : i32
      %dma_start3A_431 = tpu.memref_slice %arg7[%dma_start3A_429, %dma_start3A_430] : memref<10000x32xf32, #tpu.memory_space<vmem_shared>> -> memref<10000x32xf32, #tpu.memory_space<vmem_shared>>
      tpu.enqueue_indirect_dma source(%dma_start3A_431 : memref<10000x32xf32, #tpu.memory_space<vmem_shared>>) target(%dma_start3A_425 : memref<128x32xf32, #tpu.memory_space<vmem>>) offsets(%dma_start3A_428 : memref<128xi32, #tpu.memory_space<vmem>>) semaphore(%arg20 : memref<!tpu.dma_semaphore, #tpu.memory_space<semaphore_mem>>)
      %dma_wait3A_432 = arith.constant 1 : i32
      %dma_wait3A_433 = arith.constant 0 : i32
      %dma_wait3A_434 = tpu.memref_slice %arg9[%dma_wait3A_432, %dma_wait3A_433] : memref<5x128xi32, #tpu.memory_space<vmem>> -> memref<1x128xi32, #tpu.memory_space<vmem>>
      %dma_wait3A_435 = tpu.memref_squeeze %dma_wait3A_434 : memref<1x128xi32, #tpu.memory_space<vmem>> -> memref<128xi32, #tpu.memory_space<vmem>>
      %dma_wait3A_436 = tpu.memref_slice %arg3[%multiple_of3A_320] : memref<320000xi32, #tpu.memory_space<hbm>> -> memref<128xi32, #tpu.memory_space<hbm>>
      %dma_wait3A_437 = arith.constant 0 : i32
      %dma_wait3A_438 = tpu.memref_slice %arg9[%dma_wait3A_432, %dma_wait3A_437] : memref<5x128xi32, #tpu.memory_space<vmem>> -> memref<1x128xi32, #tpu.memory_space<vmem>>
      %dma_wait3A_439 = tpu.memref_squeeze %dma_wait3A_438 : memref<1x128xi32, #tpu.memory_space<vmem>> -> memref<128xi32, #tpu.memory_space<vmem>>
      %dma_wait3A_440 = tpu.memref_slice %arg3[%multiple_of3A_320] : memref<320000xi32, #tpu.memory_space<hbm>> -> memref<128xi32, #tpu.memory_space<hbm>>
      tpu.wait_dma2 semaphore(%arg16 : memref<!tpu.dma_semaphore, #tpu.memory_space<semaphore_mem>>) src(%dma_wait3A_440 : memref<128xi32, #tpu.memory_space<hbm>>) dst(%dma_wait3A_439 : memref<128xi32, #tpu.memory_space<vmem>>)
      %dma_wait3A_441 = arith.constant 1 : i32
      %dma_wait3A_442 = arith.constant 0 : i32
      %dma_wait3A_443 = tpu.memref_slice %arg10[%dma_wait3A_441, %dma_wait3A_442] : memref<5x128xi32, #tpu.memory_space<vmem>> -> memref<1x128xi32, #tpu.memory_space<vmem>>
      %dma_wait3A_444 = tpu.memref_squeeze %dma_wait3A_443 : memref<1x128xi32, #tpu.memory_space<vmem>> -> memref<128xi32, #tpu.memory_space<vmem>>
      %dma_wait3A_445 = tpu.memref_slice %arg4[%multiple_of3A_320] : memref<320000xi32, #tpu.memory_space<hbm>> -> memref<128xi32, #tpu.memory_space<hbm>>
      %dma_wait3A_446 = arith.constant 0 : i32
      %dma_wait3A_447 = tpu.memref_slice %arg10[%dma_wait3A_441, %dma_wait3A_446] : memref<5x128xi32, #tpu.memory_space<vmem>> -> memref<1x128xi32, #tpu.memory_space<vmem>>
      %dma_wait3A_448 = tpu.memref_squeeze %dma_wait3A_447 : memref<1x128xi32, #tpu.memory_space<vmem>> -> memref<128xi32, #tpu.memory_space<vmem>>
      %dma_wait3A_449 = tpu.memref_slice %arg4[%multiple_of3A_320] : memref<320000xi32, #tpu.memory_space<hbm>> -> memref<128xi32, #tpu.memory_space<hbm>>
      tpu.wait_dma2 semaphore(%arg16 : memref<!tpu.dma_semaphore, #tpu.memory_space<semaphore_mem>>) src(%dma_wait3A_449 : memref<128xi32, #tpu.memory_space<hbm>>) dst(%dma_wait3A_448 : memref<128xi32, #tpu.memory_space<vmem>>)
      %dma_start3A_450 = arith.constant 1 : i32
      %dma_start3A_451 = arith.constant 1 : i32
      %dma_start3A_452 = arith.constant 0 : i32
      %dma_start3A_453 = arith.constant 0 : i32
      %dma_start3A_454 = tpu.memref_slice %arg11[%dma_start3A_451, %dma_start3A_452, %dma_start3A_453] : memref<5x128x32xf32, #tpu.memory_space<vmem>> -> memref<1x128x32xf32, #tpu.memory_space<vmem>>
      %dma_start3A_455 = tpu.memref_squeeze %dma_start3A_454 : memref<1x128x32xf32, #tpu.memory_space<vmem>> -> memref<128x32xf32, #tpu.memory_space<vmem>>
      %dma_start3A_456 = arith.constant 0 : i32
      %dma_start3A_457 = tpu.memref_slice %arg9[%dma_start3A_450, %dma_start3A_456] : memref<5x128xi32, #tpu.memory_space<vmem>> -> memref<1x128xi32, #tpu.memory_space<vmem>>
      %dma_start3A_458 = tpu.memref_squeeze %dma_start3A_457 : memref<1x128xi32, #tpu.memory_space<vmem>> -> memref<128xi32, #tpu.memory_space<vmem>>
      %dma_start3A_459 = arith.constant 0 : i32
      %dma_start3A_460 = arith.constant 0 : i32
      %dma_start3A_461 = tpu.memref_slice %arg7[%dma_start3A_459, %dma_start3A_460] : memref<10000x32xf32, #tpu.memory_space<vmem_shared>> -> memref<10000x32xf32, #tpu.memory_space<vmem_shared>>
      tpu.enqueue_indirect_dma source(%dma_start3A_461 : memref<10000x32xf32, #tpu.memory_space<vmem_shared>>) target(%dma_start3A_455 : memref<128x32xf32, #tpu.memory_space<vmem>>) offsets(%dma_start3A_458 : memref<128xi32, #tpu.memory_space<vmem>>) semaphore(%arg21 : memref<!tpu.dma_semaphore, #tpu.memory_space<semaphore_mem>>)
      %dma_wait3A_462 = arith.constant 2 : i32
      %dma_wait3A_463 = arith.constant 0 : i32
      %dma_wait3A_464 = tpu.memref_slice %arg9[%dma_wait3A_462, %dma_wait3A_463] : memref<5x128xi32, #tpu.memory_space<vmem>> -> memref<1x128xi32, #tpu.memory_space<vmem>>
      %dma_wait3A_465 = tpu.memref_squeeze %dma_wait3A_464 : memref<1x128xi32, #tpu.memory_space<vmem>> -> memref<128xi32, #tpu.memory_space<vmem>>
      %dma_wait3A_466 = tpu.memref_slice %arg3[%multiple_of3A_341] : memref<320000xi32, #tpu.memory_space<hbm>> -> memref<128xi32, #tpu.memory_space<hbm>>
      %dma_wait3A_467 = arith.constant 0 : i32
      %dma_wait3A_468 = tpu.memref_slice %arg9[%dma_wait3A_462, %dma_wait3A_467] : memref<5x128xi32, #tpu.memory_space<vmem>> -> memref<1x128xi32, #tpu.memory_space<vmem>>
      %dma_wait3A_469 = tpu.memref_squeeze %dma_wait3A_468 : memref<1x128xi32, #tpu.memory_space<vmem>> -> memref<128xi32, #tpu.memory_space<vmem>>
      %dma_wait3A_470 = tpu.memref_slice %arg3[%multiple_of3A_341] : memref<320000xi32, #tpu.memory_space<hbm>> -> memref<128xi32, #tpu.memory_space<hbm>>
      tpu.wait_dma2 semaphore(%arg17 : memref<!tpu.dma_semaphore, #tpu.memory_space<semaphore_mem>>) src(%dma_wait3A_470 : memref<128xi32, #tpu.memory_space<hbm>>) dst(%dma_wait3A_469 : memref<128xi32, #tpu.memory_space<vmem>>)
      %dma_wait3A_471 = arith.constant 2 : i32
      %dma_wait3A_472 = arith.constant 0 : i32
      %dma_wait3A_473 = tpu.memref_slice %arg10[%dma_wait3A_471, %dma_wait3A_472] : memref<5x128xi32, #tpu.memory_space<vmem>> -> memref<1x128xi32, #tpu.memory_space<vmem>>
      %dma_wait3A_474 = tpu.memref_squeeze %dma_wait3A_473 : memref<1x128xi32, #tpu.memory_space<vmem>> -> memref<128xi32, #tpu.memory_space<vmem>>
      %dma_wait3A_475 = tpu.memref_slice %arg4[%multiple_of3A_341] : memref<320000xi32, #tpu.memory_space<hbm>> -> memref<128xi32, #tpu.memory_space<hbm>>
      %dma_wait3A_476 = arith.constant 0 : i32
      %dma_wait3A_477 = tpu.memref_slice %arg10[%dma_wait3A_471, %dma_wait3A_476] : memref<5x128xi32, #tpu.memory_space<vmem>> -> memref<1x128xi32, #tpu.memory_space<vmem>>
      %dma_wait3A_478 = tpu.memref_squeeze %dma_wait3A_477 : memref<1x128xi32, #tpu.memory_space<vmem>> -> memref<128xi32, #tpu.memory_space<vmem>>
      %dma_wait3A_479 = tpu.memref_slice %arg4[%multiple_of3A_341] : memref<320000xi32, #tpu.memory_space<hbm>> -> memref<128xi32, #tpu.memory_space<hbm>>
      tpu.wait_dma2 semaphore(%arg17 : memref<!tpu.dma_semaphore, #tpu.memory_space<semaphore_mem>>) src(%dma_wait3A_479 : memref<128xi32, #tpu.memory_space<hbm>>) dst(%dma_wait3A_478 : memref<128xi32, #tpu.memory_space<vmem>>)
      %dma_start3A_480 = arith.constant 2 : i32
      %dma_start3A_481 = arith.constant 2 : i32
      %dma_start3A_482 = arith.constant 0 : i32
      %dma_start3A_483 = arith.constant 0 : i32
      %dma_start3A_484 = tpu.memref_slice %arg11[%dma_start3A_481, %dma_start3A_482, %dma_start3A_483] : memref<5x128x32xf32, #tpu.memory_space<vmem>> -> memref<1x128x32xf32, #tpu.memory_space<vmem>>
      %dma_start3A_485 = tpu.memref_squeeze %dma_start3A_484 : memref<1x128x32xf32, #tpu.memory_space<vmem>> -> memref<128x32xf32, #tpu.memory_space<vmem>>
      %dma_start3A_486 = arith.constant 0 : i32
      %dma_start3A_487 = tpu.memref_slice %arg9[%dma_start3A_480, %dma_start3A_486] : memref<5x128xi32, #tpu.memory_space<vmem>> -> memref<1x128xi32, #tpu.memory_space<vmem>>
      %dma_start3A_488 = tpu.memref_squeeze %dma_start3A_487 : memref<1x128xi32, #tpu.memory_space<vmem>> -> memref<128xi32, #tpu.memory_space<vmem>>
      %dma_start3A_489 = arith.constant 0 : i32
      %dma_start3A_490 = arith.constant 0 : i32
      %dma_start3A_491 = tpu.memref_slice %arg7[%dma_start3A_489, %dma_start3A_490] : memref<10000x32xf32, #tpu.memory_space<vmem_shared>> -> memref<10000x32xf32, #tpu.memory_space<vmem_shared>>
      tpu.enqueue_indirect_dma source(%dma_start3A_491 : memref<10000x32xf32, #tpu.memory_space<vmem_shared>>) target(%dma_start3A_485 : memref<128x32xf32, #tpu.memory_space<vmem>>) offsets(%dma_start3A_488 : memref<128xi32, #tpu.memory_space<vmem>>) semaphore(%arg22 : memref<!tpu.dma_semaphore, #tpu.memory_space<semaphore_mem>>)
      %dma_wait3A_492 = arith.constant 3 : i32
      %dma_wait3A_493 = arith.constant 0 : i32
      %dma_wait3A_494 = tpu.memref_slice %arg9[%dma_wait3A_492, %dma_wait3A_493] : memref<5x128xi32, #tpu.memory_space<vmem>> -> memref<1x128xi32, #tpu.memory_space<vmem>>
      %dma_wait3A_495 = tpu.memref_squeeze %dma_wait3A_494 : memref<1x128xi32, #tpu.memory_space<vmem>> -> memref<128xi32, #tpu.memory_space<vmem>>
      %dma_wait3A_496 = tpu.memref_slice %arg3[%multiple_of3A_362] : memref<320000xi32, #tpu.memory_space<hbm>> -> memref<128xi32, #tpu.memory_space<hbm>>
      %dma_wait3A_497 = arith.constant 0 : i32
      %dma_wait3A_498 = tpu.memref_slice %arg9[%dma_wait3A_492, %dma_wait3A_497] : memref<5x128xi32, #tpu.memory_space<vmem>> -> memref<1x128xi32, #tpu.memory_space<vmem>>
      %dma_wait3A_499 = tpu.memref_squeeze %dma_wait3A_498 : memref<1x128xi32, #tpu.memory_space<vmem>> -> memref<128xi32, #tpu.memory_space<vmem>>
      %dma_wait3A_500 = tpu.memref_slice %arg3[%multiple_of3A_362] : memref<320000xi32, #tpu.memory_space<hbm>> -> memref<128xi32, #tpu.memory_space<hbm>>
      tpu.wait_dma2 semaphore(%arg18 : memref<!tpu.dma_semaphore, #tpu.memory_space<semaphore_mem>>) src(%dma_wait3A_500 : memref<128xi32, #tpu.memory_space<hbm>>) dst(%dma_wait3A_499 : memref<128xi32, #tpu.memory_space<vmem>>)
      %dma_wait3A_501 = arith.constant 3 : i32
      %dma_wait3A_502 = arith.constant 0 : i32
      %dma_wait3A_503 = tpu.memref_slice %arg10[%dma_wait3A_501, %dma_wait3A_502] : memref<5x128xi32, #tpu.memory_space<vmem>> -> memref<1x128xi32, #tpu.memory_space<vmem>>
      %dma_wait3A_504 = tpu.memref_squeeze %dma_wait3A_503 : memref<1x128xi32, #tpu.memory_space<vmem>> -> memref<128xi32, #tpu.memory_space<vmem>>
      %dma_wait3A_505 = tpu.memref_slice %arg4[%multiple_of3A_362] : memref<320000xi32, #tpu.memory_space<hbm>> -> memref<128xi32, #tpu.memory_space<hbm>>
      %dma_wait3A_506 = arith.constant 0 : i32
      %dma_wait3A_507 = tpu.memref_slice %arg10[%dma_wait3A_501, %dma_wait3A_506] : memref<5x128xi32, #tpu.memory_space<vmem>> -> memref<1x128xi32, #tpu.memory_space<vmem>>
      %dma_wait3A_508 = tpu.memref_squeeze %dma_wait3A_507 : memref<1x128xi32, #tpu.memory_space<vmem>> -> memref<128xi32, #tpu.memory_space<vmem>>
      %dma_wait3A_509 = tpu.memref_slice %arg4[%multiple_of3A_362] : memref<320000xi32, #tpu.memory_space<hbm>> -> memref<128xi32, #tpu.memory_space<hbm>>
      tpu.wait_dma2 semaphore(%arg18 : memref<!tpu.dma_semaphore, #tpu.memory_space<semaphore_mem>>) src(%dma_wait3A_509 : memref<128xi32, #tpu.memory_space<hbm>>) dst(%dma_wait3A_508 : memref<128xi32, #tpu.memory_space<vmem>>)
      %dma_start3A_510 = arith.constant 3 : i32
      %dma_start3A_511 = arith.constant 3 : i32
      %dma_start3A_512 = arith.constant 0 : i32
      %dma_start3A_513 = arith.constant 0 : i32
      %dma_start3A_514 = tpu.memref_slice %arg11[%dma_start3A_511, %dma_start3A_512, %dma_start3A_513] : memref<5x128x32xf32, #tpu.memory_space<vmem>> -> memref<1x128x32xf32, #tpu.memory_space<vmem>>
      %dma_start3A_515 = tpu.memref_squeeze %dma_start3A_514 : memref<1x128x32xf32, #tpu.memory_space<vmem>> -> memref<128x32xf32, #tpu.memory_space<vmem>>
      %dma_start3A_516 = arith.constant 0 : i32
      %dma_start3A_517 = tpu.memref_slice %arg9[%dma_start3A_510, %dma_start3A_516] : memref<5x128xi32, #tpu.memory_space<vmem>> -> memref<1x128xi32, #tpu.memory_space<vmem>>
      %dma_start3A_518 = tpu.memref_squeeze %dma_start3A_517 : memref<1x128xi32, #tpu.memory_space<vmem>> -> memref<128xi32, #tpu.memory_space<vmem>>
      %dma_start3A_519 = arith.constant 0 : i32
      %dma_start3A_520 = arith.constant 0 : i32
      %dma_start3A_521 = tpu.memref_slice %arg7[%dma_start3A_519, %dma_start3A_520] : memref<10000x32xf32, #tpu.memory_space<vmem_shared>> -> memref<10000x32xf32, #tpu.memory_space<vmem_shared>>
      tpu.enqueue_indirect_dma source(%dma_start3A_521 : memref<10000x32xf32, #tpu.memory_space<vmem_shared>>) target(%dma_start3A_515 : memref<128x32xf32, #tpu.memory_space<vmem>>) offsets(%dma_start3A_518 : memref<128xi32, #tpu.memory_space<vmem>>) semaphore(%arg23 : memref<!tpu.dma_semaphore, #tpu.memory_space<semaphore_mem>>)
      %dma_wait3A_522 = arith.constant 4 : i32
      %dma_wait3A_523 = arith.constant 0 : i32
      %dma_wait3A_524 = tpu.memref_slice %arg9[%dma_wait3A_522, %dma_wait3A_523] : memref<5x128xi32, #tpu.memory_space<vmem>> -> memref<1x128xi32, #tpu.memory_space<vmem>>
      %dma_wait3A_525 = tpu.memref_squeeze %dma_wait3A_524 : memref<1x128xi32, #tpu.memory_space<vmem>> -> memref<128xi32, #tpu.memory_space<vmem>>
      %dma_wait3A_526 = tpu.memref_slice %arg3[%multiple_of3A_383] : memref<320000xi32, #tpu.memory_space<hbm>> -> memref<128xi32, #tpu.memory_space<hbm>>
      %dma_wait3A_527 = arith.constant 0 : i32
      %dma_wait3A_528 = tpu.memref_slice %arg9[%dma_wait3A_522, %dma_wait3A_527] : memref<5x128xi32, #tpu.memory_space<vmem>> -> memref<1x128xi32, #tpu.memory_space<vmem>>
      %dma_wait3A_529 = tpu.memref_squeeze %dma_wait3A_528 : memref<1x128xi32, #tpu.memory_space<vmem>> -> memref<128xi32, #tpu.memory_space<vmem>>
      %dma_wait3A_530 = tpu.memref_slice %arg3[%multiple_of3A_383] : memref<320000xi32, #tpu.memory_space<hbm>> -> memref<128xi32, #tpu.memory_space<hbm>>
      tpu.wait_dma2 semaphore(%arg19 : memref<!tpu.dma_semaphore, #tpu.memory_space<semaphore_mem>>) src(%dma_wait3A_530 : memref<128xi32, #tpu.memory_space<hbm>>) dst(%dma_wait3A_529 : memref<128xi32, #tpu.memory_space<vmem>>)
      %dma_wait3A_531 = arith.constant 4 : i32
      %dma_wait3A_532 = arith.constant 0 : i32
      %dma_wait3A_533 = tpu.memref_slice %arg10[%dma_wait3A_531, %dma_wait3A_532] : memref<5x128xi32, #tpu.memory_space<vmem>> -> memref<1x128xi32, #tpu.memory_space<vmem>>
      %dma_wait3A_534 = tpu.memref_squeeze %dma_wait3A_533 : memref<1x128xi32, #tpu.memory_space<vmem>> -> memref<128xi32, #tpu.memory_space<vmem>>
      %dma_wait3A_535 = tpu.memref_slice %arg4[%multiple_of3A_383] : memref<320000xi32, #tpu.memory_space<hbm>> -> memref<128xi32, #tpu.memory_space<hbm>>
      %dma_wait3A_536 = arith.constant 0 : i32
      %dma_wait3A_537 = tpu.memref_slice %arg10[%dma_wait3A_531, %dma_wait3A_536] : memref<5x128xi32, #tpu.memory_space<vmem>> -> memref<1x128xi32, #tpu.memory_space<vmem>>
      %dma_wait3A_538 = tpu.memref_squeeze %dma_wait3A_537 : memref<1x128xi32, #tpu.memory_space<vmem>> -> memref<128xi32, #tpu.memory_space<vmem>>
      %dma_wait3A_539 = tpu.memref_slice %arg4[%multiple_of3A_383] : memref<320000xi32, #tpu.memory_space<hbm>> -> memref<128xi32, #tpu.memory_space<hbm>>
      tpu.wait_dma2 semaphore(%arg19 : memref<!tpu.dma_semaphore, #tpu.memory_space<semaphore_mem>>) src(%dma_wait3A_539 : memref<128xi32, #tpu.memory_space<hbm>>) dst(%dma_wait3A_538 : memref<128xi32, #tpu.memory_space<vmem>>)
      %dma_start3A_540 = arith.constant 4 : i32
      %dma_start3A_541 = arith.constant 4 : i32
      %dma_start3A_542 = arith.constant 0 : i32
      %dma_start3A_543 = arith.constant 0 : i32
      %dma_start3A_544 = tpu.memref_slice %arg11[%dma_start3A_541, %dma_start3A_542, %dma_start3A_543] : memref<5x128x32xf32, #tpu.memory_space<vmem>> -> memref<1x128x32xf32, #tpu.memory_space<vmem>>
      %dma_start3A_545 = tpu.memref_squeeze %dma_start3A_544 : memref<1x128x32xf32, #tpu.memory_space<vmem>> -> memref<128x32xf32, #tpu.memory_space<vmem>>
      %dma_start3A_546 = arith.constant 0 : i32
      %dma_start3A_547 = tpu.memref_slice %arg9[%dma_start3A_540, %dma_start3A_546] : memref<5x128xi32, #tpu.memory_space<vmem>> -> memref<1x128xi32, #tpu.memory_space<vmem>>
      %dma_start3A_548 = tpu.memref_squeeze %dma_start3A_547 : memref<1x128xi32, #tpu.memory_space<vmem>> -> memref<128xi32, #tpu.memory_space<vmem>>
      %dma_start3A_549 = arith.constant 0 : i32
      %dma_start3A_550 = arith.constant 0 : i32
      %dma_start3A_551 = tpu.memref_slice %arg7[%dma_start3A_549, %dma_start3A_550] : memref<10000x32xf32, #tpu.memory_space<vmem_shared>> -> memref<10000x32xf32, #tpu.memory_space<vmem_shared>>
      tpu.enqueue_indirect_dma source(%dma_start3A_551 : memref<10000x32xf32, #tpu.memory_space<vmem_shared>>) target(%dma_start3A_545 : memref<128x32xf32, #tpu.memory_space<vmem>>) offsets(%dma_start3A_548 : memref<128xi32, #tpu.memory_space<vmem>>) semaphore(%arg24 : memref<!tpu.dma_semaphore, #tpu.memory_space<semaphore_mem>>)
      %dma_wait3A_552 = arith.constant 0 : i32
      %dma_wait3A_553 = arith.constant 0 : i32
      %dma_wait3A_554 = arith.constant 0 : i32
      %dma_wait3A_555 = arith.constant 0 : i32
      %dma_wait3A_556 = tpu.memref_slice %arg11[%dma_wait3A_553, %dma_wait3A_554, %dma_wait3A_555] : memref<5x128x32xf32, #tpu.memory_space<vmem>> -> memref<1x128x32xf32, #tpu.memory_space<vmem>>
      %dma_wait3A_557 = tpu.memref_squeeze %dma_wait3A_556 : memref<1x128x32xf32, #tpu.memory_space<vmem>> -> memref<128x32xf32, #tpu.memory_space<vmem>>
      %dma_wait3A_558 = arith.constant 0 : i32
      %dma_wait3A_559 = tpu.memref_slice %arg9[%dma_wait3A_552, %dma_wait3A_558] : memref<5x128xi32, #tpu.memory_space<vmem>> -> memref<1x128xi32, #tpu.memory_space<vmem>>
      %dma_wait3A_560 = tpu.memref_squeeze %dma_wait3A_559 : memref<1x128xi32, #tpu.memory_space<vmem>> -> memref<128xi32, #tpu.memory_space<vmem>>
      %dma_wait3A_561 = arith.constant 0 : i32
      %dma_wait3A_562 = arith.constant 0 : i32
      %dma_wait3A_563 = tpu.memref_slice %arg7[%dma_wait3A_561, %dma_wait3A_562] : memref<10000x32xf32, #tpu.memory_space<vmem_shared>> -> memref<10000x32xf32, #tpu.memory_space<vmem_shared>>
      tpu.wait_indirect_dma semaphore(%arg20 : memref<!tpu.dma_semaphore, #tpu.memory_space<semaphore_mem>>) src(%dma_wait3A_563 : memref<10000x32xf32, #tpu.memory_space<vmem_shared>>) dst(%dma_wait3A_557 : memref<128x32xf32, #tpu.memory_space<vmem>>)
      %dma_wait3A_564 = arith.constant 1 : i32
      %dma_wait3A_565 = arith.constant 1 : i32
      %dma_wait3A_566 = arith.constant 0 : i32
      %dma_wait3A_567 = arith.constant 0 : i32
      %dma_wait3A_568 = tpu.memref_slice %arg11[%dma_wait3A_565, %dma_wait3A_566, %dma_wait3A_567] : memref<5x128x32xf32, #tpu.memory_space<vmem>> -> memref<1x128x32xf32, #tpu.memory_space<vmem>>
      %dma_wait3A_569 = tpu.memref_squeeze %dma_wait3A_568 : memref<1x128x32xf32, #tpu.memory_space<vmem>> -> memref<128x32xf32, #tpu.memory_space<vmem>>
      %dma_wait3A_570 = arith.constant 0 : i32
      %dma_wait3A_571 = tpu.memref_slice %arg9[%dma_wait3A_564, %dma_wait3A_570] : memref<5x128xi32, #tpu.memory_space<vmem>> -> memref<1x128xi32, #tpu.memory_space<vmem>>
      %dma_wait3A_572 = tpu.memref_squeeze %dma_wait3A_571 : memref<1x128xi32, #tpu.memory_space<vmem>> -> memref<128xi32, #tpu.memory_space<vmem>>
      %dma_wait3A_573 = arith.constant 0 : i32
      %dma_wait3A_574 = arith.constant 0 : i32
      %dma_wait3A_575 = tpu.memref_slice %arg7[%dma_wait3A_573, %dma_wait3A_574] : memref<10000x32xf32, #tpu.memory_space<vmem_shared>> -> memref<10000x32xf32, #tpu.memory_space<vmem_shared>>
      tpu.wait_indirect_dma semaphore(%arg21 : memref<!tpu.dma_semaphore, #tpu.memory_space<semaphore_mem>>) src(%dma_wait3A_575 : memref<10000x32xf32, #tpu.memory_space<vmem_shared>>) dst(%dma_wait3A_569 : memref<128x32xf32, #tpu.memory_space<vmem>>)
      %dma_wait3A_576 = arith.constant 2 : i32
      %dma_wait3A_577 = arith.constant 2 : i32
      %dma_wait3A_578 = arith.constant 0 : i32
      %dma_wait3A_579 = arith.constant 0 : i32
      %dma_wait3A_580 = tpu.memref_slice %arg11[%dma_wait3A_577, %dma_wait3A_578, %dma_wait3A_579] : memref<5x128x32xf32, #tpu.memory_space<vmem>> -> memref<1x128x32xf32, #tpu.memory_space<vmem>>
      %dma_wait3A_581 = tpu.memref_squeeze %dma_wait3A_580 : memref<1x128x32xf32, #tpu.memory_space<vmem>> -> memref<128x32xf32, #tpu.memory_space<vmem>>
      %dma_wait3A_582 = arith.constant 0 : i32
      %dma_wait3A_583 = tpu.memref_slice %arg9[%dma_wait3A_576, %dma_wait3A_582] : memref<5x128xi32, #tpu.memory_space<vmem>> -> memref<1x128xi32, #tpu.memory_space<vmem>>
      %dma_wait3A_584 = tpu.memref_squeeze %dma_wait3A_583 : memref<1x128xi32, #tpu.memory_space<vmem>> -> memref<128xi32, #tpu.memory_space<vmem>>
      %dma_wait3A_585 = arith.constant 0 : i32
      %dma_wait3A_586 = arith.constant 0 : i32
      %dma_wait3A_587 = tpu.memref_slice %arg7[%dma_wait3A_585, %dma_wait3A_586] : memref<10000x32xf32, #tpu.memory_space<vmem_shared>> -> memref<10000x32xf32, #tpu.memory_space<vmem_shared>>
      tpu.wait_indirect_dma semaphore(%arg22 : memref<!tpu.dma_semaphore, #tpu.memory_space<semaphore_mem>>) src(%dma_wait3A_587 : memref<10000x32xf32, #tpu.memory_space<vmem_shared>>) dst(%dma_wait3A_581 : memref<128x32xf32, #tpu.memory_space<vmem>>)
      %dma_wait3A_588 = arith.constant 3 : i32
      %dma_wait3A_589 = arith.constant 3 : i32
      %dma_wait3A_590 = arith.constant 0 : i32
      %dma_wait3A_591 = arith.constant 0 : i32
      %dma_wait3A_592 = tpu.memref_slice %arg11[%dma_wait3A_589, %dma_wait3A_590, %dma_wait3A_591] : memref<5x128x32xf32, #tpu.memory_space<vmem>> -> memref<1x128x32xf32, #tpu.memory_space<vmem>>
      %dma_wait3A_593 = tpu.memref_squeeze %dma_wait3A_592 : memref<1x128x32xf32, #tpu.memory_space<vmem>> -> memref<128x32xf32, #tpu.memory_space<vmem>>
      %dma_wait3A_594 = arith.constant 0 : i32
      %dma_wait3A_595 = tpu.memref_slice %arg9[%dma_wait3A_588, %dma_wait3A_594] : memref<5x128xi32, #tpu.memory_space<vmem>> -> memref<1x128xi32, #tpu.memory_space<vmem>>
      %dma_wait3A_596 = tpu.memref_squeeze %dma_wait3A_595 : memref<1x128xi32, #tpu.memory_space<vmem>> -> memref<128xi32, #tpu.memory_space<vmem>>
      %dma_wait3A_597 = arith.constant 0 : i32
      %dma_wait3A_598 = arith.constant 0 : i32
      %dma_wait3A_599 = tpu.memref_slice %arg7[%dma_wait3A_597, %dma_wait3A_598] : memref<10000x32xf32, #tpu.memory_space<vmem_shared>> -> memref<10000x32xf32, #tpu.memory_space<vmem_shared>>
      tpu.wait_indirect_dma semaphore(%arg23 : memref<!tpu.dma_semaphore, #tpu.memory_space<semaphore_mem>>) src(%dma_wait3A_599 : memref<10000x32xf32, #tpu.memory_space<vmem_shared>>) dst(%dma_wait3A_593 : memref<128x32xf32, #tpu.memory_space<vmem>>)
      %dma_wait3A_600 = arith.constant 4 : i32
      %dma_wait3A_601 = arith.constant 4 : i32
      %dma_wait3A_602 = arith.constant 0 : i32
      %dma_wait3A_603 = arith.constant 0 : i32
      %dma_wait3A_604 = tpu.memref_slice %arg11[%dma_wait3A_601, %dma_wait3A_602, %dma_wait3A_603] : memref<5x128x32xf32, #tpu.memory_space<vmem>> -> memref<1x128x32xf32, #tpu.memory_space<vmem>>
      %dma_wait3A_605 = tpu.memref_squeeze %dma_wait3A_604 : memref<1x128x32xf32, #tpu.memory_space<vmem>> -> memref<128x32xf32, #tpu.memory_space<vmem>>
      %dma_wait3A_606 = arith.constant 0 : i32
      %dma_wait3A_607 = tpu.memref_slice %arg9[%dma_wait3A_600, %dma_wait3A_606] : memref<5x128xi32, #tpu.memory_space<vmem>> -> memref<1x128xi32, #tpu.memory_space<vmem>>
      %dma_wait3A_608 = tpu.memref_squeeze %dma_wait3A_607 : memref<1x128xi32, #tpu.memory_space<vmem>> -> memref<128xi32, #tpu.memory_space<vmem>>
      %dma_wait3A_609 = arith.constant 0 : i32
      %dma_wait3A_610 = arith.constant 0 : i32
      %dma_wait3A_611 = tpu.memref_slice %arg7[%dma_wait3A_609, %dma_wait3A_610] : memref<10000x32xf32, #tpu.memory_space<vmem_shared>> -> memref<10000x32xf32, #tpu.memory_space<vmem_shared>>
      tpu.wait_indirect_dma semaphore(%arg24 : memref<!tpu.dma_semaphore, #tpu.memory_space<semaphore_mem>>) src(%dma_wait3A_611 : memref<10000x32xf32, #tpu.memory_space<vmem_shared>>) dst(%dma_wait3A_605 : memref<128x32xf32, #tpu.memory_space<vmem>>)
      %dma_start3A_612 = arith.constant 0 : i32
      %dma_start3A_613 = arith.constant 0 : i32
      %dma_start3A_614 = arith.constant 0 : i32
      %dma_start3A_615 = arith.constant 0 : i32
      %dma_start3A_616 = tpu.memref_slice %arg11[%dma_start3A_612, %dma_start3A_614, %dma_start3A_615] : memref<5x128x32xf32, #tpu.memory_space<vmem>> -> memref<1x128x32xf32, #tpu.memory_space<vmem>>
      %dma_start3A_617 = tpu.memref_squeeze %dma_start3A_616 : memref<1x128x32xf32, #tpu.memory_space<vmem>> -> memref<128x32xf32, #tpu.memory_space<vmem>>
      %dma_start3A_618 = arith.constant 0 : i32
      %dma_start3A_619 = tpu.memref_slice %arg10[%dma_start3A_613, %dma_start3A_618] : memref<5x128xi32, #tpu.memory_space<vmem>> -> memref<1x128xi32, #tpu.memory_space<vmem>>
      %dma_start3A_620 = tpu.memref_squeeze %dma_start3A_619 : memref<1x128xi32, #tpu.memory_space<vmem>> -> memref<128xi32, #tpu.memory_space<vmem>>
      %dma_start3A_621 = arith.constant 0 : i32
      %dma_start3A_622 = arith.constant 0 : i32
      %dma_start3A_623 = tpu.memref_slice %arg8[%dma_start3A_621, %dma_start3A_622] : memref<10000x32xf32, #tpu.memory_space<vmem_shared>> -> memref<10000x32xf32, #tpu.memory_space<vmem_shared>>
      tpu.enqueue_indirect_dma source(%dma_start3A_617 : memref<128x32xf32, #tpu.memory_space<vmem>>) target(%dma_start3A_623 : memref<10000x32xf32, #tpu.memory_space<vmem_shared>>) offsets(%dma_start3A_620 : memref<128xi32, #tpu.memory_space<vmem>>) semaphore(%arg25 : memref<!tpu.dma_semaphore, #tpu.memory_space<semaphore_mem>>) {add = true}
      %dma_start3A_624 = arith.constant 1 : i32
      %dma_start3A_625 = arith.constant 1 : i32
      %dma_start3A_626 = arith.constant 0 : i32
      %dma_start3A_627 = arith.constant 0 : i32
      %dma_start3A_628 = tpu.memref_slice %arg11[%dma_start3A_624, %dma_start3A_626, %dma_start3A_627] : memref<5x128x32xf32, #tpu.memory_space<vmem>> -> memref<1x128x32xf32, #tpu.memory_space<vmem>>
      %dma_start3A_629 = tpu.memref_squeeze %dma_start3A_628 : memref<1x128x32xf32, #tpu.memory_space<vmem>> -> memref<128x32xf32, #tpu.memory_space<vmem>>
      %dma_start3A_630 = arith.constant 0 : i32
      %dma_start3A_631 = tpu.memref_slice %arg10[%dma_start3A_625, %dma_start3A_630] : memref<5x128xi32, #tpu.memory_space<vmem>> -> memref<1x128xi32, #tpu.memory_space<vmem>>
      %dma_start3A_632 = tpu.memref_squeeze %dma_start3A_631 : memref<1x128xi32, #tpu.memory_space<vmem>> -> memref<128xi32, #tpu.memory_space<vmem>>
      %dma_start3A_633 = arith.constant 0 : i32
      %dma_start3A_634 = arith.constant 0 : i32
      %dma_start3A_635 = tpu.memref_slice %arg8[%dma_start3A_633, %dma_start3A_634] : memref<10000x32xf32, #tpu.memory_space<vmem_shared>> -> memref<10000x32xf32, #tpu.memory_space<vmem_shared>>
      tpu.enqueue_indirect_dma source(%dma_start3A_629 : memref<128x32xf32, #tpu.memory_space<vmem>>) target(%dma_start3A_635 : memref<10000x32xf32, #tpu.memory_space<vmem_shared>>) offsets(%dma_start3A_632 : memref<128xi32, #tpu.memory_space<vmem>>) semaphore(%arg26 : memref<!tpu.dma_semaphore, #tpu.memory_space<semaphore_mem>>) {add = true}
      %dma_start3A_636 = arith.constant 2 : i32
      %dma_start3A_637 = arith.constant 2 : i32
      %dma_start3A_638 = arith.constant 0 : i32
      %dma_start3A_639 = arith.constant 0 : i32
      %dma_start3A_640 = tpu.memref_slice %arg11[%dma_start3A_636, %dma_start3A_638, %dma_start3A_639] : memref<5x128x32xf32, #tpu.memory_space<vmem>> -> memref<1x128x32xf32, #tpu.memory_space<vmem>>
      %dma_start3A_641 = tpu.memref_squeeze %dma_start3A_640 : memref<1x128x32xf32, #tpu.memory_space<vmem>> -> memref<128x32xf32, #tpu.memory_space<vmem>>
      %dma_start3A_642 = arith.constant 0 : i32
      %dma_start3A_643 = tpu.memref_slice %arg10[%dma_start3A_637, %dma_start3A_642] : memref<5x128xi32, #tpu.memory_space<vmem>> -> memref<1x128xi32, #tpu.memory_space<vmem>>
      %dma_start3A_644 = tpu.memref_squeeze %dma_start3A_643 : memref<1x128xi32, #tpu.memory_space<vmem>> -> memref<128xi32, #tpu.memory_space<vmem>>
      %dma_start3A_645 = arith.constant 0 : i32
      %dma_start3A_646 = arith.constant 0 : i32
      %dma_start3A_647 = tpu.memref_slice %arg8[%dma_start3A_645, %dma_start3A_646] : memref<10000x32xf32, #tpu.memory_space<vmem_shared>> -> memref<10000x32xf32, #tpu.memory_space<vmem_shared>>
      tpu.enqueue_indirect_dma source(%dma_start3A_641 : memref<128x32xf32, #tpu.memory_space<vmem>>) target(%dma_start3A_647 : memref<10000x32xf32, #tpu.memory_space<vmem_shared>>) offsets(%dma_start3A_644 : memref<128xi32, #tpu.memory_space<vmem>>) semaphore(%arg27 : memref<!tpu.dma_semaphore, #tpu.memory_space<semaphore_mem>>) {add = true}
      %dma_start3A_648 = arith.constant 3 : i32
      %dma_start3A_649 = arith.constant 3 : i32
      %dma_start3A_650 = arith.constant 0 : i32
      %dma_start3A_651 = arith.constant 0 : i32
      %dma_start3A_652 = tpu.memref_slice %arg11[%dma_start3A_648, %dma_start3A_650, %dma_start3A_651] : memref<5x128x32xf32, #tpu.memory_space<vmem>> -> memref<1x128x32xf32, #tpu.memory_space<vmem>>
      %dma_start3A_653 = tpu.memref_squeeze %dma_start3A_652 : memref<1x128x32xf32, #tpu.memory_space<vmem>> -> memref<128x32xf32, #tpu.memory_space<vmem>>
      %dma_start3A_654 = arith.constant 0 : i32
      %dma_start3A_655 = tpu.memref_slice %arg10[%dma_start3A_649, %dma_start3A_654] : memref<5x128xi32, #tpu.memory_space<vmem>> -> memref<1x128xi32, #tpu.memory_space<vmem>>
      %dma_start3A_656 = tpu.memref_squeeze %dma_start3A_655 : memref<1x128xi32, #tpu.memory_space<vmem>> -> memref<128xi32, #tpu.memory_space<vmem>>
      %dma_start3A_657 = arith.constant 0 : i32
      %dma_start3A_658 = arith.constant 0 : i32
      %dma_start3A_659 = tpu.memref_slice %arg8[%dma_start3A_657, %dma_start3A_658] : memref<10000x32xf32, #tpu.memory_space<vmem_shared>> -> memref<10000x32xf32, #tpu.memory_space<vmem_shared>>
      tpu.enqueue_indirect_dma source(%dma_start3A_653 : memref<128x32xf32, #tpu.memory_space<vmem>>) target(%dma_start3A_659 : memref<10000x32xf32, #tpu.memory_space<vmem_shared>>) offsets(%dma_start3A_656 : memref<128xi32, #tpu.memory_space<vmem>>) semaphore(%arg28 : memref<!tpu.dma_semaphore, #tpu.memory_space<semaphore_mem>>) {add = true}
      %dma_start3A_660 = arith.constant 4 : i32
      %dma_start3A_661 = arith.constant 4 : i32
      %dma_start3A_662 = arith.constant 0 : i32
      %dma_start3A_663 = arith.constant 0 : i32
      %dma_start3A_664 = tpu.memref_slice %arg11[%dma_start3A_660, %dma_start3A_662, %dma_start3A_663] : memref<5x128x32xf32, #tpu.memory_space<vmem>> -> memref<1x128x32xf32, #tpu.memory_space<vmem>>
      %dma_start3A_665 = tpu.memref_squeeze %dma_start3A_664 : memref<1x128x32xf32, #tpu.memory_space<vmem>> -> memref<128x32xf32, #tpu.memory_space<vmem>>
      %dma_start3A_666 = arith.constant 0 : i32
      %dma_start3A_667 = tpu.memref_slice %arg10[%dma_start3A_661, %dma_start3A_666] : memref<5x128xi32, #tpu.memory_space<vmem>> -> memref<1x128xi32, #tpu.memory_space<vmem>>
      %dma_start3A_668 = tpu.memref_squeeze %dma_start3A_667 : memref<1x128xi32, #tpu.memory_space<vmem>> -> memref<128xi32, #tpu.memory_space<vmem>>
      %dma_start3A_669 = arith.constant 0 : i32
      %dma_start3A_670 = arith.constant 0 : i32
      %dma_start3A_671 = tpu.memref_slice %arg8[%dma_start3A_669, %dma_start3A_670] : memref<10000x32xf32, #tpu.memory_space<vmem_shared>> -> memref<10000x32xf32, #tpu.memory_space<vmem_shared>>
      tpu.enqueue_indirect_dma source(%dma_start3A_665 : memref<128x32xf32, #tpu.memory_space<vmem>>) target(%dma_start3A_671 : memref<10000x32xf32, #tpu.memory_space<vmem_shared>>) offsets(%dma_start3A_668 : memref<128xi32, #tpu.memory_space<vmem>>) semaphore(%arg29 : memref<!tpu.dma_semaphore, #tpu.memory_space<semaphore_mem>>) {add = true}
      %dma_wait3A_672 = arith.constant 0 : i32
      %dma_wait3A_673 = arith.constant 0 : i32
      %dma_wait3A_674 = arith.constant 0 : i32
      %dma_wait3A_675 = arith.constant 0 : i32
      %dma_wait3A_676 = tpu.memref_slice %arg11[%dma_wait3A_672, %dma_wait3A_674, %dma_wait3A_675] : memref<5x128x32xf32, #tpu.memory_space<vmem>> -> memref<1x128x32xf32, #tpu.memory_space<vmem>>
      %dma_wait3A_677 = tpu.memref_squeeze %dma_wait3A_676 : memref<1x128x32xf32, #tpu.memory_space<vmem>> -> memref<128x32xf32, #tpu.memory_space<vmem>>
      %dma_wait3A_678 = arith.constant 0 : i32
      %dma_wait3A_679 = tpu.memref_slice %arg10[%dma_wait3A_673, %dma_wait3A_678] : memref<5x128xi32, #tpu.memory_space<vmem>> -> memref<1x128xi32, #tpu.memory_space<vmem>>
      %dma_wait3A_680 = tpu.memref_squeeze %dma_wait3A_679 : memref<1x128xi32, #tpu.memory_space<vmem>> -> memref<128xi32, #tpu.memory_space<vmem>>
      %dma_wait3A_681 = arith.constant 0 : i32
      %dma_wait3A_682 = arith.constant 0 : i32
      %dma_wait3A_683 = tpu.memref_slice %arg8[%dma_wait3A_681, %dma_wait3A_682] : memref<10000x32xf32, #tpu.memory_space<vmem_shared>> -> memref<10000x32xf32, #tpu.memory_space<vmem_shared>>
      tpu.wait_indirect_dma semaphore(%arg25 : memref<!tpu.dma_semaphore, #tpu.memory_space<semaphore_mem>>) src(%dma_wait3A_677 : memref<128x32xf32, #tpu.memory_space<vmem>>) dst(%dma_wait3A_683 : memref<10000x32xf32, #tpu.memory_space<vmem_shared>>)
      %dma_wait3A_684 = arith.constant 1 : i32
      %dma_wait3A_685 = arith.constant 1 : i32
      %dma_wait3A_686 = arith.constant 0 : i32
      %dma_wait3A_687 = arith.constant 0 : i32
      %dma_wait3A_688 = tpu.memref_slice %arg11[%dma_wait3A_684, %dma_wait3A_686, %dma_wait3A_687] : memref<5x128x32xf32, #tpu.memory_space<vmem>> -> memref<1x128x32xf32, #tpu.memory_space<vmem>>
      %dma_wait3A_689 = tpu.memref_squeeze %dma_wait3A_688 : memref<1x128x32xf32, #tpu.memory_space<vmem>> -> memref<128x32xf32, #tpu.memory_space<vmem>>
      %dma_wait3A_690 = arith.constant 0 : i32
      %dma_wait3A_691 = tpu.memref_slice %arg10[%dma_wait3A_685, %dma_wait3A_690] : memref<5x128xi32, #tpu.memory_space<vmem>> -> memref<1x128xi32, #tpu.memory_space<vmem>>
      %dma_wait3A_692 = tpu.memref_squeeze %dma_wait3A_691 : memref<1x128xi32, #tpu.memory_space<vmem>> -> memref<128xi32, #tpu.memory_space<vmem>>
      %dma_wait3A_693 = arith.constant 0 : i32
      %dma_wait3A_694 = arith.constant 0 : i32
      %dma_wait3A_695 = tpu.memref_slice %arg8[%dma_wait3A_693, %dma_wait3A_694] : memref<10000x32xf32, #tpu.memory_space<vmem_shared>> -> memref<10000x32xf32, #tpu.memory_space<vmem_shared>>
      tpu.wait_indirect_dma semaphore(%arg26 : memref<!tpu.dma_semaphore, #tpu.memory_space<semaphore_mem>>) src(%dma_wait3A_689 : memref<128x32xf32, #tpu.memory_space<vmem>>) dst(%dma_wait3A_695 : memref<10000x32xf32, #tpu.memory_space<vmem_shared>>)
      %dma_wait3A_696 = arith.constant 2 : i32
      %dma_wait3A_697 = arith.constant 2 : i32
      %dma_wait3A_698 = arith.constant 0 : i32
      %dma_wait3A_699 = arith.constant 0 : i32
      %dma_wait3A_700 = tpu.memref_slice %arg11[%dma_wait3A_696, %dma_wait3A_698, %dma_wait3A_699] : memref<5x128x32xf32, #tpu.memory_space<vmem>> -> memref<1x128x32xf32, #tpu.memory_space<vmem>>
      %dma_wait3A_701 = tpu.memref_squeeze %dma_wait3A_700 : memref<1x128x32xf32, #tpu.memory_space<vmem>> -> memref<128x32xf32, #tpu.memory_space<vmem>>
      %dma_wait3A_702 = arith.constant 0 : i32
      %dma_wait3A_703 = tpu.memref_slice %arg10[%dma_wait3A_697, %dma_wait3A_702] : memref<5x128xi32, #tpu.memory_space<vmem>> -> memref<1x128xi32, #tpu.memory_space<vmem>>
      %dma_wait3A_704 = tpu.memref_squeeze %dma_wait3A_703 : memref<1x128xi32, #tpu.memory_space<vmem>> -> memref<128xi32, #tpu.memory_space<vmem>>
      %dma_wait3A_705 = arith.constant 0 : i32
      %dma_wait3A_706 = arith.constant 0 : i32
      %dma_wait3A_707 = tpu.memref_slice %arg8[%dma_wait3A_705, %dma_wait3A_706] : memref<10000x32xf32, #tpu.memory_space<vmem_shared>> -> memref<10000x32xf32, #tpu.memory_space<vmem_shared>>
      tpu.wait_indirect_dma semaphore(%arg27 : memref<!tpu.dma_semaphore, #tpu.memory_space<semaphore_mem>>) src(%dma_wait3A_701 : memref<128x32xf32, #tpu.memory_space<vmem>>) dst(%dma_wait3A_707 : memref<10000x32xf32, #tpu.memory_space<vmem_shared>>)
      %dma_wait3A_708 = arith.constant 3 : i32
      %dma_wait3A_709 = arith.constant 3 : i32
      %dma_wait3A_710 = arith.constant 0 : i32
      %dma_wait3A_711 = arith.constant 0 : i32
      %dma_wait3A_712 = tpu.memref_slice %arg11[%dma_wait3A_708, %dma_wait3A_710, %dma_wait3A_711] : memref<5x128x32xf32, #tpu.memory_space<vmem>> -> memref<1x128x32xf32, #tpu.memory_space<vmem>>
      %dma_wait3A_713 = tpu.memref_squeeze %dma_wait3A_712 : memref<1x128x32xf32, #tpu.memory_space<vmem>> -> memref<128x32xf32, #tpu.memory_space<vmem>>
      %dma_wait3A_714 = arith.constant 0 : i32
      %dma_wait3A_715 = tpu.memref_slice %arg10[%dma_wait3A_709, %dma_wait3A_714] : memref<5x128xi32, #tpu.memory_space<vmem>> -> memref<1x128xi32, #tpu.memory_space<vmem>>
      %dma_wait3A_716 = tpu.memref_squeeze %dma_wait3A_715 : memref<1x128xi32, #tpu.memory_space<vmem>> -> memref<128xi32, #tpu.memory_space<vmem>>
      %dma_wait3A_717 = arith.constant 0 : i32
      %dma_wait3A_718 = arith.constant 0 : i32
      %dma_wait3A_719 = tpu.memref_slice %arg8[%dma_wait3A_717, %dma_wait3A_718] : memref<10000x32xf32, #tpu.memory_space<vmem_shared>> -> memref<10000x32xf32, #tpu.memory_space<vmem_shared>>
      tpu.wait_indirect_dma semaphore(%arg28 : memref<!tpu.dma_semaphore, #tpu.memory_space<semaphore_mem>>) src(%dma_wait3A_713 : memref<128x32xf32, #tpu.memory_space<vmem>>) dst(%dma_wait3A_719 : memref<10000x32xf32, #tpu.memory_space<vmem_shared>>)
      %dma_wait3A_720 = arith.constant 4 : i32
      %dma_wait3A_721 = arith.constant 4 : i32
      %dma_wait3A_722 = arith.constant 0 : i32
      %dma_wait3A_723 = arith.constant 0 : i32
      %dma_wait3A_724 = tpu.memref_slice %arg11[%dma_wait3A_720, %dma_wait3A_722, %dma_wait3A_723] : memref<5x128x32xf32, #tpu.memory_space<vmem>> -> memref<1x128x32xf32, #tpu.memory_space<vmem>>
      %dma_wait3A_725 = tpu.memref_squeeze %dma_wait3A_724 : memref<1x128x32xf32, #tpu.memory_space<vmem>> -> memref<128x32xf32, #tpu.memory_space<vmem>>
      %dma_wait3A_726 = arith.constant 0 : i32
      %dma_wait3A_727 = tpu.memref_slice %arg10[%dma_wait3A_721, %dma_wait3A_726] : memref<5x128xi32, #tpu.memory_space<vmem>> -> memref<1x128xi32, #tpu.memory_space<vmem>>
      %dma_wait3A_728 = tpu.memref_squeeze %dma_wait3A_727 : memref<1x128xi32, #tpu.memory_space<vmem>> -> memref<128xi32, #tpu.memory_space<vmem>>
      %dma_wait3A_729 = arith.constant 0 : i32
      %dma_wait3A_730 = arith.constant 0 : i32
      %dma_wait3A_731 = tpu.memref_slice %arg8[%dma_wait3A_729, %dma_wait3A_730] : memref<10000x32xf32, #tpu.memory_space<vmem_shared>> -> memref<10000x32xf32, #tpu.memory_space<vmem_shared>>
      tpu.wait_indirect_dma semaphore(%arg29 : memref<!tpu.dma_semaphore, #tpu.memory_space<semaphore_mem>>) src(%dma_wait3A_725 : memref<128x32xf32, #tpu.memory_space<vmem>>) dst(%dma_wait3A_731 : memref<10000x32xf32, #tpu.memory_space<vmem_shared>>)
    }
    %scan3A_15 = arith.constant 15 : i32
    %add3A_16 = arith.constant 9600 : i32
    %add3A_17 = arith.addi %mul3A_2, %add3A_16 : i32
    %add3A_18 = arith.constant 0 : i32
    %add3A_19 = arith.addi %add3A_17, %add3A_18 : i32
    %multiple_of3A_20 = tpu.assume_multiple %add3A_19, 128 : i32
    %dma_start3A = arith.constant 0 : i32
    %dma_start3A_21 = arith.constant 0 : i32
    %dma_start3A_22 = tpu.memref_slice %arg9[%dma_start3A, %dma_start3A_21] : memref<5x128xi32, #tpu.memory_space<vmem>> -> memref<1x128xi32, #tpu.memory_space<vmem>>
    %dma_start3A_23 = tpu.memref_squeeze %dma_start3A_22 : memref<1x128xi32, #tpu.memory_space<vmem>> -> memref<128xi32, #tpu.memory_space<vmem>>
    %dma_start3A_24 = tpu.memref_slice %arg3[%multiple_of3A_20] : memref<320000xi32, #tpu.memory_space<hbm>> -> memref<128xi32, #tpu.memory_space<hbm>>
    %dma_start3A_25 = arith.constant 0 : i32
    %dma_start3A_26 = tpu.memref_slice %arg9[%dma_start3A, %dma_start3A_25] : memref<5x128xi32, #tpu.memory_space<vmem>> -> memref<1x128xi32, #tpu.memory_space<vmem>>
    %dma_start3A_27 = tpu.memref_squeeze %dma_start3A_26 : memref<1x128xi32, #tpu.memory_space<vmem>> -> memref<128xi32, #tpu.memory_space<vmem>>
    %dma_start3A_28 = tpu.memref_slice %arg3[%multiple_of3A_20] : memref<320000xi32, #tpu.memory_space<hbm>> -> memref<128xi32, #tpu.memory_space<hbm>>
    tpu.enqueue_dma source(%dma_start3A_28 : memref<128xi32, #tpu.memory_space<hbm>>) target(%dma_start3A_27 : memref<128xi32, #tpu.memory_space<vmem>>) target_semaphore(%arg15 : memref<!tpu.dma_semaphore, #tpu.memory_space<semaphore_mem>>)
    %dma_start3A_29 = arith.constant 0 : i32
    %dma_start3A_30 = arith.constant 0 : i32
    %dma_start3A_31 = tpu.memref_slice %arg10[%dma_start3A_29, %dma_start3A_30] : memref<5x128xi32, #tpu.memory_space<vmem>> -> memref<1x128xi32, #tpu.memory_space<vmem>>
    %dma_start3A_32 = tpu.memref_squeeze %dma_start3A_31 : memref<1x128xi32, #tpu.memory_space<vmem>> -> memref<128xi32, #tpu.memory_space<vmem>>
    %dma_start3A_33 = tpu.memref_slice %arg4[%multiple_of3A_20] : memref<320000xi32, #tpu.memory_space<hbm>> -> memref<128xi32, #tpu.memory_space<hbm>>
    %dma_start3A_34 = arith.constant 0 : i32
    %dma_start3A_35 = tpu.memref_slice %arg10[%dma_start3A_29, %dma_start3A_34] : memref<5x128xi32, #tpu.memory_space<vmem>> -> memref<1x128xi32, #tpu.memory_space<vmem>>
    %dma_start3A_36 = tpu.memref_squeeze %dma_start3A_35 : memref<1x128xi32, #tpu.memory_space<vmem>> -> memref<128xi32, #tpu.memory_space<vmem>>
    %dma_start3A_37 = tpu.memref_slice %arg4[%multiple_of3A_20] : memref<320000xi32, #tpu.memory_space<hbm>> -> memref<128xi32, #tpu.memory_space<hbm>>
    tpu.enqueue_dma source(%dma_start3A_37 : memref<128xi32, #tpu.memory_space<hbm>>) target(%dma_start3A_36 : memref<128xi32, #tpu.memory_space<vmem>>) target_semaphore(%arg15 : memref<!tpu.dma_semaphore, #tpu.memory_space<semaphore_mem>>)
    %add3A_38 = arith.constant 128 : i32
    %add3A_39 = arith.addi %add3A_17, %add3A_38 : i32
    %multiple_of3A_40 = tpu.assume_multiple %add3A_39, 128 : i32
    %dma_start3A_41 = arith.constant 1 : i32
    %dma_start3A_42 = arith.constant 0 : i32
    %dma_start3A_43 = tpu.memref_slice %arg9[%dma_start3A_41, %dma_start3A_42] : memref<5x128xi32, #tpu.memory_space<vmem>> -> memref<1x128xi32, #tpu.memory_space<vmem>>
    %dma_start3A_44 = tpu.memref_squeeze %dma_start3A_43 : memref<1x128xi32, #tpu.memory_space<vmem>> -> memref<128xi32, #tpu.memory_space<vmem>>
    %dma_start3A_45 = tpu.memref_slice %arg3[%multiple_of3A_40] : memref<320000xi32, #tpu.memory_space<hbm>> -> memref<128xi32, #tpu.memory_space<hbm>>
    %dma_start3A_46 = arith.constant 0 : i32
    %dma_start3A_47 = tpu.memref_slice %arg9[%dma_start3A_41, %dma_start3A_46] : memref<5x128xi32, #tpu.memory_space<vmem>> -> memref<1x128xi32, #tpu.memory_space<vmem>>
    %dma_start3A_48 = tpu.memref_squeeze %dma_start3A_47 : memref<1x128xi32, #tpu.memory_space<vmem>> -> memref<128xi32, #tpu.memory_space<vmem>>
    %dma_start3A_49 = tpu.memref_slice %arg3[%multiple_of3A_40] : memref<320000xi32, #tpu.memory_space<hbm>> -> memref<128xi32, #tpu.memory_space<hbm>>
    tpu.enqueue_dma source(%dma_start3A_49 : memref<128xi32, #tpu.memory_space<hbm>>) target(%dma_start3A_48 : memref<128xi32, #tpu.memory_space<vmem>>) target_semaphore(%arg16 : memref<!tpu.dma_semaphore, #tpu.memory_space<semaphore_mem>>)
    %dma_start3A_50 = arith.constant 1 : i32
    %dma_start3A_51 = arith.constant 0 : i32
    %dma_start3A_52 = tpu.memref_slice %arg10[%dma_start3A_50, %dma_start3A_51] : memref<5x128xi32, #tpu.memory_space<vmem>> -> memref<1x128xi32, #tpu.memory_space<vmem>>
    %dma_start3A_53 = tpu.memref_squeeze %dma_start3A_52 : memref<1x128xi32, #tpu.memory_space<vmem>> -> memref<128xi32, #tpu.memory_space<vmem>>
    %dma_start3A_54 = tpu.memref_slice %arg4[%multiple_of3A_40] : memref<320000xi32, #tpu.memory_space<hbm>> -> memref<128xi32, #tpu.memory_space<hbm>>
    %dma_start3A_55 = arith.constant 0 : i32
    %dma_start3A_56 = tpu.memref_slice %arg10[%dma_start3A_50, %dma_start3A_55] : memref<5x128xi32, #tpu.memory_space<vmem>> -> memref<1x128xi32, #tpu.memory_space<vmem>>
    %dma_start3A_57 = tpu.memref_squeeze %dma_start3A_56 : memref<1x128xi32, #tpu.memory_space<vmem>> -> memref<128xi32, #tpu.memory_space<vmem>>
    %dma_start3A_58 = tpu.memref_slice %arg4[%multiple_of3A_40] : memref<320000xi32, #tpu.memory_space<hbm>> -> memref<128xi32, #tpu.memory_space<hbm>>
    tpu.enqueue_dma source(%dma_start3A_58 : memref<128xi32, #tpu.memory_space<hbm>>) target(%dma_start3A_57 : memref<128xi32, #tpu.memory_space<vmem>>) target_semaphore(%arg16 : memref<!tpu.dma_semaphore, #tpu.memory_space<semaphore_mem>>)
    %add3A_59 = arith.constant 256 : i32
    %add3A_60 = arith.addi %add3A_17, %add3A_59 : i32
    %multiple_of3A_61 = tpu.assume_multiple %add3A_60, 128 : i32
    %dma_start3A_62 = arith.constant 2 : i32
    %dma_start3A_63 = arith.constant 0 : i32
    %dma_start3A_64 = tpu.memref_slice %arg9[%dma_start3A_62, %dma_start3A_63] : memref<5x128xi32, #tpu.memory_space<vmem>> -> memref<1x128xi32, #tpu.memory_space<vmem>>
    %dma_start3A_65 = tpu.memref_squeeze %dma_start3A_64 : memref<1x128xi32, #tpu.memory_space<vmem>> -> memref<128xi32, #tpu.memory_space<vmem>>
    %dma_start3A_66 = tpu.memref_slice %arg3[%multiple_of3A_61] : memref<320000xi32, #tpu.memory_space<hbm>> -> memref<128xi32, #tpu.memory_space<hbm>>
    %dma_start3A_67 = arith.constant 0 : i32
    %dma_start3A_68 = tpu.memref_slice %arg9[%dma_start3A_62, %dma_start3A_67] : memref<5x128xi32, #tpu.memory_space<vmem>> -> memref<1x128xi32, #tpu.memory_space<vmem>>
    %dma_start3A_69 = tpu.memref_squeeze %dma_start3A_68 : memref<1x128xi32, #tpu.memory_space<vmem>> -> memref<128xi32, #tpu.memory_space<vmem>>
    %dma_start3A_70 = tpu.memref_slice %arg3[%multiple_of3A_61] : memref<320000xi32, #tpu.memory_space<hbm>> -> memref<128xi32, #tpu.memory_space<hbm>>
    tpu.enqueue_dma source(%dma_start3A_70 : memref<128xi32, #tpu.memory_space<hbm>>) target(%dma_start3A_69 : memref<128xi32, #tpu.memory_space<vmem>>) target_semaphore(%arg17 : memref<!tpu.dma_semaphore, #tpu.memory_space<semaphore_mem>>)
    %dma_start3A_71 = arith.constant 2 : i32
    %dma_start3A_72 = arith.constant 0 : i32
    %dma_start3A_73 = tpu.memref_slice %arg10[%dma_start3A_71, %dma_start3A_72] : memref<5x128xi32, #tpu.memory_space<vmem>> -> memref<1x128xi32, #tpu.memory_space<vmem>>
    %dma_start3A_74 = tpu.memref_squeeze %dma_start3A_73 : memref<1x128xi32, #tpu.memory_space<vmem>> -> memref<128xi32, #tpu.memory_space<vmem>>
    %dma_start3A_75 = tpu.memref_slice %arg4[%multiple_of3A_61] : memref<320000xi32, #tpu.memory_space<hbm>> -> memref<128xi32, #tpu.memory_space<hbm>>
    %dma_start3A_76 = arith.constant 0 : i32
    %dma_start3A_77 = tpu.memref_slice %arg10[%dma_start3A_71, %dma_start3A_76] : memref<5x128xi32, #tpu.memory_space<vmem>> -> memref<1x128xi32, #tpu.memory_space<vmem>>
    %dma_start3A_78 = tpu.memref_squeeze %dma_start3A_77 : memref<1x128xi32, #tpu.memory_space<vmem>> -> memref<128xi32, #tpu.memory_space<vmem>>
    %dma_start3A_79 = tpu.memref_slice %arg4[%multiple_of3A_61] : memref<320000xi32, #tpu.memory_space<hbm>> -> memref<128xi32, #tpu.memory_space<hbm>>
    tpu.enqueue_dma source(%dma_start3A_79 : memref<128xi32, #tpu.memory_space<hbm>>) target(%dma_start3A_78 : memref<128xi32, #tpu.memory_space<vmem>>) target_semaphore(%arg17 : memref<!tpu.dma_semaphore, #tpu.memory_space<semaphore_mem>>)
    %dma_wait3A = arith.constant 0 : i32
    %dma_wait3A_80 = arith.constant 0 : i32
    %dma_wait3A_81 = tpu.memref_slice %arg9[%dma_wait3A, %dma_wait3A_80] : memref<5x128xi32, #tpu.memory_space<vmem>> -> memref<1x128xi32, #tpu.memory_space<vmem>>
    %dma_wait3A_82 = tpu.memref_squeeze %dma_wait3A_81 : memref<1x128xi32, #tpu.memory_space<vmem>> -> memref<128xi32, #tpu.memory_space<vmem>>
    %dma_wait3A_83 = tpu.memref_slice %arg3[%multiple_of3A_20] : memref<320000xi32, #tpu.memory_space<hbm>> -> memref<128xi32, #tpu.memory_space<hbm>>
    %dma_wait3A_84 = arith.constant 0 : i32
    %dma_wait3A_85 = tpu.memref_slice %arg9[%dma_wait3A, %dma_wait3A_84] : memref<5x128xi32, #tpu.memory_space<vmem>> -> memref<1x128xi32, #tpu.memory_space<vmem>>
    %dma_wait3A_86 = tpu.memref_squeeze %dma_wait3A_85 : memref<1x128xi32, #tpu.memory_space<vmem>> -> memref<128xi32, #tpu.memory_space<vmem>>
    %dma_wait3A_87 = tpu.memref_slice %arg3[%multiple_of3A_20] : memref<320000xi32, #tpu.memory_space<hbm>> -> memref<128xi32, #tpu.memory_space<hbm>>
    tpu.wait_dma2 semaphore(%arg15 : memref<!tpu.dma_semaphore, #tpu.memory_space<semaphore_mem>>) src(%dma_wait3A_87 : memref<128xi32, #tpu.memory_space<hbm>>) dst(%dma_wait3A_86 : memref<128xi32, #tpu.memory_space<vmem>>)
    %dma_wait3A_88 = arith.constant 0 : i32
    %dma_wait3A_89 = arith.constant 0 : i32
    %dma_wait3A_90 = tpu.memref_slice %arg10[%dma_wait3A_88, %dma_wait3A_89] : memref<5x128xi32, #tpu.memory_space<vmem>> -> memref<1x128xi32, #tpu.memory_space<vmem>>
    %dma_wait3A_91 = tpu.memref_squeeze %dma_wait3A_90 : memref<1x128xi32, #tpu.memory_space<vmem>> -> memref<128xi32, #tpu.memory_space<vmem>>
    %dma_wait3A_92 = tpu.memref_slice %arg4[%multiple_of3A_20] : memref<320000xi32, #tpu.memory_space<hbm>> -> memref<128xi32, #tpu.memory_space<hbm>>
    %dma_wait3A_93 = arith.constant 0 : i32
    %dma_wait3A_94 = tpu.memref_slice %arg10[%dma_wait3A_88, %dma_wait3A_93] : memref<5x128xi32, #tpu.memory_space<vmem>> -> memref<1x128xi32, #tpu.memory_space<vmem>>
    %dma_wait3A_95 = tpu.memref_squeeze %dma_wait3A_94 : memref<1x128xi32, #tpu.memory_space<vmem>> -> memref<128xi32, #tpu.memory_space<vmem>>
    %dma_wait3A_96 = tpu.memref_slice %arg4[%multiple_of3A_20] : memref<320000xi32, #tpu.memory_space<hbm>> -> memref<128xi32, #tpu.memory_space<hbm>>
    tpu.wait_dma2 semaphore(%arg15 : memref<!tpu.dma_semaphore, #tpu.memory_space<semaphore_mem>>) src(%dma_wait3A_96 : memref<128xi32, #tpu.memory_space<hbm>>) dst(%dma_wait3A_95 : memref<128xi32, #tpu.memory_space<vmem>>)
    %dma_start3A_97 = arith.constant 0 : i32
    %dma_start3A_98 = arith.constant 0 : i32
    %dma_start3A_99 = arith.constant 0 : i32
    %dma_start3A_100 = arith.constant 0 : i32
    %dma_start3A_101 = tpu.memref_slice %arg11[%dma_start3A_98, %dma_start3A_99, %dma_start3A_100] : memref<5x128x32xf32, #tpu.memory_space<vmem>> -> memref<1x128x32xf32, #tpu.memory_space<vmem>>
    %dma_start3A_102 = tpu.memref_squeeze %dma_start3A_101 : memref<1x128x32xf32, #tpu.memory_space<vmem>> -> memref<128x32xf32, #tpu.memory_space<vmem>>
    %dma_start3A_103 = arith.constant 0 : i32
    %dma_start3A_104 = tpu.memref_slice %arg9[%dma_start3A_97, %dma_start3A_103] : memref<5x128xi32, #tpu.memory_space<vmem>> -> memref<1x128xi32, #tpu.memory_space<vmem>>
    %dma_start3A_105 = tpu.memref_squeeze %dma_start3A_104 : memref<1x128xi32, #tpu.memory_space<vmem>> -> memref<128xi32, #tpu.memory_space<vmem>>
    %dma_start3A_106 = arith.constant 0 : i32
    %dma_start3A_107 = arith.constant 0 : i32
    %dma_start3A_108 = tpu.memref_slice %arg7[%dma_start3A_106, %dma_start3A_107] : memref<10000x32xf32, #tpu.memory_space<vmem_shared>> -> memref<10000x32xf32, #tpu.memory_space<vmem_shared>>
    tpu.enqueue_indirect_dma source(%dma_start3A_108 : memref<10000x32xf32, #tpu.memory_space<vmem_shared>>) target(%dma_start3A_102 : memref<128x32xf32, #tpu.memory_space<vmem>>) offsets(%dma_start3A_105 : memref<128xi32, #tpu.memory_space<vmem>>) semaphore(%arg20 : memref<!tpu.dma_semaphore, #tpu.memory_space<semaphore_mem>>)
    %dma_wait3A_109 = arith.constant 1 : i32
    %dma_wait3A_110 = arith.constant 0 : i32
    %dma_wait3A_111 = tpu.memref_slice %arg9[%dma_wait3A_109, %dma_wait3A_110] : memref<5x128xi32, #tpu.memory_space<vmem>> -> memref<1x128xi32, #tpu.memory_space<vmem>>
    %dma_wait3A_112 = tpu.memref_squeeze %dma_wait3A_111 : memref<1x128xi32, #tpu.memory_space<vmem>> -> memref<128xi32, #tpu.memory_space<vmem>>
    %dma_wait3A_113 = tpu.memref_slice %arg3[%multiple_of3A_40] : memref<320000xi32, #tpu.memory_space<hbm>> -> memref<128xi32, #tpu.memory_space<hbm>>
    %dma_wait3A_114 = arith.constant 0 : i32
    %dma_wait3A_115 = tpu.memref_slice %arg9[%dma_wait3A_109, %dma_wait3A_114] : memref<5x128xi32, #tpu.memory_space<vmem>> -> memref<1x128xi32, #tpu.memory_space<vmem>>
    %dma_wait3A_116 = tpu.memref_squeeze %dma_wait3A_115 : memref<1x128xi32, #tpu.memory_space<vmem>> -> memref<128xi32, #tpu.memory_space<vmem>>
    %dma_wait3A_117 = tpu.memref_slice %arg3[%multiple_of3A_40] : memref<320000xi32, #tpu.memory_space<hbm>> -> memref<128xi32, #tpu.memory_space<hbm>>
    tpu.wait_dma2 semaphore(%arg16 : memref<!tpu.dma_semaphore, #tpu.memory_space<semaphore_mem>>) src(%dma_wait3A_117 : memref<128xi32, #tpu.memory_space<hbm>>) dst(%dma_wait3A_116 : memref<128xi32, #tpu.memory_space<vmem>>)
    %dma_wait3A_118 = arith.constant 1 : i32
    %dma_wait3A_119 = arith.constant 0 : i32
    %dma_wait3A_120 = tpu.memref_slice %arg10[%dma_wait3A_118, %dma_wait3A_119] : memref<5x128xi32, #tpu.memory_space<vmem>> -> memref<1x128xi32, #tpu.memory_space<vmem>>
    %dma_wait3A_121 = tpu.memref_squeeze %dma_wait3A_120 : memref<1x128xi32, #tpu.memory_space<vmem>> -> memref<128xi32, #tpu.memory_space<vmem>>
    %dma_wait3A_122 = tpu.memref_slice %arg4[%multiple_of3A_40] : memref<320000xi32, #tpu.memory_space<hbm>> -> memref<128xi32, #tpu.memory_space<hbm>>
    %dma_wait3A_123 = arith.constant 0 : i32
    %dma_wait3A_124 = tpu.memref_slice %arg10[%dma_wait3A_118, %dma_wait3A_123] : memref<5x128xi32, #tpu.memory_space<vmem>> -> memref<1x128xi32, #tpu.memory_space<vmem>>
    %dma_wait3A_125 = tpu.memref_squeeze %dma_wait3A_124 : memref<1x128xi32, #tpu.memory_space<vmem>> -> memref<128xi32, #tpu.memory_space<vmem>>
    %dma_wait3A_126 = tpu.memref_slice %arg4[%multiple_of3A_40] : memref<320000xi32, #tpu.memory_space<hbm>> -> memref<128xi32, #tpu.memory_space<hbm>>
    tpu.wait_dma2 semaphore(%arg16 : memref<!tpu.dma_semaphore, #tpu.memory_space<semaphore_mem>>) src(%dma_wait3A_126 : memref<128xi32, #tpu.memory_space<hbm>>) dst(%dma_wait3A_125 : memref<128xi32, #tpu.memory_space<vmem>>)
    %dma_start3A_127 = arith.constant 1 : i32
    %dma_start3A_128 = arith.constant 1 : i32
    %dma_start3A_129 = arith.constant 0 : i32
    %dma_start3A_130 = arith.constant 0 : i32
    %dma_start3A_131 = tpu.memref_slice %arg11[%dma_start3A_128, %dma_start3A_129, %dma_start3A_130] : memref<5x128x32xf32, #tpu.memory_space<vmem>> -> memref<1x128x32xf32, #tpu.memory_space<vmem>>
    %dma_start3A_132 = tpu.memref_squeeze %dma_start3A_131 : memref<1x128x32xf32, #tpu.memory_space<vmem>> -> memref<128x32xf32, #tpu.memory_space<vmem>>
    %dma_start3A_133 = arith.constant 0 : i32
    %dma_start3A_134 = tpu.memref_slice %arg9[%dma_start3A_127, %dma_start3A_133] : memref<5x128xi32, #tpu.memory_space<vmem>> -> memref<1x128xi32, #tpu.memory_space<vmem>>
    %dma_start3A_135 = tpu.memref_squeeze %dma_start3A_134 : memref<1x128xi32, #tpu.memory_space<vmem>> -> memref<128xi32, #tpu.memory_space<vmem>>
    %dma_start3A_136 = arith.constant 0 : i32
    %dma_start3A_137 = arith.constant 0 : i32
    %dma_start3A_138 = tpu.memref_slice %arg7[%dma_start3A_136, %dma_start3A_137] : memref<10000x32xf32, #tpu.memory_space<vmem_shared>> -> memref<10000x32xf32, #tpu.memory_space<vmem_shared>>
    tpu.enqueue_indirect_dma source(%dma_start3A_138 : memref<10000x32xf32, #tpu.memory_space<vmem_shared>>) target(%dma_start3A_132 : memref<128x32xf32, #tpu.memory_space<vmem>>) offsets(%dma_start3A_135 : memref<128xi32, #tpu.memory_space<vmem>>) semaphore(%arg21 : memref<!tpu.dma_semaphore, #tpu.memory_space<semaphore_mem>>)
    %dma_wait3A_139 = arith.constant 2 : i32
    %dma_wait3A_140 = arith.constant 0 : i32
    %dma_wait3A_141 = tpu.memref_slice %arg9[%dma_wait3A_139, %dma_wait3A_140] : memref<5x128xi32, #tpu.memory_space<vmem>> -> memref<1x128xi32, #tpu.memory_space<vmem>>
    %dma_wait3A_142 = tpu.memref_squeeze %dma_wait3A_141 : memref<1x128xi32, #tpu.memory_space<vmem>> -> memref<128xi32, #tpu.memory_space<vmem>>
    %dma_wait3A_143 = tpu.memref_slice %arg3[%multiple_of3A_61] : memref<320000xi32, #tpu.memory_space<hbm>> -> memref<128xi32, #tpu.memory_space<hbm>>
    %dma_wait3A_144 = arith.constant 0 : i32
    %dma_wait3A_145 = tpu.memref_slice %arg9[%dma_wait3A_139, %dma_wait3A_144] : memref<5x128xi32, #tpu.memory_space<vmem>> -> memref<1x128xi32, #tpu.memory_space<vmem>>
    %dma_wait3A_146 = tpu.memref_squeeze %dma_wait3A_145 : memref<1x128xi32, #tpu.memory_space<vmem>> -> memref<128xi32, #tpu.memory_space<vmem>>
    %dma_wait3A_147 = tpu.memref_slice %arg3[%multiple_of3A_61] : memref<320000xi32, #tpu.memory_space<hbm>> -> memref<128xi32, #tpu.memory_space<hbm>>
    tpu.wait_dma2 semaphore(%arg17 : memref<!tpu.dma_semaphore, #tpu.memory_space<semaphore_mem>>) src(%dma_wait3A_147 : memref<128xi32, #tpu.memory_space<hbm>>) dst(%dma_wait3A_146 : memref<128xi32, #tpu.memory_space<vmem>>)
    %dma_wait3A_148 = arith.constant 2 : i32
    %dma_wait3A_149 = arith.constant 0 : i32
    %dma_wait3A_150 = tpu.memref_slice %arg10[%dma_wait3A_148, %dma_wait3A_149] : memref<5x128xi32, #tpu.memory_space<vmem>> -> memref<1x128xi32, #tpu.memory_space<vmem>>
    %dma_wait3A_151 = tpu.memref_squeeze %dma_wait3A_150 : memref<1x128xi32, #tpu.memory_space<vmem>> -> memref<128xi32, #tpu.memory_space<vmem>>
    %dma_wait3A_152 = tpu.memref_slice %arg4[%multiple_of3A_61] : memref<320000xi32, #tpu.memory_space<hbm>> -> memref<128xi32, #tpu.memory_space<hbm>>
    %dma_wait3A_153 = arith.constant 0 : i32
    %dma_wait3A_154 = tpu.memref_slice %arg10[%dma_wait3A_148, %dma_wait3A_153] : memref<5x128xi32, #tpu.memory_space<vmem>> -> memref<1x128xi32, #tpu.memory_space<vmem>>
    %dma_wait3A_155 = tpu.memref_squeeze %dma_wait3A_154 : memref<1x128xi32, #tpu.memory_space<vmem>> -> memref<128xi32, #tpu.memory_space<vmem>>
    %dma_wait3A_156 = tpu.memref_slice %arg4[%multiple_of3A_61] : memref<320000xi32, #tpu.memory_space<hbm>> -> memref<128xi32, #tpu.memory_space<hbm>>
    tpu.wait_dma2 semaphore(%arg17 : memref<!tpu.dma_semaphore, #tpu.memory_space<semaphore_mem>>) src(%dma_wait3A_156 : memref<128xi32, #tpu.memory_space<hbm>>) dst(%dma_wait3A_155 : memref<128xi32, #tpu.memory_space<vmem>>)
    %dma_start3A_157 = arith.constant 2 : i32
    %dma_start3A_158 = arith.constant 2 : i32
    %dma_start3A_159 = arith.constant 0 : i32
    %dma_start3A_160 = arith.constant 0 : i32
    %dma_start3A_161 = tpu.memref_slice %arg11[%dma_start3A_158, %dma_start3A_159, %dma_start3A_160] : memref<5x128x32xf32, #tpu.memory_space<vmem>> -> memref<1x128x32xf32, #tpu.memory_space<vmem>>
    %dma_start3A_162 = tpu.memref_squeeze %dma_start3A_161 : memref<1x128x32xf32, #tpu.memory_space<vmem>> -> memref<128x32xf32, #tpu.memory_space<vmem>>
    %dma_start3A_163 = arith.constant 0 : i32
    %dma_start3A_164 = tpu.memref_slice %arg9[%dma_start3A_157, %dma_start3A_163] : memref<5x128xi32, #tpu.memory_space<vmem>> -> memref<1x128xi32, #tpu.memory_space<vmem>>
    %dma_start3A_165 = tpu.memref_squeeze %dma_start3A_164 : memref<1x128xi32, #tpu.memory_space<vmem>> -> memref<128xi32, #tpu.memory_space<vmem>>
    %dma_start3A_166 = arith.constant 0 : i32
    %dma_start3A_167 = arith.constant 0 : i32
    %dma_start3A_168 = tpu.memref_slice %arg7[%dma_start3A_166, %dma_start3A_167] : memref<10000x32xf32, #tpu.memory_space<vmem_shared>> -> memref<10000x32xf32, #tpu.memory_space<vmem_shared>>
    tpu.enqueue_indirect_dma source(%dma_start3A_168 : memref<10000x32xf32, #tpu.memory_space<vmem_shared>>) target(%dma_start3A_162 : memref<128x32xf32, #tpu.memory_space<vmem>>) offsets(%dma_start3A_165 : memref<128xi32, #tpu.memory_space<vmem>>) semaphore(%arg22 : memref<!tpu.dma_semaphore, #tpu.memory_space<semaphore_mem>>)
    %dma_wait3A_169 = arith.constant 0 : i32
    %dma_wait3A_170 = arith.constant 0 : i32
    %dma_wait3A_171 = arith.constant 0 : i32
    %dma_wait3A_172 = arith.constant 0 : i32
    %dma_wait3A_173 = tpu.memref_slice %arg11[%dma_wait3A_170, %dma_wait3A_171, %dma_wait3A_172] : memref<5x128x32xf32, #tpu.memory_space<vmem>> -> memref<1x128x32xf32, #tpu.memory_space<vmem>>
    %dma_wait3A_174 = tpu.memref_squeeze %dma_wait3A_173 : memref<1x128x32xf32, #tpu.memory_space<vmem>> -> memref<128x32xf32, #tpu.memory_space<vmem>>
    %dma_wait3A_175 = arith.constant 0 : i32
    %dma_wait3A_176 = tpu.memref_slice %arg9[%dma_wait3A_169, %dma_wait3A_175] : memref<5x128xi32, #tpu.memory_space<vmem>> -> memref<1x128xi32, #tpu.memory_space<vmem>>
    %dma_wait3A_177 = tpu.memref_squeeze %dma_wait3A_176 : memref<1x128xi32, #tpu.memory_space<vmem>> -> memref<128xi32, #tpu.memory_space<vmem>>
    %dma_wait3A_178 = arith.constant 0 : i32
    %dma_wait3A_179 = arith.constant 0 : i32
    %dma_wait3A_180 = tpu.memref_slice %arg7[%dma_wait3A_178, %dma_wait3A_179] : memref<10000x32xf32, #tpu.memory_space<vmem_shared>> -> memref<10000x32xf32, #tpu.memory_space<vmem_shared>>
    tpu.wait_indirect_dma semaphore(%arg20 : memref<!tpu.dma_semaphore, #tpu.memory_space<semaphore_mem>>) src(%dma_wait3A_180 : memref<10000x32xf32, #tpu.memory_space<vmem_shared>>) dst(%dma_wait3A_174 : memref<128x32xf32, #tpu.memory_space<vmem>>)
    %dma_wait3A_181 = arith.constant 1 : i32
    %dma_wait3A_182 = arith.constant 1 : i32
    %dma_wait3A_183 = arith.constant 0 : i32
    %dma_wait3A_184 = arith.constant 0 : i32
    %dma_wait3A_185 = tpu.memref_slice %arg11[%dma_wait3A_182, %dma_wait3A_183, %dma_wait3A_184] : memref<5x128x32xf32, #tpu.memory_space<vmem>> -> memref<1x128x32xf32, #tpu.memory_space<vmem>>
    %dma_wait3A_186 = tpu.memref_squeeze %dma_wait3A_185 : memref<1x128x32xf32, #tpu.memory_space<vmem>> -> memref<128x32xf32, #tpu.memory_space<vmem>>
    %dma_wait3A_187 = arith.constant 0 : i32
    %dma_wait3A_188 = tpu.memref_slice %arg9[%dma_wait3A_181, %dma_wait3A_187] : memref<5x128xi32, #tpu.memory_space<vmem>> -> memref<1x128xi32, #tpu.memory_space<vmem>>
    %dma_wait3A_189 = tpu.memref_squeeze %dma_wait3A_188 : memref<1x128xi32, #tpu.memory_space<vmem>> -> memref<128xi32, #tpu.memory_space<vmem>>
    %dma_wait3A_190 = arith.constant 0 : i32
    %dma_wait3A_191 = arith.constant 0 : i32
    %dma_wait3A_192 = tpu.memref_slice %arg7[%dma_wait3A_190, %dma_wait3A_191] : memref<10000x32xf32, #tpu.memory_space<vmem_shared>> -> memref<10000x32xf32, #tpu.memory_space<vmem_shared>>
    tpu.wait_indirect_dma semaphore(%arg21 : memref<!tpu.dma_semaphore, #tpu.memory_space<semaphore_mem>>) src(%dma_wait3A_192 : memref<10000x32xf32, #tpu.memory_space<vmem_shared>>) dst(%dma_wait3A_186 : memref<128x32xf32, #tpu.memory_space<vmem>>)
    %dma_wait3A_193 = arith.constant 2 : i32
    %dma_wait3A_194 = arith.constant 2 : i32
    %dma_wait3A_195 = arith.constant 0 : i32
    %dma_wait3A_196 = arith.constant 0 : i32
    %dma_wait3A_197 = tpu.memref_slice %arg11[%dma_wait3A_194, %dma_wait3A_195, %dma_wait3A_196] : memref<5x128x32xf32, #tpu.memory_space<vmem>> -> memref<1x128x32xf32, #tpu.memory_space<vmem>>
    %dma_wait3A_198 = tpu.memref_squeeze %dma_wait3A_197 : memref<1x128x32xf32, #tpu.memory_space<vmem>> -> memref<128x32xf32, #tpu.memory_space<vmem>>
    %dma_wait3A_199 = arith.constant 0 : i32
    %dma_wait3A_200 = tpu.memref_slice %arg9[%dma_wait3A_193, %dma_wait3A_199] : memref<5x128xi32, #tpu.memory_space<vmem>> -> memref<1x128xi32, #tpu.memory_space<vmem>>
    %dma_wait3A_201 = tpu.memref_squeeze %dma_wait3A_200 : memref<1x128xi32, #tpu.memory_space<vmem>> -> memref<128xi32, #tpu.memory_space<vmem>>
    %dma_wait3A_202 = arith.constant 0 : i32
    %dma_wait3A_203 = arith.constant 0 : i32
    %dma_wait3A_204 = tpu.memref_slice %arg7[%dma_wait3A_202, %dma_wait3A_203] : memref<10000x32xf32, #tpu.memory_space<vmem_shared>> -> memref<10000x32xf32, #tpu.memory_space<vmem_shared>>
    tpu.wait_indirect_dma semaphore(%arg22 : memref<!tpu.dma_semaphore, #tpu.memory_space<semaphore_mem>>) src(%dma_wait3A_204 : memref<10000x32xf32, #tpu.memory_space<vmem_shared>>) dst(%dma_wait3A_198 : memref<128x32xf32, #tpu.memory_space<vmem>>)
    %dma_start3A_205 = arith.constant 0 : i32
    %dma_start3A_206 = arith.constant 0 : i32
    %dma_start3A_207 = arith.constant 0 : i32
    %dma_start3A_208 = arith.constant 0 : i32
    %dma_start3A_209 = tpu.memref_slice %arg11[%dma_start3A_205, %dma_start3A_207, %dma_start3A_208] : memref<5x128x32xf32, #tpu.memory_space<vmem>> -> memref<1x128x32xf32, #tpu.memory_space<vmem>>
    %dma_start3A_210 = tpu.memref_squeeze %dma_start3A_209 : memref<1x128x32xf32, #tpu.memory_space<vmem>> -> memref<128x32xf32, #tpu.memory_space<vmem>>
    %dma_start3A_211 = arith.constant 0 : i32
    %dma_start3A_212 = tpu.memref_slice %arg10[%dma_start3A_206, %dma_start3A_211] : memref<5x128xi32, #tpu.memory_space<vmem>> -> memref<1x128xi32, #tpu.memory_space<vmem>>
    %dma_start3A_213 = tpu.memref_squeeze %dma_start3A_212 : memref<1x128xi32, #tpu.memory_space<vmem>> -> memref<128xi32, #tpu.memory_space<vmem>>
    %dma_start3A_214 = arith.constant 0 : i32
    %dma_start3A_215 = arith.constant 0 : i32
    %dma_start3A_216 = tpu.memref_slice %arg8[%dma_start3A_214, %dma_start3A_215] : memref<10000x32xf32, #tpu.memory_space<vmem_shared>> -> memref<10000x32xf32, #tpu.memory_space<vmem_shared>>
    tpu.enqueue_indirect_dma source(%dma_start3A_210 : memref<128x32xf32, #tpu.memory_space<vmem>>) target(%dma_start3A_216 : memref<10000x32xf32, #tpu.memory_space<vmem_shared>>) offsets(%dma_start3A_213 : memref<128xi32, #tpu.memory_space<vmem>>) semaphore(%arg25 : memref<!tpu.dma_semaphore, #tpu.memory_space<semaphore_mem>>) {add = true}
    %dma_start3A_217 = arith.constant 1 : i32
    %dma_start3A_218 = arith.constant 1 : i32
    %dma_start3A_219 = arith.constant 0 : i32
    %dma_start3A_220 = arith.constant 0 : i32
    %dma_start3A_221 = tpu.memref_slice %arg11[%dma_start3A_217, %dma_start3A_219, %dma_start3A_220] : memref<5x128x32xf32, #tpu.memory_space<vmem>> -> memref<1x128x32xf32, #tpu.memory_space<vmem>>
    %dma_start3A_222 = tpu.memref_squeeze %dma_start3A_221 : memref<1x128x32xf32, #tpu.memory_space<vmem>> -> memref<128x32xf32, #tpu.memory_space<vmem>>
    %dma_start3A_223 = arith.constant 0 : i32
    %dma_start3A_224 = tpu.memref_slice %arg10[%dma_start3A_218, %dma_start3A_223] : memref<5x128xi32, #tpu.memory_space<vmem>> -> memref<1x128xi32, #tpu.memory_space<vmem>>
    %dma_start3A_225 = tpu.memref_squeeze %dma_start3A_224 : memref<1x128xi32, #tpu.memory_space<vmem>> -> memref<128xi32, #tpu.memory_space<vmem>>
    %dma_start3A_226 = arith.constant 0 : i32
    %dma_start3A_227 = arith.constant 0 : i32
    %dma_start3A_228 = tpu.memref_slice %arg8[%dma_start3A_226, %dma_start3A_227] : memref<10000x32xf32, #tpu.memory_space<vmem_shared>> -> memref<10000x32xf32, #tpu.memory_space<vmem_shared>>
    tpu.enqueue_indirect_dma source(%dma_start3A_222 : memref<128x32xf32, #tpu.memory_space<vmem>>) target(%dma_start3A_228 : memref<10000x32xf32, #tpu.memory_space<vmem_shared>>) offsets(%dma_start3A_225 : memref<128xi32, #tpu.memory_space<vmem>>) semaphore(%arg26 : memref<!tpu.dma_semaphore, #tpu.memory_space<semaphore_mem>>) {add = true}
    %dma_start3A_229 = arith.constant 2 : i32
    %dma_start3A_230 = arith.constant 2 : i32
    %dma_start3A_231 = arith.constant 0 : i32
    %dma_start3A_232 = arith.constant 0 : i32
    %dma_start3A_233 = tpu.memref_slice %arg11[%dma_start3A_229, %dma_start3A_231, %dma_start3A_232] : memref<5x128x32xf32, #tpu.memory_space<vmem>> -> memref<1x128x32xf32, #tpu.memory_space<vmem>>
    %dma_start3A_234 = tpu.memref_squeeze %dma_start3A_233 : memref<1x128x32xf32, #tpu.memory_space<vmem>> -> memref<128x32xf32, #tpu.memory_space<vmem>>
    %dma_start3A_235 = arith.constant 0 : i32
    %dma_start3A_236 = tpu.memref_slice %arg10[%dma_start3A_230, %dma_start3A_235] : memref<5x128xi32, #tpu.memory_space<vmem>> -> memref<1x128xi32, #tpu.memory_space<vmem>>
    %dma_start3A_237 = tpu.memref_squeeze %dma_start3A_236 : memref<1x128xi32, #tpu.memory_space<vmem>> -> memref<128xi32, #tpu.memory_space<vmem>>
    %dma_start3A_238 = arith.constant 0 : i32
    %dma_start3A_239 = arith.constant 0 : i32
    %dma_start3A_240 = tpu.memref_slice %arg8[%dma_start3A_238, %dma_start3A_239] : memref<10000x32xf32, #tpu.memory_space<vmem_shared>> -> memref<10000x32xf32, #tpu.memory_space<vmem_shared>>
    tpu.enqueue_indirect_dma source(%dma_start3A_234 : memref<128x32xf32, #tpu.memory_space<vmem>>) target(%dma_start3A_240 : memref<10000x32xf32, #tpu.memory_space<vmem_shared>>) offsets(%dma_start3A_237 : memref<128xi32, #tpu.memory_space<vmem>>) semaphore(%arg27 : memref<!tpu.dma_semaphore, #tpu.memory_space<semaphore_mem>>) {add = true}
    %dma_wait3A_241 = arith.constant 0 : i32
    %dma_wait3A_242 = arith.constant 0 : i32
    %dma_wait3A_243 = arith.constant 0 : i32
    %dma_wait3A_244 = arith.constant 0 : i32
    %dma_wait3A_245 = tpu.memref_slice %arg11[%dma_wait3A_241, %dma_wait3A_243, %dma_wait3A_244] : memref<5x128x32xf32, #tpu.memory_space<vmem>> -> memref<1x128x32xf32, #tpu.memory_space<vmem>>
    %dma_wait3A_246 = tpu.memref_squeeze %dma_wait3A_245 : memref<1x128x32xf32, #tpu.memory_space<vmem>> -> memref<128x32xf32, #tpu.memory_space<vmem>>
    %dma_wait3A_247 = arith.constant 0 : i32
    %dma_wait3A_248 = tpu.memref_slice %arg10[%dma_wait3A_242, %dma_wait3A_247] : memref<5x128xi32, #tpu.memory_space<vmem>> -> memref<1x128xi32, #tpu.memory_space<vmem>>
    %dma_wait3A_249 = tpu.memref_squeeze %dma_wait3A_248 : memref<1x128xi32, #tpu.memory_space<vmem>> -> memref<128xi32, #tpu.memory_space<vmem>>
    %dma_wait3A_250 = arith.constant 0 : i32
    %dma_wait3A_251 = arith.constant 0 : i32
    %dma_wait3A_252 = tpu.memref_slice %arg8[%dma_wait3A_250, %dma_wait3A_251] : memref<10000x32xf32, #tpu.memory_space<vmem_shared>> -> memref<10000x32xf32, #tpu.memory_space<vmem_shared>>
    tpu.wait_indirect_dma semaphore(%arg25 : memref<!tpu.dma_semaphore, #tpu.memory_space<semaphore_mem>>) src(%dma_wait3A_246 : memref<128x32xf32, #tpu.memory_space<vmem>>) dst(%dma_wait3A_252 : memref<10000x32xf32, #tpu.memory_space<vmem_shared>>)
    %dma_wait3A_253 = arith.constant 1 : i32
    %dma_wait3A_254 = arith.constant 1 : i32
    %dma_wait3A_255 = arith.constant 0 : i32
    %dma_wait3A_256 = arith.constant 0 : i32
    %dma_wait3A_257 = tpu.memref_slice %arg11[%dma_wait3A_253, %dma_wait3A_255, %dma_wait3A_256] : memref<5x128x32xf32, #tpu.memory_space<vmem>> -> memref<1x128x32xf32, #tpu.memory_space<vmem>>
    %dma_wait3A_258 = tpu.memref_squeeze %dma_wait3A_257 : memref<1x128x32xf32, #tpu.memory_space<vmem>> -> memref<128x32xf32, #tpu.memory_space<vmem>>
    %dma_wait3A_259 = arith.constant 0 : i32
    %dma_wait3A_260 = tpu.memref_slice %arg10[%dma_wait3A_254, %dma_wait3A_259] : memref<5x128xi32, #tpu.memory_space<vmem>> -> memref<1x128xi32, #tpu.memory_space<vmem>>
    %dma_wait3A_261 = tpu.memref_squeeze %dma_wait3A_260 : memref<1x128xi32, #tpu.memory_space<vmem>> -> memref<128xi32, #tpu.memory_space<vmem>>
    %dma_wait3A_262 = arith.constant 0 : i32
    %dma_wait3A_263 = arith.constant 0 : i32
    %dma_wait3A_264 = tpu.memref_slice %arg8[%dma_wait3A_262, %dma_wait3A_263] : memref<10000x32xf32, #tpu.memory_space<vmem_shared>> -> memref<10000x32xf32, #tpu.memory_space<vmem_shared>>
    tpu.wait_indirect_dma semaphore(%arg26 : memref<!tpu.dma_semaphore, #tpu.memory_space<semaphore_mem>>) src(%dma_wait3A_258 : memref<128x32xf32, #tpu.memory_space<vmem>>) dst(%dma_wait3A_264 : memref<10000x32xf32, #tpu.memory_space<vmem_shared>>)
    %dma_wait3A_265 = arith.constant 2 : i32
    %dma_wait3A_266 = arith.constant 2 : i32
    %dma_wait3A_267 = arith.constant 0 : i32
    %dma_wait3A_268 = arith.constant 0 : i32
    %dma_wait3A_269 = tpu.memref_slice %arg11[%dma_wait3A_265, %dma_wait3A_267, %dma_wait3A_268] : memref<5x128x32xf32, #tpu.memory_space<vmem>> -> memref<1x128x32xf32, #tpu.memory_space<vmem>>
    %dma_wait3A_270 = tpu.memref_squeeze %dma_wait3A_269 : memref<1x128x32xf32, #tpu.memory_space<vmem>> -> memref<128x32xf32, #tpu.memory_space<vmem>>
    %dma_wait3A_271 = arith.constant 0 : i32
    %dma_wait3A_272 = tpu.memref_slice %arg10[%dma_wait3A_266, %dma_wait3A_271] : memref<5x128xi32, #tpu.memory_space<vmem>> -> memref<1x128xi32, #tpu.memory_space<vmem>>
    %dma_wait3A_273 = tpu.memref_squeeze %dma_wait3A_272 : memref<1x128xi32, #tpu.memory_space<vmem>> -> memref<128xi32, #tpu.memory_space<vmem>>
    %dma_wait3A_274 = arith.constant 0 : i32
    %dma_wait3A_275 = arith.constant 0 : i32
    %dma_wait3A_276 = tpu.memref_slice %arg8[%dma_wait3A_274, %dma_wait3A_275] : memref<10000x32xf32, #tpu.memory_space<vmem_shared>> -> memref<10000x32xf32, #tpu.memory_space<vmem_shared>>
    tpu.wait_indirect_dma semaphore(%arg27 : memref<!tpu.dma_semaphore, #tpu.memory_space<semaphore_mem>>) src(%dma_wait3A_270 : memref<128x32xf32, #tpu.memory_space<vmem>>) dst(%dma_wait3A_276 : memref<10000x32xf32, #tpu.memory_space<vmem_shared>>)
    %add3A_277 = arith.constant 9984 : i32
    %add3A_278 = arith.addi %mul3A_2, %add3A_277 : i32
    "tpu.region"() ({
      %run_scoped3A = tpu.sem_alloc : memref<!tpu.dma_semaphore, #tpu.memory_space<semaphore_mem>>
      %dma_start3A_293 = tpu.memref_slice %arg3[%add3A_278] : memref<320000xi32, #tpu.memory_space<hbm>> -> memref<16xi32, #tpu.memory_space<hbm>>
      %dma_start3A_294 = tpu.memref_slice %arg3[%add3A_278] : memref<320000xi32, #tpu.memory_space<hbm>> -> memref<16xi32, #tpu.memory_space<hbm>>
      tpu.enqueue_dma source(%dma_start3A_294 : memref<16xi32, #tpu.memory_space<hbm>>) target(%arg12 : memref<16xi32, #tpu.memory_space<vmem>>) target_semaphore(%run_scoped3A : memref<!tpu.dma_semaphore, #tpu.memory_space<semaphore_mem>>)
      %dma_wait3A_295 = tpu.memref_slice %arg3[%add3A_278] : memref<320000xi32, #tpu.memory_space<hbm>> -> memref<16xi32, #tpu.memory_space<hbm>>
      %dma_wait3A_296 = tpu.memref_slice %arg3[%add3A_278] : memref<320000xi32, #tpu.memory_space<hbm>> -> memref<16xi32, #tpu.memory_space<hbm>>
      tpu.wait_dma2 semaphore(%run_scoped3A : memref<!tpu.dma_semaphore, #tpu.memory_space<semaphore_mem>>) src(%dma_wait3A_296 : memref<16xi32, #tpu.memory_space<hbm>>) dst(%arg12 : memref<16xi32, #tpu.memory_space<vmem>>)
      tpu.yield
    }) : () -> ()
    "tpu.region"() ({
      %run_scoped3A = tpu.sem_alloc : memref<!tpu.dma_semaphore, #tpu.memory_space<semaphore_mem>>
      %dma_start3A_293 = tpu.memref_slice %arg4[%add3A_278] : memref<320000xi32, #tpu.memory_space<hbm>> -> memref<16xi32, #tpu.memory_space<hbm>>
      %dma_start3A_294 = tpu.memref_slice %arg4[%add3A_278] : memref<320000xi32, #tpu.memory_space<hbm>> -> memref<16xi32, #tpu.memory_space<hbm>>
      tpu.enqueue_dma source(%dma_start3A_294 : memref<16xi32, #tpu.memory_space<hbm>>) target(%arg13 : memref<16xi32, #tpu.memory_space<vmem>>) target_semaphore(%run_scoped3A : memref<!tpu.dma_semaphore, #tpu.memory_space<semaphore_mem>>)
      %dma_wait3A_295 = tpu.memref_slice %arg4[%add3A_278] : memref<320000xi32, #tpu.memory_space<hbm>> -> memref<16xi32, #tpu.memory_space<hbm>>
      %dma_wait3A_296 = tpu.memref_slice %arg4[%add3A_278] : memref<320000xi32, #tpu.memory_space<hbm>> -> memref<16xi32, #tpu.memory_space<hbm>>
      tpu.wait_dma2 semaphore(%run_scoped3A : memref<!tpu.dma_semaphore, #tpu.memory_space<semaphore_mem>>) src(%dma_wait3A_296 : memref<16xi32, #tpu.memory_space<hbm>>) dst(%arg13 : memref<16xi32, #tpu.memory_space<vmem>>)
      tpu.yield
    }) : () -> ()
    "tpu.region"() ({
      %run_scoped3A = tpu.sem_alloc : memref<!tpu.dma_semaphore, #tpu.memory_space<semaphore_mem>>
      %dma_start3A_293 = arith.constant 0 : i32
      %dma_start3A_294 = arith.constant 0 : i32
      %dma_start3A_295 = tpu.memref_slice %arg7[%dma_start3A_293, %dma_start3A_294] : memref<10000x32xf32, #tpu.memory_space<vmem_shared>> -> memref<10000x32xf32, #tpu.memory_space<vmem_shared>>
      tpu.enqueue_indirect_dma source(%dma_start3A_295 : memref<10000x32xf32, #tpu.memory_space<vmem_shared>>) target(%arg14 : memref<16x32xf32, #tpu.memory_space<vmem>>) offsets(%arg12 : memref<16xi32, #tpu.memory_space<vmem>>) semaphore(%run_scoped3A : memref<!tpu.dma_semaphore, #tpu.memory_space<semaphore_mem>>)
      %dma_wait3A_296 = arith.constant 0 : i32
      %dma_wait3A_297 = arith.constant 0 : i32
      %dma_wait3A_298 = tpu.memref_slice %arg7[%dma_wait3A_296, %dma_wait3A_297] : memref<10000x32xf32, #tpu.memory_space<vmem_shared>> -> memref<10000x32xf32, #tpu.memory_space<vmem_shared>>
      tpu.wait_indirect_dma semaphore(%run_scoped3A : memref<!tpu.dma_semaphore, #tpu.memory_space<semaphore_mem>>) src(%dma_wait3A_298 : memref<10000x32xf32, #tpu.memory_space<vmem_shared>>) dst(%arg14 : memref<16x32xf32, #tpu.memory_space<vmem>>)
      tpu.yield
    }) : () -> ()
    "tpu.region"() ({
      %run_scoped3A = tpu.sem_alloc : memref<!tpu.dma_semaphore, #tpu.memory_space<semaphore_mem>>
      %dma_start3A_293 = arith.constant 0 : i32
      %dma_start3A_294 = arith.constant 0 : i32
      %dma_start3A_295 = tpu.memref_slice %arg8[%dma_start3A_293, %dma_start3A_294] : memref<10000x32xf32, #tpu.memory_space<vmem_shared>> -> memref<10000x32xf32, #tpu.memory_space<vmem_shared>>
      tpu.enqueue_indirect_dma source(%arg14 : memref<16x32xf32, #tpu.memory_space<vmem>>) target(%dma_start3A_295 : memref<10000x32xf32, #tpu.memory_space<vmem_shared>>) offsets(%arg13 : memref<16xi32, #tpu.memory_space<vmem>>) semaphore(%run_scoped3A : memref<!tpu.dma_semaphore, #tpu.memory_space<semaphore_mem>>) {add = true}
      %dma_wait3A_296 = arith.constant 0 : i32
      %dma_wait3A_297 = arith.constant 0 : i32
      %dma_wait3A_298 = tpu.memref_slice %arg8[%dma_wait3A_296, %dma_wait3A_297] : memref<10000x32xf32, #tpu.memory_space<vmem_shared>> -> memref<10000x32xf32, #tpu.memory_space<vmem_shared>>
      tpu.wait_indirect_dma semaphore(%run_scoped3A : memref<!tpu.dma_semaphore, #tpu.memory_space<semaphore_mem>>) src(%arg14 : memref<16x32xf32, #tpu.memory_space<vmem>>) dst(%dma_wait3A_298 : memref<10000x32xf32, #tpu.memory_space<vmem_shared>>)
      tpu.yield
    }) : () -> ()
    %barrier3A_279 = arith.constant 0 : index
    tpu.barrier barrier_id(%barrier3A_279)
    %mul3A_280 = arith.constant 640 : i32
    %mul3A_281 = arith.muli %arg1, %mul3A_280 : i32
    %multiple_of3A_282 = tpu.assume_multiple %mul3A_281, 8 : i32
    %lt3A_283 = arith.constant 15 : i32
    %lt3A_284 = arith.cmpi slt, %arg1, %lt3A_283 : i32
    %convert_element_type3A_285 = arith.extui %lt3A_284 : i1 to i32
    %cond3A_286 = arith.constant 0 : i32
    %cond3A_287 = arith.cmpi ne, %convert_element_type3A_285, %cond3A_286 : i32
    scf.if %cond3A_287 {
      "tpu.region"() ({
        %run_scoped3A = tpu.sem_alloc : memref<!tpu.dma_semaphore, #tpu.memory_space<semaphore_mem>>
        %dma_start3A_293 = arith.constant 0 : i32
        %dma_start3A_294 = arith.constant 0 : i32
        %dma_start3A_295 = tpu.memref_slice %arg6[%arg0, %dma_start3A_293, %dma_start3A_294] : memref<2x10000x32xf32, #tpu.memory_space<hbm>> -> memref<1x10000x32xf32, #tpu.memory_space<hbm>>
        %dma_start3A_296 = tpu.memref_squeeze %dma_start3A_295 : memref<1x10000x32xf32, #tpu.memory_space<hbm>> -> memref<10000x32xf32, #tpu.memory_space<hbm>>
        %dma_start3A_297 = arith.constant 0 : i32
        %dma_start3A_298 = tpu.memref_slice %dma_start3A_296[%multiple_of3A_282, %dma_start3A_297] : memref<10000x32xf32, #tpu.memory_space<hbm>> -> memref<640x32xf32, #tpu.memory_space<hbm>>
        %dma_start3A_299 = arith.constant 0 : i32
        %dma_start3A_300 = tpu.memref_slice %arg8[%multiple_of3A_282, %dma_start3A_299] : memref<10000x32xf32, #tpu.memory_space<vmem_shared>> -> memref<640x32xf32, #tpu.memory_space<vmem_shared>>
        tpu.enqueue_dma source(%dma_start3A_300 : memref<640x32xf32, #tpu.memory_space<vmem_shared>>) target(%dma_start3A_298 : memref<640x32xf32, #tpu.memory_space<hbm>>) target_semaphore(%run_scoped3A : memref<!tpu.dma_semaphore, #tpu.memory_space<semaphore_mem>>)
        %dma_wait3A_301 = arith.constant 0 : i32
        %dma_wait3A_302 = arith.constant 0 : i32
        %dma_wait3A_303 = tpu.memref_slice %arg6[%arg0, %dma_wait3A_301, %dma_wait3A_302] : memref<2x10000x32xf32, #tpu.memory_space<hbm>> -> memref<1x10000x32xf32, #tpu.memory_space<hbm>>
        %dma_wait3A_304 = tpu.memref_squeeze %dma_wait3A_303 : memref<1x10000x32xf32, #tpu.memory_space<hbm>> -> memref<10000x32xf32, #tpu.memory_space<hbm>>
        %dma_wait3A_305 = arith.constant 0 : i32
        %dma_wait3A_306 = tpu.memref_slice %dma_wait3A_304[%multiple_of3A_282, %dma_wait3A_305] : memref<10000x32xf32, #tpu.memory_space<hbm>> -> memref<640x32xf32, #tpu.memory_space<hbm>>
        %dma_wait3A_307 = arith.constant 0 : i32
        %dma_wait3A_308 = tpu.memref_slice %arg8[%multiple_of3A_282, %dma_wait3A_307] : memref<10000x32xf32, #tpu.memory_space<vmem_shared>> -> memref<640x32xf32, #tpu.memory_space<vmem_shared>>
        tpu.wait_dma2 semaphore(%run_scoped3A : memref<!tpu.dma_semaphore, #tpu.memory_space<semaphore_mem>>) src(%dma_wait3A_308 : memref<640x32xf32, #tpu.memory_space<vmem_shared>>) dst(%dma_wait3A_306 : memref<640x32xf32, #tpu.memory_space<hbm>>)
        tpu.yield
      }) : () -> ()
    } else {
    }
    %eq3A_288 = arith.constant 15 : i32
    %eq3A_289 = arith.cmpi eq, %arg1, %eq3A_288 : i32
    %convert_element_type3A_290 = arith.extui %eq3A_289 : i1 to i32
    %cond3A_291 = arith.constant 0 : i32
    %cond3A_292 = arith.cmpi ne, %convert_element_type3A_290, %cond3A_291 : i32
    scf.if %cond3A_292 {
      "tpu.region"() ({
        %run_scoped3A = tpu.sem_alloc : memref<!tpu.dma_semaphore, #tpu.memory_space<semaphore_mem>>
        %dma_start3A_293 = arith.constant 0 : i32
        %dma_start3A_294 = arith.constant 0 : i32
        %dma_start3A_295 = tpu.memref_slice %arg6[%arg0, %dma_start3A_293, %dma_start3A_294] : memref<2x10000x32xf32, #tpu.memory_space<hbm>> -> memref<1x10000x32xf32, #tpu.memory_space<hbm>>
        %dma_start3A_296 = tpu.memref_squeeze %dma_start3A_295 : memref<1x10000x32xf32, #tpu.memory_space<hbm>> -> memref<10000x32xf32, #tpu.memory_space<hbm>>
        %dma_start3A_297 = arith.constant 9600 : i32
        %dma_start3A_298 = arith.constant 0 : i32
        %dma_start3A_299 = tpu.memref_slice %dma_start3A_296[%dma_start3A_297, %dma_start3A_298] : memref<10000x32xf32, #tpu.memory_space<hbm>> -> memref<400x32xf32, #tpu.memory_space<hbm>>
        %dma_start3A_300 = arith.constant 9600 : i32
        %dma_start3A_301 = arith.constant 0 : i32
        %dma_start3A_302 = tpu.memref_slice %arg8[%dma_start3A_300, %dma_start3A_301] : memref<10000x32xf32, #tpu.memory_space<vmem_shared>> -> memref<400x32xf32, #tpu.memory_space<vmem_shared>>
        tpu.enqueue_dma source(%dma_start3A_302 : memref<400x32xf32, #tpu.memory_space<vmem_shared>>) target(%dma_start3A_299 : memref<400x32xf32, #tpu.memory_space<hbm>>) target_semaphore(%run_scoped3A : memref<!tpu.dma_semaphore, #tpu.memory_space<semaphore_mem>>)
        %dma_wait3A_303 = arith.constant 0 : i32
        %dma_wait3A_304 = arith.constant 0 : i32
        %dma_wait3A_305 = tpu.memref_slice %arg6[%arg0, %dma_wait3A_303, %dma_wait3A_304] : memref<2x10000x32xf32, #tpu.memory_space<hbm>> -> memref<1x10000x32xf32, #tpu.memory_space<hbm>>
        %dma_wait3A_306 = tpu.memref_squeeze %dma_wait3A_305 : memref<1x10000x32xf32, #tpu.memory_space<hbm>> -> memref<10000x32xf32, #tpu.memory_space<hbm>>
        %dma_wait3A_307 = arith.constant 9600 : i32
        %dma_wait3A_308 = arith.constant 0 : i32
        %dma_wait3A_309 = tpu.memref_slice %dma_wait3A_306[%dma_wait3A_307, %dma_wait3A_308] : memref<10000x32xf32, #tpu.memory_space<hbm>> -> memref<400x32xf32, #tpu.memory_space<hbm>>
        %dma_wait3A_310 = arith.constant 9600 : i32
        %dma_wait3A_311 = arith.constant 0 : i32
        %dma_wait3A_312 = tpu.memref_slice %arg8[%dma_wait3A_310, %dma_wait3A_311] : memref<10000x32xf32, #tpu.memory_space<vmem_shared>> -> memref<400x32xf32, #tpu.memory_space<vmem_shared>>
        tpu.wait_dma2 semaphore(%run_scoped3A : memref<!tpu.dma_semaphore, #tpu.memory_space<semaphore_mem>>) src(%dma_wait3A_312 : memref<400x32xf32, #tpu.memory_space<vmem_shared>>) dst(%dma_wait3A_309 : memref<400x32xf32, #tpu.memory_space<hbm>>)
        tpu.yield
      }) : () -> ()
    } else {
    }
    return
  }
}

module attributes {stable_mosaic.version = 14 : i64} {
  func.func @_sc_body(%arg0: i32, %arg1: memref<1000x32xf32, #tpu.memory_space<vmem>>, %arg2: memref<2x1000x8xf32, #tpu.memory_space<vmem>>, %arg3: memref<1000x32xf32, #tpu.memory_space<vmem>>) attributes {dimension_semantics = [#tpu.dimension_semantics<arbitrary>], iteration_bounds = array<i64: 10>, scalar_prefetch = 0 : i64, scratch_operands = 0 : i64, tpu.core_type = #tpu.core_type<tc>, window_params = [{transform_indices = @transform_0, window_bounds = array<i64: 1000, 32>}, {transform_indices = @transform_1, window_bounds = array<i64: 2, 1000, 8>}, {transform_indices = @transform_2, window_bounds = array<i64: 1000, 32>}]} {
    %get3A = arith.constant 0 : index
    %get3A_0 = arith.constant 0 : index
    %get3A_1 = vector.load %arg1[%get3A, %get3A_0] : memref<1000x32xf32, #tpu.memory_space<vmem>>, vector<1000x32xf32>
    %get3A_2 = arith.constant 0 : index
    %get3A_3 = arith.constant 0 : index
    %get3A_4 = arith.constant 0 : index
    %get3A_5 = vector.load %arg2[%get3A_2, %get3A_3, %get3A_4] : memref<2x1000x8xf32, #tpu.memory_space<vmem>>, vector<1x1000x1xf32>
    %get3A_6 = vector.shape_cast %get3A_5 : vector<1x1000x1xf32> to vector<1000x1xf32>
    %get3A_7 = arith.constant 1 : index
    %get3A_8 = arith.constant 0 : index
    %get3A_9 = arith.constant 0 : index
    %get3A_10 = vector.load %arg2[%get3A_7, %get3A_8, %get3A_9] : memref<2x1000x8xf32, #tpu.memory_space<vmem>>, vector<1x1000x1xf32>
    %get3A_11 = vector.shape_cast %get3A_10 : vector<1x1000x1xf32> to vector<1000x1xf32>
    %add3A = arith.addf %get3A_6, %get3A_11 : vector<1000x1xf32>
    %add3A_12 = arith.constant 1.000000e+00 : f32
    %add3A_13 = vector.broadcast %add3A_12 : f32 to vector<1000x1xf32>
    %add3A_14 = arith.addf %add3A, %add3A_13 : vector<1000x1xf32>
    %rsqrt3A = math.rsqrt %add3A_14 : vector<1000x1xf32>
    %mul3A = vector.broadcast %rsqrt3A : vector<1000x1xf32> to vector<1000x32xf32>
    %mul3A_15 = arith.mulf %get3A_1, %mul3A : vector<1000x32xf32>
    %swap3A = arith.constant 0 : index
    %swap3A_16 = arith.constant 0 : index
    %swap3A_17 = vector.load %arg3[%swap3A, %swap3A_16] : memref<1000x32xf32, #tpu.memory_space<vmem>>, vector<1000x32xf32>
    tpu.vector_store %arg3[%swap3A, %swap3A_16], %mul3A_15 {strides = array<i32>} : memref<1000x32xf32, #tpu.memory_space<vmem>>, vector<1000x32xf32>,
    return
  }
  func.func @transform_0(%arg0: i32) -> (i32, i32) {
    %c0_i32 = arith.constant 0 : i32
    %c0_i32_0 = arith.constant 0 : i32
    return %arg0, %c0_i32 : i32, i32
  }
  func.func @transform_1(%arg0: i32) -> (i32, i32, i32) {
    %c0_i32 = arith.constant 0 : i32
    %c0_i32_0 = arith.constant 0 : i32
    %c0_i32_1 = arith.constant 0 : i32
    return %c0_i32, %arg0, %c0_i32_0 : i32, i32, i32
  }
  func.func @transform_2(%arg0: i32) -> (i32, i32) {
    %c0_i32 = arith.constant 0 : i32
    %c0_i32_0 = arith.constant 0 : i32
    return %arg0, %c0_i32 : i32, i32
  }
}

module attributes {stable_mosaic.version = 14 : i64} {
  func.func @_mm_body(%arg0: i32, %arg1: memref<1000x128xf32, #tpu.memory_space<vmem>>, %arg2: memref<128x32xf32, #tpu.memory_space<vmem>>, %arg3: memref<1000x32xf32, #tpu.memory_space<vmem>>) attributes {dimension_semantics = [#tpu.dimension_semantics<arbitrary>], iteration_bounds = array<i64: 10>, scalar_prefetch = 0 : i64, scratch_operands = 0 : i64, tpu.core_type = #tpu.core_type<tc>, window_params = [{transform_indices = @transform_0, window_bounds = array<i64: 1000, 128>}, {pipeline_mode = #tpu.pipeline_mode<synchronous>, transform_indices = @transform_1, window_bounds = array<i64: 128, 32>}, {transform_indices = @transform_2, window_bounds = array<i64: 1000, 32>}]} {
    %get3A = arith.constant 0 : index
    %get3A_0 = arith.constant 0 : index
    %get3A_1 = vector.load %arg1[%get3A, %get3A_0] : memref<1000x128xf32, #tpu.memory_space<vmem>>, vector<1000x128xf32>
    %get3A_2 = arith.constant 0 : index
    %get3A_3 = arith.constant 0 : index
    %get3A_4 = vector.load %arg2[%get3A_2, %get3A_3] : memref<128x32xf32, #tpu.memory_space<vmem>>, vector<128x32xf32>
    %dot_general3A = arith.constant dense<0.000000e+00> : vector<1000x32xf32>
    %dot_general3A_5 = tpu.matmul %get3A_1, %get3A_4, %dot_general3A {dimension_numbers = #tpu.dot_dimension_numbers<[1], [0], [0], [1], [0, 0, 1, 1], [], []>, transpose_lhs_hint = false} : vector<1000x128xf32>, vector<128x32xf32>, vector<1000x32xf32> -> vector<1000x32xf32>
    %swap3A = arith.constant 0 : index
    %swap3A_6 = arith.constant 0 : index
    %swap3A_7 = vector.load %arg3[%swap3A, %swap3A_6] : memref<1000x32xf32, #tpu.memory_space<vmem>>, vector<1000x32xf32>
    tpu.vector_store %arg3[%swap3A, %swap3A_6], %dot_general3A_5 {strides = array<i32>} : memref<1000x32xf32, #tpu.memory_space<vmem>>, vector<1000x32xf32>,
    return
  }
  func.func @transform_0(%arg0: i32) -> (i32, i32) {
    %c0_i32 = arith.constant 0 : i32
    %c0_i32_0 = arith.constant 0 : i32
    return %arg0, %c0_i32 : i32, i32
  }
  func.func @transform_1(%arg0: i32) -> (i32, i32) {
    %c0_i32 = arith.constant 0 : i32
    %c0_i32_0 = arith.constant 0 : i32
    %c0_i32_1 = arith.constant 0 : i32
    return %c0_i32, %c0_i32_0 : i32, i32
  }
  func.func @transform_2(%arg0: i32) -> (i32, i32) {
    %c0_i32 = arith.constant 0 : i32
    %c0_i32_0 = arith.constant 0 : i32
    return %arg0, %c0_i32 : i32, i32
  }
}

module attributes {stable_mosaic.version = 14 : i64} {
  func.func @_mid_body(%arg0: i32, %arg1: memref<2x1000x32xf32, #tpu.memory_space<vmem>>, %arg2: memref<1000x32xf32, #tpu.memory_space<vmem>>, %arg3: memref<2x1000x8xf32, #tpu.memory_space<vmem>>, %arg4: memref<1x32xf32, #tpu.memory_space<vmem>>, %arg5: memref<32x32xf32, #tpu.memory_space<vmem>>, %arg6: memref<1000x32xf32, #tpu.memory_space<vmem>>) attributes {dimension_semantics = [#tpu.dimension_semantics<arbitrary>], iteration_bounds = array<i64: 10>, scalar_prefetch = 0 : i64, scratch_operands = 0 : i64, tpu.core_type = #tpu.core_type<tc>, window_params = [{transform_indices = @transform_0, window_bounds = array<i64: 2, 1000, 32>}, {transform_indices = @transform_1, window_bounds = array<i64: 1000, 32>}, {transform_indices = @transform_2, window_bounds = array<i64: 2, 1000, 8>}, {pipeline_mode = #tpu.pipeline_mode<synchronous>, transform_indices = @transform_3, window_bounds = array<i64: 1, 32>}, {pipeline_mode = #tpu.pipeline_mode<synchronous>, transform_indices = @transform_4, window_bounds = array<i64: 32, 32>}, {transform_indices = @transform_5, window_bounds = array<i64: 1000, 32>}]} {
    %get3A = arith.constant 0 : index
    %get3A_0 = arith.constant 0 : index
    %get3A_1 = arith.constant 0 : index
    %get3A_2 = vector.load %arg3[%get3A, %get3A_0, %get3A_1] : memref<2x1000x8xf32, #tpu.memory_space<vmem>>, vector<1x1000x1xf32>
    %get3A_3 = vector.shape_cast %get3A_2 : vector<1x1000x1xf32> to vector<1000x1xf32>
    %get3A_4 = arith.constant 1 : index
    %get3A_5 = arith.constant 0 : index
    %get3A_6 = arith.constant 0 : index
    %get3A_7 = vector.load %arg3[%get3A_4, %get3A_5, %get3A_6] : memref<2x1000x8xf32, #tpu.memory_space<vmem>>, vector<1x1000x1xf32>
    %get3A_8 = vector.shape_cast %get3A_7 : vector<1x1000x1xf32> to vector<1000x1xf32>
    %add3A = arith.addf %get3A_3, %get3A_8 : vector<1000x1xf32>
    %add3A_9 = arith.constant 1.000000e+00 : f32
    %add3A_10 = vector.broadcast %add3A_9 : f32 to vector<1000x1xf32>
    %add3A_11 = arith.addf %add3A, %add3A_10 : vector<1000x1xf32>
    %rsqrt3A = math.rsqrt %add3A_11 : vector<1000x1xf32>
    %get3A_12 = arith.constant 0 : index
    %get3A_13 = arith.constant 0 : index
    %get3A_14 = arith.constant 0 : index
    %get3A_15 = vector.load %arg1[%get3A_12, %get3A_13, %get3A_14] : memref<2x1000x32xf32, #tpu.memory_space<vmem>>, vector<1x1000x32xf32>
    %get3A_16 = vector.shape_cast %get3A_15 : vector<1x1000x32xf32> to vector<1000x32xf32>
    %get3A_17 = arith.constant 1 : index
    %get3A_18 = arith.constant 0 : index
    %get3A_19 = arith.constant 0 : index
    %get3A_20 = vector.load %arg1[%get3A_17, %get3A_18, %get3A_19] : memref<2x1000x32xf32, #tpu.memory_space<vmem>>, vector<1x1000x32xf32>
    %get3A_21 = vector.shape_cast %get3A_20 : vector<1x1000x32xf32> to vector<1000x32xf32>
    %add3A_22 = arith.addf %get3A_16, %get3A_21 : vector<1000x32xf32>
    %get3A_23 = arith.constant 0 : index
    %get3A_24 = arith.constant 0 : index
    %get3A_25 = vector.load %arg2[%get3A_23, %get3A_24] : memref<1000x32xf32, #tpu.memory_space<vmem>>, vector<1000x32xf32>
    %add3A_26 = arith.addf %add3A_22, %get3A_25 : vector<1000x32xf32>
    %mul3A = vector.broadcast %rsqrt3A : vector<1000x1xf32> to vector<1000x32xf32>
    %mul3A_27 = arith.mulf %mul3A, %add3A_26 : vector<1000x32xf32>
    %get3A_28 = arith.constant 0 : index
    %get3A_29 = arith.constant 0 : index
    %get3A_30 = vector.load %arg4[%get3A_28, %get3A_29] : memref<1x32xf32, #tpu.memory_space<vmem>>, vector<1x32xf32>
    %add3A_31 = vector.broadcast %get3A_30 : vector<1x32xf32> to vector<1000x32xf32>
    %add3A_32 = arith.addf %mul3A_27, %add3A_31 : vector<1000x32xf32>
    %max3A = arith.constant 0.000000e+00 : f32
    %max3A_33 = vector.broadcast %max3A : f32 to vector<1000x32xf32>
    %max3A_34 = arith.maximumf %add3A_32, %max3A_33 : vector<1000x32xf32>
    %get3A_35 = arith.constant 0 : index
    %get3A_36 = arith.constant 0 : index
    %get3A_37 = vector.load %arg5[%get3A_35, %get3A_36] : memref<32x32xf32, #tpu.memory_space<vmem>>, vector<32x32xf32>
    %dot_general3A = arith.constant dense<0.000000e+00> : vector<1000x32xf32>
    %dot_general3A_38 = tpu.matmul %max3A_34, %get3A_37, %dot_general3A {dimension_numbers = #tpu.dot_dimension_numbers<[1], [0], [0], [1], [0, 0, 1, 1], [], []>, transpose_lhs_hint = false} : vector<1000x32xf32>, vector<32x32xf32>, vector<1000x32xf32> -> vector<1000x32xf32>
    %mul3A_39 = vector.broadcast %rsqrt3A : vector<1000x1xf32> to vector<1000x32xf32>
    %mul3A_40 = arith.mulf %dot_general3A_38, %mul3A_39 : vector<1000x32xf32>
    %swap3A = arith.constant 0 : index
    %swap3A_41 = arith.constant 0 : index
    %swap3A_42 = vector.load %arg6[%swap3A, %swap3A_41] : memref<1000x32xf32, #tpu.memory_space<vmem>>, vector<1000x32xf32>
    tpu.vector_store %arg6[%swap3A, %swap3A_41], %mul3A_40 {strides = array<i32>} : memref<1000x32xf32, #tpu.memory_space<vmem>>, vector<1000x32xf32>,
    return
  }
  func.func @transform_0(%arg0: i32) -> (i32, i32, i32) {
    %c0_i32 = arith.constant 0 : i32
    %c0_i32_0 = arith.constant 0 : i32
    %c0_i32_1 = arith.constant 0 : i32
    return %c0_i32, %arg0, %c0_i32_0 : i32, i32, i32
  }
  func.func @transform_1(%arg0: i32) -> (i32, i32) {
    %c0_i32 = arith.constant 0 : i32
    %c0_i32_0 = arith.constant 0 : i32
    return %arg0, %c0_i32 : i32, i32
  }
  func.func @transform_2(%arg0: i32) -> (i32, i32, i32) {
    %c0_i32 = arith.constant 0 : i32
    %c0_i32_0 = arith.constant 0 : i32
    %c0_i32_1 = arith.constant 0 : i32
    return %c0_i32, %arg0, %c0_i32_0 : i32, i32, i32
  }
  func.func @transform_3(%arg0: i32) -> (i32, i32) {
    %c0_i32 = arith.constant 0 : i32
    %c0_i32_0 = arith.constant 0 : i32
    %c0_i32_1 = arith.constant 0 : i32
    return %c0_i32, %c0_i32_0 : i32, i32
  }
  func.func @transform_4(%arg0: i32) -> (i32, i32) {
    %c0_i32 = arith.constant 0 : i32
    %c0_i32_0 = arith.constant 0 : i32
    %c0_i32_1 = arith.constant 0 : i32
    return %c0_i32, %c0_i32_0 : i32, i32
  }
  func.func @transform_5(%arg0: i32) -> (i32, i32) {
    %c0_i32 = arith.constant 0 : i32
    %c0_i32_0 = arith.constant 0 : i32
    return %arg0, %c0_i32 : i32, i32
  }
}

module attributes {stable_mosaic.version = 14 : i64} {
  func.func @_fin_body(%arg0: i32, %arg1: memref<2x1000x32xf32, #tpu.memory_space<vmem>>, %arg2: memref<1000x32xf32, #tpu.memory_space<vmem>>, %arg3: memref<2x1000x8xf32, #tpu.memory_space<vmem>>, %arg4: memref<1x32xf32, #tpu.memory_space<vmem>>, %arg5: memref<32x512xf32, #tpu.memory_space<vmem>>, %arg6: memref<1x512xf32, #tpu.memory_space<vmem>>, %arg7: memref<512x1xf32, #tpu.memory_space<vmem>>, %arg8: memref<1x1xf32, #tpu.memory_space<vmem>>, %arg9: memref<1x1xf32, #tpu.memory_space<vmem>>, %arg10: memref<1x32xf32, #tpu.memory_space<vmem>>) attributes {dimension_semantics = [#tpu.dimension_semantics<arbitrary>], iteration_bounds = array<i64: 10>, scalar_prefetch = 0 : i64, scratch_operands = 1 : i64, tpu.core_type = #tpu.core_type<tc>, window_params = [{transform_indices = @transform_0, window_bounds = array<i64: 2, 1000, 32>}, {transform_indices = @transform_1, window_bounds = array<i64: 1000, 32>}, {transform_indices = @transform_2, window_bounds = array<i64: 2, 1000, 8>}, {pipeline_mode = #tpu.pipeline_mode<synchronous>, transform_indices = @transform_3, window_bounds = array<i64: 1, 32>}, {pipeline_mode = #tpu.pipeline_mode<synchronous>, transform_indices = @transform_4, window_bounds = array<i64: 32, 512>}, {pipeline_mode = #tpu.pipeline_mode<synchronous>, transform_indices = @transform_5, window_bounds = array<i64: 1, 512>}, {pipeline_mode = #tpu.pipeline_mode<synchronous>, transform_indices = @transform_6, window_bounds = array<i64: 512, 1>}, {pipeline_mode = #tpu.pipeline_mode<synchronous>, transform_indices = @transform_7, window_bounds = array<i64: 1, 1>}, {pipeline_mode = #tpu.pipeline_mode<synchronous>, transform_indices = @transform_8, window_bounds = array<i64: 1, 1>}]} {
    %get3A = arith.constant 0 : index
    %get3A_0 = arith.constant 0 : index
    %get3A_1 = arith.constant 0 : index
    %get3A_2 = vector.load %arg3[%get3A, %get3A_0, %get3A_1] : memref<2x1000x8xf32, #tpu.memory_space<vmem>>, vector<1x1000x1xf32>
    %get3A_3 = vector.shape_cast %get3A_2 : vector<1x1000x1xf32> to vector<1000x1xf32>
    %get3A_4 = arith.constant 1 : index
    %get3A_5 = arith.constant 0 : index
    %get3A_6 = arith.constant 0 : index
    %get3A_7 = vector.load %arg3[%get3A_4, %get3A_5, %get3A_6] : memref<2x1000x8xf32, #tpu.memory_space<vmem>>, vector<1x1000x1xf32>
    %get3A_8 = vector.shape_cast %get3A_7 : vector<1x1000x1xf32> to vector<1000x1xf32>
    %add3A = arith.addf %get3A_3, %get3A_8 : vector<1000x1xf32>
    %add3A_9 = arith.constant 1.000000e+00 : f32
    %add3A_10 = vector.broadcast %add3A_9 : f32 to vector<1000x1xf32>
    %add3A_11 = arith.addf %add3A, %add3A_10 : vector<1000x1xf32>
    %rsqrt3A = math.rsqrt %add3A_11 : vector<1000x1xf32>
    %get3A_12 = arith.constant 0 : index
    %get3A_13 = arith.constant 0 : index
    %get3A_14 = arith.constant 0 : index
    %get3A_15 = vector.load %arg1[%get3A_12, %get3A_13, %get3A_14] : memref<2x1000x32xf32, #tpu.memory_space<vmem>>, vector<1x1000x32xf32>
    %get3A_16 = vector.shape_cast %get3A_15 : vector<1x1000x32xf32> to vector<1000x32xf32>
    %get3A_17 = arith.constant 1 : index
    %get3A_18 = arith.constant 0 : index
    %get3A_19 = arith.constant 0 : index
    %get3A_20 = vector.load %arg1[%get3A_17, %get3A_18, %get3A_19] : memref<2x1000x32xf32, #tpu.memory_space<vmem>>, vector<1x1000x32xf32>
    %get3A_21 = vector.shape_cast %get3A_20 : vector<1x1000x32xf32> to vector<1000x32xf32>
    %add3A_22 = arith.addf %get3A_16, %get3A_21 : vector<1000x32xf32>
    %get3A_23 = arith.constant 0 : index
    %get3A_24 = arith.constant 0 : index
    %get3A_25 = vector.load %arg2[%get3A_23, %get3A_24] : memref<1000x32xf32, #tpu.memory_space<vmem>>, vector<1000x32xf32>
    %add3A_26 = arith.addf %add3A_22, %get3A_25 : vector<1000x32xf32>
    %mul3A = vector.broadcast %rsqrt3A : vector<1000x1xf32> to vector<1000x32xf32>
    %mul3A_27 = arith.mulf %mul3A, %add3A_26 : vector<1000x32xf32>
    %get3A_28 = arith.constant 0 : index
    %get3A_29 = arith.constant 0 : index
    %get3A_30 = vector.load %arg4[%get3A_28, %get3A_29] : memref<1x32xf32, #tpu.memory_space<vmem>>, vector<1x32xf32>
    %add3A_31 = vector.broadcast %get3A_30 : vector<1x32xf32> to vector<1000x32xf32>
    %add3A_32 = arith.addf %mul3A_27, %add3A_31 : vector<1000x32xf32>
    %max3A = arith.constant 0.000000e+00 : f32
    %max3A_33 = vector.broadcast %max3A : f32 to vector<1000x32xf32>
    %max3A_34 = arith.maximumf %add3A_32, %max3A_33 : vector<1000x32xf32>
    %reduce_sum3A = arith.constant dense<0.000000e+00> : vector<32xf32>
    %reduce_sum3A_35 = vector.multi_reduction <add>, %max3A_34, %reduce_sum3A [0] : vector<1000x32xf32> to vector<32xf32>
    %broadcast_in_dim3A = vector.shape_cast %reduce_sum3A_35 : vector<32xf32> to vector<1x32xf32>
    %eq3A = arith.constant 0 : i32
    %eq3A_36 = arith.cmpi eq, %arg0, %eq3A : i32
    %convert_element_type3A = arith.extui %eq3A_36 : i1 to i32
    %cond3A = arith.constant 0 : i32
    %cond3A_37 = arith.cmpi ne, %convert_element_type3A, %cond3A : i32
    scf.if %cond3A_37 {
      %swap3A = arith.constant 0 : index
      %swap3A_47 = arith.constant 0 : index
      %swap3A_48 = vector.load %arg10[%swap3A, %swap3A_47] : memref<1x32xf32, #tpu.memory_space<vmem>>, vector<1x32xf32>
      tpu.vector_store %arg10[%swap3A, %swap3A_47], %broadcast_in_dim3A {strides = array<i32>} : memref<1x32xf32, #tpu.memory_space<vmem>>, vector<1x32xf32>,
    } else {
    }
    %gt3A = arith.constant 0 : i32
    %gt3A_38 = arith.cmpi sgt, %arg0, %gt3A : i32
    %convert_element_type3A_39 = arith.extui %gt3A_38 : i1 to i32
    %cond3A_40 = arith.constant 0 : i32
    %cond3A_41 = arith.cmpi ne, %convert_element_type3A_39, %cond3A_40 : i32
    scf.if %cond3A_41 {
      %get3A_47 = arith.constant 0 : index
      %get3A_48 = arith.constant 0 : index
      %get3A_49 = vector.load %arg10[%get3A_47, %get3A_48] : memref<1x32xf32, #tpu.memory_space<vmem>>, vector<1x32xf32>
      %add3A_50 = arith.addf %get3A_49, %broadcast_in_dim3A : vector<1x32xf32>
      %swap3A = arith.constant 0 : index
      %swap3A_51 = arith.constant 0 : index
      %swap3A_52 = vector.load %arg10[%swap3A, %swap3A_51] : memref<1x32xf32, #tpu.memory_space<vmem>>, vector<1x32xf32>
      tpu.vector_store %arg10[%swap3A, %swap3A_51], %add3A_50 {strides = array<i32>} : memref<1x32xf32, #tpu.memory_space<vmem>>, vector<1x32xf32>,
    } else {
    }
    %eq3A_42 = arith.constant 9 : i32
    %eq3A_43 = arith.cmpi eq, %arg0, %eq3A_42 : i32
    %convert_element_type3A_44 = arith.extui %eq3A_43 : i1 to i32
    %cond3A_45 = arith.constant 0 : i32
    %cond3A_46 = arith.cmpi ne, %convert_element_type3A_44, %cond3A_45 : i32
    scf.if %cond3A_46 {
      %get3A_47 = arith.constant 0 : index
      %get3A_48 = arith.constant 0 : index
      %get3A_49 = vector.load %arg10[%get3A_47, %get3A_48] : memref<1x32xf32, #tpu.memory_space<vmem>>, vector<1x32xf32>
      %get3A_50 = arith.constant 0 : index
      %get3A_51 = arith.constant 0 : index
      %get3A_52 = vector.load %arg5[%get3A_50, %get3A_51] : memref<32x512xf32, #tpu.memory_space<vmem>>, vector<32x512xf32>
      %dot_general3A = arith.constant dense<0.000000e+00> : vector<1x512xf32>
      %dot_general3A_53 = tpu.matmul %get3A_49, %get3A_52, %dot_general3A {dimension_numbers = #tpu.dot_dimension_numbers<[1], [0], [0], [1], [0, 0, 1, 1], [], []>, transpose_lhs_hint = false} : vector<1x32xf32>, vector<32x512xf32>, vector<1x512xf32> -> vector<1x512xf32>
      %get3A_54 = arith.constant 0 : index
      %get3A_55 = arith.constant 0 : index
      %get3A_56 = vector.load %arg6[%get3A_54, %get3A_55] : memref<1x512xf32, #tpu.memory_space<vmem>>, vector<1x512xf32>
      %add3A_57 = arith.addf %dot_general3A_53, %get3A_56 : vector<1x512xf32>
      %max3A_58 = arith.constant 0.000000e+00 : f32
      %max3A_59 = vector.broadcast %max3A_58 : f32 to vector<1x512xf32>
      %max3A_60 = arith.maximumf %add3A_57, %max3A_59 : vector<1x512xf32>
      %get3A_61 = arith.constant 0 : index
      %get3A_62 = arith.constant 0 : index
      %get3A_63 = vector.load %arg7[%get3A_61, %get3A_62] : memref<512x1xf32, #tpu.memory_space<vmem>>, vector<512x1xf32>
      %dot_general3A_64 = arith.constant dense<0.000000e+00> : vector<1x1xf32>
      %dot_general3A_65 = tpu.matmul %max3A_60, %get3A_63, %dot_general3A_64 {dimension_numbers = #tpu.dot_dimension_numbers<[1], [0], [0], [1], [0, 0, 1, 1], [], []>, transpose_lhs_hint = false} : vector<1x512xf32>, vector<512x1xf32>, vector<1x1xf32> -> vector<1x1xf32>
      %get3A_66 = arith.constant 0 : index
      %get3A_67 = arith.constant 0 : index
      %get3A_68 = vector.load %arg8[%get3A_66, %get3A_67] : memref<1x1xf32, #tpu.memory_space<vmem>>, vector<1x1xf32>
      %add3A_69 = arith.addf %dot_general3A_65, %get3A_68 : vector<1x1xf32>
      %logistic3A = arith.negf %add3A_69 : vector<1x1xf32>
      %logistic3A_70 = math.exp %logistic3A : vector<1x1xf32>
      %logistic3A_71 = arith.constant 1.000000e+00 : f32
      %logistic3A_72 = vector.broadcast %logistic3A_71 : f32 to vector<1x1xf32>
      %logistic3A_73 = arith.addf %logistic3A_72, %logistic3A_70 : vector<1x1xf32>
      %logistic3A_74 = arith.divf %logistic3A_72, %logistic3A_73 : vector<1x1xf32>
      %swap3A = arith.constant 0 : index
      %swap3A_75 = arith.constant 0 : index
      %swap3A_76 = vector.load %arg9[%swap3A, %swap3A_75] : memref<1x1xf32, #tpu.memory_space<vmem>>, vector<1x1xf32>
      tpu.vector_store %arg9[%swap3A, %swap3A_75], %logistic3A_74 {strides = array<i32>} : memref<1x1xf32, #tpu.memory_space<vmem>>, vector<1x1xf32>,
    } else {
    }
    return
  }
  func.func @transform_0(%arg0: i32) -> (i32, i32, i32) {
    %c0_i32 = arith.constant 0 : i32
    %c0_i32_0 = arith.constant 0 : i32
    %c0_i32_1 = arith.constant 0 : i32
    return %c0_i32, %arg0, %c0_i32_0 : i32, i32, i32
  }
  func.func @transform_1(%arg0: i32) -> (i32, i32) {
    %c0_i32 = arith.constant 0 : i32
    %c0_i32_0 = arith.constant 0 : i32
    return %arg0, %c0_i32 : i32, i32
  }
  func.func @transform_2(%arg0: i32) -> (i32, i32, i32) {
    %c0_i32 = arith.constant 0 : i32
    %c0_i32_0 = arith.constant 0 : i32
    %c0_i32_1 = arith.constant 0 : i32
    return %c0_i32, %arg0, %c0_i32_0 : i32, i32, i32
  }
  func.func @transform_3(%arg0: i32) -> (i32, i32) {
    %c0_i32 = arith.constant 0 : i32
    %c0_i32_0 = arith.constant 0 : i32
    %c0_i32_1 = arith.constant 0 : i32
    return %c0_i32, %c0_i32_0 : i32, i32
  }
  func.func @transform_4(%arg0: i32) -> (i32, i32) {
    %c0_i32 = arith.constant 0 : i32
    %c0_i32_0 = arith.constant 0 : i32
    %c0_i32_1 = arith.constant 0 : i32
    return %c0_i32, %c0_i32_0 : i32, i32
  }
  func.func @transform_5(%arg0: i32) -> (i32, i32) {
    %c0_i32 = arith.constant 0 : i32
    %c0_i32_0 = arith.constant 0 : i32
    %c0_i32_1 = arith.constant 0 : i32
    return %c0_i32, %c0_i32_0 : i32, i32
  }
  func.func @transform_6(%arg0: i32) -> (i32, i32) {
    %c0_i32 = arith.constant 0 : i32
    %c0_i32_0 = arith.constant 0 : i32
    %c0_i32_1 = arith.constant 0 : i32
    return %c0_i32, %c0_i32_0 : i32, i32
  }
  func.func @transform_7(%arg0: i32) -> (i32, i32) {
    %c0_i32 = arith.constant 0 : i32
    %c0_i32_0 = arith.constant 0 : i32
    %c0_i32_1 = arith.constant 0 : i32
    return %c0_i32, %c0_i32_0 : i32, i32
  }
  func.func @transform_8(%arg0: i32) -> (i32, i32) {
    %c0_i32 = arith.constant 0 : i32
    %c0_i32_0 = arith.constant 0 : i32
    %c0_i32_1 = arith.constant 0 : i32
    return %c0_i32, %c0_i32_0 : i32, i32
  }
}

</mosaic_0001>

<sc_bundles>
// kernel: kernel.12.cloned.1.call-start
scs
__scs_entry_jumppad:
0x0: {  	(pc) =	sbr.rel $0x88, $3  }
0x1: {  	(tag) =	ssettag $0x0;
	lr =	simm.s32 $0x1  }
0x2: {  	[smem:$0x3F97] =	sst lr;
	_ =	strace $0xD0000000  }
0x3: {  	_ = 	snop  }
0x4: {  	_ = 	snop  }
0x5: {  	_ = 	snop  }
0x6: {  	_ = 	snop  }
0x7: {  	_ = 	snop  }
__scs_overlays_trampoline_lowered:
0x8: {  	[smem:$0x3FA6] =	sst s0  }
0x9: {  	[smem:$0x3FA7] =	sst s1  }
0xa: {  	[smem:$0x3FA8] =	sst s2  }
0xb: {  	[smem:$0x3FA9] =	sst s3  }
0xc: {  	[smem:$0x3FAA] =	sst s4  }
0xd: {  	[smem:$0x3FAB] =	sst s5  }
0xe: {  	[smem:$0x3FAC] =	sst s6  }
0xf: {  	[smem:$0x3FAD] =	sst s7  }
0x10: {  	[smem:$0x3FAE] =	sst s8  }
0x11: {  	[smem:$0x3FAF] =	sst s9;
	s0 =	simm.s32 @!p0 $0x0  }
0x12: {  	s1 =	sld [smem:$0x3F95];
	s0 =	simm.s32 @p0 $0x1  }
0x13: {  	[smem:$0x3FB0] =	sst s0;
	s0 =	simm.s32 @!p1 $0x0  }
0x14: {  	s2 =	sld [smem:$0x3F94];
	s0 =	simm.s32 @p1 $0x1  }
0x15: {  	[smem:$0x3FB1] =	sst s0;
	s0 =	simm.s32 @!p2 $0x0  }
0x16: {  	s3 =	sld [smem:$0x3FDB];
	s0 =	simm.s32 @p2 $0x1  }
0x17: {  	s4 =	simm.s32 $0x1BF5;
	[smem:$0x3FB3] =	sst s0  }
0x18: {  	s0 =	sld [smem:$0x3F96];
	_ =	swait.ge [sflag:s4], $0x0  }
0x19: {  	s7 =	sld [smem:$0x3F97]  }
0x1a: {  	s8 =	sadd.s32 $0xFFFFE003, lr  }
0x1b: {  	s9 =	sadd.s32 $0xFFFFFEF7, lr;
	s5 =	simm.s32 $0xFFFFFFFF;
	p2 =	slt.u32 s8, $0xFFFFF086  }
0x1c: {  	p1 =	slt.u32 s9, $0xF7A;
	s5 =	simm.s32 @!p2 $0x0  }
0x1d: {  	s5 =	simm.s32 @p1 $0x1;
	p0 =	seq.s32 s7, s2  }
0x1e: {  	s7 =	smul.u32 @!p0 $0xF7A, s2;
	p2 =	seq.s32 @!p0 s5, $0x0  }
0x1f: {  	s9 =	smul.u32 $0xF7A, s1;
	s8 =	simm.s32 @!p0 $0x1BF5;
	p2 =	por !p2, p0  }
0x20: {  	[sflag:s8] =	ssyncset.s32 @!p0 $0xFFFFF086;
	s6 =	sadd.s32 @!p0 s3, s7;
	s7 =	simm.s32 @!p0 $0x108  }
0x21: {  	s3 =	sadd.s32 s3, s9;
	s6 =	sadd.s32 @!p0 $0x88, s6;
	s7 =	simm.s32 @p2 $0x1082  }
0x22: {  	[simem:s7], [sflag:s8] =	dma.local @!p0 [hbm:s6], $0xF7A  }
0x23: {  	s9 =	sor.u32 $0xD0000000, s2;
	s6 =	simm.s32 $0x108;
	_ =	swait.ge @!p0 [sflag:s8], $0x0  }
0x24: {  	s3 =	sadd.s32 $0x88, s3;
	s6 =	simm.s32 @!p1 $0x1082;
	[sflag:s4] =	ssyncset.s32 $0xFFFFF086  }
0x25: {  	[simem:s6], [sflag:s4] =	dma.local [hbm:s3], $0xF7A  }
0x26: {  	[smem:$0x3F97] =	sst s1;
	(tag) =	ssettag s2;
	_ =	strace s9  }
0x27: {  	s1 =	sld [smem:$0x3FA7]  }
0x28: {  	s2 =	sld [smem:$0x3FA8]  }
0x29: {  	s4 =	sld [smem:$0x3FAA]  }
0x2a: {  	p0 =	seq.s32 s5, $0x0;
	s5 =	sld [smem:$0x3FAB]  }
0x2b: {  	s6 =	sld [smem:$0x3FAC]  }
0x2c: {  	s7 =	sld [smem:$0x3FAD]  }
0x2d: {  	s3 =	simm.s32 $0x108;
	s8 =	sld [smem:$0x3FAE]  }
0x2e: {  	s3 =	simm.s32 @!p0 $0x1082;
	s9 =	sld [smem:$0x3FAF]  }
0x2f: {  	lr =	sadd.s32 s0, s3;
	s0 =	sld [smem:$0x3FA6]  }
0x30: {  	s3 =	sld [smem:$0x3FA9]  }
0x31: {  	[smem:$0x3FB2] =	sst s10  }
0x32: {  	s10 =	sld [smem:$0x3FB0];
	_ =	sdelay $0x3  }
0x33: {  	p0 =	seq.s32 s10, $0x1;
	s10 =	sld [smem:$0x3FB2];
	_ =	sdelay $0x3  }
0x34: {  	[smem:$0x3FB2] =	sst s10  }
0x35: {  	s10 =	sld [smem:$0x3FB1];
	_ =	sdelay $0x3  }
0x36: {  	p1 =	seq.s32 s10, $0x1;
	s10 =	sld [smem:$0x3FB2];
	_ =	sdelay $0x3  }
0x37: {  	[smem:$0x3FB2] =	sst s10  }
0x38: {  	s10 =	sld [smem:$0x3FB3]  }
0x39: {  	_ = 	snop;
	(pc) =	sbr.ind lr, $3  }
0x3a: {  	_ = 	snop  }
0x3b: {  	_ = 	snop  }
0x3c: {  	p2 =	seq.s32 s10, $0x1;
	s10 =	sld [smem:$0x3FB2]  }
0x3d: {  	_ =	shalt  }
0x3e: {  	_ =	shalt  }
0x3f: {  	_ =	shalt  }
0x40: {  	_ =	shalt  }
0x41: {  	_ =	shalt  }
0x42: {  	_ =	shalt  }
0x43: {  	_ =	shalt  }
0x44: {  	_ =	shalt  }
0x45: {  	_ =	shalt  }
0x46: {  	_ =	shalt  }
0x47: {  	_ =	shalt  }
0x48: {  	_ =	shalt  }
0x49: {  	_ =	shalt  }
0x4a: {  	_ =	shalt  }
0x4b: {  	_ =	shalt  }
0x4c: {  	_ =	shalt  }
0x4d: {  	_ =	shalt  }
0x4e: {  	_ =	shalt  }
0x4f: {  	_ =	shalt  }
0x50: {  	_ =	shalt  }
0x51: {  	_ =	shalt  }
0x52: {  	_ =	shalt  }
0x53: {  	_ =	shalt  }
0x54: {  	_ =	shalt  }
0x55: {  	_ =	shalt  }
0x56: {  	_ =	shalt  }
0x57: {  	_ =	shalt  }
0x58: {  	_ =	shalt  }
0x59: {  	_ =	shalt  }
0x5a: {  	_ =	shalt  }
0x5b: {  	_ =	shalt  }
0x5c: {  	_ =	shalt  }
0x5d: {  	_ =	shalt  }
0x5e: {  	_ =	shalt  }
0x5f: {  	_ =	shalt  }
0x60: {  	_ =	shalt  }
0x61: {  	_ =	shalt  }
0x62: {  	_ =	shalt  }
0x63: {  	_ =	shalt  }
0x64: {  	_ =	shalt  }
0x65: {  	_ =	shalt  }
0x66: {  	_ =	shalt  }
0x67: {  	_ =	shalt  }
0x68: {  	_ =	shalt  }
0x69: {  	_ =	shalt  }
0x6a: {  	_ =	shalt  }
0x6b: {  	_ =	shalt  }
0x6c: {  	_ =	shalt  }
0x6d: {  	_ =	shalt  }
0x6e: {  	_ =	shalt  }
0x6f: {  	_ =	shalt  }
0x70: {  	_ =	shalt  }
0x71: {  	_ =	shalt  }
0x72: {  	_ =	shalt  }
0x73: {  	_ =	shalt  }
0x74: {  	_ =	shalt  }
0x75: {  	_ =	shalt  }
0x76: {  	_ =	shalt  }
0x77: {  	_ =	shalt  }
0x78: {  	_ =	shalt  }
0x79: {  	_ =	shalt  }
0x7a: {  	_ =	shalt  }
0x7b: {  	_ =	shalt  }
0x7c: {  	_ =	shalt  }
0x7d: {  	_ =	shalt  }
0x7e: {  	_ =	shalt  }
0x7f: {  	_ =	shalt  }
0x80: {  	_ =	shalt  }
0x81: {  	_ =	shalt  }
0x82: {  	_ =	shalt  }
0x83: {  	_ =	shalt  }
0x84: {  	_ =	shalt  }
0x85: {  	_ =	shalt  }
0x86: {  	_ =	shalt  }
0x87: {  	_ =	shalt  }
.Lfunc_end0:
.L_simem_size_0:
called_computation.1_lowered:
.L_overlay_start_0:
0x88: {  	s2 =	sld [smem:$0x3FD9]  }
0x89: {  	s3 =	sld [smem:$0x3FFE];
	_ =	sdelay $0x1  }
0x8a: {  	s1 =	srdreg.scid  }
0x8b: {  	s0 =	sand.u32 $0x1, s1  }
0x8c: {  	s16 =	sshll.u32 s0, $0xA;
	s2 =	sadd.s32 s3, s2  }
0x8d: {  	s2 =	sadd.s32 s2, s16  }
0x8e: {  	[smem:$0x3FBE] =	sst s2  }
0x8f: {  	_ = 	snop  }
0x90: {  	(tm) =	ssettm $0x1  }
0x91: {  	s17 =	sld [smem:$0x3FFB];
	_ =	sdelay $0x3  }
0x92: {  	_ =	strace s17  }
0x93: {  	s2 =	sld [smem:$0x3FFC];
	_ =	sdelay $0x3  }
0x94: {  	_ =	strace s2  }
0x95: {  	s2 =	sld [smem:$0x3FFD];
	_ =	sdelay $0x3  }
0x96: {  	_ =	strace s2  }
0x97: {  	_ =	strace $0x8FFFFFFF  }
0x98: {  	s18 =	sld [smem:$0x3FDB];
	_ =	sdelay $0x1  }
0x99: {  	s19 =	simm.s32 $_scs_section_size  }
0x9a: {  	s4 =	simm.s32 $_size__tile_overlayer_lowered;
	s5 =	simm.s32 $_tile_overlayer_lowered  }
0x9b: {  	s22 =	simm.s32 $0x1BFF;
	s21 =	sshll.u32 s5, $0x1;
	s2 =	sadd.s32 s19, s18  }
0x9c: {  	s6 =	simm.s32 $0x0;
	s20 =	sshll.u32 s4, $0x1;
	s4 =	sadd.s32 s21, s2  }
0x9d: {  	[timem:s6], [sflag:s22] =	dma.local [hbm:s4], s20  }
0x9e: {  	_ =	swait.ge [sflag:s22], s20  }
0x9f: {  	s3 =	ssub.s32 $0x0, s20;
	[sflag:s22] =	ssyncset.done $0x0  }
0xa0: {  	[sflag:s22] =	ssyncadd.s32 s3;
	_ =	sdelay $0x1  }
0xa1: {  	s23 =	simm.s32 $0x1B8B  }
0xa2: {  	_ =	swait.ge [sflag:s23], $0x1  }
0xa3: {  	[sflag:s23] =	ssyncset.done $0x0  }
0xa4: {  	s25 =	simm.s32 $0x1B8E;
	s24 =	sld [smem:$0x3FFE];
	[sflag:s23] =	ssyncadd.s32 $0xFFFFFFFF  }
0xa5: {  	s26 =	simm.s32 $execute0_lowered;
	[smem:$0x3FD2] =	sst s25  }
0xa6: {  	s4 =	sshll.u32 s26, $0x1;
	_ =	strace $0x80000049;
	[dreg:$0x1] =	wrdreg $0xFFFFFFFF  }
0xa7: {  	s28 =	simm.s32 $_size_execute0_lowered;
	s2 =	sadd.s32 s2, s4;
	[dreg:$0x0] =	wrdreg $0x0  }
0xa8: {  	s4 =	sshll.u32 s28, $0x1;
	[dreg:$0x2] =	wrdreg s2  }
0xa9: {  	[dreg:$0x3] =	wrdreg s4  }
0xaa: {  	[dreg:$0x4] =	wrdreg $0xC0  }
0xab: {  	_ =	task [dreg:s6], $0x5FFFF  }
0xac: {  	[dreg:$0x1] =	wrdreg $0xFFFFFFFF  }
0xad: {  	[dreg:$0x0] =	wrdreg $0x60  }
0xae: {  	[dreg:$0x2] =	wrdreg s24  }
0xaf: {  	[dreg:$0x3] =	wrdreg $0x0  }
0xb0: {  	[dreg:$0x4] =	wrdreg $0x4E200  }
0xb1: {  	[dreg:$0x5] =	wrdreg $0x9  }
0xb2: {  	_ =	task.clear_ibuf [dreg:s6], $0x6FFFF;
	_ =	strace $0x90000049  }
0xb3: {  	s29 =	simm.s32 $0x9;
	_ =	strace $0x8000004B  }
0xb4: {  	_ =	swait.ge [sflag:s29], $0x1  }
0xb5: {  	[sflag:s29] =	ssyncadd.s32 $0xFFFFFFFF  }
0xb6: {  	_ =	strace $0x9000004B  }
0xb7: {  	_ =	sfence  }
0xb8: {  	s30 =	sld [smem:$0x0];
	_ =	sdelay $0x2  }
0xb9: {  	s31 =	sshll.u32 s1, $0xD;
	s1 =	sshrl.u32 s1, $0x2  }
0xba: {  	s3 =	sand.u32 $0x4000, s31;
	s1 =	sadd.s32 s1, s30  }
0xbb: {  	s0 =	sor.u32 s3, s0;
	s1 =	sshll.u32 s1, $0x11  }
0xbc: {  	s0 =	sor.u32 s1, s0  }
0xbd: {  	s0 =	sadd.s32 $0x8F2B, s0  }
0xbe: {  	[sflag:s0] =	ssyncadd.remote.s32 $0x1  }
0xbf: {  	_ =	sfence.sel $0xFFFF  }
0xc0: {  	[dreg:$0x0] =	wrdreg $0xFFFFFFFF;
	(pc) =	sbr.abs _section_cstart, $3  }
0xc1: {  	[dreg:$0x1] =	wrdreg $0xFFFFFFFF  }
0xc2: {  	_ =	task.clear_ibuf [dreg:s6], $0x2FFFF;
	_ =	strace $0x9FFFFFFF  }
0xc3: {  	(tm) =	ssettm $0x7FFFFFFF  }
tec
execute0_lowered:
.L_overlay_start_1:
0x0: {  	(tag) =	ssettag $0x1  }
0x1: {  	s0 =	rddreg [dreg:$0x0]  }
0x2: {  	s2 =	rddreg [dreg:$0x1]  }
0x3: {  	s3 =	rddreg [dreg:$0x2]  }
0x4: {  	s1 =	srdreg.scid;
	s16 =	stileid.u32;
	s4 =	simm.s32 $0x0  }
0x5: {  	s28 =	simm.s32 $0xF;
	s1 =	sand.u32 $0x1, s1;
	s10 =	smul.u32 $0x2800, s16  }
0x6: {  	[smem:$0x7FF] =	sst s4;
	s7 =	sadd.s32 $0x2800, s0;
	s9 =	smul.u32 $0x14000, s16  }
0x7: {  	s8 =	sadd.s32 $0xC600, s0;
	s18 =	smul.u32 $0x2710, s16;
	s15 =	sadd.s32 $0x12C000, s2  }
0x8: {  	s17 =	sadd.s32 $0x3BC00, s0;
	s25 =	smul.u32 $0x50000, s16;
	s29 =	sadd.s32 $0x12C000, s3  }
0x9: {  	p0 =	seq.s32 s16, $0xF;
	_ =	strace $0x8000004A;
	[dreg:$0x9] =	wrdreg s17  }
0xa: {  	s5 =	sshll.u32 s1, $0x4;
	s6 =	smul.u32 $0x27100, s1;
	[dreg:$0x12] =	wrdreg s29  }
0xb: {  	s1 =	ssub.s32 $0x2, s1;
	s5 =	sor.u32 s16, s5;
	[dreg:$0x6] =	wrdreg s10  }
0xc: {  	s10 =	sadd.s32 s10, s0;
	s12 =	sshrl.u32 s1, $0x1;
	s30 =	sshrl.u32 s25, $0x2  }
0xd: {  	s16 =	simm.s32 $0x5;
	s25 =	simm.s32 $0xB;
	s5 =	smul.u32 $0x2710, s5  }
0xe: {  	s11 =	sadd.s32 s6, s0;
	s1 =	ssub.s32 s1, s12;
	s14 =	sadd.s32 $0x16400, s10  }
0xf: {  	s12 =	sadd.s32 s9, s2;
	s10 =	sadd.s32 $0x8C000, s10;
	[dreg:$0x7] =	wrdreg s14  }
0x10: {  	s6 =	sadd.s32 s18, s6;
	s0 =	sadd.s32 $0xB1800, s0;
	[dreg:$0x8] =	wrdreg s10  }
0x11: {  	s9 =	sadd.s32 s9, s3;
	s6 =	sshrl.u32 s6, $0x3;
	[dreg:$0x13] =	wrdreg s0  }
0x12: {  	s31 =	sadd.s32 $0xB3200, s11;
	s0 =	sadd.s32 s30, s3;
	s1 =	smax.u32 s1, $0x1  }
0x13: {  	s13 =	sand.u32 $0x7FF80, s5;
	s6 =	sand.u32 $0xFFF0, s6;
	[dreg:$0x14] =	wrdreg s31  }
0x14: {  	s5 =	sshrl.u32 s5, $0x3;
	[dreg:$0x15] =	wrdreg s1;
	s1 =	sshrl.u32 @p0 s15, $0x3  }
0x15: {  	s0 =	sshrl.u32 @!p0 s0, $0x3;
	s13 =	sshrl.u32 s13, $0x3;
	[dreg:$0x16] =	wrdreg s1  }
0x16: {  	s24 =	sadd.s32 s6, s8;
	s5 =	sadd.s32 $0x4E0, s5;
	[dreg:$0x19] =	wrdreg s0  }
0x17: {  	s26 =	sadd.s32 s6, s7;
	s1 =	sshrl.u32 @!p0 s12, $0x3;
	[dreg:$0x4] =	wrdreg s24  }
0x18: {  	s12 =	simm.s32 $0x3;
	s14 =	sadd.s32 $0x4B0, s13;
	[dreg:$0x5] =	wrdreg s26  }
0x19: {  	s20 =	sadd.s32 $0x4C0, s13;
	[dreg:$0x17] =	wrdreg s1;
	s1 =	sshrl.u32 @!p0 s9, $0x3  }
0x1a: {  	s13 =	sadd.s32 $0x4D0, s13;
	s19 =	sadd.s32 s7, s14;
	[dreg:$0x18] =	wrdreg s1  }
0x1b: {  	s24 =	simm.s32 $0xD;
	s10 =	sadd.s32 s8, s14;
	[dreg:$0xa] =	wrdreg s19  }
0x1c: {  	s26 =	simm.s32 $0xE;
	s21 =	sadd.s32 s7, s20;
	[dreg:$0xb] =	wrdreg s10  }
0x1d: {  	s22 =	sadd.s32 s7, s13;
	s23 =	sadd.s32 s8, s13;
	[dreg:$0xc] =	wrdreg s21  }
0x1e: {  	s14 =	simm.s32 $0x4;
	s10 =	sadd.s32 s8, s20;
	[dreg:$0xe] =	wrdreg s22  }
0x1f: {  	[dreg:$0xf] =	wrdreg s23;
	s8 =	sadd.s32 s8, s5;
	s5 =	sadd.s32 s7, s5  }
0x20: {  	s7 =	simm.s32 $0x1;
	s20 =	simm.s32 $0x7;
	[dreg:$0xd] =	wrdreg s10  }
0x21: {  	s21 =	simm.s32 $0x8;
	s22 =	simm.s32 $0x9;
	[dreg:$0x10] =	wrdreg s8  }
0x22: {  	s23 =	simm.s32 $0xA;
	s19 =	simm.s32 $0xC;
	[dreg:$0x11] =	wrdreg s5  }
0x23: {  	s8 =	simm.s32 $0x80;
	s10 =	simm.s32 $0x2;
	s5 =	simm.s32 $0x0  }
.LBB2_1:
0x24: {  	[dreg:$0x1a] =	wrdreg s5  }
0x25: {  	s0 =	rddreg [dreg:$0x9]  }
0x26: {  	s29 =	simm.s32 @p0 $0x1FD0;
	s1 =	rddreg [dreg:$0x16];
	s30 =	simm.s32 @p0 $0x10  }
0x27: {  	[spmem:s1], [sflag:s29] =	dma.local @p0 [hbm:s0], $0x1900  }
0x28: {  	_ =	swait.ge @p0 [sflag:s30], $0x1900  }
0x29: {  	s0 =	rddreg [dreg:$0x12]  }
0x2a: {  	[sflag:s30] =	ssyncset.done @p0 $0x0;
	s1 =	sshrl.u32 @p0 s0, $0x3;
	s0 =	rddreg [dreg:$0x13]  }
0x2b: {  	[sflag:s30] =	ssyncadd.s32 @p0 $0xFFFFE700;
	[dreg:$0x1c] =	wrdreg s1  }
0x2c: {  	[spmem:s1], [sflag:s29] =	dma.local @p0 [hbm:s0], $0x1900  }
0x2d: {  	s0 =	stileid.u32  }
0x2e: {  	_ =	swait.ge @p0 [sflag:s30], $0x1900;
	s29 =	sshll.u32 @!p0 s0, $0x6  }
0x2f: {  	[sflag:s30] =	ssyncset.done @p0 $0x0;
	s5 =	sor.u32 @!p0 $0x1C10, s29;
	s0 =	rddreg [dreg:$0x7]  }
0x30: {  	s1 =	rddreg [dreg:$0x17];
	s29 =	simm.s32 @!p0 $0x10;
	[sflag:s30] =	ssyncadd.s32 @p0 $0xFFFFE700  }
0x31: {  	[spmem:s1], [sflag:s5] =	dma.local @!p0 [hbm:s0], $0x2800  }
0x32: {  	_ =	swait.ge @!p0 [sflag:s29], $0x2800;
	[dreg:$0x1b] =	wrdreg s5  }
0x33: {  	[sflag:s29] =	ssyncset.done @!p0 $0x0;
	s0 =	rddreg [dreg:$0x8]  }
0x34: {  	s1 =	rddreg [dreg:$0x18];
	[sflag:s29] =	ssyncadd.s32 @!p0 $0xFFFFD800  }
0x35: {  	[spmem:s1], [sflag:s5] =	dma.local @!p0 [hbm:s0], $0x2800  }
0x36: {  	_ =	swait.ge @!p0 [sflag:s29], $0x2800  }
0x37: {  	[sflag:s29] =	ssyncset.done @!p0 $0x0  }
0x38: {  	[sflag:s29] =	ssyncadd.s32 @!p0 $0xFFFFD800  }
0x39: {  	[bflag:$0x0] =	sbarrier.arrive $0xFFFF  }
0x3a: {  	s29 =	rddreg [dreg:$0x5]  }
0x3b: {  	s0 =	simm.s32 $0x9C40;
	s30 =	rddreg [dreg:$0x4];
	s29 =	sadd.s32 $0x0, s29  }
0x3c: {  	[tilespmem:s0], [sflag:$0x1] =	stream.linear.gather [hbm4b:s29+s4], $0x80, $0x38;
	[tilespmem:$0x1ED40] =	vst v63  }
0x3d: {  	s1 =	simm.s32 $0xA040;
	s30 =	sadd.s32 $0x0, s30  }
0x3e: {  	[tilespmem:s1], [sflag:$0x1] =	stream.linear.gather [hbm4b:s30+s4], $0x80, $0x38;
	[tilespmem:$0x1ED40] =	vst v63  }
0x3f: {  	s5 =	simm.s32 $0x9CC0;
	s31 =	sadd.s32 $0x10, s29  }
0x40: {  	[tilespmem:s5], [sflag:$0x2] =	stream.linear.gather [hbm4b:s31+s4], $0x80, $0x38;
	[tilespmem:$0x1ED40] =	vst v63  }
0x41: {  	s6 =	simm.s32 $0xA0C0;
	s31 =	sadd.s32 $0x10, s30  }
0x42: {  	[tilespmem:s6], [sflag:$0x2] =	stream.linear.gather [hbm4b:s31+s4], $0x80, $0x38;
	[tilespmem:$0x1ED40] =	vst v63  }
0x43: {  	s9 =	simm.s32 $0x9D40;
	s31 =	sadd.s32 $0x20, s29  }
0x44: {  	[tilespmem:s9], [sflag:$0x3] =	stream.linear.gather [hbm4b:s31+s4], $0x80, $0x38;
	[tilespmem:$0x1ED40] =	vst v63  }
0x45: {  	s11 =	simm.s32 $0xA140;
	s31 =	sadd.s32 $0x20, s30  }
0x46: {  	[tilespmem:s11], [sflag:$0x3] =	stream.linear.gather [hbm4b:s31+s4], $0x80, $0x38;
	[tilespmem:$0x1ED40] =	vst v63  }
0x47: {  	s13 =	simm.s32 $0x9DC0;
	s31 =	sadd.s32 $0x30, s29  }
0x48: {  	[tilespmem:s13], [sflag:$0x4] =	stream.linear.gather [hbm4b:s31+s4], $0x80, $0x38;
	[tilespmem:$0x1ED40] =	vst v63  }
0x49: {  	s15 =	simm.s32 $0xA1C0;
	s31 =	sadd.s32 $0x30, s30  }
0x4a: {  	[tilespmem:s15], [sflag:$0x4] =	stream.linear.gather [hbm4b:s31+s4], $0x80, $0x38;
	[tilespmem:$0x1ED40] =	vst v63  }
0x4b: {  	s17 =	simm.s32 $0x9E40;
	s29 =	sadd.s32 $0x40, s29  }
0x4c: {  	[tilespmem:s17], [sflag:$0x5] =	stream.linear.gather [hbm4b:s29+s4], $0x80, $0x38;
	[tilespmem:$0x1ED40] =	vst v63  }
0x4d: {  	s18 =	simm.s32 $0xA240;
	s29 =	sadd.s32 $0x40, s30  }
0x4e: {  	[tilespmem:s18], [sflag:$0x5] =	stream.linear.gather [hbm4b:s29+s4], $0x80, $0x38;
	[tilespmem:$0x1ED40] =	vst v63  }
0x4f: {  	_ =	swait.ge [sflag:s7], $0x80  }
0x50: {  	[sflag:s7] =	ssyncset.done $0x0  }
0x51: {  	[sflag:s7] =	ssyncadd.s32 $0xFFFFFF80  }
0x52: {  	_ =	swait.ge [sflag:s7], $0x80  }
0x53: {  	[sflag:s7] =	ssyncset.done $0x0  }
0x54: {  	s29 =	simm.s32 $0xA440;
	[sflag:s7] =	ssyncadd.s32 $0xFFFFFF80  }
0x55: {  	[tilespmem:s29], [sflag:$0x6] =	stream.indirect.gather [spmem:s2], $0x20, s0, s8, $0xb8;
	[tilespmem:$0x1ED40] =	vst v63  }
0x56: {  	_ =	swait.ge [sflag:s10], $0x80  }
0x57: {  	[sflag:s10] =	ssyncset.done $0x0  }
0x58: {  	[sflag:s10] =	ssyncadd.s32 $0xFFFFFF80  }
0x59: {  	_ =	swait.ge [sflag:s10], $0x80  }
0x5a: {  	[sflag:s10] =	ssyncset.done $0x0  }
0x5b: {  	s0 =	simm.s32 $0xE440;
	[sflag:s10] =	ssyncadd.s32 $0xFFFFFF80  }
0x5c: {  	[tilespmem:s0], [sflag:$0x7] =	stream.indirect.gather [spmem:s2], $0x20, s5, s8, $0xb8;
	[tilespmem:$0x1ED40] =	vst v63  }
0x5d: {  	_ =	swait.ge [sflag:s12], $0x80  }
0x5e: {  	[sflag:s12] =	ssyncset.done $0x0  }
0x5f: {  	[sflag:s12] =	ssyncadd.s32 $0xFFFFFF80  }
0x60: {  	_ =	swait.ge [sflag:s12], $0x80  }
0x61: {  	[sflag:s12] =	ssyncset.done $0x0  }
0x62: {  	s5 =	simm.s32 $0x12440;
	[sflag:s12] =	ssyncadd.s32 $0xFFFFFF80  }
0x63: {  	[tilespmem:s5], [sflag:$0x8] =	stream.indirect.gather [spmem:s2], $0x20, s9, s8, $0xb8;
	[tilespmem:$0x1ED40] =	vst v63  }
0x64: {  	_ =	swait.ge [sflag:s14], $0x80  }
0x65: {  	[sflag:s14] =	ssyncset.done $0x0  }
0x66: {  	[sflag:s14] =	ssyncadd.s32 $0xFFFFFF80  }
0x67: {  	_ =	swait.ge [sflag:s14], $0x80  }
0x68: {  	[sflag:s14] =	ssyncset.done $0x0  }
0x69: {  	s9 =	simm.s32 $0x16440;
	[sflag:s14] =	ssyncadd.s32 $0xFFFFFF80  }
0x6a: {  	[tilespmem:s9], [sflag:$0x9] =	stream.indirect.gather [spmem:s2], $0x20, s13, s8, $0xb8;
	[tilespmem:$0x1ED40] =	vst v63  }
0x6b: {  	_ =	swait.ge [sflag:s16], $0x80  }
0x6c: {  	[sflag:s16] =	ssyncset.done $0x0  }
0x6d: {  	[sflag:s16] =	ssyncadd.s32 $0xFFFFFF80  }
0x6e: {  	_ =	swait.ge [sflag:s16], $0x80  }
0x6f: {  	[sflag:s16] =	ssyncset.done $0x0  }
0x70: {  	s13 =	simm.s32 $0x1A440;
	[sflag:s16] =	ssyncadd.s32 $0xFFFFFF80  }
0x71: {  	[tilespmem:s13], [sflag:$0xA] =	stream.indirect.gather [spmem:s2], $0x20, s17, s8, $0xb8;
	[tilespmem:$0x1ED40] =	vst v63  }
0x72: {  	s17 =	simm.s32 $0x6  }
0x73: {  	_ =	swait.ge [sflag:s17], $0x1000  }
0x74: {  	[sflag:s17] =	ssyncset.done $0x0  }
0x75: {  	[sflag:s17] =	ssyncadd.s32 $0xFFFFF000  }
0x76: {  	_ =	swait.ge [sflag:s20], $0x1000  }
0x77: {  	[sflag:s20] =	ssyncset.done $0x0  }
0x78: {  	[sflag:s20] =	ssyncadd.s32 $0xFFFFF000  }
0x79: {  	_ =	swait.ge [sflag:s21], $0x1000  }
0x7a: {  	[sflag:s21] =	ssyncset.done $0x0  }
0x7b: {  	[sflag:s21] =	ssyncadd.s32 $0xFFFFF000  }
0x7c: {  	_ =	swait.ge [sflag:s22], $0x1000  }
0x7d: {  	[sflag:s22] =	ssyncset.done $0x0  }
0x7e: {  	[sflag:s22] =	ssyncadd.s32 $0xFFFFF000  }
0x7f: {  	_ =	swait.ge [sflag:s23], $0x1000  }
0x80: {  	[sflag:s23] =	ssyncset.done $0x0  }
0x81: {  	[sflag:s23] =	ssyncadd.s32 $0xFFFFF000  }
0x82: {  	[spmem:s3] =	stream.indirect.scatter.add.f32 [tilespmem:s29], [sflag:$0xB], $0x20, s1, s8, $0xb8;
	[tilespmem:$0x1ED40] =	vst v63  }
0x83: {  	_ = 	snop  }
0x84: {  	[spmem:s3] =	stream.indirect.scatter.add.f32 [tilespmem:s0], [sflag:$0xC], $0x20, s6, s8, $0xb8;
	[tilespmem:$0x1ED40] =	vst v63  }
0x85: {  	_ = 	snop  }
0x86: {  	[spmem:s3] =	stream.indirect.scatter.add.f32 [tilespmem:s5], [sflag:$0xD], $0x20, s11, s8, $0xb8;
	[tilespmem:$0x1ED40] =	vst v63  }
0x87: {  	_ = 	snop  }
0x88: {  	[spmem:s3] =	stream.indirect.scatter.add.f32 [tilespmem:s9], [sflag:$0xE], $0x20, s15, s8, $0xb8;
	[tilespmem:$0x1ED40] =	vst v63  }
0x89: {  	_ = 	snop  }
0x8a: {  	[spmem:s3] =	stream.indirect.scatter.add.f32 [tilespmem:s13], [sflag:$0xF], $0x20, s18, s8, $0xb8;
	[tilespmem:$0x1ED40] =	vst v63  }
0x8b: {  	_ =	swait.ge [sflag:s25], $0x1000  }
0x8c: {  	[sflag:s25] =	ssyncset.done $0x0  }
0x8d: {  	[sflag:s25] =	ssyncadd.s32 $0xFFFFF000  }
0x8e: {  	_ =	swait.ge [sflag:s19], $0x1000  }
0x8f: {  	[sflag:s19] =	ssyncset.done $0x0  }
0x90: {  	[sflag:s19] =	ssyncadd.s32 $0xFFFFF000  }
0x91: {  	_ =	swait.ge [sflag:s24], $0x1000  }
0x92: {  	[sflag:s24] =	ssyncset.done $0x0  }
0x93: {  	[sflag:s24] =	ssyncadd.s32 $0xFFFFF000  }
0x94: {  	_ =	swait.ge [sflag:s26], $0x1000  }
0x95: {  	[sflag:s26] =	ssyncset.done $0x0  }
0x96: {  	[sflag:s26] =	ssyncadd.s32 $0xFFFFF000  }
0x97: {  	s30 =	simm.s32 $0xA0;
	_ =	swait.ge [sflag:s28], $0x1000  }
0x98: {  	s29 =	simm.s32 $0x50;
	s31 =	rddreg [dreg:$0x5];
	[sflag:s28] =	ssyncset.done $0x0  }
.LBB2_2:
0x99: {  	[sflag:s28] =	ssyncadd.s32 $0xFFFFF000  }
0x9a: {  	s1 =	rddreg [dreg:$0x4];
	s31 =	sadd.s32 s29, s31;
	s6 =	simm.s32 $0x9C40  }
0x9b: {  	[tilespmem:s6], [sflag:$0x1] =	stream.linear.gather [hbm4b:s31+s4], $0x80, $0x38;
	[tilespmem:$0x1ED40] =	vst v63  }
0x9c: {  	s5 =	simm.s32 $0xA040;
	s1 =	sadd.s32 s29, s1  }
0x9d: {  	[tilespmem:s5], [sflag:$0x1] =	stream.linear.gather [hbm4b:s1+s4], $0x80, $0x38;
	[tilespmem:$0x1ED40] =	vst v63  }
0x9e: {  	s9 =	simm.s32 $0x9CC0;
	s11 =	sadd.s32 $0x10, s31  }
0x9f: {  	[tilespmem:s9], [sflag:$0x2] =	stream.linear.gather [hbm4b:s11+s4], $0x80, $0x38;
	[tilespmem:$0x1ED40] =	vst v63  }
0xa0: {  	s13 =	sadd.s32 $0x10, s1;
	s11 =	simm.s32 $0xA0C0  }
0xa1: {  	[tilespmem:s11], [sflag:$0x2] =	stream.linear.gather [hbm4b:s13+s4], $0x80, $0x38;
	[tilespmem:$0x1ED40] =	vst v63  }
0xa2: {  	s15 =	sadd.s32 $0x20, s31;
	s13 =	simm.s32 $0x9D40  }
0xa3: {  	[tilespmem:s13], [sflag:$0x3] =	stream.linear.gather [hbm4b:s15+s4], $0x80, $0x38;
	[tilespmem:$0x1ED40] =	vst v63  }
0xa4: {  	s17 =	sadd.s32 $0x20, s1;
	s15 =	simm.s32 $0xA140  }
0xa5: {  	[tilespmem:s15], [sflag:$0x3] =	stream.linear.gather [hbm4b:s17+s4], $0x80, $0x38;
	[tilespmem:$0x1ED40] =	vst v63  }
0xa6: {  	s0 =	smov.u32 s30;
	s18 =	sadd.s32 $0x30, s31;
	s17 =	simm.s32 $0x9DC0  }
0xa7: {  	[tilespmem:s17], [sflag:$0x4] =	stream.linear.gather [hbm4b:s18+s4], $0x80, $0x38;
	[tilespmem:$0x1ED40] =	vst v63  }
0xa8: {  	s29 =	smov.u32 s0;
	s0 =	sadd.s32 $0x30, s1;
	s18 =	simm.s32 $0xA1C0  }
0xa9: {  	[tilespmem:s18], [sflag:$0x4] =	stream.linear.gather [hbm4b:s0+s4], $0x80, $0x38;
	[tilespmem:$0x1ED40] =	vst v63  }
0xaa: {  	s0 =	sadd.s32 $0x40, s31;
	s31 =	simm.s32 $0x9E40  }
0xab: {  	[tilespmem:s31], [sflag:$0x5] =	stream.linear.gather [hbm4b:s0+s4], $0x80, $0x38;
	[tilespmem:$0x1ED40] =	vst v63  }
0xac: {  	s0 =	sadd.s32 $0x40, s1;
	s1 =	simm.s32 $0xA240  }
0xad: {  	[tilespmem:s1], [sflag:$0x5] =	stream.linear.gather [hbm4b:s0+s4], $0x80, $0x38;
	[tilespmem:$0x1ED40] =	vst v63  }
0xae: {  	_ =	swait.ge [sflag:s7], $0x80  }
0xaf: {  	[sflag:s7] =	ssyncset.done $0x0  }
0xb0: {  	[sflag:s7] =	ssyncadd.s32 $0xFFFFFF80  }
0xb1: {  	_ =	swait.ge [sflag:s7], $0x80  }
0xb2: {  	[sflag:s7] =	ssyncset.done $0x0  }
0xb3: {  	s0 =	simm.s32 $0xA440;
	[sflag:s7] =	ssyncadd.s32 $0xFFFFFF80  }
0xb4: {  	[tilespmem:s0], [sflag:$0x6] =	stream.indirect.gather [spmem:s2], $0x20, s6, s8, $0xb8;
	[tilespmem:$0x1ED40] =	vst v63  }
0xb5: {  	_ =	swait.ge [sflag:s10], $0x80  }
0xb6: {  	[sflag:s10] =	ssyncset.done $0x0  }
0xb7: {  	[sflag:s10] =	ssyncadd.s32 $0xFFFFFF80  }
0xb8: {  	_ =	swait.ge [sflag:s10], $0x80  }
0xb9: {  	[sflag:s10] =	ssyncset.done $0x0  }
0xba: {  	s6 =	simm.s32 $0xE440;
	[sflag:s10] =	ssyncadd.s32 $0xFFFFFF80  }
0xbb: {  	[tilespmem:s6], [sflag:$0x7] =	stream.indirect.gather [spmem:s2], $0x20, s9, s8, $0xb8;
	[tilespmem:$0x1ED40] =	vst v63  }
0xbc: {  	_ =	swait.ge [sflag:s12], $0x80  }
0xbd: {  	[sflag:s12] =	ssyncset.done $0x0  }
0xbe: {  	[sflag:s12] =	ssyncadd.s32 $0xFFFFFF80  }
0xbf: {  	_ =	swait.ge [sflag:s12], $0x80  }
0xc0: {  	[sflag:s12] =	ssyncset.done $0x0  }
0xc1: {  	s9 =	simm.s32 $0x12440;
	[sflag:s12] =	ssyncadd.s32 $0xFFFFFF80  }
0xc2: {  	[tilespmem:s9], [sflag:$0x8] =	stream.indirect.gather [spmem:s2], $0x20, s13, s8, $0xb8;
	[tilespmem:$0x1ED40] =	vst v63  }
0xc3: {  	_ =	swait.ge [sflag:s14], $0x80  }
0xc4: {  	[sflag:s14] =	ssyncset.done $0x0  }
0xc5: {  	[sflag:s14] =	ssyncadd.s32 $0xFFFFFF80  }
0xc6: {  	_ =	swait.ge [sflag:s14], $0x80  }
0xc7: {  	[sflag:s14] =	ssyncset.done $0x0  }
0xc8: {  	s13 =	simm.s32 $0x16440;
	[sflag:s14] =	ssyncadd.s32 $0xFFFFFF80  }
0xc9: {  	[tilespmem:s13], [sflag:$0x9] =	stream.indirect.gather [spmem:s2], $0x20, s17, s8, $0xb8;
	[tilespmem:$0x1ED40] =	vst v63  }
0xca: {  	_ =	swait.ge [sflag:s16], $0x80  }
0xcb: {  	[sflag:s16] =	ssyncset.done $0x0  }
0xcc: {  	[sflag:s16] =	ssyncadd.s32 $0xFFFFFF80  }
0xcd: {  	_ =	swait.ge [sflag:s16], $0x80  }
0xce: {  	[sflag:s16] =	ssyncset.done $0x0  }
0xcf: {  	s17 =	simm.s32 $0x1A440;
	[sflag:s16] =	ssyncadd.s32 $0xFFFFFF80  }
0xd0: {  	[tilespmem:s17], [sflag:$0xA] =	stream.indirect.gather [spmem:s2], $0x20, s31, s8, $0xb8;
	[tilespmem:$0x1ED40] =	vst v63  }
0xd1: {  	s31 =	simm.s32 $0x6  }
0xd2: {  	_ =	swait.ge [sflag:s31], $0x1000  }
0xd3: {  	[sflag:s31] =	ssyncset.done $0x0  }
0xd4: {  	[sflag:s31] =	ssyncadd.s32 $0xFFFFF000  }
0xd5: {  	_ =	swait.ge [sflag:s20], $0x1000  }
0xd6: {  	[sflag:s20] =	ssyncset.done $0x0  }
0xd7: {  	[sflag:s20] =	ssyncadd.s32 $0xFFFFF000  }
0xd8: {  	_ =	swait.ge [sflag:s21], $0x1000  }
0xd9: {  	[sflag:s21] =	ssyncset.done $0x0  }
0xda: {  	[sflag:s21] =	ssyncadd.s32 $0xFFFFF000  }
0xdb: {  	_ =	swait.ge [sflag:s22], $0x1000  }
0xdc: {  	[sflag:s22] =	ssyncset.done $0x0  }
0xdd: {  	[sflag:s22] =	ssyncadd.s32 $0xFFFFF000  }
0xde: {  	_ =	swait.ge [sflag:s23], $0x1000  }
0xdf: {  	[sflag:s23] =	ssyncset.done $0x0  }
0xe0: {  	[sflag:s23] =	ssyncadd.s32 $0xFFFFF000  }
0xe1: {  	[spmem:s3] =	stream.indirect.scatter.add.f32 [tilespmem:s0], [sflag:$0xB], $0x20, s5, s8, $0xb8;
	[tilespmem:$0x1ED40] =	vst v63  }
0xe2: {  	_ = 	snop  }
0xe3: {  	[spmem:s3] =	stream.indirect.scatter.add.f32 [tilespmem:s6], [sflag:$0xC], $0x20, s11, s8, $0xb8;
	[tilespmem:$0x1ED40] =	vst v63  }
0xe4: {  	_ = 	snop  }
0xe5: {  	[spmem:s3] =	stream.indirect.scatter.add.f32 [tilespmem:s9], [sflag:$0xD], $0x20, s15, s8, $0xb8;
	[tilespmem:$0x1ED40] =	vst v63  }
0xe6: {  	_ = 	snop  }
0xe7: {  	[spmem:s3] =	stream.indirect.scatter.add.f32 [tilespmem:s13], [sflag:$0xE], $0x20, s18, s8, $0xb8;
	[tilespmem:$0x1ED40] =	vst v63  }
0xe8: {  	_ = 	snop  }
0xe9: {  	[spmem:s3] =	stream.indirect.scatter.add.f32 [tilespmem:s17], [sflag:$0xF], $0x20, s1, s8, $0xb8;
	[tilespmem:$0x1ED40] =	vst v63  }
0xea: {  	_ =	swait.ge [sflag:s25], $0x1000  }
0xeb: {  	[sflag:s25] =	ssyncset.done $0x0  }
0xec: {  	[sflag:s25] =	ssyncadd.s32 $0xFFFFF000  }
0xed: {  	_ =	swait.ge [sflag:s19], $0x1000  }
0xee: {  	[sflag:s19] =	ssyncset.done $0x0  }
0xef: {  	[sflag:s19] =	ssyncadd.s32 $0xFFFFF000  }
0xf0: {  	_ =	swait.ge [sflag:s24], $0x1000  }
0xf1: {  	[sflag:s24] =	ssyncset.done $0x0  }
0xf2: {  	p1 =	sne.s32 s30, $0x460;
	[sflag:s24] =	ssyncadd.s32 $0xFFFFF000  }
.Ltmp0:
0xf3: {  	_ =	swait.ge [sflag:s26], $0x1000;
	(pc) =	sbr.rel @p1 .LBB2_2-.Ltmp0, $4  }
0xf4: {  	[sflag:s26] =	ssyncset.done $0x0  }
0xf5: {  	[sflag:s26] =	ssyncadd.s32 $0xFFFFF000  }
0xf6: {  	_ =	swait.ge [sflag:s28], $0x1000  }
0xf7: {  	s30 =	sadd.s32 $0x50, s30;
	s31 =	rddreg [dreg:$0x5];
	[sflag:s28] =	ssyncset.done $0x0  }
0xf8: {  	s0 =	rddreg [dreg:$0x4]  }
0xf9: {  	[sflag:s28] =	ssyncadd.s32 $0xFFFFF000;
	s1 =	sadd.s32 s29, s31;
	s30 =	simm.s32 $0x9C40  }
0xfa: {  	[tilespmem:s30], [sflag:$0x1] =	stream.linear.gather [hbm4b:s1+s4], $0x80, $0x38;
	[tilespmem:$0x1ED40] =	vst v63  }
0xfb: {  	s5 =	simm.s32 $0xA040;
	s0 =	sadd.s32 s29, s0  }
0xfc: {  	[tilespmem:s5], [sflag:$0x1] =	stream.linear.gather [hbm4b:s0+s4], $0x80, $0x38;
	[tilespmem:$0x1ED40] =	vst v63  }
0xfd: {  	s11 =	simm.s32 $0x9CC0;
	s6 =	sadd.s32 $0x10, s1  }
0xfe: {  	[tilespmem:s11], [sflag:$0x2] =	stream.linear.gather [hbm4b:s6+s4], $0x80, $0x38;
	[tilespmem:$0x1ED40] =	vst v63  }
0xff: {  	s13 =	simm.s32 $0xA0C0;
	s9 =	sadd.s32 $0x10, s0  }
0x100: {  	[tilespmem:s13], [sflag:$0x2] =	stream.linear.gather [hbm4b:s9+s4], $0x80, $0x38;
	[tilespmem:$0x1ED40] =	vst v63  }
0x101: {  	s15 =	sadd.s32 $0x20, s1;
	s13 =	simm.s32 $0x9D40  }
0x102: {  	[tilespmem:s13], [sflag:$0x3] =	stream.linear.gather [hbm4b:s15+s4], $0x80, $0x38;
	[tilespmem:$0x1ED40] =	vst v63  }
0x103: {  	s18 =	simm.s32 $0xA140;
	s17 =	sadd.s32 $0x20, s0  }
0x104: {  	[tilespmem:s18], [sflag:$0x3] =	stream.linear.gather [hbm4b:s17+s4], $0x80, $0x38;
	[tilespmem:$0x1ED40] =	vst v63  }
0x105: {  	s31 =	sadd.s32 $0x30, s1;
	s15 =	simm.s32 $0x9DC0  }
0x106: {  	[tilespmem:s15], [sflag:$0x4] =	stream.linear.gather [hbm4b:s31+s4], $0x80, $0x38;
	[tilespmem:$0x1ED40] =	vst v63  }
0x107: {  	s5 =	sadd.s32 $0x30, s0;
	s6 =	simm.s32 $0xA1C0  }
0x108: {  	[tilespmem:s6], [sflag:$0x4] =	stream.linear.gather [hbm4b:s5+s4], $0x80, $0x38;
	[tilespmem:$0x1ED40] =	vst v63  }
0x109: {  	s1 =	sadd.s32 $0x40, s1;
	s18 =	simm.s32 $0x9E40  }
0x10a: {  	[tilespmem:s18], [sflag:$0x5] =	stream.linear.gather [hbm4b:s1+s4], $0x80, $0x38;
	[tilespmem:$0x1ED40] =	vst v63  }
0x10b: {  	s0 =	sadd.s32 $0x40, s0;
	s9 =	simm.s32 $0xA240  }
0x10c: {  	[tilespmem:s9], [sflag:$0x5] =	stream.linear.gather [hbm4b:s0+s4], $0x80, $0x38;
	[tilespmem:$0x1ED40] =	vst v63  }
0x10d: {  	_ =	swait.ge [sflag:s7], $0x80  }
0x10e: {  	[sflag:s7] =	ssyncset.done $0x0  }
0x10f: {  	[sflag:s7] =	ssyncadd.s32 $0xFFFFFF80  }
0x110: {  	_ =	swait.ge [sflag:s7], $0x80  }
0x111: {  	[sflag:s7] =	ssyncset.done $0x0  }
0x112: {  	s29 =	simm.s32 $0xA440;
	[sflag:s7] =	ssyncadd.s32 $0xFFFFFF80  }
0x113: {  	[tilespmem:s29], [sflag:$0x6] =	stream.indirect.gather [spmem:s2], $0x20, s30, s8, $0xb8;
	[tilespmem:$0x1ED40] =	vst v63  }
0x114: {  	_ =	swait.ge [sflag:s10], $0x80  }
0x115: {  	[sflag:s10] =	ssyncset.done $0x0  }
0x116: {  	[sflag:s10] =	ssyncadd.s32 $0xFFFFFF80  }
0x117: {  	_ =	swait.ge [sflag:s10], $0x80  }
0x118: {  	[sflag:s10] =	ssyncset.done $0x0  }
0x119: {  	s31 =	simm.s32 $0xE440;
	[sflag:s10] =	ssyncadd.s32 $0xFFFFFF80  }
0x11a: {  	[tilespmem:s31], [sflag:$0x7] =	stream.indirect.gather [spmem:s2], $0x20, s11, s8, $0xb8;
	[tilespmem:$0x1ED40] =	vst v63  }
0x11b: {  	_ =	swait.ge [sflag:s12], $0x80  }
0x11c: {  	[sflag:s12] =	ssyncset.done $0x0  }
0x11d: {  	[sflag:s12] =	ssyncadd.s32 $0xFFFFFF80  }
0x11e: {  	_ =	swait.ge [sflag:s12], $0x80  }
0x11f: {  	[sflag:s12] =	ssyncset.done $0x0  }
0x120: {  	s9 =	simm.s32 $0x12440;
	[sflag:s12] =	ssyncadd.s32 $0xFFFFFF80  }
0x121: {  	[tilespmem:s9], [sflag:$0x8] =	stream.indirect.gather [spmem:s2], $0x20, s13, s8, $0xb8;
	[tilespmem:$0x1ED40] =	vst v63  }
0x122: {  	_ =	swait.ge [sflag:s14], $0x80  }
0x123: {  	[sflag:s14] =	ssyncset.done $0x0  }
0x124: {  	[sflag:s14] =	ssyncadd.s32 $0xFFFFFF80  }
0x125: {  	_ =	swait.ge [sflag:s14], $0x80  }
0x126: {  	[sflag:s14] =	ssyncset.done $0x0  }
0x127: {  	s0 =	simm.s32 $0x16440;
	[sflag:s14] =	ssyncadd.s32 $0xFFFFFF80  }
0x128: {  	[tilespmem:s0], [sflag:$0x9] =	stream.indirect.gather [spmem:s2], $0x20, s15, s8, $0xb8;
	[tilespmem:$0x1ED40] =	vst v63  }
0x129: {  	_ =	swait.ge [sflag:s16], $0x80  }
0x12a: {  	[sflag:s16] =	ssyncset.done $0x0  }
0x12b: {  	[sflag:s16] =	ssyncadd.s32 $0xFFFFFF80  }
0x12c: {  	_ =	swait.ge [sflag:s16], $0x80  }
0x12d: {  	[sflag:s16] =	ssyncset.done $0x0  }
0x12e: {  	s15 =	simm.s32 $0x1A440;
	[sflag:s16] =	ssyncadd.s32 $0xFFFFFF80  }
0x12f: {  	[tilespmem:s15], [sflag:$0xA] =	stream.indirect.gather [spmem:s2], $0x20, s18, s8, $0xb8;
	[tilespmem:$0x1ED40] =	vst v63  }
0x130: {  	s18 =	simm.s32 $0x6  }
0x131: {  	_ =	swait.ge [sflag:s18], $0x1000  }
0x132: {  	[sflag:s18] =	ssyncset.done $0x0  }
0x133: {  	[sflag:s18] =	ssyncadd.s32 $0xFFFFF000  }
0x134: {  	_ =	swait.ge [sflag:s20], $0x1000  }
0x135: {  	[sflag:s20] =	ssyncset.done $0x0  }
0x136: {  	[sflag:s20] =	ssyncadd.s32 $0xFFFFF000  }
0x137: {  	_ =	swait.ge [sflag:s21], $0x1000  }
0x138: {  	[sflag:s21] =	ssyncset.done $0x0  }
0x139: {  	[sflag:s21] =	ssyncadd.s32 $0xFFFFF000  }
0x13a: {  	_ =	swait.ge [sflag:s22], $0x1000  }
0x13b: {  	[sflag:s22] =	ssyncset.done $0x0  }
0x13c: {  	[sflag:s22] =	ssyncadd.s32 $0xFFFFF000  }
0x13d: {  	_ =	swait.ge [sflag:s23], $0x1000  }
0x13e: {  	[sflag:s23] =	ssyncset.done $0x0  }
0x13f: {  	s1 =	simm.s32 $0xA040;
	[sflag:s23] =	ssyncadd.s32 $0xFFFFF000  }
0x140: {  	[spmem:s3] =	stream.indirect.scatter.add.f32 [tilespmem:s29], [sflag:$0xB], $0x20, s1, s8, $0xb8;
	[tilespmem:$0x1ED40] =	vst v63  }
0x141: {  	s5 =	simm.s32 $0xA0C0  }
0x142: {  	[spmem:s3] =	stream.indirect.scatter.add.f32 [tilespmem:s31], [sflag:$0xC], $0x20, s5, s8, $0xb8;
	[tilespmem:$0x1ED40] =	vst v63  }
0x143: {  	s6 =	simm.s32 $0xA140  }
0x144: {  	[spmem:s3] =	stream.indirect.scatter.add.f32 [tilespmem:s9], [sflag:$0xD], $0x20, s6, s8, $0xb8;
	[tilespmem:$0x1ED40] =	vst v63  }
0x145: {  	s17 =	simm.s32 $0xA1C0  }
0x146: {  	[spmem:s3] =	stream.indirect.scatter.add.f32 [tilespmem:s0], [sflag:$0xE], $0x20, s17, s8, $0xb8;
	[tilespmem:$0x1ED40] =	vst v63  }
0x147: {  	s17 =	simm.s32 $0xA240  }
0x148: {  	[spmem:s3] =	stream.indirect.scatter.add.f32 [tilespmem:s15], [sflag:$0xF], $0x20, s17, s8, $0xb8;
	[tilespmem:$0x1ED40] =	vst v63  }
0x149: {  	_ =	swait.ge [sflag:s25], $0x1000  }
0x14a: {  	[sflag:s25] =	ssyncset.done $0x0  }
0x14b: {  	[sflag:s25] =	ssyncadd.s32 $0xFFFFF000  }
0x14c: {  	_ =	swait.ge [sflag:s19], $0x1000  }
0x14d: {  	[sflag:s19] =	ssyncset.done $0x0  }
0x14e: {  	[sflag:s19] =	ssyncadd.s32 $0xFFFFF000  }
0x14f: {  	_ =	swait.ge [sflag:s24], $0x1000  }
0x150: {  	[sflag:s24] =	ssyncset.done $0x0  }
0x151: {  	[sflag:s24] =	ssyncadd.s32 $0xFFFFF000  }
0x152: {  	_ =	swait.ge [sflag:s26], $0x1000  }
0x153: {  	[sflag:s26] =	ssyncset.done $0x0  }
0x154: {  	[sflag:s26] =	ssyncadd.s32 $0xFFFFF000  }
0x155: {  	_ =	swait.ge [sflag:s28], $0x1000  }
0x156: {  	[sflag:s28] =	ssyncset.done $0x0  }
0x157: {  	s15 =	rddreg [dreg:$0xa];
	[sflag:s28] =	ssyncadd.s32 $0xFFFFF000  }
0x158: {  	[tilespmem:s30], [sflag:$0x1] =	stream.linear.gather [hbm4b:s15+s4], $0x80, $0x38;
	[tilespmem:$0x1ED40] =	vst v63  }
0x159: {  	s17 =	rddreg [dreg:$0xb]  }
0x15a: {  	[tilespmem:s1], [sflag:$0x1] =	stream.linear.gather [hbm4b:s17+s4], $0x80, $0x38;
	[tilespmem:$0x1ED40] =	vst v63  }
0x15b: {  	s15 =	rddreg [dreg:$0xc]  }
0x15c: {  	[tilespmem:s11], [sflag:$0x2] =	stream.linear.gather [hbm4b:s15+s4], $0x80, $0x38;
	[tilespmem:$0x1ED40] =	vst v63  }
0x15d: {  	s17 =	rddreg [dreg:$0xd]  }
0x15e: {  	[tilespmem:s5], [sflag:$0x2] =	stream.linear.gather [hbm4b:s17+s4], $0x80, $0x38;
	[tilespmem:$0x1ED40] =	vst v63  }
0x15f: {  	s15 =	rddreg [dreg:$0xe]  }
0x160: {  	[tilespmem:s13], [sflag:$0x3] =	stream.linear.gather [hbm4b:s15+s4], $0x80, $0x38;
	[tilespmem:$0x1ED40] =	vst v63  }
0x161: {  	s17 =	rddreg [dreg:$0xf]  }
0x162: {  	[tilespmem:s6], [sflag:$0x3] =	stream.linear.gather [hbm4b:s17+s4], $0x80, $0x38;
	[tilespmem:$0x1ED40] =	vst v63  }
0x163: {  	_ =	swait.ge [sflag:s7], $0x80  }
0x164: {  	[sflag:s7] =	ssyncset.done $0x0  }
0x165: {  	[sflag:s7] =	ssyncadd.s32 $0xFFFFFF80  }
0x166: {  	_ =	swait.ge [sflag:s7], $0x80  }
0x167: {  	[sflag:s7] =	ssyncset.done $0x0  }
0x168: {  	[sflag:s7] =	ssyncadd.s32 $0xFFFFFF80  }
0x169: {  	[tilespmem:s29], [sflag:$0x6] =	stream.indirect.gather [spmem:s2], $0x20, s30, s8, $0xb8;
	[tilespmem:$0x1ED40] =	vst v63  }
0x16a: {  	_ =	swait.ge [sflag:s10], $0x80  }
0x16b: {  	[sflag:s10] =	ssyncset.done $0x0  }
0x16c: {  	[sflag:s10] =	ssyncadd.s32 $0xFFFFFF80  }
0x16d: {  	_ =	swait.ge [sflag:s10], $0x80  }
0x16e: {  	[sflag:s10] =	ssyncset.done $0x0  }
0x16f: {  	[sflag:s10] =	ssyncadd.s32 $0xFFFFFF80  }
0x170: {  	[tilespmem:s31], [sflag:$0x7] =	stream.indirect.gather [spmem:s2], $0x20, s11, s8, $0xb8;
	[tilespmem:$0x1ED40] =	vst v63  }
0x171: {  	_ =	swait.ge [sflag:s12], $0x80  }
0x172: {  	[sflag:s12] =	ssyncset.done $0x0  }
0x173: {  	[sflag:s12] =	ssyncadd.s32 $0xFFFFFF80  }
0x174: {  	_ =	swait.ge [sflag:s12], $0x80  }
0x175: {  	[sflag:s12] =	ssyncset.done $0x0  }
0x176: {  	[sflag:s12] =	ssyncadd.s32 $0xFFFFFF80  }
0x177: {  	[tilespmem:s9], [sflag:$0x8] =	stream.indirect.gather [spmem:s2], $0x20, s13, s8, $0xb8;
	[tilespmem:$0x1ED40] =	vst v63  }
0x178: {  	_ =	swait.ge [sflag:s18], $0x1000  }
0x179: {  	[sflag:s18] =	ssyncset.done $0x0  }
0x17a: {  	[sflag:s18] =	ssyncadd.s32 $0xFFFFF000  }
0x17b: {  	_ =	swait.ge [sflag:s20], $0x1000  }
0x17c: {  	[sflag:s20] =	ssyncset.done $0x0  }
0x17d: {  	[sflag:s20] =	ssyncadd.s32 $0xFFFFF000  }
0x17e: {  	_ =	swait.ge [sflag:s21], $0x1000  }
0x17f: {  	[sflag:s21] =	ssyncset.done $0x0  }
0x180: {  	s1 =	simm.s32 $0xA040;
	[sflag:s21] =	ssyncadd.s32 $0xFFFFF000  }
0x181: {  	[spmem:s3] =	stream.indirect.scatter.add.f32 [tilespmem:s29], [sflag:$0xB], $0x20, s1, s8, $0xb8;
	[tilespmem:$0x1ED40] =	vst v63  }
0x182: {  	s5 =	simm.s32 $0xA0C0  }
0x183: {  	[spmem:s3] =	stream.indirect.scatter.add.f32 [tilespmem:s31], [sflag:$0xC], $0x20, s5, s8, $0xb8;
	[tilespmem:$0x1ED40] =	vst v63  }
0x184: {  	s6 =	simm.s32 $0xA140  }
0x185: {  	[spmem:s3] =	stream.indirect.scatter.add.f32 [tilespmem:s9], [sflag:$0xD], $0x20, s6, s8, $0xb8;
	[tilespmem:$0x1ED40] =	vst v63  }
0x186: {  	_ =	swait.ge [sflag:s25], $0x1000  }
0x187: {  	[sflag:s25] =	ssyncset.done $0x0  }
0x188: {  	[sflag:s25] =	ssyncadd.s32 $0xFFFFF000  }
0x189: {  	_ =	swait.ge [sflag:s19], $0x1000  }
0x18a: {  	[sflag:s19] =	ssyncset.done $0x0  }
0x18b: {  	[sflag:s19] =	ssyncadd.s32 $0xFFFFF000  }
0x18c: {  	_ =	swait.ge [sflag:s24], $0x1000  }
0x18d: {  	s15 =	simm.s32 $0x10;
	[sflag:s24] =	ssyncset.done $0x0  }
0x18e: {  	s13 =	simm.s32 $0x1E440;
	s11 =	rddreg [dreg:$0x11];
	[sflag:s24] =	ssyncadd.s32 $0xFFFFF000  }
0x18f: {  	[tilespmem:s13], [sflag:$0x10] =	stream.linear.gather [hbm4b:s11+s4], $0x10, $0x38;
	[tilespmem:$0x1ED40] =	vst v63  }
0x190: {  	_ =	swait.ge [sflag:s15], $0x10  }
0x191: {  	[sflag:s15] =	ssyncset.done $0x0  }
0x192: {  	s18 =	simm.s32 $0x1E4C0;
	s17 =	rddreg [dreg:$0x10];
	[sflag:s15] =	ssyncadd.s32 $0xFFFFFFF0  }
0x193: {  	[tilespmem:s18], [sflag:$0x10] =	stream.linear.gather [hbm4b:s17+s4], $0x10, $0x38;
	[tilespmem:$0x1ED40] =	vst v63  }
0x194: {  	_ =	swait.ge [sflag:s15], $0x10  }
0x195: {  	[sflag:s15] =	ssyncset.done $0x0  }
0x196: {  	s29 =	simm.s32 $0x1E540;
	[sflag:s15] =	ssyncadd.s32 $0xFFFFFFF0  }
0x197: {  	[tilespmem:s29], [sflag:$0x10] =	stream.indirect.gather [spmem:s2], $0x20, s13, s15, $0xb8;
	[tilespmem:$0x1ED40] =	vst v63  }
0x198: {  	_ =	swait.ge [sflag:s15], $0x200  }
0x199: {  	[sflag:s15] =	ssyncset.done $0x0  }
0x19a: {  	[sflag:s15] =	ssyncadd.s32 $0xFFFFFE00  }
0x19b: {  	[spmem:s3] =	stream.indirect.scatter.add.f32 [tilespmem:s29], [sflag:$0x10], $0x20, s18, s15, $0xb8;
	[tilespmem:$0x1ED40] =	vst v63  }
0x19c: {  	_ =	swait.ge [sflag:s15], $0x200  }
0x19d: {  	[sflag:s15] =	ssyncset.done $0x0  }
0x19e: {  	[sflag:s15] =	ssyncadd.s32 $0xFFFFFE00  }
0x19f: {  	[bflag:$0x0] =	sbarrier.arrive $0xFFFF  }
0x1a0: {  	s29 =	rddreg [dreg:$0x14]  }
0x1a1: {  	s1 =	simm.s32 @p0 $0x1FD0;
	s5 =	rddreg [dreg:$0x1c];
	s0 =	sadd.s32 @p0 $0x25800, s29  }
0x1a2: {  	[hbm:s0], [sflag:s1] =	dma.local @p0 [spmem:s5], $0x1900  }
0x1a3: {  	s0 =	simm.s32 @p0 $0x10  }
0x1a4: {  	_ =	swait.ge @p0 [sflag:s0], $0x1900  }
0x1a5: {  	[sflag:s0] =	ssyncset.done @p0 $0x0;
	s1 =	rddreg [dreg:$0x19]  }
0x1a6: {  	[sflag:s0] =	ssyncadd.s32 @p0 $0xFFFFE700;
	s0 =	rddreg [dreg:$0x6]  }
0x1a7: {  	s5 =	rddreg [dreg:$0x1b];
	s0 =	sadd.s32 @!p0 s0, s29  }
0x1a8: {  	[hbm:s0], [sflag:s5] =	dma.local @!p0 [spmem:s1], $0x2800  }
0x1a9: {  	s0 =	simm.s32 @!p0 $0x10  }
0x1aa: {  	_ =	swait.ge @!p0 [sflag:s0], $0x2800  }
0x1ab: {  	s30 =	rddreg [dreg:$0x1a]  }
0x1ac: {  	s31 =	rddreg [dreg:$0x15];
	s5 =	sadd.s32 $0x1, s30  }
0x1ad: {  	p1 =	sne.s32 s5, s31  }
.Ltmp1:
0x1ae: {  	_ = 	snop;
	(pc) =	sbr.rel @p1 .LBB2_1-.Ltmp1, $3  }
0x1af: {  	_ =	sdelay $0x1  }
0x1b0: {  	[sflag:s0] =	ssyncset.done @!p0 $0x0  }
0x1b1: {  	[sflag:s0] =	ssyncadd.s32 @!p0 $0xFFFFD800  }
0x1b2: {  	_ =	sfence.sel $0x180000  }
0x1b3: {  	[bflag:$0x0] =	sbarrier.arrive $0xFFFF  }
0x1b4: {  	_ =	strace $0x9000004A  }
0x1b5: {  	s0 =	stileid.u32;
	[bflag:$0x2] =	sbarrier.arrive $0xFFFF  }
0x1b6: {  	p0 =	sne.s32 s0, $0x0;
	s0 =	rddreg [dreg:$0x3]  }
0x1b7: {  	s0 =	sadd.s32 @!p0 $0x100000, s0  }
0x1b8: {  	[sflag:s0] =	ssyncadd.tile.s32 @!p0 $0x1;
	_ =	shalt  }
.Lfunc_end2:
_tile_overlayer_lowered:
.L_overlay_start_2:
0x1b9: {  	(tag) =	ssettag $0x2  }
0x1ba: {  	s0 =	rddreg [dreg:$0x0];
	s2 =	stileid.u32  }
0x1bb: {  	s1 =	rddreg [dreg:$0x1];
	p0 =	sne.s32 s2, $0x0  }
0x1bc: {  	s3 =	rddreg [dreg:$0x2];
	[bflag:$0x3] =	sbarrier.arrive $0xFFFF;
	s2 =	simm.s32 @!p0 $0x1C10  }
0x1bd: {  	[timem:s3], [sflag:s2] =	dma.local @!p0 [hbm:s0], s1  }
0x1be: {  	s0 =	simm.s32 @!p0 $0x10  }
0x1bf: {  	_ =	swait.ge @!p0 [sflag:s0], s1  }
0x1c0: {  	s1 =	ssub.s32 @!p0 $0x0, s1;
	[sflag:s0] =	ssyncset.done @!p0 $0x0  }
0x1c1: {  	[sflag:s0] =	ssyncadd.s32 @!p0 s1  }
0x1c2: {  	[bflag:$0x3] =	sbarrier.arrive $0xFFFF  }
0x1c3: {  	_ =	shalt  }

// kernel: kernel.15.cloned.1.call-start
scs
__scs_entry_jumppad:
0x0: {  	(pc) =	sbr.rel $0x88, $3  }
0x1: {  	(tag) =	ssettag $0x0;
	lr =	simm.s32 $0x1  }
0x2: {  	[smem:$0x3F97] =	sst lr;
	_ =	strace $0xD0000000  }
0x3: {  	_ = 	snop  }
0x4: {  	_ = 	snop  }
0x5: {  	_ = 	snop  }
0x6: {  	_ = 	snop  }
0x7: {  	_ = 	snop  }
__scs_overlays_trampoline_lowered:
0x8: {  	[smem:$0x3FA6] =	sst s0  }
0x9: {  	[smem:$0x3FA7] =	sst s1  }
0xa: {  	[smem:$0x3FA8] =	sst s2  }
0xb: {  	[smem:$0x3FA9] =	sst s3  }
0xc: {  	[smem:$0x3FAA] =	sst s4  }
0xd: {  	[smem:$0x3FAB] =	sst s5  }
0xe: {  	[smem:$0x3FAC] =	sst s6  }
0xf: {  	[smem:$0x3FAD] =	sst s7  }
0x10: {  	[smem:$0x3FAE] =	sst s8  }
0x11: {  	[smem:$0x3FAF] =	sst s9;
	s0 =	simm.s32 @!p0 $0x0  }
0x12: {  	s1 =	sld [smem:$0x3F95];
	s0 =	simm.s32 @p0 $0x1  }
0x13: {  	[smem:$0x3FB0] =	sst s0;
	s0 =	simm.s32 @!p1 $0x0  }
0x14: {  	s2 =	sld [smem:$0x3F94];
	s0 =	simm.s32 @p1 $0x1  }
0x15: {  	[smem:$0x3FB1] =	sst s0;
	s0 =	simm.s32 @!p2 $0x0  }
0x16: {  	s3 =	sld [smem:$0x3FDB];
	s0 =	simm.s32 @p2 $0x1  }
0x17: {  	s4 =	simm.s32 $0x1BF5;
	[smem:$0x3FB3] =	sst s0  }
0x18: {  	s0 =	sld [smem:$0x3F96];
	_ =	swait.ge [sflag:s4], $0x0  }
0x19: {  	s7 =	sld [smem:$0x3F97]  }
0x1a: {  	s8 =	sadd.s32 $0xFFFFE003, lr  }
0x1b: {  	s9 =	sadd.s32 $0xFFFFFEF7, lr;
	s5 =	simm.s32 $0xFFFFFFFF;
	p2 =	slt.u32 s8, $0xFFFFF086  }
0x1c: {  	p1 =	slt.u32 s9, $0xF7A;
	s5 =	simm.s32 @!p2 $0x0  }
0x1d: {  	s5 =	simm.s32 @p1 $0x1;
	p0 =	seq.s32 s7, s2  }
0x1e: {  	s7 =	smul.u32 @!p0 $0xF7A, s2;
	p2 =	seq.s32 @!p0 s5, $0x0  }
0x1f: {  	s9 =	smul.u32 $0xF7A, s1;
	s8 =	simm.s32 @!p0 $0x1BF5;
	p2 =	por !p2, p0  }
0x20: {  	[sflag:s8] =	ssyncset.s32 @!p0 $0xFFFFF086;
	s6 =	sadd.s32 @!p0 s3, s7;
	s7 =	simm.s32 @!p0 $0x108  }
0x21: {  	s3 =	sadd.s32 s3, s9;
	s6 =	sadd.s32 @!p0 $0x88, s6;
	s7 =	simm.s32 @p2 $0x1082  }
0x22: {  	[simem:s7], [sflag:s8] =	dma.local @!p0 [hbm:s6], $0xF7A  }
0x23: {  	s9 =	sor.u32 $0xD0000000, s2;
	s6 =	simm.s32 $0x108;
	_ =	swait.ge @!p0 [sflag:s8], $0x0  }
0x24: {  	s3 =	sadd.s32 $0x88, s3;
	s6 =	simm.s32 @!p1 $0x1082;
	[sflag:s4] =	ssyncset.s32 $0xFFFFF086  }
0x25: {  	[simem:s6], [sflag:s4] =	dma.local [hbm:s3], $0xF7A  }
0x26: {  	[smem:$0x3F97] =	sst s1;
	(tag) =	ssettag s2;
	_ =	strace s9  }
0x27: {  	s1 =	sld [smem:$0x3FA7]  }
0x28: {  	s2 =	sld [smem:$0x3FA8]  }
0x29: {  	s4 =	sld [smem:$0x3FAA]  }
0x2a: {  	p0 =	seq.s32 s5, $0x0;
	s5 =	sld [smem:$0x3FAB]  }
0x2b: {  	s6 =	sld [smem:$0x3FAC]  }
0x2c: {  	s7 =	sld [smem:$0x3FAD]  }
0x2d: {  	s3 =	simm.s32 $0x108;
	s8 =	sld [smem:$0x3FAE]  }
0x2e: {  	s3 =	simm.s32 @!p0 $0x1082;
	s9 =	sld [smem:$0x3FAF]  }
0x2f: {  	lr =	sadd.s32 s0, s3;
	s0 =	sld [smem:$0x3FA6]  }
0x30: {  	s3 =	sld [smem:$0x3FA9]  }
0x31: {  	[smem:$0x3FB2] =	sst s10  }
0x32: {  	s10 =	sld [smem:$0x3FB0];
	_ =	sdelay $0x3  }
0x33: {  	p0 =	seq.s32 s10, $0x1;
	s10 =	sld [smem:$0x3FB2];
	_ =	sdelay $0x3  }
0x34: {  	[smem:$0x3FB2] =	sst s10  }
0x35: {  	s10 =	sld [smem:$0x3FB1];
	_ =	sdelay $0x3  }
0x36: {  	p1 =	seq.s32 s10, $0x1;
	s10 =	sld [smem:$0x3FB2];
	_ =	sdelay $0x3  }
0x37: {  	[smem:$0x3FB2] =	sst s10  }
0x38: {  	s10 =	sld [smem:$0x3FB3]  }
0x39: {  	_ = 	snop;
	(pc) =	sbr.ind lr, $3  }
0x3a: {  	_ = 	snop  }
0x3b: {  	_ = 	snop  }
0x3c: {  	p2 =	seq.s32 s10, $0x1;
	s10 =	sld [smem:$0x3FB2]  }
0x3d: {  	_ =	shalt  }
0x3e: {  	_ =	shalt  }
0x3f: {  	_ =	shalt  }
0x40: {  	_ =	shalt  }
0x41: {  	_ =	shalt  }
0x42: {  	_ =	shalt  }
0x43: {  	_ =	shalt  }
0x44: {  	_ =	shalt  }
0x45: {  	_ =	shalt  }
0x46: {  	_ =	shalt  }
0x47: {  	_ =	shalt  }
0x48: {  	_ =	shalt  }
0x49: {  	_ =	shalt  }
0x4a: {  	_ =	shalt  }
0x4b: {  	_ =	shalt  }
0x4c: {  	_ =	shalt  }
0x4d: {  	_ =	shalt  }
0x4e: {  	_ =	shalt  }
0x4f: {  	_ =	shalt  }
0x50: {  	_ =	shalt  }
0x51: {  	_ =	shalt  }
0x52: {  	_ =	shalt  }
0x53: {  	_ =	shalt  }
0x54: {  	_ =	shalt  }
0x55: {  	_ =	shalt  }
0x56: {  	_ =	shalt  }
0x57: {  	_ =	shalt  }
0x58: {  	_ =	shalt  }
0x59: {  	_ =	shalt  }
0x5a: {  	_ =	shalt  }
0x5b: {  	_ =	shalt  }
0x5c: {  	_ =	shalt  }
0x5d: {  	_ =	shalt  }
0x5e: {  	_ =	shalt  }
0x5f: {  	_ =	shalt  }
0x60: {  	_ =	shalt  }
0x61: {  	_ =	shalt  }
0x62: {  	_ =	shalt  }
0x63: {  	_ =	shalt  }
0x64: {  	_ =	shalt  }
0x65: {  	_ =	shalt  }
0x66: {  	_ =	shalt  }
0x67: {  	_ =	shalt  }
0x68: {  	_ =	shalt  }
0x69: {  	_ =	shalt  }
0x6a: {  	_ =	shalt  }
0x6b: {  	_ =	shalt  }
0x6c: {  	_ =	shalt  }
0x6d: {  	_ =	shalt  }
0x6e: {  	_ =	shalt  }
0x6f: {  	_ =	shalt  }
0x70: {  	_ =	shalt  }
0x71: {  	_ =	shalt  }
0x72: {  	_ =	shalt  }
0x73: {  	_ =	shalt  }
0x74: {  	_ =	shalt  }
0x75: {  	_ =	shalt  }
0x76: {  	_ =	shalt  }
0x77: {  	_ =	shalt  }
0x78: {  	_ =	shalt  }
0x79: {  	_ =	shalt  }
0x7a: {  	_ =	shalt  }
0x7b: {  	_ =	shalt  }
0x7c: {  	_ =	shalt  }
0x7d: {  	_ =	shalt  }
0x7e: {  	_ =	shalt  }
0x7f: {  	_ =	shalt  }
0x80: {  	_ =	shalt  }
0x81: {  	_ =	shalt  }
0x82: {  	_ =	shalt  }
0x83: {  	_ =	shalt  }
0x84: {  	_ =	shalt  }
0x85: {  	_ =	shalt  }
0x86: {  	_ =	shalt  }
0x87: {  	_ =	shalt  }
.Lfunc_end0:
.L_simem_size_0:
called_computation.2_lowered:
.L_overlay_start_0:
0x88: {  	s2 =	sld [smem:$0x3FD9]  }
0x89: {  	s3 =	sld [smem:$0x3FFE];
	_ =	sdelay $0x1  }
0x8a: {  	s1 =	srdreg.scid  }
0x8b: {  	s0 =	sand.u32 $0x1, s1  }
0x8c: {  	s16 =	sshll.u32 s0, $0xA;
	s2 =	sadd.s32 s3, s2  }
0x8d: {  	s2 =	sadd.s32 s2, s16  }
0x8e: {  	[smem:$0x3FBE] =	sst s2  }
0x8f: {  	_ = 	snop  }
0x90: {  	(tm) =	ssettm $0x1  }
0x91: {  	s17 =	sld [smem:$0x3FFB];
	_ =	sdelay $0x3  }
0x92: {  	_ =	strace s17  }
0x93: {  	s2 =	sld [smem:$0x3FFC];
	_ =	sdelay $0x3  }
0x94: {  	_ =	strace s2  }
0x95: {  	s2 =	sld [smem:$0x3FFD];
	_ =	sdelay $0x3  }
0x96: {  	_ =	strace s2  }
0x97: {  	_ =	strace $0x8FFFFFFF  }
0x98: {  	s18 =	sld [smem:$0x3FDB];
	_ =	sdelay $0x1  }
0x99: {  	s19 =	simm.s32 $_scs_section_size  }
0x9a: {  	s4 =	simm.s32 $_size__tile_overlayer_lowered;
	s5 =	simm.s32 $_tile_overlayer_lowered  }
0x9b: {  	s22 =	simm.s32 $0x1BFF;
	s21 =	sshll.u32 s5, $0x1;
	s2 =	sadd.s32 s19, s18  }
0x9c: {  	s6 =	simm.s32 $0x0;
	s20 =	sshll.u32 s4, $0x1;
	s4 =	sadd.s32 s21, s2  }
0x9d: {  	[timem:s6], [sflag:s22] =	dma.local [hbm:s4], s20  }
0x9e: {  	_ =	swait.ge [sflag:s22], s20  }
0x9f: {  	s3 =	ssub.s32 $0x0, s20;
	[sflag:s22] =	ssyncset.done $0x0  }
0xa0: {  	[sflag:s22] =	ssyncadd.s32 s3;
	_ =	sdelay $0x1  }
0xa1: {  	s23 =	simm.s32 $0x1B8B  }
0xa2: {  	_ =	swait.ge [sflag:s23], $0x1  }
0xa3: {  	[sflag:s23] =	ssyncset.done $0x0  }
0xa4: {  	s25 =	simm.s32 $0x1B8E;
	s24 =	sld [smem:$0x3FFE];
	[sflag:s23] =	ssyncadd.s32 $0xFFFFFFFF  }
0xa5: {  	s26 =	simm.s32 $execute0_lowered;
	[smem:$0x3FD2] =	sst s25  }
0xa6: {  	s4 =	sshll.u32 s26, $0x1;
	_ =	strace $0x8000004C;
	[dreg:$0x1] =	wrdreg $0xFFFFFFFF  }
0xa7: {  	s28 =	simm.s32 $_size_execute0_lowered;
	s2 =	sadd.s32 s2, s4;
	[dreg:$0x0] =	wrdreg $0x0  }
0xa8: {  	s4 =	sshll.u32 s28, $0x1;
	[dreg:$0x2] =	wrdreg s2  }
0xa9: {  	[dreg:$0x3] =	wrdreg s4  }
0xaa: {  	[dreg:$0x4] =	wrdreg $0xC0  }
0xab: {  	_ =	task [dreg:s6], $0x5FFFF  }
0xac: {  	[dreg:$0x1] =	wrdreg $0xFFFFFFFF  }
0xad: {  	[dreg:$0x0] =	wrdreg $0x60  }
0xae: {  	[dreg:$0x2] =	wrdreg s24  }
0xaf: {  	[dreg:$0x3] =	wrdreg $0x0  }
0xb0: {  	[dreg:$0x4] =	wrdreg $0x4E200  }
0xb1: {  	[dreg:$0x5] =	wrdreg $0x9  }
0xb2: {  	_ =	task.clear_ibuf [dreg:s6], $0x6FFFF;
	_ =	strace $0x9000004C  }
0xb3: {  	s29 =	simm.s32 $0x9;
	_ =	strace $0x8000004E  }
0xb4: {  	_ =	swait.ge [sflag:s29], $0x1  }
0xb5: {  	[sflag:s29] =	ssyncadd.s32 $0xFFFFFFFF  }
0xb6: {  	_ =	strace $0x9000004E  }
0xb7: {  	_ =	sfence  }
0xb8: {  	s30 =	sld [smem:$0x0];
	_ =	sdelay $0x2  }
0xb9: {  	s31 =	sshll.u32 s1, $0xD;
	s1 =	sshrl.u32 s1, $0x2  }
0xba: {  	s3 =	sand.u32 $0x4000, s31;
	s1 =	sadd.s32 s1, s30  }
0xbb: {  	s0 =	sor.u32 s3, s0;
	s1 =	sshll.u32 s1, $0x11  }
0xbc: {  	s0 =	sor.u32 s1, s0  }
0xbd: {  	s0 =	sadd.s32 $0x8F2B, s0  }
0xbe: {  	[sflag:s0] =	ssyncadd.remote.s32 $0x1  }
0xbf: {  	_ =	sfence.sel $0xFFFF  }
0xc0: {  	[dreg:$0x0] =	wrdreg $0xFFFFFFFF;
	(pc) =	sbr.abs _section_cstart, $3  }
0xc1: {  	[dreg:$0x1] =	wrdreg $0xFFFFFFFF  }
0xc2: {  	_ =	task.clear_ibuf [dreg:s6], $0x2FFFF;
	_ =	strace $0x9FFFFFFF  }
0xc3: {  	(tm) =	ssettm $0x7FFFFFFF  }
tec
execute0_lowered:
.L_overlay_start_1:
0x0: {  	(tag) =	ssettag $0x1  }
0x1: {  	s0 =	rddreg [dreg:$0x0]  }
0x2: {  	s2 =	rddreg [dreg:$0x1]  }
0x3: {  	s3 =	rddreg [dreg:$0x2]  }
0x4: {  	s1 =	srdreg.scid;
	s16 =	stileid.u32;
	s4 =	simm.s32 $0x0  }
0x5: {  	s28 =	simm.s32 $0xF;
	s1 =	sand.u32 $0x1, s1;
	s10 =	smul.u32 $0x2800, s16  }
0x6: {  	[smem:$0x7FF] =	sst s4;
	s7 =	sadd.s32 $0x2800, s0;
	s9 =	smul.u32 $0x14000, s16  }
0x7: {  	s8 =	sadd.s32 $0xC600, s0;
	s18 =	smul.u32 $0x2710, s16;
	s15 =	sadd.s32 $0x12C000, s2  }
0x8: {  	s17 =	sadd.s32 $0x3BC00, s0;
	s25 =	smul.u32 $0x50000, s16;
	s29 =	sadd.s32 $0x12C000, s3  }
0x9: {  	p0 =	seq.s32 s16, $0xF;
	_ =	strace $0x8000004D;
	[dreg:$0x9] =	wrdreg s17  }
0xa: {  	s5 =	sshll.u32 s1, $0x4;
	s6 =	smul.u32 $0x27100, s1;
	[dreg:$0x12] =	wrdreg s29  }
0xb: {  	s1 =	ssub.s32 $0x2, s1;
	s5 =	sor.u32 s16, s5;
	[dreg:$0x6] =	wrdreg s10  }
0xc: {  	s10 =	sadd.s32 s10, s0;
	s12 =	sshrl.u32 s1, $0x1;
	s30 =	sshrl.u32 s25, $0x2  }
0xd: {  	s16 =	simm.s32 $0x5;
	s25 =	simm.s32 $0xB;
	s5 =	smul.u32 $0x2710, s5  }
0xe: {  	s11 =	sadd.s32 s6, s0;
	s1 =	ssub.s32 s1, s12;
	s14 =	sadd.s32 $0x16400, s10  }
0xf: {  	s12 =	sadd.s32 s9, s2;
	s10 =	sadd.s32 $0x8C000, s10;
	[dreg:$0x7] =	wrdreg s14  }
0x10: {  	s6 =	sadd.s32 s18, s6;
	s0 =	sadd.s32 $0xB1800, s0;
	[dreg:$0x8] =	wrdreg s10  }
0x11: {  	s9 =	sadd.s32 s9, s3;
	s6 =	sshrl.u32 s6, $0x3;
	[dreg:$0x13] =	wrdreg s0  }
0x12: {  	s31 =	sadd.s32 $0xB3200, s11;
	s0 =	sadd.s32 s30, s3;
	s1 =	smax.u32 s1, $0x1  }
0x13: {  	s13 =	sand.u32 $0x7FF80, s5;
	s6 =	sand.u32 $0xFFF0, s6;
	[dreg:$0x14] =	wrdreg s31  }
0x14: {  	s5 =	sshrl.u32 s5, $0x3;
	[dreg:$0x15] =	wrdreg s1;
	s1 =	sshrl.u32 @p0 s15, $0x3  }
0x15: {  	s0 =	sshrl.u32 @!p0 s0, $0x3;
	s13 =	sshrl.u32 s13, $0x3;
	[dreg:$0x16] =	wrdreg s1  }
0x16: {  	s24 =	sadd.s32 s6, s8;
	s5 =	sadd.s32 $0x4E0, s5;
	[dreg:$0x19] =	wrdreg s0  }
0x17: {  	s26 =	sadd.s32 s6, s7;
	s1 =	sshrl.u32 @!p0 s12, $0x3;
	[dreg:$0x4] =	wrdreg s24  }
0x18: {  	s12 =	simm.s32 $0x3;
	s14 =	sadd.s32 $0x4B0, s13;
	[dreg:$0x5] =	wrdreg s26  }
0x19: {  	s20 =	sadd.s32 $0x4C0, s13;
	[dreg:$0x17] =	wrdreg s1;
	s1 =	sshrl.u32 @!p0 s9, $0x3  }
0x1a: {  	s13 =	sadd.s32 $0x4D0, s13;
	s19 =	sadd.s32 s7, s14;
	[dreg:$0x18] =	wrdreg s1  }
0x1b: {  	s24 =	simm.s32 $0xD;
	s10 =	sadd.s32 s8, s14;
	[dreg:$0xa] =	wrdreg s19  }
0x1c: {  	s26 =	simm.s32 $0xE;
	s21 =	sadd.s32 s7, s20;
	[dreg:$0xb] =	wrdreg s10  }
0x1d: {  	s22 =	sadd.s32 s7, s13;
	s23 =	sadd.s32 s8, s13;
	[dreg:$0xc] =	wrdreg s21  }
0x1e: {  	s14 =	simm.s32 $0x4;
	s10 =	sadd.s32 s8, s20;
	[dreg:$0xe] =	wrdreg s22  }
0x1f: {  	[dreg:$0xf] =	wrdreg s23;
	s8 =	sadd.s32 s8, s5;
	s5 =	sadd.s32 s7, s5  }
0x20: {  	s7 =	simm.s32 $0x1;
	s20 =	simm.s32 $0x7;
	[dreg:$0xd] =	wrdreg s10  }
0x21: {  	s21 =	simm.s32 $0x8;
	s22 =	simm.s32 $0x9;
	[dreg:$0x10] =	wrdreg s8  }
0x22: {  	s23 =	simm.s32 $0xA;
	s19 =	simm.s32 $0xC;
	[dreg:$0x11] =	wrdreg s5  }
0x23: {  	s8 =	simm.s32 $0x80;
	s10 =	simm.s32 $0x2;
	s5 =	simm.s32 $0x0  }
.LBB2_1:
0x24: {  	[dreg:$0x1a] =	wrdreg s5  }
0x25: {  	s0 =	rddreg [dreg:$0x9]  }
0x26: {  	s29 =	simm.s32 @p0 $0x1FD0;
	s1 =	rddreg [dreg:$0x16];
	s30 =	simm.s32 @p0 $0x10  }
0x27: {  	[spmem:s1], [sflag:s29] =	dma.local @p0 [hbm:s0], $0x1900  }
0x28: {  	_ =	swait.ge @p0 [sflag:s30], $0x1900  }
0x29: {  	s0 =	rddreg [dreg:$0x12]  }
0x2a: {  	[sflag:s30] =	ssyncset.done @p0 $0x0;
	s1 =	sshrl.u32 @p0 s0, $0x3;
	s0 =	rddreg [dreg:$0x13]  }
0x2b: {  	[sflag:s30] =	ssyncadd.s32 @p0 $0xFFFFE700;
	[dreg:$0x1c] =	wrdreg s1  }
0x2c: {  	[spmem:s1], [sflag:s29] =	dma.local @p0 [hbm:s0], $0x1900  }
0x2d: {  	s0 =	stileid.u32  }
0x2e: {  	_ =	swait.ge @p0 [sflag:s30], $0x1900;
	s29 =	sshll.u32 @!p0 s0, $0x6  }
0x2f: {  	[sflag:s30] =	ssyncset.done @p0 $0x0;
	s5 =	sor.u32 @!p0 $0x1C10, s29;
	s0 =	rddreg [dreg:$0x7]  }
0x30: {  	s1 =	rddreg [dreg:$0x17];
	s29 =	simm.s32 @!p0 $0x10;
	[sflag:s30] =	ssyncadd.s32 @p0 $0xFFFFE700  }
0x31: {  	[spmem:s1], [sflag:s5] =	dma.local @!p0 [hbm:s0], $0x2800  }
0x32: {  	_ =	swait.ge @!p0 [sflag:s29], $0x2800;
	[dreg:$0x1b] =	wrdreg s5  }
0x33: {  	[sflag:s29] =	ssyncset.done @!p0 $0x0;
	s0 =	rddreg [dreg:$0x8]  }
0x34: {  	s1 =	rddreg [dreg:$0x18];
	[sflag:s29] =	ssyncadd.s32 @!p0 $0xFFFFD800  }
0x35: {  	[spmem:s1], [sflag:s5] =	dma.local @!p0 [hbm:s0], $0x2800  }
0x36: {  	_ =	swait.ge @!p0 [sflag:s29], $0x2800  }
0x37: {  	[sflag:s29] =	ssyncset.done @!p0 $0x0  }
0x38: {  	[sflag:s29] =	ssyncadd.s32 @!p0 $0xFFFFD800  }
0x39: {  	[bflag:$0x0] =	sbarrier.arrive $0xFFFF  }
0x3a: {  	s29 =	rddreg [dreg:$0x5]  }
0x3b: {  	s0 =	simm.s32 $0x9C40;
	s30 =	rddreg [dreg:$0x4];
	s29 =	sadd.s32 $0x0, s29  }
0x3c: {  	[tilespmem:s0], [sflag:$0x1] =	stream.linear.gather [hbm4b:s29+s4], $0x80, $0x38;
	[tilespmem:$0x1ED40] =	vst v63  }
0x3d: {  	s1 =	simm.s32 $0xA040;
	s30 =	sadd.s32 $0x0, s30  }
0x3e: {  	[tilespmem:s1], [sflag:$0x1] =	stream.linear.gather [hbm4b:s30+s4], $0x80, $0x38;
	[tilespmem:$0x1ED40] =	vst v63  }
0x3f: {  	s5 =	simm.s32 $0x9CC0;
	s31 =	sadd.s32 $0x10, s29  }
0x40: {  	[tilespmem:s5], [sflag:$0x2] =	stream.linear.gather [hbm4b:s31+s4], $0x80, $0x38;
	[tilespmem:$0x1ED40] =	vst v63  }
0x41: {  	s6 =	simm.s32 $0xA0C0;
	s31 =	sadd.s32 $0x10, s30  }
0x42: {  	[tilespmem:s6], [sflag:$0x2] =	stream.linear.gather [hbm4b:s31+s4], $0x80, $0x38;
	[tilespmem:$0x1ED40] =	vst v63  }
0x43: {  	s9 =	simm.s32 $0x9D40;
	s31 =	sadd.s32 $0x20, s29  }
0x44: {  	[tilespmem:s9], [sflag:$0x3] =	stream.linear.gather [hbm4b:s31+s4], $0x80, $0x38;
	[tilespmem:$0x1ED40] =	vst v63  }
0x45: {  	s11 =	simm.s32 $0xA140;
	s31 =	sadd.s32 $0x20, s30  }
0x46: {  	[tilespmem:s11], [sflag:$0x3] =	stream.linear.gather [hbm4b:s31+s4], $0x80, $0x38;
	[tilespmem:$0x1ED40] =	vst v63  }
0x47: {  	s13 =	simm.s32 $0x9DC0;
	s31 =	sadd.s32 $0x30, s29  }
0x48: {  	[tilespmem:s13], [sflag:$0x4] =	stream.linear.gather [hbm4b:s31+s4], $0x80, $0x38;
	[tilespmem:$0x1ED40] =	vst v63  }
0x49: {  	s15 =	simm.s32 $0xA1C0;
	s31 =	sadd.s32 $0x30, s30  }
0x4a: {  	[tilespmem:s15], [sflag:$0x4] =	stream.linear.gather [hbm4b:s31+s4], $0x80, $0x38;
	[tilespmem:$0x1ED40] =	vst v63  }
0x4b: {  	s17 =	simm.s32 $0x9E40;
	s29 =	sadd.s32 $0x40, s29  }
0x4c: {  	[tilespmem:s17], [sflag:$0x5] =	stream.linear.gather [hbm4b:s29+s4], $0x80, $0x38;
	[tilespmem:$0x1ED40] =	vst v63  }
0x4d: {  	s18 =	simm.s32 $0xA240;
	s29 =	sadd.s32 $0x40, s30  }
0x4e: {  	[tilespmem:s18], [sflag:$0x5] =	stream.linear.gather [hbm4b:s29+s4], $0x80, $0x38;
	[tilespmem:$0x1ED40] =	vst v63  }
0x4f: {  	_ =	swait.ge [sflag:s7], $0x80  }
0x50: {  	[sflag:s7] =	ssyncset.done $0x0  }
0x51: {  	[sflag:s7] =	ssyncadd.s32 $0xFFFFFF80  }
0x52: {  	_ =	swait.ge [sflag:s7], $0x80  }
0x53: {  	[sflag:s7] =	ssyncset.done $0x0  }
0x54: {  	s29 =	simm.s32 $0xA440;
	[sflag:s7] =	ssyncadd.s32 $0xFFFFFF80  }
0x55: {  	[tilespmem:s29], [sflag:$0x6] =	stream.indirect.gather [spmem:s2], $0x20, s0, s8, $0xb8;
	[tilespmem:$0x1ED40] =	vst v63  }
0x56: {  	_ =	swait.ge [sflag:s10], $0x80  }
0x57: {  	[sflag:s10] =	ssyncset.done $0x0  }
0x58: {  	[sflag:s10] =	ssyncadd.s32 $0xFFFFFF80  }
0x59: {  	_ =	swait.ge [sflag:s10], $0x80  }
0x5a: {  	[sflag:s10] =	ssyncset.done $0x0  }
0x5b: {  	s0 =	simm.s32 $0xE440;
	[sflag:s10] =	ssyncadd.s32 $0xFFFFFF80  }
0x5c: {  	[tilespmem:s0], [sflag:$0x7] =	stream.indirect.gather [spmem:s2], $0x20, s5, s8, $0xb8;
	[tilespmem:$0x1ED40] =	vst v63  }
0x5d: {  	_ =	swait.ge [sflag:s12], $0x80  }
0x5e: {  	[sflag:s12] =	ssyncset.done $0x0  }
0x5f: {  	[sflag:s12] =	ssyncadd.s32 $0xFFFFFF80  }
0x60: {  	_ =	swait.ge [sflag:s12], $0x80  }
0x61: {  	[sflag:s12] =	ssyncset.done $0x0  }
0x62: {  	s5 =	simm.s32 $0x12440;
	[sflag:s12] =	ssyncadd.s32 $0xFFFFFF80  }
0x63: {  	[tilespmem:s5], [sflag:$0x8] =	stream.indirect.gather [spmem:s2], $0x20, s9, s8, $0xb8;
	[tilespmem:$0x1ED40] =	vst v63  }
0x64: {  	_ =	swait.ge [sflag:s14], $0x80  }
0x65: {  	[sflag:s14] =	ssyncset.done $0x0  }
0x66: {  	[sflag:s14] =	ssyncadd.s32 $0xFFFFFF80  }
0x67: {  	_ =	swait.ge [sflag:s14], $0x80  }
0x68: {  	[sflag:s14] =	ssyncset.done $0x0  }
0x69: {  	s9 =	simm.s32 $0x16440;
	[sflag:s14] =	ssyncadd.s32 $0xFFFFFF80  }
0x6a: {  	[tilespmem:s9], [sflag:$0x9] =	stream.indirect.gather [spmem:s2], $0x20, s13, s8, $0xb8;
	[tilespmem:$0x1ED40] =	vst v63  }
0x6b: {  	_ =	swait.ge [sflag:s16], $0x80  }
0x6c: {  	[sflag:s16] =	ssyncset.done $0x0  }
0x6d: {  	[sflag:s16] =	ssyncadd.s32 $0xFFFFFF80  }
0x6e: {  	_ =	swait.ge [sflag:s16], $0x80  }
0x6f: {  	[sflag:s16] =	ssyncset.done $0x0  }
0x70: {  	s13 =	simm.s32 $0x1A440;
	[sflag:s16] =	ssyncadd.s32 $0xFFFFFF80  }
0x71: {  	[tilespmem:s13], [sflag:$0xA] =	stream.indirect.gather [spmem:s2], $0x20, s17, s8, $0xb8;
	[tilespmem:$0x1ED40] =	vst v63  }
0x72: {  	s17 =	simm.s32 $0x6  }
0x73: {  	_ =	swait.ge [sflag:s17], $0x1000  }
0x74: {  	[sflag:s17] =	ssyncset.done $0x0  }
0x75: {  	[sflag:s17] =	ssyncadd.s32 $0xFFFFF000  }
0x76: {  	_ =	swait.ge [sflag:s20], $0x1000  }
0x77: {  	[sflag:s20] =	ssyncset.done $0x0  }
0x78: {  	[sflag:s20] =	ssyncadd.s32 $0xFFFFF000  }
0x79: {  	_ =	swait.ge [sflag:s21], $0x1000  }
0x7a: {  	[sflag:s21] =	ssyncset.done $0x0  }
0x7b: {  	[sflag:s21] =	ssyncadd.s32 $0xFFFFF000  }
0x7c: {  	_ =	swait.ge [sflag:s22], $0x1000  }
0x7d: {  	[sflag:s22] =	ssyncset.done $0x0  }
0x7e: {  	[sflag:s22] =	ssyncadd.s32 $0xFFFFF000  }
0x7f: {  	_ =	swait.ge [sflag:s23], $0x1000  }
0x80: {  	[sflag:s23] =	ssyncset.done $0x0  }
0x81: {  	[sflag:s23] =	ssyncadd.s32 $0xFFFFF000  }
0x82: {  	[spmem:s3] =	stream.indirect.scatter.add.f32 [tilespmem:s29], [sflag:$0xB], $0x20, s1, s8, $0xb8;
	[tilespmem:$0x1ED40] =	vst v63  }
0x83: {  	_ = 	snop  }
0x84: {  	[spmem:s3] =	stream.indirect.scatter.add.f32 [tilespmem:s0], [sflag:$0xC], $0x20, s6, s8, $0xb8;
	[tilespmem:$0x1ED40] =	vst v63  }
0x85: {  	_ = 	snop  }
0x86: {  	[spmem:s3] =	stream.indirect.scatter.add.f32 [tilespmem:s5], [sflag:$0xD], $0x20, s11, s8, $0xb8;
	[tilespmem:$0x1ED40] =	vst v63  }
0x87: {  	_ = 	snop  }
0x88: {  	[spmem:s3] =	stream.indirect.scatter.add.f32 [tilespmem:s9], [sflag:$0xE], $0x20, s15, s8, $0xb8;
	[tilespmem:$0x1ED40] =	vst v63  }
0x89: {  	_ = 	snop  }
0x8a: {  	[spmem:s3] =	stream.indirect.scatter.add.f32 [tilespmem:s13], [sflag:$0xF], $0x20, s18, s8, $0xb8;
	[tilespmem:$0x1ED40] =	vst v63  }
0x8b: {  	_ =	swait.ge [sflag:s25], $0x1000  }
0x8c: {  	[sflag:s25] =	ssyncset.done $0x0  }
0x8d: {  	[sflag:s25] =	ssyncadd.s32 $0xFFFFF000  }
0x8e: {  	_ =	swait.ge [sflag:s19], $0x1000  }
0x8f: {  	[sflag:s19] =	ssyncset.done $0x0  }
0x90: {  	[sflag:s19] =	ssyncadd.s32 $0xFFFFF000  }
0x91: {  	_ =	swait.ge [sflag:s24], $0x1000  }
0x92: {  	[sflag:s24] =	ssyncset.done $0x0  }
0x93: {  	[sflag:s24] =	ssyncadd.s32 $0xFFFFF000  }
0x94: {  	_ =	swait.ge [sflag:s26], $0x1000  }
0x95: {  	[sflag:s26] =	ssyncset.done $0x0  }
0x96: {  	[sflag:s26] =	ssyncadd.s32 $0xFFFFF000  }
0x97: {  	s30 =	simm.s32 $0xA0;
	_ =	swait.ge [sflag:s28], $0x1000  }
0x98: {  	s29 =	simm.s32 $0x50;
	s31 =	rddreg [dreg:$0x5];
	[sflag:s28] =	ssyncset.done $0x0  }
.LBB2_2:
0x99: {  	[sflag:s28] =	ssyncadd.s32 $0xFFFFF000  }
0x9a: {  	s1 =	rddreg [dreg:$0x4];
	s31 =	sadd.s32 s29, s31;
	s6 =	simm.s32 $0x9C40  }
0x9b: {  	[tilespmem:s6], [sflag:$0x1] =	stream.linear.gather [hbm4b:s31+s4], $0x80, $0x38;
	[tilespmem:$0x1ED40] =	vst v63  }
0x9c: {  	s5 =	simm.s32 $0xA040;
	s1 =	sadd.s32 s29, s1  }
0x9d: {  	[tilespmem:s5], [sflag:$0x1] =	stream.linear.gather [hbm4b:s1+s4], $0x80, $0x38;
	[tilespmem:$0x1ED40] =	vst v63  }
0x9e: {  	s9 =	simm.s32 $0x9CC0;
	s11 =	sadd.s32 $0x10, s31  }
0x9f: {  	[tilespmem:s9], [sflag:$0x2] =	stream.linear.gather [hbm4b:s11+s4], $0x80, $0x38;
	[tilespmem:$0x1ED40] =	vst v63  }
0xa0: {  	s13 =	sadd.s32 $0x10, s1;
	s11 =	simm.s32 $0xA0C0  }
0xa1: {  	[tilespmem:s11], [sflag:$0x2] =	stream.linear.gather [hbm4b:s13+s4], $0x80, $0x38;
	[tilespmem:$0x1ED40] =	vst v63  }
0xa2: {  	s15 =	sadd.s32 $0x20, s31;
	s13 =	simm.s32 $0x9D40  }
0xa3: {  	[tilespmem:s13], [sflag:$0x3] =	stream.linear.gather [hbm4b:s15+s4], $0x80, $0x38;
	[tilespmem:$0x1ED40] =	vst v63  }
0xa4: {  	s17 =	sadd.s32 $0x20, s1;
	s15 =	simm.s32 $0xA140  }
0xa5: {  	[tilespmem:s15], [sflag:$0x3] =	stream.linear.gather [hbm4b:s17+s4], $0x80, $0x38;
	[tilespmem:$0x1ED40] =	vst v63  }
0xa6: {  	s0 =	smov.u32 s30;
	s18 =	sadd.s32 $0x30, s31;
	s17 =	simm.s32 $0x9DC0  }
0xa7: {  	[tilespmem:s17], [sflag:$0x4] =	stream.linear.gather [hbm4b:s18+s4], $0x80, $0x38;
	[tilespmem:$0x1ED40] =	vst v63  }
0xa8: {  	s29 =	smov.u32 s0;
	s0 =	sadd.s32 $0x30, s1;
	s18 =	simm.s32 $0xA1C0  }
0xa9: {  	[tilespmem:s18], [sflag:$0x4] =	stream.linear.gather [hbm4b:s0+s4], $0x80, $0x38;
	[tilespmem:$0x1ED40] =	vst v63  }
0xaa: {  	s0 =	sadd.s32 $0x40, s31;
	s31 =	simm.s32 $0x9E40  }
0xab: {  	[tilespmem:s31], [sflag:$0x5] =	stream.linear.gather [hbm4b:s0+s4], $0x80, $0x38;
	[tilespmem:$0x1ED40] =	vst v63  }
0xac: {  	s0 =	sadd.s32 $0x40, s1;
	s1 =	simm.s32 $0xA240  }
0xad: {  	[tilespmem:s1], [sflag:$0x5] =	stream.linear.gather [hbm4b:s0+s4], $0x80, $0x38;
	[tilespmem:$0x1ED40] =	vst v63  }
0xae: {  	_ =	swait.ge [sflag:s7], $0x80  }
0xaf: {  	[sflag:s7] =	ssyncset.done $0x0  }
0xb0: {  	[sflag:s7] =	ssyncadd.s32 $0xFFFFFF80  }
0xb1: {  	_ =	swait.ge [sflag:s7], $0x80  }
0xb2: {  	[sflag:s7] =	ssyncset.done $0x0  }
0xb3: {  	s0 =	simm.s32 $0xA440;
	[sflag:s7] =	ssyncadd.s32 $0xFFFFFF80  }
0xb4: {  	[tilespmem:s0], [sflag:$0x6] =	stream.indirect.gather [spmem:s2], $0x20, s6, s8, $0xb8;
	[tilespmem:$0x1ED40] =	vst v63  }
0xb5: {  	_ =	swait.ge [sflag:s10], $0x80  }
0xb6: {  	[sflag:s10] =	ssyncset.done $0x0  }
0xb7: {  	[sflag:s10] =	ssyncadd.s32 $0xFFFFFF80  }
0xb8: {  	_ =	swait.ge [sflag:s10], $0x80  }
0xb9: {  	[sflag:s10] =	ssyncset.done $0x0  }
0xba: {  	s6 =	simm.s32 $0xE440;
	[sflag:s10] =	ssyncadd.s32 $0xFFFFFF80  }
0xbb: {  	[tilespmem:s6], [sflag:$0x7] =	stream.indirect.gather [spmem:s2], $0x20, s9, s8, $0xb8;
	[tilespmem:$0x1ED40] =	vst v63  }
0xbc: {  	_ =	swait.ge [sflag:s12], $0x80  }
0xbd: {  	[sflag:s12] =	ssyncset.done $0x0  }
0xbe: {  	[sflag:s12] =	ssyncadd.s32 $0xFFFFFF80  }
0xbf: {  	_ =	swait.ge [sflag:s12], $0x80  }
0xc0: {  	[sflag:s12] =	ssyncset.done $0x0  }
0xc1: {  	s9 =	simm.s32 $0x12440;
	[sflag:s12] =	ssyncadd.s32 $0xFFFFFF80  }
0xc2: {  	[tilespmem:s9], [sflag:$0x8] =	stream.indirect.gather [spmem:s2], $0x20, s13, s8, $0xb8;
	[tilespmem:$0x1ED40] =	vst v63  }
0xc3: {  	_ =	swait.ge [sflag:s14], $0x80  }
0xc4: {  	[sflag:s14] =	ssyncset.done $0x0  }
0xc5: {  	[sflag:s14] =	ssyncadd.s32 $0xFFFFFF80  }
0xc6: {  	_ =	swait.ge [sflag:s14], $0x80  }
0xc7: {  	[sflag:s14] =	ssyncset.done $0x0  }
0xc8: {  	s13 =	simm.s32 $0x16440;
	[sflag:s14] =	ssyncadd.s32 $0xFFFFFF80  }
0xc9: {  	[tilespmem:s13], [sflag:$0x9] =	stream.indirect.gather [spmem:s2], $0x20, s17, s8, $0xb8;
	[tilespmem:$0x1ED40] =	vst v63  }
0xca: {  	_ =	swait.ge [sflag:s16], $0x80  }
0xcb: {  	[sflag:s16] =	ssyncset.done $0x0  }
0xcc: {  	[sflag:s16] =	ssyncadd.s32 $0xFFFFFF80  }
0xcd: {  	_ =	swait.ge [sflag:s16], $0x80  }
0xce: {  	[sflag:s16] =	ssyncset.done $0x0  }
0xcf: {  	s17 =	simm.s32 $0x1A440;
	[sflag:s16] =	ssyncadd.s32 $0xFFFFFF80  }
0xd0: {  	[tilespmem:s17], [sflag:$0xA] =	stream.indirect.gather [spmem:s2], $0x20, s31, s8, $0xb8;
	[tilespmem:$0x1ED40] =	vst v63  }
0xd1: {  	s31 =	simm.s32 $0x6  }
0xd2: {  	_ =	swait.ge [sflag:s31], $0x1000  }
0xd3: {  	[sflag:s31] =	ssyncset.done $0x0  }
0xd4: {  	[sflag:s31] =	ssyncadd.s32 $0xFFFFF000  }
0xd5: {  	_ =	swait.ge [sflag:s20], $0x1000  }
0xd6: {  	[sflag:s20] =	ssyncset.done $0x0  }
0xd7: {  	[sflag:s20] =	ssyncadd.s32 $0xFFFFF000  }
0xd8: {  	_ =	swait.ge [sflag:s21], $0x1000  }
0xd9: {  	[sflag:s21] =	ssyncset.done $0x0  }
0xda: {  	[sflag:s21] =	ssyncadd.s32 $0xFFFFF000  }
0xdb: {  	_ =	swait.ge [sflag:s22], $0x1000  }
0xdc: {  	[sflag:s22] =	ssyncset.done $0x0  }
0xdd: {  	[sflag:s22] =	ssyncadd.s32 $0xFFFFF000  }
0xde: {  	_ =	swait.ge [sflag:s23], $0x1000  }
0xdf: {  	[sflag:s23] =	ssyncset.done $0x0  }
0xe0: {  	[sflag:s23] =	ssyncadd.s32 $0xFFFFF000  }
0xe1: {  	[spmem:s3] =	stream.indirect.scatter.add.f32 [tilespmem:s0], [sflag:$0xB], $0x20, s5, s8, $0xb8;
	[tilespmem:$0x1ED40] =	vst v63  }
0xe2: {  	_ = 	snop  }
0xe3: {  	[spmem:s3] =	stream.indirect.scatter.add.f32 [tilespmem:s6], [sflag:$0xC], $0x20, s11, s8, $0xb8;
	[tilespmem:$0x1ED40] =	vst v63  }
0xe4: {  	_ = 	snop  }
0xe5: {  	[spmem:s3] =	stream.indirect.scatter.add.f32 [tilespmem:s9], [sflag:$0xD], $0x20, s15, s8, $0xb8;
	[tilespmem:$0x1ED40] =	vst v63  }
0xe6: {  	_ = 	snop  }
0xe7: {  	[spmem:s3] =	stream.indirect.scatter.add.f32 [tilespmem:s13], [sflag:$0xE], $0x20, s18, s8, $0xb8;
	[tilespmem:$0x1ED40] =	vst v63  }
0xe8: {  	_ = 	snop  }
0xe9: {  	[spmem:s3] =	stream.indirect.scatter.add.f32 [tilespmem:s17], [sflag:$0xF], $0x20, s1, s8, $0xb8;
	[tilespmem:$0x1ED40] =	vst v63  }
0xea: {  	_ =	swait.ge [sflag:s25], $0x1000  }
0xeb: {  	[sflag:s25] =	ssyncset.done $0x0  }
0xec: {  	[sflag:s25] =	ssyncadd.s32 $0xFFFFF000  }
0xed: {  	_ =	swait.ge [sflag:s19], $0x1000  }
0xee: {  	[sflag:s19] =	ssyncset.done $0x0  }
0xef: {  	[sflag:s19] =	ssyncadd.s32 $0xFFFFF000  }
0xf0: {  	_ =	swait.ge [sflag:s24], $0x1000  }
0xf1: {  	[sflag:s24] =	ssyncset.done $0x0  }
0xf2: {  	p1 =	sne.s32 s30, $0x460;
	[sflag:s24] =	ssyncadd.s32 $0xFFFFF000  }
.Ltmp0:
0xf3: {  	_ =	swait.ge [sflag:s26], $0x1000;
	(pc) =	sbr.rel @p1 .LBB2_2-.Ltmp0, $4  }
0xf4: {  	[sflag:s26] =	ssyncset.done $0x0  }
0xf5: {  	[sflag:s26] =	ssyncadd.s32 $0xFFFFF000  }
0xf6: {  	_ =	swait.ge [sflag:s28], $0x1000  }
0xf7: {  	s30 =	sadd.s32 $0x50, s30;
	s31 =	rddreg [dreg:$0x5];
	[sflag:s28] =	ssyncset.done $0x0  }
0xf8: {  	s0 =	rddreg [dreg:$0x4]  }
0xf9: {  	[sflag:s28] =	ssyncadd.s32 $0xFFFFF000;
	s1 =	sadd.s32 s29, s31;
	s30 =	simm.s32 $0x9C40  }
0xfa: {  	[tilespmem:s30], [sflag:$0x1] =	stream.linear.gather [hbm4b:s1+s4], $0x80, $0x38;
	[tilespmem:$0x1ED40] =	vst v63  }
0xfb: {  	s5 =	simm.s32 $0xA040;
	s0 =	sadd.s32 s29, s0  }
0xfc: {  	[tilespmem:s5], [sflag:$0x1] =	stream.linear.gather [hbm4b:s0+s4], $0x80, $0x38;
	[tilespmem:$0x1ED40] =	vst v63  }
0xfd: {  	s11 =	simm.s32 $0x9CC0;
	s6 =	sadd.s32 $0x10, s1  }
0xfe: {  	[tilespmem:s11], [sflag:$0x2] =	stream.linear.gather [hbm4b:s6+s4], $0x80, $0x38;
	[tilespmem:$0x1ED40] =	vst v63  }
0xff: {  	s13 =	simm.s32 $0xA0C0;
	s9 =	sadd.s32 $0x10, s0  }
0x100: {  	[tilespmem:s13], [sflag:$0x2] =	stream.linear.gather [hbm4b:s9+s4], $0x80, $0x38;
	[tilespmem:$0x1ED40] =	vst v63  }
0x101: {  	s15 =	sadd.s32 $0x20, s1;
	s13 =	simm.s32 $0x9D40  }
0x102: {  	[tilespmem:s13], [sflag:$0x3] =	stream.linear.gather [hbm4b:s15+s4], $0x80, $0x38;
	[tilespmem:$0x1ED40] =	vst v63  }
0x103: {  	s18 =	simm.s32 $0xA140;
	s17 =	sadd.s32 $0x20, s0  }
0x104: {  	[tilespmem:s18], [sflag:$0x3] =	stream.linear.gather [hbm4b:s17+s4], $0x80, $0x38;
	[tilespmem:$0x1ED40] =	vst v63  }
0x105: {  	s31 =	sadd.s32 $0x30, s1;
	s15 =	simm.s32 $0x9DC0  }
0x106: {  	[tilespmem:s15], [sflag:$0x4] =	stream.linear.gather [hbm4b:s31+s4], $0x80, $0x38;
	[tilespmem:$0x1ED40] =	vst v63  }
0x107: {  	s5 =	sadd.s32 $0x30, s0;
	s6 =	simm.s32 $0xA1C0  }
0x108: {  	[tilespmem:s6], [sflag:$0x4] =	stream.linear.gather [hbm4b:s5+s4], $0x80, $0x38;
	[tilespmem:$0x1ED40] =	vst v63  }
0x109: {  	s1 =	sadd.s32 $0x40, s1;
	s18 =	simm.s32 $0x9E40  }
0x10a: {  	[tilespmem:s18], [sflag:$0x5] =	stream.linear.gather [hbm4b:s1+s4], $0x80, $0x38;
	[tilespmem:$0x1ED40] =	vst v63  }
0x10b: {  	s0 =	sadd.s32 $0x40, s0;
	s9 =	simm.s32 $0xA240  }
0x10c: {  	[tilespmem:s9], [sflag:$0x5] =	stream.linear.gather [hbm4b:s0+s4], $0x80, $0x38;
	[tilespmem:$0x1ED40] =	vst v63  }
0x10d: {  	_ =	swait.ge [sflag:s7], $0x80  }
0x10e: {  	[sflag:s7] =	ssyncset.done $0x0  }
0x10f: {  	[sflag:s7] =	ssyncadd.s32 $0xFFFFFF80  }
0x110: {  	_ =	swait.ge [sflag:s7], $0x80  }
0x111: {  	[sflag:s7] =	ssyncset.done $0x0  }
0x112: {  	s29 =	simm.s32 $0xA440;
	[sflag:s7] =	ssyncadd.s32 $0xFFFFFF80  }
0x113: {  	[tilespmem:s29], [sflag:$0x6] =	stream.indirect.gather [spmem:s2], $0x20, s30, s8, $0xb8;
	[tilespmem:$0x1ED40] =	vst v63  }
0x114: {  	_ =	swait.ge [sflag:s10], $0x80  }
0x115: {  	[sflag:s10] =	ssyncset.done $0x0  }
0x116: {  	[sflag:s10] =	ssyncadd.s32 $0xFFFFFF80  }
0x117: {  	_ =	swait.ge [sflag:s10], $0x80  }
0x118: {  	[sflag:s10] =	ssyncset.done $0x0  }
0x119: {  	s31 =	simm.s32 $0xE440;
	[sflag:s10] =	ssyncadd.s32 $0xFFFFFF80  }
0x11a: {  	[tilespmem:s31], [sflag:$0x7] =	stream.indirect.gather [spmem:s2], $0x20, s11, s8, $0xb8;
	[tilespmem:$0x1ED40] =	vst v63  }
0x11b: {  	_ =	swait.ge [sflag:s12], $0x80  }
0x11c: {  	[sflag:s12] =	ssyncset.done $0x0  }
0x11d: {  	[sflag:s12] =	ssyncadd.s32 $0xFFFFFF80  }
0x11e: {  	_ =	swait.ge [sflag:s12], $0x80  }
0x11f: {  	[sflag:s12] =	ssyncset.done $0x0  }
0x120: {  	s9 =	simm.s32 $0x12440;
	[sflag:s12] =	ssyncadd.s32 $0xFFFFFF80  }
0x121: {  	[tilespmem:s9], [sflag:$0x8] =	stream.indirect.gather [spmem:s2], $0x20, s13, s8, $0xb8;
	[tilespmem:$0x1ED40] =	vst v63  }
0x122: {  	_ =	swait.ge [sflag:s14], $0x80  }
0x123: {  	[sflag:s14] =	ssyncset.done $0x0  }
0x124: {  	[sflag:s14] =	ssyncadd.s32 $0xFFFFFF80  }
0x125: {  	_ =	swait.ge [sflag:s14], $0x80  }
0x126: {  	[sflag:s14] =	ssyncset.done $0x0  }
0x127: {  	s0 =	simm.s32 $0x16440;
	[sflag:s14] =	ssyncadd.s32 $0xFFFFFF80  }
0x128: {  	[tilespmem:s0], [sflag:$0x9] =	stream.indirect.gather [spmem:s2], $0x20, s15, s8, $0xb8;
	[tilespmem:$0x1ED40] =	vst v63  }
0x129: {  	_ =	swait.ge [sflag:s16], $0x80  }
0x12a: {  	[sflag:s16] =	ssyncset.done $0x0  }
0x12b: {  	[sflag:s16] =	ssyncadd.s32 $0xFFFFFF80  }
0x12c: {  	_ =	swait.ge [sflag:s16], $0x80  }
0x12d: {  	[sflag:s16] =	ssyncset.done $0x0  }
0x12e: {  	s15 =	simm.s32 $0x1A440;
	[sflag:s16] =	ssyncadd.s32 $0xFFFFFF80  }
0x12f: {  	[tilespmem:s15], [sflag:$0xA] =	stream.indirect.gather [spmem:s2], $0x20, s18, s8, $0xb8;
	[tilespmem:$0x1ED40] =	vst v63  }
0x130: {  	s18 =	simm.s32 $0x6  }
0x131: {  	_ =	swait.ge [sflag:s18], $0x1000  }
0x132: {  	[sflag:s18] =	ssyncset.done $0x0  }
0x133: {  	[sflag:s18] =	ssyncadd.s32 $0xFFFFF000  }
0x134: {  	_ =	swait.ge [sflag:s20], $0x1000  }
0x135: {  	[sflag:s20] =	ssyncset.done $0x0  }
0x136: {  	[sflag:s20] =	ssyncadd.s32 $0xFFFFF000  }
0x137: {  	_ =	swait.ge [sflag:s21], $0x1000  }
0x138: {  	[sflag:s21] =	ssyncset.done $0x0  }
0x139: {  	[sflag:s21] =	ssyncadd.s32 $0xFFFFF000  }
0x13a: {  	_ =	swait.ge [sflag:s22], $0x1000  }
0x13b: {  	[sflag:s22] =	ssyncset.done $0x0  }
0x13c: {  	[sflag:s22] =	ssyncadd.s32 $0xFFFFF000  }
0x13d: {  	_ =	swait.ge [sflag:s23], $0x1000  }
0x13e: {  	[sflag:s23] =	ssyncset.done $0x0  }
0x13f: {  	s1 =	simm.s32 $0xA040;
	[sflag:s23] =	ssyncadd.s32 $0xFFFFF000  }
0x140: {  	[spmem:s3] =	stream.indirect.scatter.add.f32 [tilespmem:s29], [sflag:$0xB], $0x20, s1, s8, $0xb8;
	[tilespmem:$0x1ED40] =	vst v63  }
0x141: {  	s5 =	simm.s32 $0xA0C0  }
0x142: {  	[spmem:s3] =	stream.indirect.scatter.add.f32 [tilespmem:s31], [sflag:$0xC], $0x20, s5, s8, $0xb8;
	[tilespmem:$0x1ED40] =	vst v63  }
0x143: {  	s6 =	simm.s32 $0xA140  }
0x144: {  	[spmem:s3] =	stream.indirect.scatter.add.f32 [tilespmem:s9], [sflag:$0xD], $0x20, s6, s8, $0xb8;
	[tilespmem:$0x1ED40] =	vst v63  }
0x145: {  	s17 =	simm.s32 $0xA1C0  }
0x146: {  	[spmem:s3] =	stream.indirect.scatter.add.f32 [tilespmem:s0], [sflag:$0xE], $0x20, s17, s8, $0xb8;
	[tilespmem:$0x1ED40] =	vst v63  }
0x147: {  	s17 =	simm.s32 $0xA240  }
0x148: {  	[spmem:s3] =	stream.indirect.scatter.add.f32 [tilespmem:s15], [sflag:$0xF], $0x20, s17, s8, $0xb8;
	[tilespmem:$0x1ED40] =	vst v63  }
0x149: {  	_ =	swait.ge [sflag:s25], $0x1000  }
0x14a: {  	[sflag:s25] =	ssyncset.done $0x0  }
0x14b: {  	[sflag:s25] =	ssyncadd.s32 $0xFFFFF000  }
0x14c: {  	_ =	swait.ge [sflag:s19], $0x1000  }
0x14d: {  	[sflag:s19] =	ssyncset.done $0x0  }
0x14e: {  	[sflag:s19] =	ssyncadd.s32 $0xFFFFF000  }
0x14f: {  	_ =	swait.ge [sflag:s24], $0x1000  }
0x150: {  	[sflag:s24] =	ssyncset.done $0x0  }
0x151: {  	[sflag:s24] =	ssyncadd.s32 $0xFFFFF000  }
0x152: {  	_ =	swait.ge [sflag:s26], $0x1000  }
0x153: {  	[sflag:s26] =	ssyncset.done $0x0  }
0x154: {  	[sflag:s26] =	ssyncadd.s32 $0xFFFFF000  }
0x155: {  	_ =	swait.ge [sflag:s28], $0x1000  }
0x156: {  	[sflag:s28] =	ssyncset.done $0x0  }
0x157: {  	s15 =	rddreg [dreg:$0xa];
	[sflag:s28] =	ssyncadd.s32 $0xFFFFF000  }
0x158: {  	[tilespmem:s30], [sflag:$0x1] =	stream.linear.gather [hbm4b:s15+s4], $0x80, $0x38;
	[tilespmem:$0x1ED40] =	vst v63  }
0x159: {  	s17 =	rddreg [dreg:$0xb]  }
0x15a: {  	[tilespmem:s1], [sflag:$0x1] =	stream.linear.gather [hbm4b:s17+s4], $0x80, $0x38;
	[tilespmem:$0x1ED40] =	vst v63  }
0x15b: {  	s15 =	rddreg [dreg:$0xc]  }
0x15c: {  	[tilespmem:s11], [sflag:$0x2] =	stream.linear.gather [hbm4b:s15+s4], $0x80, $0x38;
	[tilespmem:$0x1ED40] =	vst v63  }
0x15d: {  	s17 =	rddreg [dreg:$0xd]  }
0x15e: {  	[tilespmem:s5], [sflag:$0x2] =	stream.linear.gather [hbm4b:s17+s4], $0x80, $0x38;
	[tilespmem:$0x1ED40] =	vst v63  }
0x15f: {  	s15 =	rddreg [dreg:$0xe]  }
0x160: {  	[tilespmem:s13], [sflag:$0x3] =	stream.linear.gather [hbm4b:s15+s4], $0x80, $0x38;
	[tilespmem:$0x1ED40] =	vst v63  }
0x161: {  	s17 =	rddreg [dreg:$0xf]  }
0x162: {  	[tilespmem:s6], [sflag:$0x3] =	stream.linear.gather [hbm4b:s17+s4], $0x80, $0x38;
	[tilespmem:$0x1ED40] =	vst v63  }
0x163: {  	_ =	swait.ge [sflag:s7], $0x80  }
0x164: {  	[sflag:s7] =	ssyncset.done $0x0  }
0x165: {  	[sflag:s7] =	ssyncadd.s32 $0xFFFFFF80  }
0x166: {  	_ =	swait.ge [sflag:s7], $0x80  }
0x167: {  	[sflag:s7] =	ssyncset.done $0x0  }
0x168: {  	[sflag:s7] =	ssyncadd.s32 $0xFFFFFF80  }
0x169: {  	[tilespmem:s29], [sflag:$0x6] =	stream.indirect.gather [spmem:s2], $0x20, s30, s8, $0xb8;
	[tilespmem:$0x1ED40] =	vst v63  }
0x16a: {  	_ =	swait.ge [sflag:s10], $0x80  }
0x16b: {  	[sflag:s10] =	ssyncset.done $0x0  }
0x16c: {  	[sflag:s10] =	ssyncadd.s32 $0xFFFFFF80  }
0x16d: {  	_ =	swait.ge [sflag:s10], $0x80  }
0x16e: {  	[sflag:s10] =	ssyncset.done $0x0  }
0x16f: {  	[sflag:s10] =	ssyncadd.s32 $0xFFFFFF80  }
0x170: {  	[tilespmem:s31], [sflag:$0x7] =	stream.indirect.gather [spmem:s2], $0x20, s11, s8, $0xb8;
	[tilespmem:$0x1ED40] =	vst v63  }
0x171: {  	_ =	swait.ge [sflag:s12], $0x80  }
0x172: {  	[sflag:s12] =	ssyncset.done $0x0  }
0x173: {  	[sflag:s12] =	ssyncadd.s32 $0xFFFFFF80  }
0x174: {  	_ =	swait.ge [sflag:s12], $0x80  }
0x175: {  	[sflag:s12] =	ssyncset.done $0x0  }
0x176: {  	[sflag:s12] =	ssyncadd.s32 $0xFFFFFF80  }
0x177: {  	[tilespmem:s9], [sflag:$0x8] =	stream.indirect.gather [spmem:s2], $0x20, s13, s8, $0xb8;
	[tilespmem:$0x1ED40] =	vst v63  }
0x178: {  	_ =	swait.ge [sflag:s18], $0x1000  }
0x179: {  	[sflag:s18] =	ssyncset.done $0x0  }
0x17a: {  	[sflag:s18] =	ssyncadd.s32 $0xFFFFF000  }
0x17b: {  	_ =	swait.ge [sflag:s20], $0x1000  }
0x17c: {  	[sflag:s20] =	ssyncset.done $0x0  }
0x17d: {  	[sflag:s20] =	ssyncadd.s32 $0xFFFFF000  }
0x17e: {  	_ =	swait.ge [sflag:s21], $0x1000  }
0x17f: {  	[sflag:s21] =	ssyncset.done $0x0  }
0x180: {  	s1 =	simm.s32 $0xA040;
	[sflag:s21] =	ssyncadd.s32 $0xFFFFF000  }
0x181: {  	[spmem:s3] =	stream.indirect.scatter.add.f32 [tilespmem:s29], [sflag:$0xB], $0x20, s1, s8, $0xb8;
	[tilespmem:$0x1ED40] =	vst v63  }
0x182: {  	s5 =	simm.s32 $0xA0C0  }
0x183: {  	[spmem:s3] =	stream.indirect.scatter.add.f32 [tilespmem:s31], [sflag:$0xC], $0x20, s5, s8, $0xb8;
	[tilespmem:$0x1ED40] =	vst v63  }
0x184: {  	s6 =	simm.s32 $0xA140  }
0x185: {  	[spmem:s3] =	stream.indirect.scatter.add.f32 [tilespmem:s9], [sflag:$0xD], $0x20, s6, s8, $0xb8;
	[tilespmem:$0x1ED40] =	vst v63  }
0x186: {  	_ =	swait.ge [sflag:s25], $0x1000  }
0x187: {  	[sflag:s25] =	ssyncset.done $0x0  }
0x188: {  	[sflag:s25] =	ssyncadd.s32 $0xFFFFF000  }
0x189: {  	_ =	swait.ge [sflag:s19], $0x1000  }
0x18a: {  	[sflag:s19] =	ssyncset.done $0x0  }
0x18b: {  	[sflag:s19] =	ssyncadd.s32 $0xFFFFF000  }
0x18c: {  	_ =	swait.ge [sflag:s24], $0x1000  }
0x18d: {  	s15 =	simm.s32 $0x10;
	[sflag:s24] =	ssyncset.done $0x0  }
0x18e: {  	s13 =	simm.s32 $0x1E440;
	s11 =	rddreg [dreg:$0x11];
	[sflag:s24] =	ssyncadd.s32 $0xFFFFF000  }
0x18f: {  	[tilespmem:s13], [sflag:$0x10] =	stream.linear.gather [hbm4b:s11+s4], $0x10, $0x38;
	[tilespmem:$0x1ED40] =	vst v63  }
0x190: {  	_ =	swait.ge [sflag:s15], $0x10  }
0x191: {  	[sflag:s15] =	ssyncset.done $0x0  }
0x192: {  	s18 =	simm.s32 $0x1E4C0;
	s17 =	rddreg [dreg:$0x10];
	[sflag:s15] =	ssyncadd.s32 $0xFFFFFFF0  }
0x193: {  	[tilespmem:s18], [sflag:$0x10] =	stream.linear.gather [hbm4b:s17+s4], $0x10, $0x38;
	[tilespmem:$0x1ED40] =	vst v63  }
0x194: {  	_ =	swait.ge [sflag:s15], $0x10  }
0x195: {  	[sflag:s15] =	ssyncset.done $0x0  }
0x196: {  	s29 =	simm.s32 $0x1E540;
	[sflag:s15] =	ssyncadd.s32 $0xFFFFFFF0  }
0x197: {  	[tilespmem:s29], [sflag:$0x10] =	stream.indirect.gather [spmem:s2], $0x20, s13, s15, $0xb8;
	[tilespmem:$0x1ED40] =	vst v63  }
0x198: {  	_ =	swait.ge [sflag:s15], $0x200  }
0x199: {  	[sflag:s15] =	ssyncset.done $0x0  }
0x19a: {  	[sflag:s15] =	ssyncadd.s32 $0xFFFFFE00  }
0x19b: {  	[spmem:s3] =	stream.indirect.scatter.add.f32 [tilespmem:s29], [sflag:$0x10], $0x20, s18, s15, $0xb8;
	[tilespmem:$0x1ED40] =	vst v63  }
0x19c: {  	_ =	swait.ge [sflag:s15], $0x200  }
0x19d: {  	[sflag:s15] =	ssyncset.done $0x0  }
0x19e: {  	[sflag:s15] =	ssyncadd.s32 $0xFFFFFE00  }
0x19f: {  	[bflag:$0x0] =	sbarrier.arrive $0xFFFF  }
0x1a0: {  	s29 =	rddreg [dreg:$0x14]  }
0x1a1: {  	s1 =	simm.s32 @p0 $0x1FD0;
	s5 =	rddreg [dreg:$0x1c];
	s0 =	sadd.s32 @p0 $0x25800, s29  }
0x1a2: {  	[hbm:s0], [sflag:s1] =	dma.local @p0 [spmem:s5], $0x1900  }
0x1a3: {  	s0 =	simm.s32 @p0 $0x10  }
0x1a4: {  	_ =	swait.ge @p0 [sflag:s0], $0x1900  }
0x1a5: {  	[sflag:s0] =	ssyncset.done @p0 $0x0;
	s1 =	rddreg [dreg:$0x19]  }
0x1a6: {  	[sflag:s0] =	ssyncadd.s32 @p0 $0xFFFFE700;
	s0 =	rddreg [dreg:$0x6]  }
0x1a7: {  	s5 =	rddreg [dreg:$0x1b];
	s0 =	sadd.s32 @!p0 s0, s29  }
0x1a8: {  	[hbm:s0], [sflag:s5] =	dma.local @!p0 [spmem:s1], $0x2800  }
0x1a9: {  	s0 =	simm.s32 @!p0 $0x10  }
0x1aa: {  	_ =	swait.ge @!p0 [sflag:s0], $0x2800  }
0x1ab: {  	s30 =	rddreg [dreg:$0x1a]  }
0x1ac: {  	s31 =	rddreg [dreg:$0x15];
	s5 =	sadd.s32 $0x1, s30  }
0x1ad: {  	p1 =	sne.s32 s5, s31  }
.Ltmp1:
0x1ae: {  	_ = 	snop;
	(pc) =	sbr.rel @p1 .LBB2_1-.Ltmp1, $3  }
0x1af: {  	_ =	sdelay $0x1  }
0x1b0: {  	[sflag:s0] =	ssyncset.done @!p0 $0x0  }
0x1b1: {  	[sflag:s0] =	ssyncadd.s32 @!p0 $0xFFFFD800  }
0x1b2: {  	_ =	sfence.sel $0x180000  }
0x1b3: {  	[bflag:$0x0] =	sbarrier.arrive $0xFFFF  }
0x1b4: {  	_ =	strace $0x9000004D  }
0x1b5: {  	s0 =	stileid.u32;
	[bflag:$0x2] =	sbarrier.arrive $0xFFFF  }
0x1b6: {  	p0 =	sne.s32 s0, $0x0;
	s0 =	rddreg [dreg:$0x3]  }
0x1b7: {  	s0 =	sadd.s32 @!p0 $0x100000, s0  }
0x1b8: {  	[sflag:s0] =	ssyncadd.tile.s32 @!p0 $0x1;
	_ =	shalt  }
.Lfunc_end2:
_tile_overlayer_lowered:
.L_overlay_start_2:
0x1b9: {  	(tag) =	ssettag $0x2  }
0x1ba: {  	s0 =	rddreg [dreg:$0x0];
	s2 =	stileid.u32  }
0x1bb: {  	s1 =	rddreg [dreg:$0x1];
	p0 =	sne.s32 s2, $0x0  }
0x1bc: {  	s3 =	rddreg [dreg:$0x2];
	[bflag:$0x3] =	sbarrier.arrive $0xFFFF;
	s2 =	simm.s32 @!p0 $0x1C10  }
0x1bd: {  	[timem:s3], [sflag:s2] =	dma.local @!p0 [hbm:s0], s1  }
0x1be: {  	s0 =	simm.s32 @!p0 $0x10  }
0x1bf: {  	_ =	swait.ge @!p0 [sflag:s0], s1  }
0x1c0: {  	s1 =	ssub.s32 @!p0 $0x0, s1;
	[sflag:s0] =	ssyncset.done @!p0 $0x0  }
0x1c1: {  	[sflag:s0] =	ssyncadd.s32 @!p0 s1  }
0x1c2: {  	[bflag:$0x3] =	sbarrier.arrive $0xFFFF  }
0x1c3: {  	_ =	shalt  }

// kernel: kernel.9.cloned.1.call-start
scs
__scs_entry_jumppad:
0x0: {  	(pc) =	sbr.rel $0x88, $3  }
0x1: {  	(tag) =	ssettag $0x0;
	lr =	simm.s32 $0x1  }
0x2: {  	[smem:$0x3F97] =	sst lr;
	_ =	strace $0xD0000000  }
0x3: {  	_ = 	snop  }
0x4: {  	_ = 	snop  }
0x5: {  	_ = 	snop  }
0x6: {  	_ = 	snop  }
0x7: {  	_ = 	snop  }
__scs_overlays_trampoline_lowered:
0x8: {  	[smem:$0x3FA6] =	sst s0  }
0x9: {  	[smem:$0x3FA7] =	sst s1  }
0xa: {  	[smem:$0x3FA8] =	sst s2  }
0xb: {  	[smem:$0x3FA9] =	sst s3  }
0xc: {  	[smem:$0x3FAA] =	sst s4  }
0xd: {  	[smem:$0x3FAB] =	sst s5  }
0xe: {  	[smem:$0x3FAC] =	sst s6  }
0xf: {  	[smem:$0x3FAD] =	sst s7  }
0x10: {  	[smem:$0x3FAE] =	sst s8  }
0x11: {  	[smem:$0x3FAF] =	sst s9;
	s0 =	simm.s32 @!p0 $0x0  }
0x12: {  	s1 =	sld [smem:$0x3F95];
	s0 =	simm.s32 @p0 $0x1  }
0x13: {  	[smem:$0x3FB0] =	sst s0;
	s0 =	simm.s32 @!p1 $0x0  }
0x14: {  	s2 =	sld [smem:$0x3F94];
	s0 =	simm.s32 @p1 $0x1  }
0x15: {  	[smem:$0x3FB1] =	sst s0;
	s0 =	simm.s32 @!p2 $0x0  }
0x16: {  	s3 =	sld [smem:$0x3FDB];
	s0 =	simm.s32 @p2 $0x1  }
0x17: {  	s4 =	simm.s32 $0x1BF5;
	[smem:$0x3FB3] =	sst s0  }
0x18: {  	s0 =	sld [smem:$0x3F96];
	_ =	swait.ge [sflag:s4], $0x0  }
0x19: {  	s7 =	sld [smem:$0x3F97]  }
0x1a: {  	s8 =	sadd.s32 $0xFFFFE003, lr  }
0x1b: {  	s9 =	sadd.s32 $0xFFFFFEF7, lr;
	s5 =	simm.s32 $0xFFFFFFFF;
	p2 =	slt.u32 s8, $0xFFFFF086  }
0x1c: {  	p1 =	slt.u32 s9, $0xF7A;
	s5 =	simm.s32 @!p2 $0x0  }
0x1d: {  	s5 =	simm.s32 @p1 $0x1;
	p0 =	seq.s32 s7, s2  }
0x1e: {  	s7 =	smul.u32 @!p0 $0xF7A, s2;
	p2 =	seq.s32 @!p0 s5, $0x0  }
0x1f: {  	s9 =	smul.u32 $0xF7A, s1;
	s8 =	simm.s32 @!p0 $0x1BF5;
	p2 =	por !p2, p0  }
0x20: {  	[sflag:s8] =	ssyncset.s32 @!p0 $0xFFFFF086;
	s6 =	sadd.s32 @!p0 s3, s7;
	s7 =	simm.s32 @!p0 $0x108  }
0x21: {  	s3 =	sadd.s32 s3, s9;
	s6 =	sadd.s32 @!p0 $0x88, s6;
	s7 =	simm.s32 @p2 $0x1082  }
0x22: {  	[simem:s7], [sflag:s8] =	dma.local @!p0 [hbm:s6], $0xF7A  }
0x23: {  	s9 =	sor.u32 $0xD0000000, s2;
	s6 =	simm.s32 $0x108;
	_ =	swait.ge @!p0 [sflag:s8], $0x0  }
0x24: {  	s3 =	sadd.s32 $0x88, s3;
	s6 =	simm.s32 @!p1 $0x1082;
	[sflag:s4] =	ssyncset.s32 $0xFFFFF086  }
0x25: {  	[simem:s6], [sflag:s4] =	dma.local [hbm:s3], $0xF7A  }
0x26: {  	[smem:$0x3F97] =	sst s1;
	(tag) =	ssettag s2;
	_ =	strace s9  }
0x27: {  	s1 =	sld [smem:$0x3FA7]  }
0x28: {  	s2 =	sld [smem:$0x3FA8]  }
0x29: {  	s4 =	sld [smem:$0x3FAA]  }
0x2a: {  	p0 =	seq.s32 s5, $0x0;
	s5 =	sld [smem:$0x3FAB]  }
0x2b: {  	s6 =	sld [smem:$0x3FAC]  }
0x2c: {  	s7 =	sld [smem:$0x3FAD]  }
0x2d: {  	s3 =	simm.s32 $0x108;
	s8 =	sld [smem:$0x3FAE]  }
0x2e: {  	s3 =	simm.s32 @!p0 $0x1082;
	s9 =	sld [smem:$0x3FAF]  }
0x2f: {  	lr =	sadd.s32 s0, s3;
	s0 =	sld [smem:$0x3FA6]  }
0x30: {  	s3 =	sld [smem:$0x3FA9]  }
0x31: {  	[smem:$0x3FB2] =	sst s10  }
0x32: {  	s10 =	sld [smem:$0x3FB0];
	_ =	sdelay $0x3  }
0x33: {  	p0 =	seq.s32 s10, $0x1;
	s10 =	sld [smem:$0x3FB2];
	_ =	sdelay $0x3  }
0x34: {  	[smem:$0x3FB2] =	sst s10  }
0x35: {  	s10 =	sld [smem:$0x3FB1];
	_ =	sdelay $0x3  }
0x36: {  	p1 =	seq.s32 s10, $0x1;
	s10 =	sld [smem:$0x3FB2];
	_ =	sdelay $0x3  }
0x37: {  	[smem:$0x3FB2] =	sst s10  }
0x38: {  	s10 =	sld [smem:$0x3FB3]  }
0x39: {  	_ = 	snop;
	(pc) =	sbr.ind lr, $3  }
0x3a: {  	_ = 	snop  }
0x3b: {  	_ = 	snop  }
0x3c: {  	p2 =	seq.s32 s10, $0x1;
	s10 =	sld [smem:$0x3FB2]  }
0x3d: {  	_ =	shalt  }
0x3e: {  	_ =	shalt  }
0x3f: {  	_ =	shalt  }
0x40: {  	_ =	shalt  }
0x41: {  	_ =	shalt  }
0x42: {  	_ =	shalt  }
0x43: {  	_ =	shalt  }
0x44: {  	_ =	shalt  }
0x45: {  	_ =	shalt  }
0x46: {  	_ =	shalt  }
0x47: {  	_ =	shalt  }
0x48: {  	_ =	shalt  }
0x49: {  	_ =	shalt  }
0x4a: {  	_ =	shalt  }
0x4b: {  	_ =	shalt  }
0x4c: {  	_ =	shalt  }
0x4d: {  	_ =	shalt  }
0x4e: {  	_ =	shalt  }
0x4f: {  	_ =	shalt  }
0x50: {  	_ =	shalt  }
0x51: {  	_ =	shalt  }
0x52: {  	_ =	shalt  }
0x53: {  	_ =	shalt  }
0x54: {  	_ =	shalt  }
0x55: {  	_ =	shalt  }
0x56: {  	_ =	shalt  }
0x57: {  	_ =	shalt  }
0x58: {  	_ =	shalt  }
0x59: {  	_ =	shalt  }
0x5a: {  	_ =	shalt  }
0x5b: {  	_ =	shalt  }
0x5c: {  	_ =	shalt  }
0x5d: {  	_ =	shalt  }
0x5e: {  	_ =	shalt  }
0x5f: {  	_ =	shalt  }
0x60: {  	_ =	shalt  }
0x61: {  	_ =	shalt  }
0x62: {  	_ =	shalt  }
0x63: {  	_ =	shalt  }
0x64: {  	_ =	shalt  }
0x65: {  	_ =	shalt  }
0x66: {  	_ =	shalt  }
0x67: {  	_ =	shalt  }
0x68: {  	_ =	shalt  }
0x69: {  	_ =	shalt  }
0x6a: {  	_ =	shalt  }
0x6b: {  	_ =	shalt  }
0x6c: {  	_ =	shalt  }
0x6d: {  	_ =	shalt  }
0x6e: {  	_ =	shalt  }
0x6f: {  	_ =	shalt  }
0x70: {  	_ =	shalt  }
0x71: {  	_ =	shalt  }
0x72: {  	_ =	shalt  }
0x73: {  	_ =	shalt  }
0x74: {  	_ =	shalt  }
0x75: {  	_ =	shalt  }
0x76: {  	_ =	shalt  }
0x77: {  	_ =	shalt  }
0x78: {  	_ =	shalt  }
0x79: {  	_ =	shalt  }
0x7a: {  	_ =	shalt  }
0x7b: {  	_ =	shalt  }
0x7c: {  	_ =	shalt  }
0x7d: {  	_ =	shalt  }
0x7e: {  	_ =	shalt  }
0x7f: {  	_ =	shalt  }
0x80: {  	_ =	shalt  }
0x81: {  	_ =	shalt  }
0x82: {  	_ =	shalt  }
0x83: {  	_ =	shalt  }
0x84: {  	_ =	shalt  }
0x85: {  	_ =	shalt  }
0x86: {  	_ =	shalt  }
0x87: {  	_ =	shalt  }
.Lfunc_end0:
.L_simem_size_0:
called_computation_lowered:
.L_overlay_start_0:
0x88: {  	s2 =	sld [smem:$0x3FD9]  }
0x89: {  	s3 =	sld [smem:$0x3FFE];
	_ =	sdelay $0x1  }
0x8a: {  	s1 =	srdreg.scid  }
0x8b: {  	s0 =	sand.u32 $0x1, s1  }
0x8c: {  	s16 =	sshll.u32 s0, $0xA;
	s2 =	sadd.s32 s3, s2  }
0x8d: {  	s2 =	sadd.s32 s2, s16  }
0x8e: {  	[smem:$0x3FBE] =	sst s2  }
0x8f: {  	_ = 	snop  }
0x90: {  	(tm) =	ssettm $0x1  }
0x91: {  	s17 =	sld [smem:$0x3FFB];
	_ =	sdelay $0x3  }
0x92: {  	_ =	strace s17  }
0x93: {  	s2 =	sld [smem:$0x3FFC];
	_ =	sdelay $0x3  }
0x94: {  	_ =	strace s2  }
0x95: {  	s2 =	sld [smem:$0x3FFD];
	_ =	sdelay $0x3  }
0x96: {  	_ =	strace s2  }
0x97: {  	_ =	strace $0x8FFFFFFF  }
0x98: {  	s18 =	sld [smem:$0x3FDB];
	_ =	sdelay $0x1  }
0x99: {  	s19 =	simm.s32 $_scs_section_size  }
0x9a: {  	s4 =	simm.s32 $_size__tile_overlayer_lowered;
	s5 =	simm.s32 $_tile_overlayer_lowered  }
0x9b: {  	s22 =	simm.s32 $0x1BFF;
	s21 =	sshll.u32 s5, $0x1;
	s2 =	sadd.s32 s19, s18  }
0x9c: {  	s6 =	simm.s32 $0x0;
	s20 =	sshll.u32 s4, $0x1;
	s4 =	sadd.s32 s21, s2  }
0x9d: {  	[timem:s6], [sflag:s22] =	dma.local [hbm:s4], s20  }
0x9e: {  	_ =	swait.ge [sflag:s22], s20  }
0x9f: {  	s3 =	ssub.s32 $0x0, s20;
	[sflag:s22] =	ssyncset.done $0x0  }
0xa0: {  	[sflag:s22] =	ssyncadd.s32 s3;
	_ =	sdelay $0x1  }
0xa1: {  	s23 =	simm.s32 $0x1B8B  }
0xa2: {  	_ =	swait.ge [sflag:s23], $0x1  }
0xa3: {  	[sflag:s23] =	ssyncset.done $0x0  }
0xa4: {  	s25 =	simm.s32 $0x1B8E;
	s24 =	sld [smem:$0x3FFE];
	[sflag:s23] =	ssyncadd.s32 $0xFFFFFFFF  }
0xa5: {  	s26 =	simm.s32 $execute0_lowered;
	[smem:$0x3FD2] =	sst s25  }
0xa6: {  	s4 =	sshll.u32 s26, $0x1;
	_ =	strace $0x80000046;
	[dreg:$0x1] =	wrdreg $0xFFFFFFFF  }
0xa7: {  	s28 =	simm.s32 $_size_execute0_lowered;
	s2 =	sadd.s32 s2, s4;
	[dreg:$0x0] =	wrdreg $0x0  }
0xa8: {  	s4 =	sshll.u32 s28, $0x1;
	[dreg:$0x2] =	wrdreg s2  }
0xa9: {  	[dreg:$0x3] =	wrdreg s4  }
0xaa: {  	[dreg:$0x4] =	wrdreg $0xC0  }
0xab: {  	_ =	task [dreg:s6], $0x5FFFF  }
0xac: {  	[dreg:$0x1] =	wrdreg $0xFFFFFFFF  }
0xad: {  	[dreg:$0x0] =	wrdreg $0x60  }
0xae: {  	[dreg:$0x2] =	wrdreg s24  }
0xaf: {  	[dreg:$0x3] =	wrdreg $0x0  }
0xb0: {  	[dreg:$0x4] =	wrdreg $0x9  }
0xb1: {  	_ =	task.clear_ibuf [dreg:s6], $0x5FFFF;
	_ =	strace $0x90000046  }
0xb2: {  	s29 =	simm.s32 $0x9;
	_ =	strace $0x80000048  }
0xb3: {  	_ =	swait.ge [sflag:s29], $0x1  }
0xb4: {  	[sflag:s29] =	ssyncadd.s32 $0xFFFFFFFF  }
0xb5: {  	_ =	strace $0x90000048  }
0xb6: {  	_ =	sfence  }
0xb7: {  	s30 =	sld [smem:$0x0];
	_ =	sdelay $0x2  }
0xb8: {  	s31 =	sshll.u32 s1, $0xD;
	s1 =	sshrl.u32 s1, $0x2  }
0xb9: {  	s3 =	sand.u32 $0x4000, s31;
	s1 =	sadd.s32 s1, s30  }
0xba: {  	s0 =	sor.u32 s3, s0;
	s1 =	sshll.u32 s1, $0x11  }
0xbb: {  	s0 =	sor.u32 s1, s0  }
0xbc: {  	s0 =	sadd.s32 $0x8F2B, s0  }
0xbd: {  	[sflag:s0] =	ssyncadd.remote.s32 $0x1  }
0xbe: {  	_ =	sfence.sel $0xFFFF  }
0xbf: {  	[dreg:$0x0] =	wrdreg $0xFFFFFFFF;
	(pc) =	sbr.abs _section_cstart, $3  }
0xc0: {  	[dreg:$0x1] =	wrdreg $0xFFFFFFFF  }
0xc1: {  	_ =	task.clear_ibuf [dreg:s6], $0x2FFFF;
	_ =	strace $0x9FFFFFFF  }
0xc2: {  	(tm) =	ssettm $0x7FFFFFFF  }
0xc3: {  	_ =	shalt  }
tec
execute0_lowered:
.L_overlay_start_1:
0x0: {  	(tag) =	ssettag $0x1  }
0x1: {  	s0 =	rddreg [dreg:$0x0]  }
0x2: {  	s2 =	rddreg [dreg:$0x1]  }
0x3: {  	s3 =	simm.s32 $0x0;
	s11 =	stileid.u32;
	s1 =	srdreg.scid  }
0x4: {  	s28 =	simm.s32 $0x15;
	s29 =	simm.s32 $0x16;
	s30 =	simm.s32 $0x17  }
0x5: {  	s31 =	simm.s32 $0x18;
	[smem:$0x7FF] =	sst s3;
	s8 =	smul.u32 $0x2800, s11  }
0x6: {  	s1 =	sand.u32 $0x1, s1;
	s4 =	sadd.s32 $0xC600, s0;
	s15 =	smul.u32 $0x50000, s11  }
0x7: {  	s7 =	sadd.s32 $0x3D600, s0;
	s18 =	smul.u32 $0x2710, s11;
	p0 =	seq.s32 s11, $0xF  }
0x8: {  	_ =	strace $0x80000047;
	s5 =	smul.u32 $0x27100, s1;
	s6 =	sshll.u32 s1, $0x4  }
0x9: {  	[dreg:$0x5] =	wrdreg s7;
	s1 =	ssub.s32 $0x2, s1;
	s6 =	sor.u32 s11, s6  }
0xa: {  	[dreg:$0x4] =	wrdreg s8;
	s8 =	sadd.s32 s8, s0;
	s10 =	sshrl.u32 s1, $0x1  }
0xb: {  	s7 =	sshrl.u32 s15, $0x2;
	s6 =	smul.u32 $0x2710, s6;
	s9 =	sadd.s32 s5, s0  }
0xc: {  	s1 =	ssub.s32 s1, s10;
	s7 =	sadd.s32 s7, s2;
	s8 =	sadd.s32 $0x16400, s8  }
0xd: {  	s0 =	sadd.s32 $0x3BC00, s0;
	s5 =	sadd.s32 s18, s5;
	[dreg:$0x6] =	wrdreg s7  }
0xe: {  	s18 =	simm.s32 $0x1388;
	[dreg:$0x7] =	wrdreg s8;
	s8 =	sadd.s32 $0x12C000, s2  }
0xf: {  	[dreg:$0x8] =	wrdreg s0;
	s5 =	sshrl.u32 s5, $0x3;
	s26 =	sadd.s32 $0x3DE00, s9  }
0x10: {  	s1 =	smax.u32 s1, $0x1;
	s16 =	sand.u32 $0x7FF80, s6;
	s6 =	sshrl.u32 s6, $0x3  }
0x11: {  	s25 =	sand.u32 $0xFFF0, s5;
	[dreg:$0x10] =	wrdreg s26;
	s6 =	sadd.s32 s4, s6  }
0x12: {  	[dreg:$0x11] =	wrdreg s1;
	s7 =	sshrl.u32 s16, $0x3;
	s24 =	sadd.s32 $0x4E0, s6  }
0x13: {  	s17 =	sadd.s32 s4, s7;
	s6 =	sshrl.u32 @p0 s8, $0x3;
	[dreg:$0xf] =	wrdreg s24  }
0x14: {  	s1 =	simm.s32 $0x5388;
	s19 =	sadd.s32 $0x480, s17;
	[dreg:$0x12] =	wrdreg s6  }
0x15: {  	s5 =	simm.s32 $0x80;
	s20 =	sadd.s32 $0x490, s17;
	[dreg:$0x9] =	wrdreg s19  }
0x16: {  	s26 =	simm.s32 $0x14;
	s21 =	sadd.s32 $0x4A0, s17;
	[dreg:$0xa] =	wrdreg s20  }
0x17: {  	s16 =	simm.s32 $0xD;
	s22 =	sadd.s32 $0x4B0, s17;
	[dreg:$0xb] =	wrdreg s21  }
0x18: {  	s7 =	simm.s32 $0x19;
	s23 =	sadd.s32 $0x4C0, s17;
	[dreg:$0xc] =	wrdreg s22  }
0x19: {  	s0 =	sadd.s32 $0x4D0, s17;
	s24 =	simm.s32 $0x12;
	[dreg:$0xd] =	wrdreg s23  }
0x1a: {  	[dreg:$0xe] =	wrdreg s0;
	s0 =	sadd.s32 s25, s4;
	s21 =	simm.s32 $0xE  }
0x1b: {  	s19 =	simm.s32 $0xF;
	s22 =	simm.s32 $0x10;
	s23 =	simm.s32 $0x11  }
0x1c: {  	s25 =	simm.s32 $0x13;
	s4 =	simm.s32 $0x0;
	[dreg:$0x3] =	wrdreg s0  }
.LBB2_1:
0x1d: {  	[dreg:$0x13] =	wrdreg s4  }
0x1e: {  	s0 =	rddreg [dreg:$0x5]  }
0x1f: {  	[tilespmem:s18], [sflag:$0x19] =	stream.linear.gather [hbm4b:s0+s3], $0x4000, $0x38;
	[tilespmem:$0x6408] =	vst v63  }
0x20: {  	_ =	swait.ge [sflag:s7], $0x4000  }
0x21: {  	[sflag:s7] =	ssyncset.done $0x0  }
0x22: {  	[sflag:s7] =	ssyncadd.s32 $0xFFFFC000  }
0x23: {  	[tilespmem:s1], [sflag:$0x19] =	stream.linear.gather [hbm4b:s0+s3], $0x800, $0x38;
	[tilespmem:$0x6408] =	vst v63  }
0x24: {  	_ =	swait.ge [sflag:s7], $0x800  }
0x25: {  	[sflag:s7] =	ssyncset.done $0x0  }
0x26: {  	s0 =	simm.s32 @p0 $0x1FD9;
	s1 =	rddreg [dreg:$0x8];
	[sflag:s7] =	ssyncadd.s32 $0xFFFFF800  }
0x27: {  	[spmem:s6], [sflag:s0] =	dma.local @p0 [hbm:s1], $0x1900  }
0x28: {  	s0 =	simm.s32 @p0 $0x19  }
0x29: {  	s1 =	stileid.u32;
	_ =	swait.ge @p0 [sflag:s0], $0x1900  }
0x2a: {  	s1 =	sshll.u32 @!p0 s1, $0x6;
	[sflag:s0] =	ssyncset.done @p0 $0x0  }
0x2b: {  	s1 =	sor.u32 @!p0 $0x1C19, s1;
	[sflag:s0] =	ssyncadd.s32 @p0 $0xFFFFE700;
	s0 =	rddreg [dreg:$0x6]  }
0x2c: {  	[dreg:$0x14] =	wrdreg s1  }
0x2d: {  	s4 =	sshrl.u32 @!p0 s0, $0x3;
	s0 =	rddreg [dreg:$0x7]  }
0x2e: {  	[dreg:$0x15] =	wrdreg s4  }
0x2f: {  	[spmem:s4], [sflag:s1] =	dma.local @!p0 [hbm:s0], $0x2800  }
0x30: {  	s0 =	simm.s32 @!p0 $0x19  }
0x31: {  	_ =	swait.ge @!p0 [sflag:s0], $0x2800  }
0x32: {  	[sflag:s0] =	ssyncset.done @!p0 $0x0  }
0x33: {  	[sflag:s0] =	ssyncadd.s32 @!p0 $0xFFFFD800  }
0x34: {  	[bflag:$0x0] =	sbarrier.arrive $0xFFFF  }
0x35: {  	s7 =	rddreg [dreg:$0x3]  }
0x36: {  	s4 =	simm.s32 $0x5B88;
	s0 =	sadd.s32 $0x0, s7  }
0x37: {  	[tilespmem:s4], [sflag:$0x1] =	stream.linear.gather [hbm4b:s0+s3], $0x80, $0x38;
	[tilespmem:$0x6408] =	vst v63  }
0x38: {  	s6 =	simm.s32 $0x5C08;
	s8 =	sadd.s32 $0x10, s0  }
0x39: {  	[tilespmem:s6], [sflag:$0x2] =	stream.linear.gather [hbm4b:s8+s3], $0x80, $0x38;
	[tilespmem:$0x6408] =	vst v63  }
0x3a: {  	s7 =	simm.s32 $0x5C88;
	s9 =	sadd.s32 $0x20, s0  }
0x3b: {  	[tilespmem:s7], [sflag:$0x3] =	stream.linear.gather [hbm4b:s9+s3], $0x80, $0x38;
	[tilespmem:$0x6408] =	vst v63  }
0x3c: {  	s10 =	sadd.s32 $0x30, s0;
	s8 =	simm.s32 $0x5D08  }
0x3d: {  	[tilespmem:s8], [sflag:$0x4] =	stream.linear.gather [hbm4b:s10+s3], $0x80, $0x38;
	[tilespmem:$0x6408] =	vst v63  }
0x3e: {  	s11 =	sadd.s32 $0x40, s0;
	s9 =	simm.s32 $0x5D88  }
0x3f: {  	[tilespmem:s9], [sflag:$0x5] =	stream.linear.gather [hbm4b:s11+s3], $0x80, $0x38;
	[tilespmem:$0x6408] =	vst v63  }
0x40: {  	s12 =	sadd.s32 $0x50, s0;
	s10 =	simm.s32 $0x5E08  }
0x41: {  	[tilespmem:s10], [sflag:$0x6] =	stream.linear.gather [hbm4b:s12+s3], $0x80, $0x38;
	[tilespmem:$0x6408] =	vst v63  }
0x42: {  	s13 =	sadd.s32 $0x60, s0;
	s11 =	simm.s32 $0x5E88  }
0x43: {  	[tilespmem:s11], [sflag:$0x7] =	stream.linear.gather [hbm4b:s13+s3], $0x80, $0x38;
	[tilespmem:$0x6408] =	vst v63  }
0x44: {  	s14 =	sadd.s32 $0x70, s0;
	s12 =	simm.s32 $0x5F08  }
0x45: {  	[tilespmem:s12], [sflag:$0x8] =	stream.linear.gather [hbm4b:s14+s3], $0x80, $0x38;
	[tilespmem:$0x6408] =	vst v63  }
0x46: {  	s15 =	sadd.s32 $0x80, s0;
	s13 =	simm.s32 $0x5F88  }
0x47: {  	[tilespmem:s13], [sflag:$0x9] =	stream.linear.gather [hbm4b:s15+s3], $0x80, $0x38;
	[tilespmem:$0x6408] =	vst v63  }
0x48: {  	s17 =	sadd.s32 $0x90, s0;
	s14 =	simm.s32 $0x6008  }
0x49: {  	[tilespmem:s14], [sflag:$0xA] =	stream.linear.gather [hbm4b:s17+s3], $0x80, $0x38;
	[tilespmem:$0x6408] =	vst v63  }
0x4a: {  	s20 =	sadd.s32 $0xA0, s0;
	s15 =	simm.s32 $0x6088  }
0x4b: {  	[tilespmem:s15], [sflag:$0xB] =	stream.linear.gather [hbm4b:s20+s3], $0x80, $0x38;
	[tilespmem:$0x6408] =	vst v63  }
0x4c: {  	s1 =	simm.s32 $0x6108;
	s0 =	sadd.s32 $0xB0, s0;
	s17 =	simm.s32 $0x1  }
0x4d: {  	[tilespmem:s1], [sflag:$0xC] =	stream.linear.gather [hbm4b:s0+s3], $0x80, $0x38;
	[tilespmem:$0x6408] =	vst v63  }
0x4e: {  	_ =	swait.ge [sflag:s17], $0x80  }
0x4f: {  	[sflag:s17] =	ssyncset.done $0x0  }
0x50: {  	s20 =	simm.s32 $0x2;
	[sflag:s17] =	ssyncadd.s32 $0xFFFFFF80  }
0x51: {  	_ =	swait.ge [sflag:s20], $0x80  }
0x52: {  	[sflag:s20] =	ssyncset.done $0x0  }
0x53: {  	s17 =	simm.s32 $0x3;
	[sflag:s20] =	ssyncadd.s32 $0xFFFFFF80  }
0x54: {  	_ =	swait.ge [sflag:s17], $0x80  }
0x55: {  	[sflag:s17] =	ssyncset.done $0x0  }
0x56: {  	s20 =	simm.s32 $0x4;
	[sflag:s17] =	ssyncadd.s32 $0xFFFFFF80  }
0x57: {  	_ =	swait.ge [sflag:s20], $0x80  }
0x58: {  	[sflag:s20] =	ssyncset.done $0x0  }
0x59: {  	s17 =	simm.s32 $0x5;
	[sflag:s20] =	ssyncadd.s32 $0xFFFFFF80  }
0x5a: {  	_ =	swait.ge [sflag:s17], $0x80  }
0x5b: {  	[sflag:s17] =	ssyncset.done $0x0  }
0x5c: {  	s20 =	simm.s32 $0x6;
	[sflag:s17] =	ssyncadd.s32 $0xFFFFFF80  }
0x5d: {  	_ =	swait.ge [sflag:s20], $0x80  }
0x5e: {  	[sflag:s20] =	ssyncset.done $0x0  }
0x5f: {  	s17 =	simm.s32 $0x7;
	[sflag:s20] =	ssyncadd.s32 $0xFFFFFF80  }
0x60: {  	_ =	swait.ge [sflag:s17], $0x80  }
0x61: {  	[sflag:s17] =	ssyncset.done $0x0  }
0x62: {  	s20 =	simm.s32 $0x8;
	[sflag:s17] =	ssyncadd.s32 $0xFFFFFF80  }
0x63: {  	_ =	swait.ge [sflag:s20], $0x80  }
0x64: {  	[sflag:s20] =	ssyncset.done $0x0  }
0x65: {  	s17 =	simm.s32 $0x9;
	[sflag:s20] =	ssyncadd.s32 $0xFFFFFF80  }
0x66: {  	_ =	swait.ge [sflag:s17], $0x80  }
0x67: {  	[sflag:s17] =	ssyncset.done $0x0  }
0x68: {  	s20 =	simm.s32 $0xA;
	[sflag:s17] =	ssyncadd.s32 $0xFFFFFF80  }
0x69: {  	_ =	swait.ge [sflag:s20], $0x80  }
0x6a: {  	[sflag:s20] =	ssyncset.done $0x0  }
0x6b: {  	s17 =	simm.s32 $0xB;
	[sflag:s20] =	ssyncadd.s32 $0xFFFFFF80  }
0x6c: {  	_ =	swait.ge [sflag:s17], $0x80  }
0x6d: {  	[sflag:s17] =	ssyncset.done $0x0  }
0x6e: {  	s20 =	simm.s32 $0xC;
	[sflag:s17] =	ssyncadd.s32 $0xFFFFFF80  }
0x6f: {  	_ =	swait.ge [sflag:s20], $0x80  }
0x70: {  	[sflag:s20] =	ssyncset.done $0x0  }
0x71: {  	[sflag:s20] =	ssyncadd.s32 $0xFFFFFF80  }
0x72: {  	[spmem:s2] =	stream.indirect.scatter.add.f32 [tilespmem:s18], [sflag:$0xD], $0x8, s4, s5, $0xb8;
	[tilespmem:$0x6408] =	vst v63  }
0x73: {  	_ = 	snop  }
0x74: {  	[spmem:s2] =	stream.indirect.scatter.add.f32 [tilespmem:s18], [sflag:$0xE], $0x8, s6, s5, $0xb8;
	[tilespmem:$0x6408] =	vst v63  }
0x75: {  	_ = 	snop  }
0x76: {  	[spmem:s2] =	stream.indirect.scatter.add.f32 [tilespmem:s18], [sflag:$0xF], $0x8, s7, s5, $0xb8;
	[tilespmem:$0x6408] =	vst v63  }
0x77: {  	_ = 	snop  }
0x78: {  	[spmem:s2] =	stream.indirect.scatter.add.f32 [tilespmem:s18], [sflag:$0x10], $0x8, s8, s5, $0xb8;
	[tilespmem:$0x6408] =	vst v63  }
0x79: {  	_ = 	snop  }
0x7a: {  	[spmem:s2] =	stream.indirect.scatter.add.f32 [tilespmem:s18], [sflag:$0x11], $0x8, s9, s5, $0xb8;
	[tilespmem:$0x6408] =	vst v63  }
0x7b: {  	_ = 	snop  }
0x7c: {  	[spmem:s2] =	stream.indirect.scatter.add.f32 [tilespmem:s18], [sflag:$0x12], $0x8, s10, s5, $0xb8;
	[tilespmem:$0x6408] =	vst v63  }
0x7d: {  	_ = 	snop  }
0x7e: {  	[spmem:s2] =	stream.indirect.scatter.add.f32 [tilespmem:s18], [sflag:$0x13], $0x8, s11, s5, $0xb8;
	[tilespmem:$0x6408] =	vst v63  }
0x7f: {  	_ = 	snop  }
0x80: {  	[spmem:s2] =	stream.indirect.scatter.add.f32 [tilespmem:s18], [sflag:$0x14], $0x8, s12, s5, $0xb8;
	[tilespmem:$0x6408] =	vst v63  }
0x81: {  	_ = 	snop  }
0x82: {  	[spmem:s2] =	stream.indirect.scatter.add.f32 [tilespmem:s18], [sflag:$0x15], $0x8, s13, s5, $0xb8;
	[tilespmem:$0x6408] =	vst v63  }
0x83: {  	_ = 	snop  }
0x84: {  	[spmem:s2] =	stream.indirect.scatter.add.f32 [tilespmem:s18], [sflag:$0x16], $0x8, s14, s5, $0xb8;
	[tilespmem:$0x6408] =	vst v63  }
0x85: {  	_ = 	snop  }
0x86: {  	[spmem:s2] =	stream.indirect.scatter.add.f32 [tilespmem:s18], [sflag:$0x17], $0x8, s15, s5, $0xb8;
	[tilespmem:$0x6408] =	vst v63  }
0x87: {  	_ = 	snop  }
0x88: {  	[spmem:s2] =	stream.indirect.scatter.add.f32 [tilespmem:s18], [sflag:$0x18], $0x8, s1, s5, $0xb8;
	[tilespmem:$0x6408] =	vst v63  }
0x89: {  	_ =	swait.ge [sflag:s16], $0x400  }
0x8a: {  	[sflag:s16] =	ssyncset.done $0x0  }
0x8b: {  	[sflag:s16] =	ssyncadd.s32 $0xFFFFFC00  }
0x8c: {  	_ =	swait.ge [sflag:s21], $0x400  }
0x8d: {  	[sflag:s21] =	ssyncset.done $0x0  }
0x8e: {  	[sflag:s21] =	ssyncadd.s32 $0xFFFFFC00  }
0x8f: {  	_ =	swait.ge [sflag:s19], $0x400  }
0x90: {  	[sflag:s19] =	ssyncset.done $0x0  }
0x91: {  	[sflag:s19] =	ssyncadd.s32 $0xFFFFFC00  }
0x92: {  	_ =	swait.ge [sflag:s22], $0x400  }
0x93: {  	[sflag:s22] =	ssyncset.done $0x0  }
0x94: {  	[sflag:s22] =	ssyncadd.s32 $0xFFFFFC00  }
0x95: {  	_ =	swait.ge [sflag:s23], $0x400  }
0x96: {  	[sflag:s23] =	ssyncset.done $0x0  }
0x97: {  	[sflag:s23] =	ssyncadd.s32 $0xFFFFFC00  }
0x98: {  	_ =	swait.ge [sflag:s24], $0x400  }
0x99: {  	[sflag:s24] =	ssyncset.done $0x0  }
0x9a: {  	[sflag:s24] =	ssyncadd.s32 $0xFFFFFC00  }
0x9b: {  	_ =	swait.ge [sflag:s25], $0x400  }
0x9c: {  	[sflag:s25] =	ssyncset.done $0x0  }
0x9d: {  	[sflag:s25] =	ssyncadd.s32 $0xFFFFFC00  }
0x9e: {  	_ =	swait.ge [sflag:s26], $0x400  }
0x9f: {  	[sflag:s26] =	ssyncset.done $0x0  }
0xa0: {  	[sflag:s26] =	ssyncadd.s32 $0xFFFFFC00  }
0xa1: {  	_ =	swait.ge [sflag:s28], $0x400  }
0xa2: {  	[sflag:s28] =	ssyncset.done $0x0  }
0xa3: {  	[sflag:s28] =	ssyncadd.s32 $0xFFFFFC00  }
0xa4: {  	_ =	swait.ge [sflag:s29], $0x400  }
0xa5: {  	[sflag:s29] =	ssyncset.done $0x0  }
0xa6: {  	[sflag:s29] =	ssyncadd.s32 $0xFFFFFC00  }
0xa7: {  	_ =	swait.ge [sflag:s30], $0x400  }
0xa8: {  	[sflag:s30] =	ssyncset.done $0x0  }
0xa9: {  	[sflag:s30] =	ssyncadd.s32 $0xFFFFFC00  }
0xaa: {  	s0 =	simm.s32 $0xC0;
	_ =	swait.ge [sflag:s31], $0x400  }
0xab: {  	s1 =	simm.s32 $0x180;
	s6 =	rddreg [dreg:$0x3];
	[sflag:s31] =	ssyncset.done $0x0  }
.LBB2_2:
0xac: {  	[sflag:s31] =	ssyncadd.s32 $0xFFFFFC00;
	s6 =	sadd.s32 s0, s6;
	s4 =	simm.s32 $0x5B88  }
0xad: {  	[tilespmem:s4], [sflag:$0x1] =	stream.linear.gather [hbm4b:s6+s3], $0x80, $0x38;
	[tilespmem:$0x6408] =	vst v63  }
0xae: {  	s8 =	simm.s32 $0x5C08;
	s11 =	sadd.s32 $0x10, s6  }
0xaf: {  	[tilespmem:s8], [sflag:$0x2] =	stream.linear.gather [hbm4b:s11+s3], $0x80, $0x38;
	[tilespmem:$0x6408] =	vst v63  }
0xb0: {  	s9 =	simm.s32 $0x5C88;
	s12 =	sadd.s32 $0x20, s6  }
0xb1: {  	[tilespmem:s9], [sflag:$0x3] =	stream.linear.gather [hbm4b:s12+s3], $0x80, $0x38;
	[tilespmem:$0x6408] =	vst v63  }
0xb2: {  	s10 =	simm.s32 $0x5D08;
	s13 =	sadd.s32 $0x30, s6  }
0xb3: {  	[tilespmem:s10], [sflag:$0x4] =	stream.linear.gather [hbm4b:s13+s3], $0x80, $0x38;
	[tilespmem:$0x6408] =	vst v63  }
0xb4: {  	s14 =	sadd.s32 $0x40, s6;
	s11 =	simm.s32 $0x5D88  }
0xb5: {  	[tilespmem:s11], [sflag:$0x5] =	stream.linear.gather [hbm4b:s14+s3], $0x80, $0x38;
	[tilespmem:$0x6408] =	vst v63  }
0xb6: {  	s15 =	sadd.s32 $0x50, s6;
	s12 =	simm.s32 $0x5E08  }
0xb7: {  	[tilespmem:s12], [sflag:$0x6] =	stream.linear.gather [hbm4b:s15+s3], $0x80, $0x38;
	[tilespmem:$0x6408] =	vst v63  }
0xb8: {  	s17 =	sadd.s32 $0x60, s6;
	s13 =	simm.s32 $0x5E88  }
0xb9: {  	[tilespmem:s13], [sflag:$0x7] =	stream.linear.gather [hbm4b:s17+s3], $0x80, $0x38;
	[tilespmem:$0x6408] =	vst v63  }
0xba: {  	s20 =	sadd.s32 $0x70, s6;
	s14 =	simm.s32 $0x5F08  }
0xbb: {  	[tilespmem:s14], [sflag:$0x8] =	stream.linear.gather [hbm4b:s20+s3], $0x80, $0x38;
	[tilespmem:$0x6408] =	vst v63  }
0xbc: {  	s15 =	sadd.s32 $0x80, s6;
	s20 =	simm.s32 $0x5F88  }
0xbd: {  	[tilespmem:s20], [sflag:$0x9] =	stream.linear.gather [hbm4b:s15+s3], $0x80, $0x38;
	[tilespmem:$0x6408] =	vst v63  }
0xbe: {  	s7 =	smov.u32 s1;
	s17 =	sadd.s32 $0x90, s6;
	s15 =	simm.s32 $0x6008  }
0xbf: {  	[tilespmem:s15], [sflag:$0xA] =	stream.linear.gather [hbm4b:s17+s3], $0x80, $0x38;
	[tilespmem:$0x6408] =	vst v63  }
0xc0: {  	s0 =	smov.u32 s7;
	s7 =	sadd.s32 $0xA0, s6;
	s17 =	simm.s32 $0x6088  }
0xc1: {  	[tilespmem:s17], [sflag:$0xB] =	stream.linear.gather [hbm4b:s7+s3], $0x80, $0x38;
	[tilespmem:$0x6408] =	vst v63  }
0xc2: {  	s6 =	sadd.s32 $0xB0, s6;
	s7 =	simm.s32 $0x6108  }
0xc3: {  	[tilespmem:s7], [sflag:$0xC] =	stream.linear.gather [hbm4b:s6+s3], $0x80, $0x38;
	[tilespmem:$0x6408] =	vst v63  }
0xc4: {  	s6 =	simm.s32 $0x1  }
0xc5: {  	_ =	swait.ge [sflag:s6], $0x80  }
0xc6: {  	[sflag:s6] =	ssyncset.done $0x0  }
0xc7: {  	[sflag:s6] =	ssyncadd.s32 $0xFFFFFF80;
	s6 =	simm.s32 $0x2  }
0xc8: {  	_ =	swait.ge [sflag:s6], $0x80  }
0xc9: {  	[sflag:s6] =	ssyncset.done $0x0  }
0xca: {  	[sflag:s6] =	ssyncadd.s32 $0xFFFFFF80;
	s6 =	simm.s32 $0x3  }
0xcb: {  	_ =	swait.ge [sflag:s6], $0x80  }
0xcc: {  	[sflag:s6] =	ssyncset.done $0x0  }
0xcd: {  	[sflag:s6] =	ssyncadd.s32 $0xFFFFFF80;
	s6 =	simm.s32 $0x4  }
0xce: {  	_ =	swait.ge [sflag:s6], $0x80  }
0xcf: {  	[sflag:s6] =	ssyncset.done $0x0  }
0xd0: {  	[sflag:s6] =	ssyncadd.s32 $0xFFFFFF80;
	s6 =	simm.s32 $0x5  }
0xd1: {  	_ =	swait.ge [sflag:s6], $0x80  }
0xd2: {  	[sflag:s6] =	ssyncset.done $0x0  }
0xd3: {  	[sflag:s6] =	ssyncadd.s32 $0xFFFFFF80;
	s6 =	simm.s32 $0x6  }
0xd4: {  	_ =	swait.ge [sflag:s6], $0x80  }
0xd5: {  	[sflag:s6] =	ssyncset.done $0x0  }
0xd6: {  	[sflag:s6] =	ssyncadd.s32 $0xFFFFFF80;
	s6 =	simm.s32 $0x7  }
0xd7: {  	_ =	swait.ge [sflag:s6], $0x80  }
0xd8: {  	[sflag:s6] =	ssyncset.done $0x0  }
0xd9: {  	[sflag:s6] =	ssyncadd.s32 $0xFFFFFF80;
	s6 =	simm.s32 $0x8  }
0xda: {  	_ =	swait.ge [sflag:s6], $0x80  }
0xdb: {  	[sflag:s6] =	ssyncset.done $0x0  }
0xdc: {  	[sflag:s6] =	ssyncadd.s32 $0xFFFFFF80;
	s6 =	simm.s32 $0x9  }
0xdd: {  	_ =	swait.ge [sflag:s6], $0x80  }
0xde: {  	[sflag:s6] =	ssyncset.done $0x0  }
0xdf: {  	[sflag:s6] =	ssyncadd.s32 $0xFFFFFF80;
	s6 =	simm.s32 $0xA  }
0xe0: {  	_ =	swait.ge [sflag:s6], $0x80  }
0xe1: {  	[sflag:s6] =	ssyncset.done $0x0  }
0xe2: {  	[sflag:s6] =	ssyncadd.s32 $0xFFFFFF80;
	s6 =	simm.s32 $0xB  }
0xe3: {  	_ =	swait.ge [sflag:s6], $0x80  }
0xe4: {  	[sflag:s6] =	ssyncset.done $0x0  }
0xe5: {  	[sflag:s6] =	ssyncadd.s32 $0xFFFFFF80;
	s6 =	simm.s32 $0xC  }
0xe6: {  	_ =	swait.ge [sflag:s6], $0x80  }
0xe7: {  	[sflag:s6] =	ssyncset.done $0x0  }
0xe8: {  	[sflag:s6] =	ssyncadd.s32 $0xFFFFFF80  }
0xe9: {  	[spmem:s2] =	stream.indirect.scatter.add.f32 [tilespmem:s18], [sflag:$0xD], $0x8, s4, s5, $0xb8;
	[tilespmem:$0x6408] =	vst v63  }
0xea: {  	_ = 	snop  }
0xeb: {  	[spmem:s2] =	stream.indirect.scatter.add.f32 [tilespmem:s18], [sflag:$0xE], $0x8, s8, s5, $0xb8;
	[tilespmem:$0x6408] =	vst v63  }
0xec: {  	_ = 	snop  }
0xed: {  	[spmem:s2] =	stream.indirect.scatter.add.f32 [tilespmem:s18], [sflag:$0xF], $0x8, s9, s5, $0xb8;
	[tilespmem:$0x6408] =	vst v63  }
0xee: {  	_ = 	snop  }
0xef: {  	[spmem:s2] =	stream.indirect.scatter.add.f32 [tilespmem:s18], [sflag:$0x10], $0x8, s10, s5, $0xb8;
	[tilespmem:$0x6408] =	vst v63  }
0xf0: {  	_ = 	snop  }
0xf1: {  	[spmem:s2] =	stream.indirect.scatter.add.f32 [tilespmem:s18], [sflag:$0x11], $0x8, s11, s5, $0xb8;
	[tilespmem:$0x6408] =	vst v63  }
0xf2: {  	_ = 	snop  }
0xf3: {  	[spmem:s2] =	stream.indirect.scatter.add.f32 [tilespmem:s18], [sflag:$0x12], $0x8, s12, s5, $0xb8;
	[tilespmem:$0x6408] =	vst v63  }
0xf4: {  	_ = 	snop  }
0xf5: {  	[spmem:s2] =	stream.indirect.scatter.add.f32 [tilespmem:s18], [sflag:$0x13], $0x8, s13, s5, $0xb8;
	[tilespmem:$0x6408] =	vst v63  }
0xf6: {  	_ = 	snop  }
0xf7: {  	[spmem:s2] =	stream.indirect.scatter.add.f32 [tilespmem:s18], [sflag:$0x14], $0x8, s14, s5, $0xb8;
	[tilespmem:$0x6408] =	vst v63  }
0xf8: {  	_ = 	snop  }
0xf9: {  	[spmem:s2] =	stream.indirect.scatter.add.f32 [tilespmem:s18], [sflag:$0x15], $0x8, s20, s5, $0xb8;
	[tilespmem:$0x6408] =	vst v63  }
0xfa: {  	_ = 	snop  }
0xfb: {  	[spmem:s2] =	stream.indirect.scatter.add.f32 [tilespmem:s18], [sflag:$0x16], $0x8, s15, s5, $0xb8;
	[tilespmem:$0x6408] =	vst v63  }
0xfc: {  	_ = 	snop  }
0xfd: {  	[spmem:s2] =	stream.indirect.scatter.add.f32 [tilespmem:s18], [sflag:$0x17], $0x8, s17, s5, $0xb8;
	[tilespmem:$0x6408] =	vst v63  }
0xfe: {  	_ = 	snop  }
0xff: {  	[spmem:s2] =	stream.indirect.scatter.add.f32 [tilespmem:s18], [sflag:$0x18], $0x8, s7, s5, $0xb8;
	[tilespmem:$0x6408] =	vst v63  }
0x100: {  	_ =	swait.ge [sflag:s16], $0x400  }
0x101: {  	[sflag:s16] =	ssyncset.done $0x0  }
0x102: {  	[sflag:s16] =	ssyncadd.s32 $0xFFFFFC00  }
0x103: {  	_ =	swait.ge [sflag:s21], $0x400  }
0x104: {  	[sflag:s21] =	ssyncset.done $0x0  }
0x105: {  	[sflag:s21] =	ssyncadd.s32 $0xFFFFFC00  }
0x106: {  	_ =	swait.ge [sflag:s19], $0x400  }
0x107: {  	[sflag:s19] =	ssyncset.done $0x0  }
0x108: {  	[sflag:s19] =	ssyncadd.s32 $0xFFFFFC00  }
0x109: {  	_ =	swait.ge [sflag:s22], $0x400  }
0x10a: {  	[sflag:s22] =	ssyncset.done $0x0  }
0x10b: {  	[sflag:s22] =	ssyncadd.s32 $0xFFFFFC00  }
0x10c: {  	_ =	swait.ge [sflag:s23], $0x400  }
0x10d: {  	[sflag:s23] =	ssyncset.done $0x0  }
0x10e: {  	[sflag:s23] =	ssyncadd.s32 $0xFFFFFC00  }
0x10f: {  	_ =	swait.ge [sflag:s24], $0x400  }
0x110: {  	[sflag:s24] =	ssyncset.done $0x0  }
0x111: {  	[sflag:s24] =	ssyncadd.s32 $0xFFFFFC00  }
0x112: {  	_ =	swait.ge [sflag:s25], $0x400  }
0x113: {  	[sflag:s25] =	ssyncset.done $0x0  }
0x114: {  	[sflag:s25] =	ssyncadd.s32 $0xFFFFFC00  }
0x115: {  	_ =	swait.ge [sflag:s26], $0x400  }
0x116: {  	[sflag:s26] =	ssyncset.done $0x0  }
0x117: {  	[sflag:s26] =	ssyncadd.s32 $0xFFFFFC00  }
0x118: {  	_ =	swait.ge [sflag:s28], $0x400  }
0x119: {  	[sflag:s28] =	ssyncset.done $0x0  }
0x11a: {  	[sflag:s28] =	ssyncadd.s32 $0xFFFFFC00  }
0x11b: {  	_ =	swait.ge [sflag:s29], $0x400  }
0x11c: {  	[sflag:s29] =	ssyncset.done $0x0  }
0x11d: {  	p1 =	sne.s32 s1, $0x3C0;
	[sflag:s29] =	ssyncadd.s32 $0xFFFFFC00  }
.Ltmp0:
0x11e: {  	_ =	swait.ge [sflag:s30], $0x400;
	(pc) =	sbr.rel @p1 .LBB2_2-.Ltmp0, $4  }
0x11f: {  	[sflag:s30] =	ssyncset.done $0x0  }
0x120: {  	[sflag:s30] =	ssyncadd.s32 $0xFFFFFC00  }
0x121: {  	_ =	swait.ge [sflag:s31], $0x400  }
0x122: {  	s1 =	sadd.s32 $0xC0, s1;
	s6 =	rddreg [dreg:$0x3];
	[sflag:s31] =	ssyncset.done $0x0  }
0x123: {  	[sflag:s31] =	ssyncadd.s32 $0xFFFFFC00;
	s0 =	sadd.s32 s0, s6;
	s1 =	simm.s32 $0x5B88  }
0x124: {  	[tilespmem:s1], [sflag:$0x1] =	stream.linear.gather [hbm4b:s0+s3], $0x80, $0x38;
	[tilespmem:$0x6408] =	vst v63  }
0x125: {  	s4 =	simm.s32 $0x5C08;
	s15 =	sadd.s32 $0x10, s0  }
0x126: {  	[tilespmem:s4], [sflag:$0x2] =	stream.linear.gather [hbm4b:s15+s3], $0x80, $0x38;
	[tilespmem:$0x6408] =	vst v63  }
0x127: {  	s20 =	simm.s32 $0x5C88;
	s17 =	sadd.s32 $0x20, s0  }
0x128: {  	[tilespmem:s20], [sflag:$0x3] =	stream.linear.gather [hbm4b:s17+s3], $0x80, $0x38;
	[tilespmem:$0x6408] =	vst v63  }
0x129: {  	s7 =	simm.s32 $0x5D08;
	s6 =	sadd.s32 $0x30, s0  }
0x12a: {  	[tilespmem:s7], [sflag:$0x4] =	stream.linear.gather [hbm4b:s6+s3], $0x80, $0x38;
	[tilespmem:$0x6408] =	vst v63  }
0x12b: {  	s9 =	simm.s32 $0x5D88;
	s8 =	sadd.s32 $0x40, s0  }
0x12c: {  	[tilespmem:s9], [sflag:$0x5] =	stream.linear.gather [hbm4b:s8+s3], $0x80, $0x38;
	[tilespmem:$0x6408] =	vst v63  }
0x12d: {  	s11 =	simm.s32 $0x5E08;
	s10 =	sadd.s32 $0x50, s0  }
0x12e: {  	[tilespmem:s11], [sflag:$0x6] =	stream.linear.gather [hbm4b:s10+s3], $0x80, $0x38;
	[tilespmem:$0x6408] =	vst v63  }
0x12f: {  	s13 =	simm.s32 $0x5E88;
	s12 =	sadd.s32 $0x60, s0  }
0x130: {  	[tilespmem:s13], [sflag:$0x7] =	stream.linear.gather [hbm4b:s12+s3], $0x80, $0x38;
	[tilespmem:$0x6408] =	vst v63  }
0x131: {  	s14 =	sadd.s32 $0x70, s0;
	s15 =	simm.s32 $0x5F08  }
0x132: {  	[tilespmem:s15], [sflag:$0x8] =	stream.linear.gather [hbm4b:s14+s3], $0x80, $0x38;
	[tilespmem:$0x6408] =	vst v63  }
0x133: {  	s17 =	sadd.s32 $0x80, s0;
	s20 =	simm.s32 $0x5F88  }
0x134: {  	[tilespmem:s20], [sflag:$0x9] =	stream.linear.gather [hbm4b:s17+s3], $0x80, $0x38;
	[tilespmem:$0x6408] =	vst v63  }
0x135: {  	s6 =	sadd.s32 $0x90, s0;
	s7 =	simm.s32 $0x6008  }
0x136: {  	[tilespmem:s7], [sflag:$0xA] =	stream.linear.gather [hbm4b:s6+s3], $0x80, $0x38;
	[tilespmem:$0x6408] =	vst v63  }
0x137: {  	s8 =	sadd.s32 $0xA0, s0;
	s15 =	simm.s32 $0x6088  }
0x138: {  	[tilespmem:s15], [sflag:$0xB] =	stream.linear.gather [hbm4b:s8+s3], $0x80, $0x38;
	[tilespmem:$0x6408] =	vst v63  }
0x139: {  	s0 =	sadd.s32 $0xB0, s0;
	s17 =	simm.s32 $0x1;
	s8 =	simm.s32 $0x6108  }
0x13a: {  	[tilespmem:s8], [sflag:$0xC] =	stream.linear.gather [hbm4b:s0+s3], $0x80, $0x38;
	[tilespmem:$0x6408] =	vst v63  }
0x13b: {  	_ =	swait.ge [sflag:s17], $0x80  }
0x13c: {  	[sflag:s17] =	ssyncset.done $0x0  }
0x13d: {  	s20 =	simm.s32 $0x2;
	[sflag:s17] =	ssyncadd.s32 $0xFFFFFF80  }
0x13e: {  	_ =	swait.ge [sflag:s20], $0x80  }
0x13f: {  	[sflag:s20] =	ssyncset.done $0x0  }
0x140: {  	s1 =	simm.s32 $0x3;
	[sflag:s20] =	ssyncadd.s32 $0xFFFFFF80  }
0x141: {  	_ =	swait.ge [sflag:s1], $0x80  }
0x142: {  	[sflag:s1] =	ssyncset.done $0x0  }
0x143: {  	s4 =	simm.s32 $0x4;
	[sflag:s1] =	ssyncadd.s32 $0xFFFFFF80  }
0x144: {  	_ =	swait.ge [sflag:s4], $0x80  }
0x145: {  	[sflag:s4] =	ssyncset.done $0x0  }
0x146: {  	s6 =	simm.s32 $0x5;
	[sflag:s4] =	ssyncadd.s32 $0xFFFFFF80  }
0x147: {  	_ =	swait.ge [sflag:s6], $0x80  }
0x148: {  	[sflag:s6] =	ssyncset.done $0x0  }
0x149: {  	s7 =	simm.s32 $0x6;
	[sflag:s6] =	ssyncadd.s32 $0xFFFFFF80  }
0x14a: {  	_ =	swait.ge [sflag:s7], $0x80  }
0x14b: {  	[sflag:s7] =	ssyncset.done $0x0  }
0x14c: {  	s9 =	simm.s32 $0x7;
	[sflag:s7] =	ssyncadd.s32 $0xFFFFFF80  }
0x14d: {  	_ =	swait.ge [sflag:s9], $0x80  }
0x14e: {  	[sflag:s9] =	ssyncset.done $0x0  }
0x14f: {  	s10 =	simm.s32 $0x8;
	[sflag:s9] =	ssyncadd.s32 $0xFFFFFF80  }
0x150: {  	_ =	swait.ge [sflag:s10], $0x80  }
0x151: {  	[sflag:s10] =	ssyncset.done $0x0  }
0x152: {  	s11 =	simm.s32 $0x9;
	[sflag:s10] =	ssyncadd.s32 $0xFFFFFF80  }
0x153: {  	_ =	swait.ge [sflag:s11], $0x80  }
0x154: {  	[sflag:s11] =	ssyncset.done $0x0  }
0x155: {  	s12 =	simm.s32 $0xA;
	[sflag:s11] =	ssyncadd.s32 $0xFFFFFF80  }
0x156: {  	_ =	swait.ge [sflag:s12], $0x80  }
0x157: {  	[sflag:s12] =	ssyncset.done $0x0  }
0x158: {  	s13 =	simm.s32 $0xB;
	[sflag:s12] =	ssyncadd.s32 $0xFFFFFF80  }
0x159: {  	_ =	swait.ge [sflag:s13], $0x80  }
0x15a: {  	[sflag:s13] =	ssyncset.done $0x0  }
0x15b: {  	s14 =	simm.s32 $0xC;
	[sflag:s13] =	ssyncadd.s32 $0xFFFFFF80  }
0x15c: {  	_ =	swait.ge [sflag:s14], $0x80  }
0x15d: {  	[sflag:s14] =	ssyncset.done $0x0  }
0x15e: {  	s9 =	simm.s32 $0x5B88;
	[sflag:s14] =	ssyncadd.s32 $0xFFFFFF80  }
0x15f: {  	[spmem:s2] =	stream.indirect.scatter.add.f32 [tilespmem:s18], [sflag:$0xD], $0x8, s9, s5, $0xb8;
	[tilespmem:$0x6408] =	vst v63  }
0x160: {  	s10 =	simm.s32 $0x5C08  }
0x161: {  	[spmem:s2] =	stream.indirect.scatter.add.f32 [tilespmem:s18], [sflag:$0xE], $0x8, s10, s5, $0xb8;
	[tilespmem:$0x6408] =	vst v63  }
0x162: {  	s11 =	simm.s32 $0x5C88  }
0x163: {  	[spmem:s2] =	stream.indirect.scatter.add.f32 [tilespmem:s18], [sflag:$0xF], $0x8, s11, s5, $0xb8;
	[tilespmem:$0x6408] =	vst v63  }
0x164: {  	s12 =	simm.s32 $0x5D08  }
0x165: {  	[spmem:s2] =	stream.indirect.scatter.add.f32 [tilespmem:s18], [sflag:$0x10], $0x8, s12, s5, $0xb8;
	[tilespmem:$0x6408] =	vst v63  }
0x166: {  	s13 =	simm.s32 $0x5D88  }
0x167: {  	[spmem:s2] =	stream.indirect.scatter.add.f32 [tilespmem:s18], [sflag:$0x11], $0x8, s13, s5, $0xb8;
	[tilespmem:$0x6408] =	vst v63  }
0x168: {  	s14 =	simm.s32 $0x5E08  }
0x169: {  	[spmem:s2] =	stream.indirect.scatter.add.f32 [tilespmem:s18], [sflag:$0x12], $0x8, s14, s5, $0xb8;
	[tilespmem:$0x6408] =	vst v63  }
0x16a: {  	s0 =	simm.s32 $0x5E88  }
0x16b: {  	[spmem:s2] =	stream.indirect.scatter.add.f32 [tilespmem:s18], [sflag:$0x13], $0x8, s0, s5, $0xb8;
	[tilespmem:$0x6408] =	vst v63  }
0x16c: {  	s0 =	simm.s32 $0x5F08  }
0x16d: {  	[spmem:s2] =	stream.indirect.scatter.add.f32 [tilespmem:s18], [sflag:$0x14], $0x8, s0, s5, $0xb8;
	[tilespmem:$0x6408] =	vst v63  }
0x16e: {  	s0 =	simm.s32 $0x5F88  }
0x16f: {  	[spmem:s2] =	stream.indirect.scatter.add.f32 [tilespmem:s18], [sflag:$0x15], $0x8, s0, s5, $0xb8;
	[tilespmem:$0x6408] =	vst v63  }
0x170: {  	s0 =	simm.s32 $0x6008  }
0x171: {  	[spmem:s2] =	stream.indirect.scatter.add.f32 [tilespmem:s18], [sflag:$0x16], $0x8, s0, s5, $0xb8;
	[tilespmem:$0x6408] =	vst v63  }
0x172: {  	_ = 	snop  }
0x173: {  	[spmem:s2] =	stream.indirect.scatter.add.f32 [tilespmem:s18], [sflag:$0x17], $0x8, s15, s5, $0xb8;
	[tilespmem:$0x6408] =	vst v63  }
0x174: {  	_ = 	snop  }
0x175: {  	[spmem:s2] =	stream.indirect.scatter.add.f32 [tilespmem:s18], [sflag:$0x18], $0x8, s8, s5, $0xb8;
	[tilespmem:$0x6408] =	vst v63  }
0x176: {  	_ =	swait.ge [sflag:s16], $0x400  }
0x177: {  	[sflag:s16] =	ssyncset.done $0x0  }
0x178: {  	[sflag:s16] =	ssyncadd.s32 $0xFFFFFC00  }
0x179: {  	_ =	swait.ge [sflag:s21], $0x400  }
0x17a: {  	[sflag:s21] =	ssyncset.done $0x0  }
0x17b: {  	[sflag:s21] =	ssyncadd.s32 $0xFFFFFC00  }
0x17c: {  	_ =	swait.ge [sflag:s19], $0x400  }
0x17d: {  	[sflag:s19] =	ssyncset.done $0x0  }
0x17e: {  	[sflag:s19] =	ssyncadd.s32 $0xFFFFFC00  }
0x17f: {  	_ =	swait.ge [sflag:s22], $0x400  }
0x180: {  	[sflag:s22] =	ssyncset.done $0x0  }
0x181: {  	[sflag:s22] =	ssyncadd.s32 $0xFFFFFC00  }
0x182: {  	_ =	swait.ge [sflag:s23], $0x400  }
0x183: {  	[sflag:s23] =	ssyncset.done $0x0  }
0x184: {  	[sflag:s23] =	ssyncadd.s32 $0xFFFFFC00  }
0x185: {  	_ =	swait.ge [sflag:s24], $0x400  }
0x186: {  	[sflag:s24] =	ssyncset.done $0x0  }
0x187: {  	[sflag:s24] =	ssyncadd.s32 $0xFFFFFC00  }
0x188: {  	_ =	swait.ge [sflag:s25], $0x400  }
0x189: {  	[sflag:s25] =	ssyncset.done $0x0  }
0x18a: {  	[sflag:s25] =	ssyncadd.s32 $0xFFFFFC00  }
0x18b: {  	_ =	swait.ge [sflag:s26], $0x400  }
0x18c: {  	[sflag:s26] =	ssyncset.done $0x0  }
0x18d: {  	[sflag:s26] =	ssyncadd.s32 $0xFFFFFC00  }
0x18e: {  	_ =	swait.ge [sflag:s28], $0x400  }
0x18f: {  	[sflag:s28] =	ssyncset.done $0x0  }
0x190: {  	[sflag:s28] =	ssyncadd.s32 $0xFFFFFC00  }
0x191: {  	_ =	swait.ge [sflag:s29], $0x400  }
0x192: {  	[sflag:s29] =	ssyncset.done $0x0  }
0x193: {  	[sflag:s29] =	ssyncadd.s32 $0xFFFFFC00  }
0x194: {  	_ =	swait.ge [sflag:s30], $0x400  }
0x195: {  	[sflag:s30] =	ssyncset.done $0x0  }
0x196: {  	[sflag:s30] =	ssyncadd.s32 $0xFFFFFC00  }
0x197: {  	_ =	swait.ge [sflag:s31], $0x400  }
0x198: {  	[sflag:s31] =	ssyncset.done $0x0  }
0x199: {  	s8 =	rddreg [dreg:$0x9];
	[sflag:s31] =	ssyncadd.s32 $0xFFFFFC00  }
0x19a: {  	[tilespmem:s9], [sflag:$0x1] =	stream.linear.gather [hbm4b:s8+s3], $0x80, $0x38;
	[tilespmem:$0x6408] =	vst v63  }
0x19b: {  	s9 =	rddreg [dreg:$0xa]  }
0x19c: {  	[tilespmem:s10], [sflag:$0x2] =	stream.linear.gather [hbm4b:s9+s3], $0x80, $0x38;
	[tilespmem:$0x6408] =	vst v63  }
0x19d: {  	s10 =	rddreg [dreg:$0xb]  }
0x19e: {  	[tilespmem:s11], [sflag:$0x3] =	stream.linear.gather [hbm4b:s10+s3], $0x80, $0x38;
	[tilespmem:$0x6408] =	vst v63  }
0x19f: {  	s11 =	rddreg [dreg:$0xc]  }
0x1a0: {  	[tilespmem:s12], [sflag:$0x4] =	stream.linear.gather [hbm4b:s11+s3], $0x80, $0x38;
	[tilespmem:$0x6408] =	vst v63  }
0x1a1: {  	s12 =	rddreg [dreg:$0xd]  }
0x1a2: {  	[tilespmem:s13], [sflag:$0x5] =	stream.linear.gather [hbm4b:s12+s3], $0x80, $0x38;
	[tilespmem:$0x6408] =	vst v63  }
0x1a3: {  	s13 =	rddreg [dreg:$0xe]  }
0x1a4: {  	[tilespmem:s14], [sflag:$0x6] =	stream.linear.gather [hbm4b:s13+s3], $0x80, $0x38;
	[tilespmem:$0x6408] =	vst v63  }
0x1a5: {  	_ =	swait.ge [sflag:s17], $0x80  }
0x1a6: {  	[sflag:s17] =	ssyncset.done $0x0  }
0x1a7: {  	[sflag:s17] =	ssyncadd.s32 $0xFFFFFF80  }
0x1a8: {  	_ =	swait.ge [sflag:s20], $0x80  }
0x1a9: {  	[sflag:s20] =	ssyncset.done $0x0  }
0x1aa: {  	[sflag:s20] =	ssyncadd.s32 $0xFFFFFF80  }
0x1ab: {  	_ =	swait.ge [sflag:s1], $0x80  }
0x1ac: {  	[sflag:s1] =	ssyncset.done $0x0  }
0x1ad: {  	[sflag:s1] =	ssyncadd.s32 $0xFFFFFF80  }
0x1ae: {  	_ =	swait.ge [sflag:s4], $0x80  }
0x1af: {  	[sflag:s4] =	ssyncset.done $0x0  }
0x1b0: {  	[sflag:s4] =	ssyncadd.s32 $0xFFFFFF80  }
0x1b1: {  	_ =	swait.ge [sflag:s6], $0x80  }
0x1b2: {  	[sflag:s6] =	ssyncset.done $0x0  }
0x1b3: {  	[sflag:s6] =	ssyncadd.s32 $0xFFFFFF80  }
0x1b4: {  	_ =	swait.ge [sflag:s7], $0x80  }
0x1b5: {  	[sflag:s7] =	ssyncset.done $0x0  }
0x1b6: {  	s8 =	simm.s32 $0x5B88;
	[sflag:s7] =	ssyncadd.s32 $0xFFFFFF80  }
0x1b7: {  	[spmem:s2] =	stream.indirect.scatter.add.f32 [tilespmem:s18], [sflag:$0xD], $0x8, s8, s5, $0xb8;
	[tilespmem:$0x6408] =	vst v63  }
0x1b8: {  	s9 =	simm.s32 $0x5C08  }
0x1b9: {  	[spmem:s2] =	stream.indirect.scatter.add.f32 [tilespmem:s18], [sflag:$0xE], $0x8, s9, s5, $0xb8;
	[tilespmem:$0x6408] =	vst v63  }
0x1ba: {  	s10 =	simm.s32 $0x5C88  }
0x1bb: {  	[spmem:s2] =	stream.indirect.scatter.add.f32 [tilespmem:s18], [sflag:$0xF], $0x8, s10, s5, $0xb8;
	[tilespmem:$0x6408] =	vst v63  }
0x1bc: {  	s11 =	simm.s32 $0x5D08  }
0x1bd: {  	[spmem:s2] =	stream.indirect.scatter.add.f32 [tilespmem:s18], [sflag:$0x10], $0x8, s11, s5, $0xb8;
	[tilespmem:$0x6408] =	vst v63  }
0x1be: {  	s12 =	simm.s32 $0x5D88  }
0x1bf: {  	[spmem:s2] =	stream.indirect.scatter.add.f32 [tilespmem:s18], [sflag:$0x11], $0x8, s12, s5, $0xb8;
	[tilespmem:$0x6408] =	vst v63  }
0x1c0: {  	s15 =	simm.s32 $0x5E08  }
0x1c1: {  	[spmem:s2] =	stream.indirect.scatter.add.f32 [tilespmem:s18], [sflag:$0x12], $0x8, s15, s5, $0xb8;
	[tilespmem:$0x6408] =	vst v63  }
0x1c2: {  	_ =	swait.ge [sflag:s16], $0x400  }
0x1c3: {  	[sflag:s16] =	ssyncset.done $0x0  }
0x1c4: {  	[sflag:s16] =	ssyncadd.s32 $0xFFFFFC00  }
0x1c5: {  	_ =	swait.ge [sflag:s21], $0x400  }
0x1c6: {  	[sflag:s21] =	ssyncset.done $0x0  }
0x1c7: {  	[sflag:s21] =	ssyncadd.s32 $0xFFFFFC00  }
0x1c8: {  	_ =	swait.ge [sflag:s19], $0x400  }
0x1c9: {  	[sflag:s19] =	ssyncset.done $0x0  }
0x1ca: {  	[sflag:s19] =	ssyncadd.s32 $0xFFFFFC00  }
0x1cb: {  	_ =	swait.ge [sflag:s22], $0x400  }
0x1cc: {  	[sflag:s22] =	ssyncset.done $0x0  }
0x1cd: {  	[sflag:s22] =	ssyncadd.s32 $0xFFFFFC00  }
0x1ce: {  	_ =	swait.ge [sflag:s23], $0x400  }
0x1cf: {  	[sflag:s23] =	ssyncset.done $0x0  }
0x1d0: {  	[sflag:s23] =	ssyncadd.s32 $0xFFFFFC00  }
0x1d1: {  	_ =	swait.ge [sflag:s24], $0x400  }
0x1d2: {  	s14 =	simm.s32 $0x6388;
	[sflag:s24] =	ssyncset.done $0x0  }
0x1d3: {  	s7 =	simm.s32 $0x19;
	s13 =	rddreg [dreg:$0xf];
	[sflag:s24] =	ssyncadd.s32 $0xFFFFFC00  }
0x1d4: {  	[tilespmem:s14], [sflag:$0x19] =	stream.linear.gather [hbm4b:s13+s3], $0x10, $0x38;
	[tilespmem:$0x6408] =	vst v63  }
0x1d5: {  	_ =	swait.ge [sflag:s7], $0x10  }
0x1d6: {  	[sflag:s7] =	ssyncset.done $0x0  }
0x1d7: {  	s15 =	simm.s32 $0x5388;
	[sflag:s7] =	ssyncadd.s32 $0xFFFFFFF0  }
0x1d8: {  	[spmem:s2] =	stream.indirect.scatter.add.f32 [tilespmem:s15], [sflag:$0x19], $0x8, s14, s22, $0xb8;
	[tilespmem:$0x6408] =	vst v63  }
0x1d9: {  	_ =	swait.ge [sflag:s7], $0x80  }
0x1da: {  	[sflag:s7] =	ssyncset.done $0x0  }
0x1db: {  	[sflag:s7] =	ssyncadd.s32 $0xFFFFFF80  }
0x1dc: {  	[bflag:$0x0] =	sbarrier.arrive $0xFFFF  }
0x1dd: {  	s4 =	rddreg [dreg:$0x10]  }
0x1de: {  	s1 =	simm.s32 @p0 $0x1FD9;
	s6 =	rddreg [dreg:$0x12];
	s0 =	sadd.s32 @p0 $0x25800, s4  }
0x1df: {  	[hbm:s0], [sflag:s1] =	dma.local @p0 [spmem:s6], $0x1900  }
0x1e0: {  	s0 =	simm.s32 @p0 $0x19  }
0x1e1: {  	_ =	swait.ge @p0 [sflag:s0], $0x1900  }
0x1e2: {  	[sflag:s0] =	ssyncset.done @p0 $0x0;
	s1 =	rddreg [dreg:$0x14]  }
0x1e3: {  	[sflag:s0] =	ssyncadd.s32 @p0 $0xFFFFE700;
	s0 =	rddreg [dreg:$0x4]  }
0x1e4: {  	s0 =	sadd.s32 @!p0 s0, s4;
	s4 =	rddreg [dreg:$0x15]  }
0x1e5: {  	[hbm:s0], [sflag:s1] =	dma.local @!p0 [spmem:s4], $0x2800  }
0x1e6: {  	s0 =	simm.s32 @!p0 $0x19  }
0x1e7: {  	_ =	swait.ge @!p0 [sflag:s0], $0x2800  }
0x1e8: {  	s17 =	rddreg [dreg:$0x13]  }
0x1e9: {  	s20 =	rddreg [dreg:$0x11];
	s4 =	sadd.s32 $0x1, s17  }
0x1ea: {  	p1 =	sne.s32 s4, s20  }
.Ltmp1:
0x1eb: {  	_ = 	snop;
	(pc) =	sbr.rel @p1 .LBB2_1-.Ltmp1, $3  }
0x1ec: {  	_ =	sdelay $0x1  }
0x1ed: {  	[sflag:s0] =	ssyncset.done @!p0 $0x0  }
0x1ee: {  	s1 =	simm.s32 $0x5388;
	[sflag:s0] =	ssyncadd.s32 @!p0 $0xFFFFD800  }
0x1ef: {  	_ =	sfence.sel $0x180000  }
0x1f0: {  	[bflag:$0x0] =	sbarrier.arrive $0xFFFF  }
0x1f1: {  	_ =	strace $0x90000047  }
0x1f2: {  	s0 =	stileid.u32;
	[bflag:$0x2] =	sbarrier.arrive $0xFFFF  }
0x1f3: {  	p0 =	sne.s32 s0, $0x0;
	s0 =	rddreg [dreg:$0x2]  }
0x1f4: {  	s0 =	sadd.s32 @!p0 $0x100000, s0  }
0x1f5: {  	[sflag:s0] =	ssyncadd.tile.s32 @!p0 $0x1;
	_ =	shalt  }
.Lfunc_end2:
_tile_overlayer_lowered:
.L_overlay_start_2:
0x1f6: {  	(tag) =	ssettag $0x2  }
0x1f7: {  	s0 =	rddreg [dreg:$0x0];
	s2 =	stileid.u32  }
0x1f8: {  	s1 =	rddreg [dreg:$0x1];
	p0 =	sne.s32 s2, $0x0  }
0x1f9: {  	s3 =	rddreg [dreg:$0x2];
	[bflag:$0x3] =	sbarrier.arrive $0xFFFF;
	s2 =	simm.s32 @!p0 $0x1C19  }
0x1fa: {  	[timem:s3], [sflag:s2] =	dma.local @!p0 [hbm:s0], s1  }
0x1fb: {  	s0 =	simm.s32 @!p0 $0x19  }
0x1fc: {  	_ =	swait.ge @!p0 [sflag:s0], s1  }
0x1fd: {  	s1 =	ssub.s32 @!p0 $0x0, s1;
	[sflag:s0] =	ssyncset.done @!p0 $0x0  }
0x1fe: {  	[sflag:s0] =	ssyncadd.s32 @!p0 s1  }
0x1ff: {  	[bflag:$0x3] =	sbarrier.arrive $0xFFFF  }
0x200: {  	_ =	shalt  }

</sc_bundles>
